<compile_context>
chip_gen: v7x
topology: tpu7x:2x2x1
jax: 0.10.2.dev20260603
libtpu: 0.0.44.dev20260713+nightly
codegen_flags: <defaults>
</compile_context>

<pallas_src>
import jax
import jax.numpy as jnp
from jax import lax
from jax.experimental import pallas as pl
from jax.experimental.pallas import tpu as pltpu
from jax.experimental.pallas import tpu_sc as plsc

TOPK = 8
NUM_EXPERTS = 64
HIDDEN = 2048
NC = 2
NS = 16
LANES = 16
NW = NC * NS
TOKENS = 8192
TPW = TOKENS // NW
NG = TPW // LANES



def _score_block(x_ref, w_ref, b_ref, out_ref):
    logits = lax.dot_general(w_ref[...], x_ref[...], (((1,), (1,)), ((), ())),
                             preferred_element_type=jnp.float32)
    out_ref[0] = logits + b_ref[...]


def _scores_tc(x, weight, bias2d):
    return pl.pallas_call(
        _score_block,
        grid=(NW,),
        in_specs=[
            pl.BlockSpec((TPW, HIDDEN), lambda i: (i, 0)),
            pl.BlockSpec((NUM_EXPERTS, HIDDEN), lambda i: (0, 0)),
            pl.BlockSpec((NUM_EXPERTS, 1), lambda i: (0, 0)),
        ],
        out_specs=pl.BlockSpec((1, NUM_EXPERTS, TPW), lambda i: (i, 0, 0)),
        out_shape=jax.ShapeDtypeStruct((NW, NUM_EXPERTS, TPW), jnp.float32),
    )(x, weight, bias2d)



def _route_body(scores_hbm, bias_hbm, oidx_hbm, owgt_hbm,
                scores_v, bias_v, oidx_v, owgt_v, sem_s, sem_b):
    wid = lax.axis_index("s") * NC + lax.axis_index("c")
    cp_s = pltpu.make_async_copy(scores_hbm.at[wid], scores_v, sem_s)
    cp_b = pltpu.make_async_copy(bias_hbm, bias_v, sem_b)
    cp_s.start()
    cp_b.start()
    cp_s.wait()
    cp_b.wait()

    lane_iota = lax.iota(jnp.int32, LANES)
    neg_inf = jnp.full((LANES,), -jnp.inf, jnp.float32)
    zero_i = jnp.zeros((LANES,), jnp.int32)
    b_regs = [bias_v[pl.ds(k * LANES, LANES)] for k in range(NUM_EXPERTS // LANES)]

    _gdn = lax.GatherDimensionNumbers(
        offset_dims=(), collapsed_slice_dims=(0,), start_index_map=(0,))

    def _reg_gather(vec, lane):
        return lax.gather(vec, lane[:, None], _gdn, slice_sizes=(1,),
                          mode=lax.GatherScatterMode.PROMISE_IN_BOUNDS)

    def _bias_at(i):
        lane = i & (LANES - 1)
        grp = i >> 4
        out = _reg_gather(b_regs[0], lane)
        for k in range(1, NUM_EXPERTS // LANES):
            out = jnp.where(grp == k, _reg_gather(b_regs[k], lane), out)
        return out

    def group(g, carry):
        base = g * LANES
        tops = [neg_inf] * TOPK
        idxs = [zero_i] * TOPK
        for e in range(NUM_EXPERTS):
            v = scores_v[e, pl.ds(base, LANES)]
            evec = jnp.full((LANES,), e, jnp.int32)
            cmp = [v > tops[j] for j in range(TOPK)]
            new_t = [jnp.where(cmp[0], v, tops[0])]
            new_i = [jnp.where(cmp[0], evec, idxs[0])]
            for j in range(1, TOPK):
                shift_t = jnp.where(cmp[j - 1], tops[j - 1], v)
                shift_i = jnp.where(cmp[j - 1], idxs[j - 1], evec)
                new_t.append(jnp.where(cmp[j], shift_t, tops[j]))
                new_i.append(jnp.where(cmp[j], shift_i, idxs[j]))
            tops, idxs = new_t, new_i
        probs = []
        for j in range(TOPK):
            raw = tops[j] - _bias_at(idxs[j])
            probs.append(1.0 / (1.0 + jnp.exp(-raw)))
        denom = probs[0]
        for j in range(1, TOPK):
            denom = denom + probs[j]
        inv = 1.0 / jnp.maximum(denom, 1e-12)
        for j in range(TOPK):
            oidx_v[j, pl.ds(base, LANES)] = idxs[j]
            owgt_v[j, pl.ds(base, LANES)] = probs[j] * inv
        return carry

    lax.fori_loop(0, NG, group, 0)
    pltpu.sync_copy(oidx_v, oidx_hbm.at[wid])
    pltpu.sync_copy(owgt_v, owgt_hbm.at[wid])


def _route_sc(scores, expert_biases):
    mesh = plsc.VectorSubcoreMesh(core_axis_name="c", subcore_axis_name="s")
    return pl.kernel(
        _route_body,
        out_type=(
            jax.ShapeDtypeStruct((NW, TOPK, TPW), jnp.int32),
            jax.ShapeDtypeStruct((NW, TOPK, TPW), jnp.float32),
        ),
        mesh=mesh,
        scratch_types=[
            pltpu.VMEM((NUM_EXPERTS, TPW), jnp.float32),
            pltpu.VMEM((NUM_EXPERTS,), jnp.float32),
            pltpu.VMEM((TOPK, TPW), jnp.int32),
            pltpu.VMEM((TOPK, TPW), jnp.float32),
            pltpu.SemaphoreType.DMA,
            pltpu.SemaphoreType.DMA,
        ],
    )(scores, expert_biases)


@jax.jit
def _gate(x, weight, bias2d, bias1d):
    scores = _scores_tc(x, weight, bias2d)
    idx_t, wgt_t = _route_sc(scores, bias1d)
    idx_flat = idx_t.transpose(0, 2, 1).reshape(TOKENS, TOPK)
    wgt_flat = wgt_t.transpose(0, 2, 1).reshape(TOKENS, TOPK)
    return idx_flat, wgt_flat


def kernel(hidden_states, weight, expert_biases):
    bsz, seq_len, h = hidden_states.shape
    x = hidden_states.reshape(-1, h)
    idx_flat, wgt_flat = _gate(x, weight,
                               expert_biases.reshape(NUM_EXPERTS, 1),
                               expert_biases)
    return (idx_flat.reshape(bsz, seq_len, TOPK),
            wgt_flat.reshape(bsz, seq_len, TOPK))

# --- scband reference (transcript-rebuilt; emitter-appended) ---
"""Pipeline reference for scband-mo-egate-77558519431578 (READ-ONLY COPY).

The authoritative reference and input builder live on the scoring server;
editing this copy changes nothing except your own understanding.
"""

import jax, jax.numpy as jnp
import numpy as np

TOP_K = 8

def setup_inputs(seed: int = 0) -> dict:
    key = jax.random.key(seed)
    k1, k2 = jax.random.split(key)
    hidden_states = jax.random.normal(k1, (2, 4096, 2048), dtype=jnp.float32)
    weight = jax.random.normal(k2, (64, 2048), dtype=jnp.float32) * 0.02
    expert_biases = jnp.zeros((64,), dtype=jnp.float32)
    return {"hidden_states": hidden_states, "weight": weight, "expert_biases": expert_biases}

def reference(hidden_states, weight, expert_biases):
    bsz, seq_len, h = hidden_states.shape
    x = hidden_states.reshape(-1, h)
    gate_output = x @ weight.T
    gate_probs = jax.nn.sigmoid(gate_output)
    biased_logits = gate_output + expert_biases
    _, topk_idx = jax.lax.top_k(biased_logits, TOP_K)
    topk_weight = jnp.take_along_axis(gate_probs, topk_idx, axis=-1)
    denom = jnp.maximum(jnp.sum(jnp.abs(topk_weight), axis=-1, keepdims=True), 1e-12)
    topk_weight = topk_weight / denom
    return (topk_idx.reshape(bsz, seq_len, -1), topk_weight.reshape(bsz, seq_len, -1))

if __name__ == "__main__":
    import jax
    _d = setup_inputs()
    print(jax.jit(kernel)(*tuple(_d.values())))

</pallas_src>

<mosaic_0001>
#map = affine_map<(d0, d1) -> (0, 0, 0)>
#map1 = affine_map<(d0, d1) -> (0)>
module attributes {stable_mosaic.version = 14 : i64} {
  func.func @_route_body(%arg0: i32, %arg1: i32, %arg2: memref<32x64x256xf32, #tpu.memory_space<hbm>>, %arg3: memref<64xf32, #tpu.memory_space<hbm>>, %arg4: memref<32x8x256xi32, #tpu.memory_space<hbm>>, %arg5: memref<32x8x256xf32, #tpu.memory_space<hbm>>, %arg6: memref<64x256xf32, #tpu.memory_space<vmem>>, %arg7: memref<64xf32, #tpu.memory_space<vmem>>, %arg8: memref<8x256xi32, #tpu.memory_space<vmem>>, %arg9: memref<8x256xf32, #tpu.memory_space<vmem>>, %arg10: memref<!tpu.dma_semaphore, #tpu.memory_space<semaphore_mem>>, %arg11: memref<!tpu.dma_semaphore, #tpu.memory_space<semaphore_mem>>) attributes {dimension_semantics = [#tpu.dimension_semantics<core_parallel>, #tpu.dimension_semantics<subcore_parallel>], iteration_bounds = array<i64: 2, 16>, scalar_prefetch = 0 : i64, scratch_operands = 6 : i64, tpu.core_type = #tpu.core_type<sc_vector_subcore>, window_params = [{transform_indices = #map}, {transform_indices = #map1}, {transform_indices = #map}, {transform_indices = #map}]} {
    %mul3A = arith.constant 2 : i32
    %mul3A_0 = arith.muli %arg1, %mul3A : i32
    %add3A = arith.addi %mul3A_0, %arg0 : i32
    %dma_start3A = arith.constant 0 : i32
    %dma_start3A_1 = arith.constant 0 : i32
    %dma_start3A_2 = tpu.memref_slice %arg2[%add3A, %dma_start3A, %dma_start3A_1] : memref<32x64x256xf32, #tpu.memory_space<hbm>> -> memref<1x64x256xf32, #tpu.memory_space<hbm>>
    %dma_start3A_3 = tpu.memref_squeeze %dma_start3A_2 : memref<1x64x256xf32, #tpu.memory_space<hbm>> -> memref<64x256xf32, #tpu.memory_space<hbm>>
    %dma_start3A_4 = arith.constant 0 : i32
    %dma_start3A_5 = arith.constant 0 : i32
    %dma_start3A_6 = tpu.memref_slice %arg2[%add3A, %dma_start3A_4, %dma_start3A_5] : memref<32x64x256xf32, #tpu.memory_space<hbm>> -> memref<1x64x256xf32, #tpu.memory_space<hbm>>
    %dma_start3A_7 = tpu.memref_squeeze %dma_start3A_6 : memref<1x64x256xf32, #tpu.memory_space<hbm>> -> memref<64x256xf32, #tpu.memory_space<hbm>>
    tpu.enqueue_dma source(%dma_start3A_7 : memref<64x256xf32, #tpu.memory_space<hbm>>) target(%arg6 : memref<64x256xf32, #tpu.memory_space<vmem>>) target_semaphore(%arg10 : memref<!tpu.dma_semaphore, #tpu.memory_space<semaphore_mem>>)
    tpu.enqueue_dma source(%arg3 : memref<64xf32, #tpu.memory_space<hbm>>) target(%arg7 : memref<64xf32, #tpu.memory_space<vmem>>) target_semaphore(%arg11 : memref<!tpu.dma_semaphore, #tpu.memory_space<semaphore_mem>>)
    %dma_wait3A = arith.constant 0 : i32
    %dma_wait3A_8 = arith.constant 0 : i32
    %dma_wait3A_9 = tpu.memref_slice %arg2[%add3A, %dma_wait3A, %dma_wait3A_8] : memref<32x64x256xf32, #tpu.memory_space<hbm>> -> memref<1x64x256xf32, #tpu.memory_space<hbm>>
    %dma_wait3A_10 = tpu.memref_squeeze %dma_wait3A_9 : memref<1x64x256xf32, #tpu.memory_space<hbm>> -> memref<64x256xf32, #tpu.memory_space<hbm>>
    %dma_wait3A_11 = arith.constant 0 : i32
    %dma_wait3A_12 = arith.constant 0 : i32
    %dma_wait3A_13 = tpu.memref_slice %arg2[%add3A, %dma_wait3A_11, %dma_wait3A_12] : memref<32x64x256xf32, #tpu.memory_space<hbm>> -> memref<1x64x256xf32, #tpu.memory_space<hbm>>
    %dma_wait3A_14 = tpu.memref_squeeze %dma_wait3A_13 : memref<1x64x256xf32, #tpu.memory_space<hbm>> -> memref<64x256xf32, #tpu.memory_space<hbm>>
    tpu.wait_dma2 semaphore(%arg10 : memref<!tpu.dma_semaphore, #tpu.memory_space<semaphore_mem>>) src(%dma_wait3A_14 : memref<64x256xf32, #tpu.memory_space<hbm>>) dst(%arg6 : memref<64x256xf32, #tpu.memory_space<vmem>>)
    tpu.wait_dma2 semaphore(%arg11 : memref<!tpu.dma_semaphore, #tpu.memory_space<semaphore_mem>>) src(%arg3 : memref<64xf32, #tpu.memory_space<hbm>>) dst(%arg7 : memref<64xf32, #tpu.memory_space<vmem>>)
    %iota3A = tpu.iota {dimensions = array<i32: 0>} : vector<16xi32>
    %broadcast_in_dim3A = arith.constant 0xFF800000 : f32
    %broadcast_in_dim3A_15 = vector.broadcast %broadcast_in_dim3A : f32 to vector<16xf32>
    %broadcast_in_dim3A_16 = arith.constant 0 : i32
    %broadcast_in_dim3A_17 = vector.broadcast %broadcast_in_dim3A_16 : i32 to vector<16xi32>
    %get3A = arith.constant 0 : index
    %get3A_18 = tpu.vector_load %arg7[%get3A] {strides = array<i32>} : memref<64xf32, #tpu.memory_space<vmem>>, vector<16xf32>,
    %get3A_19 = vector.shape_cast %get3A_18 : vector<16xf32> to vector<16xf32>
    %get3A_20 = arith.constant 16 : index
    %get3A_21 = tpu.vector_load %arg7[%get3A_20] {strides = array<i32>} : memref<64xf32, #tpu.memory_space<vmem>>, vector<16xf32>,
    %get3A_22 = vector.shape_cast %get3A_21 : vector<16xf32> to vector<16xf32>
    %get3A_23 = arith.constant 32 : index
    %get3A_24 = tpu.vector_load %arg7[%get3A_23] {strides = array<i32>} : memref<64xf32, #tpu.memory_space<vmem>>, vector<16xf32>,
    %get3A_25 = vector.shape_cast %get3A_24 : vector<16xf32> to vector<16xf32>
    %get3A_26 = arith.constant 48 : index
    %get3A_27 = tpu.vector_load %arg7[%get3A_26] {strides = array<i32>} : memref<64xf32, #tpu.memory_space<vmem>>, vector<16xf32>,
    %get3A_28 = vector.shape_cast %get3A_27 : vector<16xf32> to vector<16xf32>
    %scan3A = arith.constant 0 : i32
    %scan3A_29 = arith.constant 0 : i32
    %scan3A_30 = arith.constant 16 : i32
    %scan3A_31 = arith.addi %scan3A_29, %scan3A_30 : i32
    %scan3A_32 = arith.constant 1 : i32
    scf.for %scan3A_34 = %scan3A_29 to %scan3A_31 step %scan3A_32  : i32 {
      %mul3A_35 = arith.constant 16 : i32
      %mul3A_36 = arith.muli %scan3A_34, %mul3A_35 : i32
      %get3A_37 = arith.constant 0 : i32
      %get3A_38 = arith.index_cast %get3A_37 : i32 to index
      %get3A_39 = arith.index_cast %mul3A_36 : i32 to index
      %get3A_40 = tpu.vector_load %arg6[%get3A_38, %get3A_39] {strides = array<i32>} : memref<64x256xf32, #tpu.memory_space<vmem>>, vector<1x16xf32>,
      %get3A_41 = vector.shape_cast %get3A_40 : vector<1x16xf32> to vector<16xf32>
      %broadcast_in_dim3A_42 = arith.constant 0 : i32
      %broadcast_in_dim3A_43 = vector.broadcast %broadcast_in_dim3A_42 : i32 to vector<16xi32>
      %gt3A = arith.cmpf ogt, %get3A_41, %broadcast_in_dim3A_15 : vector<16xf32>
      %gt3A_44 = arith.cmpf ogt, %get3A_41, %broadcast_in_dim3A_15 : vector<16xf32>
      %gt3A_45 = arith.cmpf ogt, %get3A_41, %broadcast_in_dim3A_15 : vector<16xf32>
      %gt3A_46 = arith.cmpf ogt, %get3A_41, %broadcast_in_dim3A_15 : vector<16xf32>
      %gt3A_47 = arith.cmpf ogt, %get3A_41, %broadcast_in_dim3A_15 : vector<16xf32>
      %gt3A_48 = arith.cmpf ogt, %get3A_41, %broadcast_in_dim3A_15 : vector<16xf32>
      %gt3A_49 = arith.cmpf ogt, %get3A_41, %broadcast_in_dim3A_15 : vector<16xf32>
      %gt3A_50 = arith.cmpf ogt, %get3A_41, %broadcast_in_dim3A_15 : vector<16xf32>
      %select_n3A = arith.select %gt3A, %get3A_41, %broadcast_in_dim3A_15 : vector<16xi1>, vector<16xf32>
      %select_n3A_51 = arith.select %gt3A, %broadcast_in_dim3A_43, %broadcast_in_dim3A_17 : vector<16xi1>, vector<16xi32>
      %select_n3A_52 = arith.select %gt3A, %broadcast_in_dim3A_15, %get3A_41 : vector<16xi1>, vector<16xf32>
      %select_n3A_53 = arith.select %gt3A, %broadcast_in_dim3A_17, %broadcast_in_dim3A_43 : vector<16xi1>, vector<16xi32>
      %select_n3A_54 = arith.select %gt3A_44, %select_n3A_52, %broadcast_in_dim3A_15 : vector<16xi1>, vector<16xf32>
      %select_n3A_55 = arith.select %gt3A_44, %select_n3A_53, %broadcast_in_dim3A_17 : vector<16xi1>, vector<16xi32>
      %select_n3A_56 = arith.select %gt3A_44, %broadcast_in_dim3A_15, %get3A_41 : vector<16xi1>, vector<16xf32>
      %select_n3A_57 = arith.select %gt3A_44, %broadcast_in_dim3A_17, %broadcast_in_dim3A_43 : vector<16xi1>, vector<16xi32>
      %select_n3A_58 = arith.select %gt3A_45, %select_n3A_56, %broadcast_in_dim3A_15 : vector<16xi1>, vector<16xf32>
      %select_n3A_59 = arith.select %gt3A_45, %select_n3A_57, %broadcast_in_dim3A_17 : vector<16xi1>, vector<16xi32>
      %select_n3A_60 = arith.select %gt3A_45, %broadcast_in_dim3A_15, %get3A_41 : vector<16xi1>, vector<16xf32>
      %select_n3A_61 = arith.select %gt3A_45, %broadcast_in_dim3A_17, %broadcast_in_dim3A_43 : vector<16xi1>, vector<16xi32>
      %select_n3A_62 = arith.select %gt3A_46, %select_n3A_60, %broadcast_in_dim3A_15 : vector<16xi1>, vector<16xf32>
      %select_n3A_63 = arith.select %gt3A_46, %select_n3A_61, %broadcast_in_dim3A_17 : vector<16xi1>, vector<16xi32>
      %select_n3A_64 = arith.select %gt3A_46, %broadcast_in_dim3A_15, %get3A_41 : vector<16xi1>, vector<16xf32>
      %select_n3A_65 = arith.select %gt3A_46, %broadcast_in_dim3A_17, %broadcast_in_dim3A_43 : vector<16xi1>, vector<16xi32>
      %select_n3A_66 = arith.select %gt3A_47, %select_n3A_64, %broadcast_in_dim3A_15 : vector<16xi1>, vector<16xf32>
      %select_n3A_67 = arith.select %gt3A_47, %select_n3A_65, %broadcast_in_dim3A_17 : vector<16xi1>, vector<16xi32>
      %select_n3A_68 = arith.select %gt3A_47, %broadcast_in_dim3A_15, %get3A_41 : vector<16xi1>, vector<16xf32>
      %select_n3A_69 = arith.select %gt3A_47, %broadcast_in_dim3A_17, %broadcast_in_dim3A_43 : vector<16xi1>, vector<16xi32>
      %select_n3A_70 = arith.select %gt3A_48, %select_n3A_68, %broadcast_in_dim3A_15 : vector<16xi1>, vector<16xf32>
      %select_n3A_71 = arith.select %gt3A_48, %select_n3A_69, %broadcast_in_dim3A_17 : vector<16xi1>, vector<16xi32>
      %select_n3A_72 = arith.select %gt3A_48, %broadcast_in_dim3A_15, %get3A_41 : vector<16xi1>, vector<16xf32>
      %select_n3A_73 = arith.select %gt3A_48, %broadcast_in_dim3A_17, %broadcast_in_dim3A_43 : vector<16xi1>, vector<16xi32>
      %select_n3A_74 = arith.select %gt3A_49, %select_n3A_72, %broadcast_in_dim3A_15 : vector<16xi1>, vector<16xf32>
      %select_n3A_75 = arith.select %gt3A_49, %select_n3A_73, %broadcast_in_dim3A_17 : vector<16xi1>, vector<16xi32>
      %select_n3A_76 = arith.select %gt3A_49, %broadcast_in_dim3A_15, %get3A_41 : vector<16xi1>, vector<16xf32>
      %select_n3A_77 = arith.select %gt3A_49, %broadcast_in_dim3A_17, %broadcast_in_dim3A_43 : vector<16xi1>, vector<16xi32>
      %select_n3A_78 = arith.select %gt3A_50, %select_n3A_76, %broadcast_in_dim3A_15 : vector<16xi1>, vector<16xf32>
      %select_n3A_79 = arith.select %gt3A_50, %select_n3A_77, %broadcast_in_dim3A_17 : vector<16xi1>, vector<16xi32>
      %get3A_80 = arith.constant 1 : i32
      %get3A_81 = arith.index_cast %get3A_80 : i32 to index
      %get3A_82 = arith.index_cast %mul3A_36 : i32 to index
      %get3A_83 = tpu.vector_load %arg6[%get3A_81, %get3A_82] {strides = array<i32>} : memref<64x256xf32, #tpu.memory_space<vmem>>, vector<1x16xf32>,
      %get3A_84 = vector.shape_cast %get3A_83 : vector<1x16xf32> to vector<16xf32>
      %broadcast_in_dim3A_85 = arith.constant 1 : i32
      %broadcast_in_dim3A_86 = vector.broadcast %broadcast_in_dim3A_85 : i32 to vector<16xi32>
      %gt3A_87 = arith.cmpf ogt, %get3A_84, %select_n3A : vector<16xf32>
      %gt3A_88 = arith.cmpf ogt, %get3A_84, %select_n3A_54 : vector<16xf32>
      %gt3A_89 = arith.cmpf ogt, %get3A_84, %select_n3A_58 : vector<16xf32>
      %gt3A_90 = arith.cmpf ogt, %get3A_84, %select_n3A_62 : vector<16xf32>
      %gt3A_91 = arith.cmpf ogt, %get3A_84, %select_n3A_66 : vector<16xf32>
      %gt3A_92 = arith.cmpf ogt, %get3A_84, %select_n3A_70 : vector<16xf32>
      %gt3A_93 = arith.cmpf ogt, %get3A_84, %select_n3A_74 : vector<16xf32>
      %gt3A_94 = arith.cmpf ogt, %get3A_84, %select_n3A_78 : vector<16xf32>
      %select_n3A_95 = arith.select %gt3A_87, %get3A_84, %select_n3A : vector<16xi1>, vector<16xf32>
      %select_n3A_96 = arith.select %gt3A_87, %broadcast_in_dim3A_86, %select_n3A_51 : vector<16xi1>, vector<16xi32>
      %select_n3A_97 = arith.select %gt3A_87, %select_n3A, %get3A_84 : vector<16xi1>, vector<16xf32>
      %select_n3A_98 = arith.select %gt3A_87, %select_n3A_51, %broadcast_in_dim3A_86 : vector<16xi1>, vector<16xi32>
      %select_n3A_99 = arith.select %gt3A_88, %select_n3A_97, %select_n3A_54 : vector<16xi1>, vector<16xf32>
      %select_n3A_100 = arith.select %gt3A_88, %select_n3A_98, %select_n3A_55 : vector<16xi1>, vector<16xi32>
      %select_n3A_101 = arith.select %gt3A_88, %select_n3A_54, %get3A_84 : vector<16xi1>, vector<16xf32>
      %select_n3A_102 = arith.select %gt3A_88, %select_n3A_55, %broadcast_in_dim3A_86 : vector<16xi1>, vector<16xi32>
      %select_n3A_103 = arith.select %gt3A_89, %select_n3A_101, %select_n3A_58 : vector<16xi1>, vector<16xf32>
      %select_n3A_104 = arith.select %gt3A_89, %select_n3A_102, %select_n3A_59 : vector<16xi1>, vector<16xi32>
      %select_n3A_105 = arith.select %gt3A_89, %select_n3A_58, %get3A_84 : vector<16xi1>, vector<16xf32>
      %select_n3A_106 = arith.select %gt3A_89, %select_n3A_59, %broadcast_in_dim3A_86 : vector<16xi1>, vector<16xi32>
      %select_n3A_107 = arith.select %gt3A_90, %select_n3A_105, %select_n3A_62 : vector<16xi1>, vector<16xf32>
      %select_n3A_108 = arith.select %gt3A_90, %select_n3A_106, %select_n3A_63 : vector<16xi1>, vector<16xi32>
      %select_n3A_109 = arith.select %gt3A_90, %select_n3A_62, %get3A_84 : vector<16xi1>, vector<16xf32>
      %select_n3A_110 = arith.select %gt3A_90, %select_n3A_63, %broadcast_in_dim3A_86 : vector<16xi1>, vector<16xi32>
      %select_n3A_111 = arith.select %gt3A_91, %select_n3A_109, %select_n3A_66 : vector<16xi1>, vector<16xf32>
      %select_n3A_112 = arith.select %gt3A_91, %select_n3A_110, %select_n3A_67 : vector<16xi1>, vector<16xi32>
      %select_n3A_113 = arith.select %gt3A_91, %select_n3A_66, %get3A_84 : vector<16xi1>, vector<16xf32>
      %select_n3A_114 = arith.select %gt3A_91, %select_n3A_67, %broadcast_in_dim3A_86 : vector<16xi1>, vector<16xi32>
      %select_n3A_115 = arith.select %gt3A_92, %select_n3A_113, %select_n3A_70 : vector<16xi1>, vector<16xf32>
      %select_n3A_116 = arith.select %gt3A_92, %select_n3A_114, %select_n3A_71 : vector<16xi1>, vector<16xi32>
      %select_n3A_117 = arith.select %gt3A_92, %select_n3A_70, %get3A_84 : vector<16xi1>, vector<16xf32>
      %select_n3A_118 = arith.select %gt3A_92, %select_n3A_71, %broadcast_in_dim3A_86 : vector<16xi1>, vector<16xi32>
      %select_n3A_119 = arith.select %gt3A_93, %select_n3A_117, %select_n3A_74 : vector<16xi1>, vector<16xf32>
      %select_n3A_120 = arith.select %gt3A_93, %select_n3A_118, %select_n3A_75 : vector<16xi1>, vector<16xi32>
      %select_n3A_121 = arith.select %gt3A_93, %select_n3A_74, %get3A_84 : vector<16xi1>, vector<16xf32>
      %select_n3A_122 = arith.select %gt3A_93, %select_n3A_75, %broadcast_in_dim3A_86 : vector<16xi1>, vector<16xi32>
      %select_n3A_123 = arith.select %gt3A_94, %select_n3A_121, %select_n3A_78 : vector<16xi1>, vector<16xf32>
      %select_n3A_124 = arith.select %gt3A_94, %select_n3A_122, %select_n3A_79 : vector<16xi1>, vector<16xi32>
      %get3A_125 = arith.constant 2 : i32
      %get3A_126 = arith.index_cast %get3A_125 : i32 to index
      %get3A_127 = arith.index_cast %mul3A_36 : i32 to index
      %get3A_128 = tpu.vector_load %arg6[%get3A_126, %get3A_127] {strides = array<i32>} : memref<64x256xf32, #tpu.memory_space<vmem>>, vector<1x16xf32>,
      %get3A_129 = vector.shape_cast %get3A_128 : vector<1x16xf32> to vector<16xf32>
      %broadcast_in_dim3A_130 = arith.constant 2 : i32
      %broadcast_in_dim3A_131 = vector.broadcast %broadcast_in_dim3A_130 : i32 to vector<16xi32>
      %gt3A_132 = arith.cmpf ogt, %get3A_129, %select_n3A_95 : vector<16xf32>
      %gt3A_133 = arith.cmpf ogt, %get3A_129, %select_n3A_99 : vector<16xf32>
      %gt3A_134 = arith.cmpf ogt, %get3A_129, %select_n3A_103 : vector<16xf32>
      %gt3A_135 = arith.cmpf ogt, %get3A_129, %select_n3A_107 : vector<16xf32>
      %gt3A_136 = arith.cmpf ogt, %get3A_129, %select_n3A_111 : vector<16xf32>
      %gt3A_137 = arith.cmpf ogt, %get3A_129, %select_n3A_115 : vector<16xf32>
      %gt3A_138 = arith.cmpf ogt, %get3A_129, %select_n3A_119 : vector<16xf32>
      %gt3A_139 = arith.cmpf ogt, %get3A_129, %select_n3A_123 : vector<16xf32>
      %select_n3A_140 = arith.select %gt3A_132, %get3A_129, %select_n3A_95 : vector<16xi1>, vector<16xf32>
      %select_n3A_141 = arith.select %gt3A_132, %broadcast_in_dim3A_131, %select_n3A_96 : vector<16xi1>, vector<16xi32>
      %select_n3A_142 = arith.select %gt3A_132, %select_n3A_95, %get3A_129 : vector<16xi1>, vector<16xf32>
      %select_n3A_143 = arith.select %gt3A_132, %select_n3A_96, %broadcast_in_dim3A_131 : vector<16xi1>, vector<16xi32>
      %select_n3A_144 = arith.select %gt3A_133, %select_n3A_142, %select_n3A_99 : vector<16xi1>, vector<16xf32>
      %select_n3A_145 = arith.select %gt3A_133, %select_n3A_143, %select_n3A_100 : vector<16xi1>, vector<16xi32>
      %select_n3A_146 = arith.select %gt3A_133, %select_n3A_99, %get3A_129 : vector<16xi1>, vector<16xf32>
      %select_n3A_147 = arith.select %gt3A_133, %select_n3A_100, %broadcast_in_dim3A_131 : vector<16xi1>, vector<16xi32>
      %select_n3A_148 = arith.select %gt3A_134, %select_n3A_146, %select_n3A_103 : vector<16xi1>, vector<16xf32>
      %select_n3A_149 = arith.select %gt3A_134, %select_n3A_147, %select_n3A_104 : vector<16xi1>, vector<16xi32>
      %select_n3A_150 = arith.select %gt3A_134, %select_n3A_103, %get3A_129 : vector<16xi1>, vector<16xf32>
      %select_n3A_151 = arith.select %gt3A_134, %select_n3A_104, %broadcast_in_dim3A_131 : vector<16xi1>, vector<16xi32>
      %select_n3A_152 = arith.select %gt3A_135, %select_n3A_150, %select_n3A_107 : vector<16xi1>, vector<16xf32>
      %select_n3A_153 = arith.select %gt3A_135, %select_n3A_151, %select_n3A_108 : vector<16xi1>, vector<16xi32>
      %select_n3A_154 = arith.select %gt3A_135, %select_n3A_107, %get3A_129 : vector<16xi1>, vector<16xf32>
      %select_n3A_155 = arith.select %gt3A_135, %select_n3A_108, %broadcast_in_dim3A_131 : vector<16xi1>, vector<16xi32>
      %select_n3A_156 = arith.select %gt3A_136, %select_n3A_154, %select_n3A_111 : vector<16xi1>, vector<16xf32>
      %select_n3A_157 = arith.select %gt3A_136, %select_n3A_155, %select_n3A_112 : vector<16xi1>, vector<16xi32>
      %select_n3A_158 = arith.select %gt3A_136, %select_n3A_111, %get3A_129 : vector<16xi1>, vector<16xf32>
      %select_n3A_159 = arith.select %gt3A_136, %select_n3A_112, %broadcast_in_dim3A_131 : vector<16xi1>, vector<16xi32>
      %select_n3A_160 = arith.select %gt3A_137, %select_n3A_158, %select_n3A_115 : vector<16xi1>, vector<16xf32>
      %select_n3A_161 = arith.select %gt3A_137, %select_n3A_159, %select_n3A_116 : vector<16xi1>, vector<16xi32>
      %select_n3A_162 = arith.select %gt3A_137, %select_n3A_115, %get3A_129 : vector<16xi1>, vector<16xf32>
      %select_n3A_163 = arith.select %gt3A_137, %select_n3A_116, %broadcast_in_dim3A_131 : vector<16xi1>, vector<16xi32>
      %select_n3A_164 = arith.select %gt3A_138, %select_n3A_162, %select_n3A_119 : vector<16xi1>, vector<16xf32>
      %select_n3A_165 = arith.select %gt3A_138, %select_n3A_163, %select_n3A_120 : vector<16xi1>, vector<16xi32>
      %select_n3A_166 = arith.select %gt3A_138, %select_n3A_119, %get3A_129 : vector<16xi1>, vector<16xf32>
      %select_n3A_167 = arith.select %gt3A_138, %select_n3A_120, %broadcast_in_dim3A_131 : vector<16xi1>, vector<16xi32>
      %select_n3A_168 = arith.select %gt3A_139, %select_n3A_166, %select_n3A_123 : vector<16xi1>, vector<16xf32>
      %select_n3A_169 = arith.select %gt3A_139, %select_n3A_167, %select_n3A_124 : vector<16xi1>, vector<16xi32>
      %get3A_170 = arith.constant 3 : i32
      %get3A_171 = arith.index_cast %get3A_170 : i32 to index
      %get3A_172 = arith.index_cast %mul3A_36 : i32 to index
      %get3A_173 = tpu.vector_load %arg6[%get3A_171, %get3A_172] {strides = array<i32>} : memref<64x256xf32, #tpu.memory_space<vmem>>, vector<1x16xf32>,
      %get3A_174 = vector.shape_cast %get3A_173 : vector<1x16xf32> to vector<16xf32>
      %broadcast_in_dim3A_175 = arith.constant 3 : i32
      %broadcast_in_dim3A_176 = vector.broadcast %broadcast_in_dim3A_175 : i32 to vector<16xi32>
      %gt3A_177 = arith.cmpf ogt, %get3A_174, %select_n3A_140 : vector<16xf32>
      %gt3A_178 = arith.cmpf ogt, %get3A_174, %select_n3A_144 : vector<16xf32>
      %gt3A_179 = arith.cmpf ogt, %get3A_174, %select_n3A_148 : vector<16xf32>
      %gt3A_180 = arith.cmpf ogt, %get3A_174, %select_n3A_152 : vector<16xf32>
      %gt3A_181 = arith.cmpf ogt, %get3A_174, %select_n3A_156 : vector<16xf32>
      %gt3A_182 = arith.cmpf ogt, %get3A_174, %select_n3A_160 : vector<16xf32>
      %gt3A_183 = arith.cmpf ogt, %get3A_174, %select_n3A_164 : vector<16xf32>
      %gt3A_184 = arith.cmpf ogt, %get3A_174, %select_n3A_168 : vector<16xf32>
      %select_n3A_185 = arith.select %gt3A_177, %get3A_174, %select_n3A_140 : vector<16xi1>, vector<16xf32>
      %select_n3A_186 = arith.select %gt3A_177, %broadcast_in_dim3A_176, %select_n3A_141 : vector<16xi1>, vector<16xi32>
      %select_n3A_187 = arith.select %gt3A_177, %select_n3A_140, %get3A_174 : vector<16xi1>, vector<16xf32>
      %select_n3A_188 = arith.select %gt3A_177, %select_n3A_141, %broadcast_in_dim3A_176 : vector<16xi1>, vector<16xi32>
      %select_n3A_189 = arith.select %gt3A_178, %select_n3A_187, %select_n3A_144 : vector<16xi1>, vector<16xf32>
      %select_n3A_190 = arith.select %gt3A_178, %select_n3A_188, %select_n3A_145 : vector<16xi1>, vector<16xi32>
      %select_n3A_191 = arith.select %gt3A_178, %select_n3A_144, %get3A_174 : vector<16xi1>, vector<16xf32>
      %select_n3A_192 = arith.select %gt3A_178, %select_n3A_145, %broadcast_in_dim3A_176 : vector<16xi1>, vector<16xi32>
      %select_n3A_193 = arith.select %gt3A_179, %select_n3A_191, %select_n3A_148 : vector<16xi1>, vector<16xf32>
      %select_n3A_194 = arith.select %gt3A_179, %select_n3A_192, %select_n3A_149 : vector<16xi1>, vector<16xi32>
      %select_n3A_195 = arith.select %gt3A_179, %select_n3A_148, %get3A_174 : vector<16xi1>, vector<16xf32>
      %select_n3A_196 = arith.select %gt3A_179, %select_n3A_149, %broadcast_in_dim3A_176 : vector<16xi1>, vector<16xi32>
      %select_n3A_197 = arith.select %gt3A_180, %select_n3A_195, %select_n3A_152 : vector<16xi1>, vector<16xf32>
      %select_n3A_198 = arith.select %gt3A_180, %select_n3A_196, %select_n3A_153 : vector<16xi1>, vector<16xi32>
      %select_n3A_199 = arith.select %gt3A_180, %select_n3A_152, %get3A_174 : vector<16xi1>, vector<16xf32>
      %select_n3A_200 = arith.select %gt3A_180, %select_n3A_153, %broadcast_in_dim3A_176 : vector<16xi1>, vector<16xi32>
      %select_n3A_201 = arith.select %gt3A_181, %select_n3A_199, %select_n3A_156 : vector<16xi1>, vector<16xf32>
      %select_n3A_202 = arith.select %gt3A_181, %select_n3A_200, %select_n3A_157 : vector<16xi1>, vector<16xi32>
      %select_n3A_203 = arith.select %gt3A_181, %select_n3A_156, %get3A_174 : vector<16xi1>, vector<16xf32>
      %select_n3A_204 = arith.select %gt3A_181, %select_n3A_157, %broadcast_in_dim3A_176 : vector<16xi1>, vector<16xi32>
      %select_n3A_205 = arith.select %gt3A_182, %select_n3A_203, %select_n3A_160 : vector<16xi1>, vector<16xf32>
      %select_n3A_206 = arith.select %gt3A_182, %select_n3A_204, %select_n3A_161 : vector<16xi1>, vector<16xi32>
      %select_n3A_207 = arith.select %gt3A_182, %select_n3A_160, %get3A_174 : vector<16xi1>, vector<16xf32>
      %select_n3A_208 = arith.select %gt3A_182, %select_n3A_161, %broadcast_in_dim3A_176 : vector<16xi1>, vector<16xi32>
      %select_n3A_209 = arith.select %gt3A_183, %select_n3A_207, %select_n3A_164 : vector<16xi1>, vector<16xf32>
      %select_n3A_210 = arith.select %gt3A_183, %select_n3A_208, %select_n3A_165 : vector<16xi1>, vector<16xi32>
      %select_n3A_211 = arith.select %gt3A_183, %select_n3A_164, %get3A_174 : vector<16xi1>, vector<16xf32>
      %select_n3A_212 = arith.select %gt3A_183, %select_n3A_165, %broadcast_in_dim3A_176 : vector<16xi1>, vector<16xi32>
      %select_n3A_213 = arith.select %gt3A_184, %select_n3A_211, %select_n3A_168 : vector<16xi1>, vector<16xf32>
      %select_n3A_214 = arith.select %gt3A_184, %select_n3A_212, %select_n3A_169 : vector<16xi1>, vector<16xi32>
      %get3A_215 = arith.constant 4 : i32
      %get3A_216 = arith.index_cast %get3A_215 : i32 to index
      %get3A_217 = arith.index_cast %mul3A_36 : i32 to index
      %get3A_218 = tpu.vector_load %arg6[%get3A_216, %get3A_217] {strides = array<i32>} : memref<64x256xf32, #tpu.memory_space<vmem>>, vector<1x16xf32>,
      %get3A_219 = vector.shape_cast %get3A_218 : vector<1x16xf32> to vector<16xf32>
      %broadcast_in_dim3A_220 = arith.constant 4 : i32
      %broadcast_in_dim3A_221 = vector.broadcast %broadcast_in_dim3A_220 : i32 to vector<16xi32>
      %gt3A_222 = arith.cmpf ogt, %get3A_219, %select_n3A_185 : vector<16xf32>
      %gt3A_223 = arith.cmpf ogt, %get3A_219, %select_n3A_189 : vector<16xf32>
      %gt3A_224 = arith.cmpf ogt, %get3A_219, %select_n3A_193 : vector<16xf32>
      %gt3A_225 = arith.cmpf ogt, %get3A_219, %select_n3A_197 : vector<16xf32>
      %gt3A_226 = arith.cmpf ogt, %get3A_219, %select_n3A_201 : vector<16xf32>
      %gt3A_227 = arith.cmpf ogt, %get3A_219, %select_n3A_205 : vector<16xf32>
      %gt3A_228 = arith.cmpf ogt, %get3A_219, %select_n3A_209 : vector<16xf32>
      %gt3A_229 = arith.cmpf ogt, %get3A_219, %select_n3A_213 : vector<16xf32>
      %select_n3A_230 = arith.select %gt3A_222, %get3A_219, %select_n3A_185 : vector<16xi1>, vector<16xf32>
      %select_n3A_231 = arith.select %gt3A_222, %broadcast_in_dim3A_221, %select_n3A_186 : vector<16xi1>, vector<16xi32>
      %select_n3A_232 = arith.select %gt3A_222, %select_n3A_185, %get3A_219 : vector<16xi1>, vector<16xf32>
      %select_n3A_233 = arith.select %gt3A_222, %select_n3A_186, %broadcast_in_dim3A_221 : vector<16xi1>, vector<16xi32>
      %select_n3A_234 = arith.select %gt3A_223, %select_n3A_232, %select_n3A_189 : vector<16xi1>, vector<16xf32>
      %select_n3A_235 = arith.select %gt3A_223, %select_n3A_233, %select_n3A_190 : vector<16xi1>, vector<16xi32>
      %select_n3A_236 = arith.select %gt3A_223, %select_n3A_189, %get3A_219 : vector<16xi1>, vector<16xf32>
      %select_n3A_237 = arith.select %gt3A_223, %select_n3A_190, %broadcast_in_dim3A_221 : vector<16xi1>, vector<16xi32>
      %select_n3A_238 = arith.select %gt3A_224, %select_n3A_236, %select_n3A_193 : vector<16xi1>, vector<16xf32>
      %select_n3A_239 = arith.select %gt3A_224, %select_n3A_237, %select_n3A_194 : vector<16xi1>, vector<16xi32>
      %select_n3A_240 = arith.select %gt3A_224, %select_n3A_193, %get3A_219 : vector<16xi1>, vector<16xf32>
      %select_n3A_241 = arith.select %gt3A_224, %select_n3A_194, %broadcast_in_dim3A_221 : vector<16xi1>, vector<16xi32>
      %select_n3A_242 = arith.select %gt3A_225, %select_n3A_240, %select_n3A_197 : vector<16xi1>, vector<16xf32>
      %select_n3A_243 = arith.select %gt3A_225, %select_n3A_241, %select_n3A_198 : vector<16xi1>, vector<16xi32>
      %select_n3A_244 = arith.select %gt3A_225, %select_n3A_197, %get3A_219 : vector<16xi1>, vector<16xf32>
      %select_n3A_245 = arith.select %gt3A_225, %select_n3A_198, %broadcast_in_dim3A_221 : vector<16xi1>, vector<16xi32>
      %select_n3A_246 = arith.select %gt3A_226, %select_n3A_244, %select_n3A_201 : vector<16xi1>, vector<16xf32>
      %select_n3A_247 = arith.select %gt3A_226, %select_n3A_245, %select_n3A_202 : vector<16xi1>, vector<16xi32>
      %select_n3A_248 = arith.select %gt3A_226, %select_n3A_201, %get3A_219 : vector<16xi1>, vector<16xf32>
      %select_n3A_249 = arith.select %gt3A_226, %select_n3A_202, %broadcast_in_dim3A_221 : vector<16xi1>, vector<16xi32>
      %select_n3A_250 = arith.select %gt3A_227, %select_n3A_248, %select_n3A_205 : vector<16xi1>, vector<16xf32>
      %select_n3A_251 = arith.select %gt3A_227, %select_n3A_249, %select_n3A_206 : vector<16xi1>, vector<16xi32>
      %select_n3A_252 = arith.select %gt3A_227, %select_n3A_205, %get3A_219 : vector<16xi1>, vector<16xf32>
      %select_n3A_253 = arith.select %gt3A_227, %select_n3A_206, %broadcast_in_dim3A_221 : vector<16xi1>, vector<16xi32>
      %select_n3A_254 = arith.select %gt3A_228, %select_n3A_252, %select_n3A_209 : vector<16xi1>, vector<16xf32>
      %select_n3A_255 = arith.select %gt3A_228, %select_n3A_253, %select_n3A_210 : vector<16xi1>, vector<16xi32>
      %select_n3A_256 = arith.select %gt3A_228, %select_n3A_209, %get3A_219 : vector<16xi1>, vector<16xf32>
      %select_n3A_257 = arith.select %gt3A_228, %select_n3A_210, %broadcast_in_dim3A_221 : vector<16xi1>, vector<16xi32>
      %select_n3A_258 = arith.select %gt3A_229, %select_n3A_256, %select_n3A_213 : vector<16xi1>, vector<16xf32>
      %select_n3A_259 = arith.select %gt3A_229, %select_n3A_257, %select_n3A_214 : vector<16xi1>, vector<16xi32>
      %get3A_260 = arith.constant 5 : i32
      %get3A_261 = arith.index_cast %get3A_260 : i32 to index
      %get3A_262 = arith.index_cast %mul3A_36 : i32 to index
      %get3A_263 = tpu.vector_load %arg6[%get3A_261, %get3A_262] {strides = array<i32>} : memref<64x256xf32, #tpu.memory_space<vmem>>, vector<1x16xf32>,
      %get3A_264 = vector.shape_cast %get3A_263 : vector<1x16xf32> to vector<16xf32>
      %broadcast_in_dim3A_265 = arith.constant 5 : i32
      %broadcast_in_dim3A_266 = vector.broadcast %broadcast_in_dim3A_265 : i32 to vector<16xi32>
      %gt3A_267 = arith.cmpf ogt, %get3A_264, %select_n3A_230 : vector<16xf32>
      %gt3A_268 = arith.cmpf ogt, %get3A_264, %select_n3A_234 : vector<16xf32>
      %gt3A_269 = arith.cmpf ogt, %get3A_264, %select_n3A_238 : vector<16xf32>
      %gt3A_270 = arith.cmpf ogt, %get3A_264, %select_n3A_242 : vector<16xf32>
      %gt3A_271 = arith.cmpf ogt, %get3A_264, %select_n3A_246 : vector<16xf32>
      %gt3A_272 = arith.cmpf ogt, %get3A_264, %select_n3A_250 : vector<16xf32>
      %gt3A_273 = arith.cmpf ogt, %get3A_264, %select_n3A_254 : vector<16xf32>
      %gt3A_274 = arith.cmpf ogt, %get3A_264, %select_n3A_258 : vector<16xf32>
      %select_n3A_275 = arith.select %gt3A_267, %get3A_264, %select_n3A_230 : vector<16xi1>, vector<16xf32>
      %select_n3A_276 = arith.select %gt3A_267, %broadcast_in_dim3A_266, %select_n3A_231 : vector<16xi1>, vector<16xi32>
      %select_n3A_277 = arith.select %gt3A_267, %select_n3A_230, %get3A_264 : vector<16xi1>, vector<16xf32>
      %select_n3A_278 = arith.select %gt3A_267, %select_n3A_231, %broadcast_in_dim3A_266 : vector<16xi1>, vector<16xi32>
      %select_n3A_279 = arith.select %gt3A_268, %select_n3A_277, %select_n3A_234 : vector<16xi1>, vector<16xf32>
      %select_n3A_280 = arith.select %gt3A_268, %select_n3A_278, %select_n3A_235 : vector<16xi1>, vector<16xi32>
      %select_n3A_281 = arith.select %gt3A_268, %select_n3A_234, %get3A_264 : vector<16xi1>, vector<16xf32>
      %select_n3A_282 = arith.select %gt3A_268, %select_n3A_235, %broadcast_in_dim3A_266 : vector<16xi1>, vector<16xi32>
      %select_n3A_283 = arith.select %gt3A_269, %select_n3A_281, %select_n3A_238 : vector<16xi1>, vector<16xf32>
      %select_n3A_284 = arith.select %gt3A_269, %select_n3A_282, %select_n3A_239 : vector<16xi1>, vector<16xi32>
      %select_n3A_285 = arith.select %gt3A_269, %select_n3A_238, %get3A_264 : vector<16xi1>, vector<16xf32>
      %select_n3A_286 = arith.select %gt3A_269, %select_n3A_239, %broadcast_in_dim3A_266 : vector<16xi1>, vector<16xi32>
      %select_n3A_287 = arith.select %gt3A_270, %select_n3A_285, %select_n3A_242 : vector<16xi1>, vector<16xf32>
      %select_n3A_288 = arith.select %gt3A_270, %select_n3A_286, %select_n3A_243 : vector<16xi1>, vector<16xi32>
      %select_n3A_289 = arith.select %gt3A_270, %select_n3A_242, %get3A_264 : vector<16xi1>, vector<16xf32>
      %select_n3A_290 = arith.select %gt3A_270, %select_n3A_243, %broadcast_in_dim3A_266 : vector<16xi1>, vector<16xi32>
      %select_n3A_291 = arith.select %gt3A_271, %select_n3A_289, %select_n3A_246 : vector<16xi1>, vector<16xf32>
      %select_n3A_292 = arith.select %gt3A_271, %select_n3A_290, %select_n3A_247 : vector<16xi1>, vector<16xi32>
      %select_n3A_293 = arith.select %gt3A_271, %select_n3A_246, %get3A_264 : vector<16xi1>, vector<16xf32>
      %select_n3A_294 = arith.select %gt3A_271, %select_n3A_247, %broadcast_in_dim3A_266 : vector<16xi1>, vector<16xi32>
      %select_n3A_295 = arith.select %gt3A_272, %select_n3A_293, %select_n3A_250 : vector<16xi1>, vector<16xf32>
      %select_n3A_296 = arith.select %gt3A_272, %select_n3A_294, %select_n3A_251 : vector<16xi1>, vector<16xi32>
      %select_n3A_297 = arith.select %gt3A_272, %select_n3A_250, %get3A_264 : vector<16xi1>, vector<16xf32>
      %select_n3A_298 = arith.select %gt3A_272, %select_n3A_251, %broadcast_in_dim3A_266 : vector<16xi1>, vector<16xi32>
      %select_n3A_299 = arith.select %gt3A_273, %select_n3A_297, %select_n3A_254 : vector<16xi1>, vector<16xf32>
      %select_n3A_300 = arith.select %gt3A_273, %select_n3A_298, %select_n3A_255 : vector<16xi1>, vector<16xi32>
      %select_n3A_301 = arith.select %gt3A_273, %select_n3A_254, %get3A_264 : vector<16xi1>, vector<16xf32>
      %select_n3A_302 = arith.select %gt3A_273, %select_n3A_255, %broadcast_in_dim3A_266 : vector<16xi1>, vector<16xi32>
      %select_n3A_303 = arith.select %gt3A_274, %select_n3A_301, %select_n3A_258 : vector<16xi1>, vector<16xf32>
      %select_n3A_304 = arith.select %gt3A_274, %select_n3A_302, %select_n3A_259 : vector<16xi1>, vector<16xi32>
      %get3A_305 = arith.constant 6 : i32
      %get3A_306 = arith.index_cast %get3A_305 : i32 to index
      %get3A_307 = arith.index_cast %mul3A_36 : i32 to index
      %get3A_308 = tpu.vector_load %arg6[%get3A_306, %get3A_307] {strides = array<i32>} : memref<64x256xf32, #tpu.memory_space<vmem>>, vector<1x16xf32>,
      %get3A_309 = vector.shape_cast %get3A_308 : vector<1x16xf32> to vector<16xf32>
      %broadcast_in_dim3A_310 = arith.constant 6 : i32
      %broadcast_in_dim3A_311 = vector.broadcast %broadcast_in_dim3A_310 : i32 to vector<16xi32>
      %gt3A_312 = arith.cmpf ogt, %get3A_309, %select_n3A_275 : vector<16xf32>
      %gt3A_313 = arith.cmpf ogt, %get3A_309, %select_n3A_279 : vector<16xf32>
      %gt3A_314 = arith.cmpf ogt, %get3A_309, %select_n3A_283 : vector<16xf32>
      %gt3A_315 = arith.cmpf ogt, %get3A_309, %select_n3A_287 : vector<16xf32>
      %gt3A_316 = arith.cmpf ogt, %get3A_309, %select_n3A_291 : vector<16xf32>
      %gt3A_317 = arith.cmpf ogt, %get3A_309, %select_n3A_295 : vector<16xf32>
      %gt3A_318 = arith.cmpf ogt, %get3A_309, %select_n3A_299 : vector<16xf32>
      %gt3A_319 = arith.cmpf ogt, %get3A_309, %select_n3A_303 : vector<16xf32>
      %select_n3A_320 = arith.select %gt3A_312, %get3A_309, %select_n3A_275 : vector<16xi1>, vector<16xf32>
      %select_n3A_321 = arith.select %gt3A_312, %broadcast_in_dim3A_311, %select_n3A_276 : vector<16xi1>, vector<16xi32>
      %select_n3A_322 = arith.select %gt3A_312, %select_n3A_275, %get3A_309 : vector<16xi1>, vector<16xf32>
      %select_n3A_323 = arith.select %gt3A_312, %select_n3A_276, %broadcast_in_dim3A_311 : vector<16xi1>, vector<16xi32>
      %select_n3A_324 = arith.select %gt3A_313, %select_n3A_322, %select_n3A_279 : vector<16xi1>, vector<16xf32>
      %select_n3A_325 = arith.select %gt3A_313, %select_n3A_323, %select_n3A_280 : vector<16xi1>, vector<16xi32>
      %select_n3A_326 = arith.select %gt3A_313, %select_n3A_279, %get3A_309 : vector<16xi1>, vector<16xf32>
      %select_n3A_327 = arith.select %gt3A_313, %select_n3A_280, %broadcast_in_dim3A_311 : vector<16xi1>, vector<16xi32>
      %select_n3A_328 = arith.select %gt3A_314, %select_n3A_326, %select_n3A_283 : vector<16xi1>, vector<16xf32>
      %select_n3A_329 = arith.select %gt3A_314, %select_n3A_327, %select_n3A_284 : vector<16xi1>, vector<16xi32>
      %select_n3A_330 = arith.select %gt3A_314, %select_n3A_283, %get3A_309 : vector<16xi1>, vector<16xf32>
      %select_n3A_331 = arith.select %gt3A_314, %select_n3A_284, %broadcast_in_dim3A_311 : vector<16xi1>, vector<16xi32>
      %select_n3A_332 = arith.select %gt3A_315, %select_n3A_330, %select_n3A_287 : vector<16xi1>, vector<16xf32>
      %select_n3A_333 = arith.select %gt3A_315, %select_n3A_331, %select_n3A_288 : vector<16xi1>, vector<16xi32>
      %select_n3A_334 = arith.select %gt3A_315, %select_n3A_287, %get3A_309 : vector<16xi1>, vector<16xf32>
      %select_n3A_335 = arith.select %gt3A_315, %select_n3A_288, %broadcast_in_dim3A_311 : vector<16xi1>, vector<16xi32>
      %select_n3A_336 = arith.select %gt3A_316, %select_n3A_334, %select_n3A_291 : vector<16xi1>, vector<16xf32>
      %select_n3A_337 = arith.select %gt3A_316, %select_n3A_335, %select_n3A_292 : vector<16xi1>, vector<16xi32>
      %select_n3A_338 = arith.select %gt3A_316, %select_n3A_291, %get3A_309 : vector<16xi1>, vector<16xf32>
      %select_n3A_339 = arith.select %gt3A_316, %select_n3A_292, %broadcast_in_dim3A_311 : vector<16xi1>, vector<16xi32>
      %select_n3A_340 = arith.select %gt3A_317, %select_n3A_338, %select_n3A_295 : vector<16xi1>, vector<16xf32>
      %select_n3A_341 = arith.select %gt3A_317, %select_n3A_339, %select_n3A_296 : vector<16xi1>, vector<16xi32>
      %select_n3A_342 = arith.select %gt3A_317, %select_n3A_295, %get3A_309 : vector<16xi1>, vector<16xf32>
      %select_n3A_343 = arith.select %gt3A_317, %select_n3A_296, %broadcast_in_dim3A_311 : vector<16xi1>, vector<16xi32>
      %select_n3A_344 = arith.select %gt3A_318, %select_n3A_342, %select_n3A_299 : vector<16xi1>, vector<16xf32>
      %select_n3A_345 = arith.select %gt3A_318, %select_n3A_343, %select_n3A_300 : vector<16xi1>, vector<16xi32>
      %select_n3A_346 = arith.select %gt3A_318, %select_n3A_299, %get3A_309 : vector<16xi1>, vector<16xf32>
      %select_n3A_347 = arith.select %gt3A_318, %select_n3A_300, %broadcast_in_dim3A_311 : vector<16xi1>, vector<16xi32>
      %select_n3A_348 = arith.select %gt3A_319, %select_n3A_346, %select_n3A_303 : vector<16xi1>, vector<16xf32>
      %select_n3A_349 = arith.select %gt3A_319, %select_n3A_347, %select_n3A_304 : vector<16xi1>, vector<16xi32>
      %get3A_350 = arith.constant 7 : i32
      %get3A_351 = arith.index_cast %get3A_350 : i32 to index
      %get3A_352 = arith.index_cast %mul3A_36 : i32 to index
      %get3A_353 = tpu.vector_load %arg6[%get3A_351, %get3A_352] {strides = array<i32>} : memref<64x256xf32, #tpu.memory_space<vmem>>, vector<1x16xf32>,
      %get3A_354 = vector.shape_cast %get3A_353 : vector<1x16xf32> to vector<16xf32>
      %broadcast_in_dim3A_355 = arith.constant 7 : i32
      %broadcast_in_dim3A_356 = vector.broadcast %broadcast_in_dim3A_355 : i32 to vector<16xi32>
      %gt3A_357 = arith.cmpf ogt, %get3A_354, %select_n3A_320 : vector<16xf32>
      %gt3A_358 = arith.cmpf ogt, %get3A_354, %select_n3A_324 : vector<16xf32>
      %gt3A_359 = arith.cmpf ogt, %get3A_354, %select_n3A_328 : vector<16xf32>
      %gt3A_360 = arith.cmpf ogt, %get3A_354, %select_n3A_332 : vector<16xf32>
      %gt3A_361 = arith.cmpf ogt, %get3A_354, %select_n3A_336 : vector<16xf32>
      %gt3A_362 = arith.cmpf ogt, %get3A_354, %select_n3A_340 : vector<16xf32>
      %gt3A_363 = arith.cmpf ogt, %get3A_354, %select_n3A_344 : vector<16xf32>
      %gt3A_364 = arith.cmpf ogt, %get3A_354, %select_n3A_348 : vector<16xf32>
      %select_n3A_365 = arith.select %gt3A_357, %get3A_354, %select_n3A_320 : vector<16xi1>, vector<16xf32>
      %select_n3A_366 = arith.select %gt3A_357, %broadcast_in_dim3A_356, %select_n3A_321 : vector<16xi1>, vector<16xi32>
      %select_n3A_367 = arith.select %gt3A_357, %select_n3A_320, %get3A_354 : vector<16xi1>, vector<16xf32>
      %select_n3A_368 = arith.select %gt3A_357, %select_n3A_321, %broadcast_in_dim3A_356 : vector<16xi1>, vector<16xi32>
      %select_n3A_369 = arith.select %gt3A_358, %select_n3A_367, %select_n3A_324 : vector<16xi1>, vector<16xf32>
      %select_n3A_370 = arith.select %gt3A_358, %select_n3A_368, %select_n3A_325 : vector<16xi1>, vector<16xi32>
      %select_n3A_371 = arith.select %gt3A_358, %select_n3A_324, %get3A_354 : vector<16xi1>, vector<16xf32>
      %select_n3A_372 = arith.select %gt3A_358, %select_n3A_325, %broadcast_in_dim3A_356 : vector<16xi1>, vector<16xi32>
      %select_n3A_373 = arith.select %gt3A_359, %select_n3A_371, %select_n3A_328 : vector<16xi1>, vector<16xf32>
      %select_n3A_374 = arith.select %gt3A_359, %select_n3A_372, %select_n3A_329 : vector<16xi1>, vector<16xi32>
      %select_n3A_375 = arith.select %gt3A_359, %select_n3A_328, %get3A_354 : vector<16xi1>, vector<16xf32>
      %select_n3A_376 = arith.select %gt3A_359, %select_n3A_329, %broadcast_in_dim3A_356 : vector<16xi1>, vector<16xi32>
      %select_n3A_377 = arith.select %gt3A_360, %select_n3A_375, %select_n3A_332 : vector<16xi1>, vector<16xf32>
      %select_n3A_378 = arith.select %gt3A_360, %select_n3A_376, %select_n3A_333 : vector<16xi1>, vector<16xi32>
      %select_n3A_379 = arith.select %gt3A_360, %select_n3A_332, %get3A_354 : vector<16xi1>, vector<16xf32>
      %select_n3A_380 = arith.select %gt3A_360, %select_n3A_333, %broadcast_in_dim3A_356 : vector<16xi1>, vector<16xi32>
      %select_n3A_381 = arith.select %gt3A_361, %select_n3A_379, %select_n3A_336 : vector<16xi1>, vector<16xf32>
      %select_n3A_382 = arith.select %gt3A_361, %select_n3A_380, %select_n3A_337 : vector<16xi1>, vector<16xi32>
      %select_n3A_383 = arith.select %gt3A_361, %select_n3A_336, %get3A_354 : vector<16xi1>, vector<16xf32>
      %select_n3A_384 = arith.select %gt3A_361, %select_n3A_337, %broadcast_in_dim3A_356 : vector<16xi1>, vector<16xi32>
      %select_n3A_385 = arith.select %gt3A_362, %select_n3A_383, %select_n3A_340 : vector<16xi1>, vector<16xf32>
      %select_n3A_386 = arith.select %gt3A_362, %select_n3A_384, %select_n3A_341 : vector<16xi1>, vector<16xi32>
      %select_n3A_387 = arith.select %gt3A_362, %select_n3A_340, %get3A_354 : vector<16xi1>, vector<16xf32>
      %select_n3A_388 = arith.select %gt3A_362, %select_n3A_341, %broadcast_in_dim3A_356 : vector<16xi1>, vector<16xi32>
      %select_n3A_389 = arith.select %gt3A_363, %select_n3A_387, %select_n3A_344 : vector<16xi1>, vector<16xf32>
      %select_n3A_390 = arith.select %gt3A_363, %select_n3A_388, %select_n3A_345 : vector<16xi1>, vector<16xi32>
      %select_n3A_391 = arith.select %gt3A_363, %select_n3A_344, %get3A_354 : vector<16xi1>, vector<16xf32>
      %select_n3A_392 = arith.select %gt3A_363, %select_n3A_345, %broadcast_in_dim3A_356 : vector<16xi1>, vector<16xi32>
      %select_n3A_393 = arith.select %gt3A_364, %select_n3A_391, %select_n3A_348 : vector<16xi1>, vector<16xf32>
      %select_n3A_394 = arith.select %gt3A_364, %select_n3A_392, %select_n3A_349 : vector<16xi1>, vector<16xi32>
      %get3A_395 = arith.constant 8 : i32
      %get3A_396 = arith.index_cast %get3A_395 : i32 to index
      %get3A_397 = arith.index_cast %mul3A_36 : i32 to index
      %get3A_398 = tpu.vector_load %arg6[%get3A_396, %get3A_397] {strides = array<i32>} : memref<64x256xf32, #tpu.memory_space<vmem>>, vector<1x16xf32>,
      %get3A_399 = vector.shape_cast %get3A_398 : vector<1x16xf32> to vector<16xf32>
      %broadcast_in_dim3A_400 = arith.constant 8 : i32
      %broadcast_in_dim3A_401 = vector.broadcast %broadcast_in_dim3A_400 : i32 to vector<16xi32>
      %gt3A_402 = arith.cmpf ogt, %get3A_399, %select_n3A_365 : vector<16xf32>
      %gt3A_403 = arith.cmpf ogt, %get3A_399, %select_n3A_369 : vector<16xf32>
      %gt3A_404 = arith.cmpf ogt, %get3A_399, %select_n3A_373 : vector<16xf32>
      %gt3A_405 = arith.cmpf ogt, %get3A_399, %select_n3A_377 : vector<16xf32>
      %gt3A_406 = arith.cmpf ogt, %get3A_399, %select_n3A_381 : vector<16xf32>
      %gt3A_407 = arith.cmpf ogt, %get3A_399, %select_n3A_385 : vector<16xf32>
      %gt3A_408 = arith.cmpf ogt, %get3A_399, %select_n3A_389 : vector<16xf32>
      %gt3A_409 = arith.cmpf ogt, %get3A_399, %select_n3A_393 : vector<16xf32>
      %select_n3A_410 = arith.select %gt3A_402, %get3A_399, %select_n3A_365 : vector<16xi1>, vector<16xf32>
      %select_n3A_411 = arith.select %gt3A_402, %broadcast_in_dim3A_401, %select_n3A_366 : vector<16xi1>, vector<16xi32>
      %select_n3A_412 = arith.select %gt3A_402, %select_n3A_365, %get3A_399 : vector<16xi1>, vector<16xf32>
      %select_n3A_413 = arith.select %gt3A_402, %select_n3A_366, %broadcast_in_dim3A_401 : vector<16xi1>, vector<16xi32>
      %select_n3A_414 = arith.select %gt3A_403, %select_n3A_412, %select_n3A_369 : vector<16xi1>, vector<16xf32>
      %select_n3A_415 = arith.select %gt3A_403, %select_n3A_413, %select_n3A_370 : vector<16xi1>, vector<16xi32>
      %select_n3A_416 = arith.select %gt3A_403, %select_n3A_369, %get3A_399 : vector<16xi1>, vector<16xf32>
      %select_n3A_417 = arith.select %gt3A_403, %select_n3A_370, %broadcast_in_dim3A_401 : vector<16xi1>, vector<16xi32>
      %select_n3A_418 = arith.select %gt3A_404, %select_n3A_416, %select_n3A_373 : vector<16xi1>, vector<16xf32>
      %select_n3A_419 = arith.select %gt3A_404, %select_n3A_417, %select_n3A_374 : vector<16xi1>, vector<16xi32>
      %select_n3A_420 = arith.select %gt3A_404, %select_n3A_373, %get3A_399 : vector<16xi1>, vector<16xf32>
      %select_n3A_421 = arith.select %gt3A_404, %select_n3A_374, %broadcast_in_dim3A_401 : vector<16xi1>, vector<16xi32>
      %select_n3A_422 = arith.select %gt3A_405, %select_n3A_420, %select_n3A_377 : vector<16xi1>, vector<16xf32>
      %select_n3A_423 = arith.select %gt3A_405, %select_n3A_421, %select_n3A_378 : vector<16xi1>, vector<16xi32>
      %select_n3A_424 = arith.select %gt3A_405, %select_n3A_377, %get3A_399 : vector<16xi1>, vector<16xf32>
      %select_n3A_425 = arith.select %gt3A_405, %select_n3A_378, %broadcast_in_dim3A_401 : vector<16xi1>, vector<16xi32>
      %select_n3A_426 = arith.select %gt3A_406, %select_n3A_424, %select_n3A_381 : vector<16xi1>, vector<16xf32>
      %select_n3A_427 = arith.select %gt3A_406, %select_n3A_425, %select_n3A_382 : vector<16xi1>, vector<16xi32>
      %select_n3A_428 = arith.select %gt3A_406, %select_n3A_381, %get3A_399 : vector<16xi1>, vector<16xf32>
      %select_n3A_429 = arith.select %gt3A_406, %select_n3A_382, %broadcast_in_dim3A_401 : vector<16xi1>, vector<16xi32>
      %select_n3A_430 = arith.select %gt3A_407, %select_n3A_428, %select_n3A_385 : vector<16xi1>, vector<16xf32>
      %select_n3A_431 = arith.select %gt3A_407, %select_n3A_429, %select_n3A_386 : vector<16xi1>, vector<16xi32>
      %select_n3A_432 = arith.select %gt3A_407, %select_n3A_385, %get3A_399 : vector<16xi1>, vector<16xf32>
      %select_n3A_433 = arith.select %gt3A_407, %select_n3A_386, %broadcast_in_dim3A_401 : vector<16xi1>, vector<16xi32>
      %select_n3A_434 = arith.select %gt3A_408, %select_n3A_432, %select_n3A_389 : vector<16xi1>, vector<16xf32>
      %select_n3A_435 = arith.select %gt3A_408, %select_n3A_433, %select_n3A_390 : vector<16xi1>, vector<16xi32>
      %select_n3A_436 = arith.select %gt3A_408, %select_n3A_389, %get3A_399 : vector<16xi1>, vector<16xf32>
      %select_n3A_437 = arith.select %gt3A_408, %select_n3A_390, %broadcast_in_dim3A_401 : vector<16xi1>, vector<16xi32>
      %select_n3A_438 = arith.select %gt3A_409, %select_n3A_436, %select_n3A_393 : vector<16xi1>, vector<16xf32>
      %select_n3A_439 = arith.select %gt3A_409, %select_n3A_437, %select_n3A_394 : vector<16xi1>, vector<16xi32>
      %get3A_440 = arith.constant 9 : i32
      %get3A_441 = arith.index_cast %get3A_440 : i32 to index
      %get3A_442 = arith.index_cast %mul3A_36 : i32 to index
      %get3A_443 = tpu.vector_load %arg6[%get3A_441, %get3A_442] {strides = array<i32>} : memref<64x256xf32, #tpu.memory_space<vmem>>, vector<1x16xf32>,
      %get3A_444 = vector.shape_cast %get3A_443 : vector<1x16xf32> to vector<16xf32>
      %broadcast_in_dim3A_445 = arith.constant 9 : i32
      %broadcast_in_dim3A_446 = vector.broadcast %broadcast_in_dim3A_445 : i32 to vector<16xi32>
      %gt3A_447 = arith.cmpf ogt, %get3A_444, %select_n3A_410 : vector<16xf32>
      %gt3A_448 = arith.cmpf ogt, %get3A_444, %select_n3A_414 : vector<16xf32>
      %gt3A_449 = arith.cmpf ogt, %get3A_444, %select_n3A_418 : vector<16xf32>
      %gt3A_450 = arith.cmpf ogt, %get3A_444, %select_n3A_422 : vector<16xf32>
      %gt3A_451 = arith.cmpf ogt, %get3A_444, %select_n3A_426 : vector<16xf32>
      %gt3A_452 = arith.cmpf ogt, %get3A_444, %select_n3A_430 : vector<16xf32>
      %gt3A_453 = arith.cmpf ogt, %get3A_444, %select_n3A_434 : vector<16xf32>
      %gt3A_454 = arith.cmpf ogt, %get3A_444, %select_n3A_438 : vector<16xf32>
      %select_n3A_455 = arith.select %gt3A_447, %get3A_444, %select_n3A_410 : vector<16xi1>, vector<16xf32>
      %select_n3A_456 = arith.select %gt3A_447, %broadcast_in_dim3A_446, %select_n3A_411 : vector<16xi1>, vector<16xi32>
      %select_n3A_457 = arith.select %gt3A_447, %select_n3A_410, %get3A_444 : vector<16xi1>, vector<16xf32>
      %select_n3A_458 = arith.select %gt3A_447, %select_n3A_411, %broadcast_in_dim3A_446 : vector<16xi1>, vector<16xi32>
      %select_n3A_459 = arith.select %gt3A_448, %select_n3A_457, %select_n3A_414 : vector<16xi1>, vector<16xf32>
      %select_n3A_460 = arith.select %gt3A_448, %select_n3A_458, %select_n3A_415 : vector<16xi1>, vector<16xi32>
      %select_n3A_461 = arith.select %gt3A_448, %select_n3A_414, %get3A_444 : vector<16xi1>, vector<16xf32>
      %select_n3A_462 = arith.select %gt3A_448, %select_n3A_415, %broadcast_in_dim3A_446 : vector<16xi1>, vector<16xi32>
      %select_n3A_463 = arith.select %gt3A_449, %select_n3A_461, %select_n3A_418 : vector<16xi1>, vector<16xf32>
      %select_n3A_464 = arith.select %gt3A_449, %select_n3A_462, %select_n3A_419 : vector<16xi1>, vector<16xi32>
      %select_n3A_465 = arith.select %gt3A_449, %select_n3A_418, %get3A_444 : vector<16xi1>, vector<16xf32>
      %select_n3A_466 = arith.select %gt3A_449, %select_n3A_419, %broadcast_in_dim3A_446 : vector<16xi1>, vector<16xi32>
      %select_n3A_467 = arith.select %gt3A_450, %select_n3A_465, %select_n3A_422 : vector<16xi1>, vector<16xf32>
      %select_n3A_468 = arith.select %gt3A_450, %select_n3A_466, %select_n3A_423 : vector<16xi1>, vector<16xi32>
      %select_n3A_469 = arith.select %gt3A_450, %select_n3A_422, %get3A_444 : vector<16xi1>, vector<16xf32>
      %select_n3A_470 = arith.select %gt3A_450, %select_n3A_423, %broadcast_in_dim3A_446 : vector<16xi1>, vector<16xi32>
      %select_n3A_471 = arith.select %gt3A_451, %select_n3A_469, %select_n3A_426 : vector<16xi1>, vector<16xf32>
      %select_n3A_472 = arith.select %gt3A_451, %select_n3A_470, %select_n3A_427 : vector<16xi1>, vector<16xi32>
      %select_n3A_473 = arith.select %gt3A_451, %select_n3A_426, %get3A_444 : vector<16xi1>, vector<16xf32>
      %select_n3A_474 = arith.select %gt3A_451, %select_n3A_427, %broadcast_in_dim3A_446 : vector<16xi1>, vector<16xi32>
      %select_n3A_475 = arith.select %gt3A_452, %select_n3A_473, %select_n3A_430 : vector<16xi1>, vector<16xf32>
      %select_n3A_476 = arith.select %gt3A_452, %select_n3A_474, %select_n3A_431 : vector<16xi1>, vector<16xi32>
      %select_n3A_477 = arith.select %gt3A_452, %select_n3A_430, %get3A_444 : vector<16xi1>, vector<16xf32>
      %select_n3A_478 = arith.select %gt3A_452, %select_n3A_431, %broadcast_in_dim3A_446 : vector<16xi1>, vector<16xi32>
      %select_n3A_479 = arith.select %gt3A_453, %select_n3A_477, %select_n3A_434 : vector<16xi1>, vector<16xf32>
      %select_n3A_480 = arith.select %gt3A_453, %select_n3A_478, %select_n3A_435 : vector<16xi1>, vector<16xi32>
      %select_n3A_481 = arith.select %gt3A_453, %select_n3A_434, %get3A_444 : vector<16xi1>, vector<16xf32>
      %select_n3A_482 = arith.select %gt3A_453, %select_n3A_435, %broadcast_in_dim3A_446 : vector<16xi1>, vector<16xi32>
      %select_n3A_483 = arith.select %gt3A_454, %select_n3A_481, %select_n3A_438 : vector<16xi1>, vector<16xf32>
      %select_n3A_484 = arith.select %gt3A_454, %select_n3A_482, %select_n3A_439 : vector<16xi1>, vector<16xi32>
      %get3A_485 = arith.constant 10 : i32
      %get3A_486 = arith.index_cast %get3A_485 : i32 to index
      %get3A_487 = arith.index_cast %mul3A_36 : i32 to index
      %get3A_488 = tpu.vector_load %arg6[%get3A_486, %get3A_487] {strides = array<i32>} : memref<64x256xf32, #tpu.memory_space<vmem>>, vector<1x16xf32>,
      %get3A_489 = vector.shape_cast %get3A_488 : vector<1x16xf32> to vector<16xf32>
      %broadcast_in_dim3A_490 = arith.constant 10 : i32
      %broadcast_in_dim3A_491 = vector.broadcast %broadcast_in_dim3A_490 : i32 to vector<16xi32>
      %gt3A_492 = arith.cmpf ogt, %get3A_489, %select_n3A_455 : vector<16xf32>
      %gt3A_493 = arith.cmpf ogt, %get3A_489, %select_n3A_459 : vector<16xf32>
      %gt3A_494 = arith.cmpf ogt, %get3A_489, %select_n3A_463 : vector<16xf32>
      %gt3A_495 = arith.cmpf ogt, %get3A_489, %select_n3A_467 : vector<16xf32>
      %gt3A_496 = arith.cmpf ogt, %get3A_489, %select_n3A_471 : vector<16xf32>
      %gt3A_497 = arith.cmpf ogt, %get3A_489, %select_n3A_475 : vector<16xf32>
      %gt3A_498 = arith.cmpf ogt, %get3A_489, %select_n3A_479 : vector<16xf32>
      %gt3A_499 = arith.cmpf ogt, %get3A_489, %select_n3A_483 : vector<16xf32>
      %select_n3A_500 = arith.select %gt3A_492, %get3A_489, %select_n3A_455 : vector<16xi1>, vector<16xf32>
      %select_n3A_501 = arith.select %gt3A_492, %broadcast_in_dim3A_491, %select_n3A_456 : vector<16xi1>, vector<16xi32>
      %select_n3A_502 = arith.select %gt3A_492, %select_n3A_455, %get3A_489 : vector<16xi1>, vector<16xf32>
      %select_n3A_503 = arith.select %gt3A_492, %select_n3A_456, %broadcast_in_dim3A_491 : vector<16xi1>, vector<16xi32>
      %select_n3A_504 = arith.select %gt3A_493, %select_n3A_502, %select_n3A_459 : vector<16xi1>, vector<16xf32>
      %select_n3A_505 = arith.select %gt3A_493, %select_n3A_503, %select_n3A_460 : vector<16xi1>, vector<16xi32>
      %select_n3A_506 = arith.select %gt3A_493, %select_n3A_459, %get3A_489 : vector<16xi1>, vector<16xf32>
      %select_n3A_507 = arith.select %gt3A_493, %select_n3A_460, %broadcast_in_dim3A_491 : vector<16xi1>, vector<16xi32>
      %select_n3A_508 = arith.select %gt3A_494, %select_n3A_506, %select_n3A_463 : vector<16xi1>, vector<16xf32>
      %select_n3A_509 = arith.select %gt3A_494, %select_n3A_507, %select_n3A_464 : vector<16xi1>, vector<16xi32>
      %select_n3A_510 = arith.select %gt3A_494, %select_n3A_463, %get3A_489 : vector<16xi1>, vector<16xf32>
      %select_n3A_511 = arith.select %gt3A_494, %select_n3A_464, %broadcast_in_dim3A_491 : vector<16xi1>, vector<16xi32>
      %select_n3A_512 = arith.select %gt3A_495, %select_n3A_510, %select_n3A_467 : vector<16xi1>, vector<16xf32>
      %select_n3A_513 = arith.select %gt3A_495, %select_n3A_511, %select_n3A_468 : vector<16xi1>, vector<16xi32>
      %select_n3A_514 = arith.select %gt3A_495, %select_n3A_467, %get3A_489 : vector<16xi1>, vector<16xf32>
      %select_n3A_515 = arith.select %gt3A_495, %select_n3A_468, %broadcast_in_dim3A_491 : vector<16xi1>, vector<16xi32>
      %select_n3A_516 = arith.select %gt3A_496, %select_n3A_514, %select_n3A_471 : vector<16xi1>, vector<16xf32>
      %select_n3A_517 = arith.select %gt3A_496, %select_n3A_515, %select_n3A_472 : vector<16xi1>, vector<16xi32>
      %select_n3A_518 = arith.select %gt3A_496, %select_n3A_471, %get3A_489 : vector<16xi1>, vector<16xf32>
      %select_n3A_519 = arith.select %gt3A_496, %select_n3A_472, %broadcast_in_dim3A_491 : vector<16xi1>, vector<16xi32>
      %select_n3A_520 = arith.select %gt3A_497, %select_n3A_518, %select_n3A_475 : vector<16xi1>, vector<16xf32>
      %select_n3A_521 = arith.select %gt3A_497, %select_n3A_519, %select_n3A_476 : vector<16xi1>, vector<16xi32>
      %select_n3A_522 = arith.select %gt3A_497, %select_n3A_475, %get3A_489 : vector<16xi1>, vector<16xf32>
      %select_n3A_523 = arith.select %gt3A_497, %select_n3A_476, %broadcast_in_dim3A_491 : vector<16xi1>, vector<16xi32>
      %select_n3A_524 = arith.select %gt3A_498, %select_n3A_522, %select_n3A_479 : vector<16xi1>, vector<16xf32>
      %select_n3A_525 = arith.select %gt3A_498, %select_n3A_523, %select_n3A_480 : vector<16xi1>, vector<16xi32>
      %select_n3A_526 = arith.select %gt3A_498, %select_n3A_479, %get3A_489 : vector<16xi1>, vector<16xf32>
      %select_n3A_527 = arith.select %gt3A_498, %select_n3A_480, %broadcast_in_dim3A_491 : vector<16xi1>, vector<16xi32>
      %select_n3A_528 = arith.select %gt3A_499, %select_n3A_526, %select_n3A_483 : vector<16xi1>, vector<16xf32>
      %select_n3A_529 = arith.select %gt3A_499, %select_n3A_527, %select_n3A_484 : vector<16xi1>, vector<16xi32>
      %get3A_530 = arith.constant 11 : i32
      %get3A_531 = arith.index_cast %get3A_530 : i32 to index
      %get3A_532 = arith.index_cast %mul3A_36 : i32 to index
      %get3A_533 = tpu.vector_load %arg6[%get3A_531, %get3A_532] {strides = array<i32>} : memref<64x256xf32, #tpu.memory_space<vmem>>, vector<1x16xf32>,
      %get3A_534 = vector.shape_cast %get3A_533 : vector<1x16xf32> to vector<16xf32>
      %broadcast_in_dim3A_535 = arith.constant 11 : i32
      %broadcast_in_dim3A_536 = vector.broadcast %broadcast_in_dim3A_535 : i32 to vector<16xi32>
      %gt3A_537 = arith.cmpf ogt, %get3A_534, %select_n3A_500 : vector<16xf32>
      %gt3A_538 = arith.cmpf ogt, %get3A_534, %select_n3A_504 : vector<16xf32>
      %gt3A_539 = arith.cmpf ogt, %get3A_534, %select_n3A_508 : vector<16xf32>
      %gt3A_540 = arith.cmpf ogt, %get3A_534, %select_n3A_512 : vector<16xf32>
      %gt3A_541 = arith.cmpf ogt, %get3A_534, %select_n3A_516 : vector<16xf32>
      %gt3A_542 = arith.cmpf ogt, %get3A_534, %select_n3A_520 : vector<16xf32>
      %gt3A_543 = arith.cmpf ogt, %get3A_534, %select_n3A_524 : vector<16xf32>
      %gt3A_544 = arith.cmpf ogt, %get3A_534, %select_n3A_528 : vector<16xf32>
      %select_n3A_545 = arith.select %gt3A_537, %get3A_534, %select_n3A_500 : vector<16xi1>, vector<16xf32>
      %select_n3A_546 = arith.select %gt3A_537, %broadcast_in_dim3A_536, %select_n3A_501 : vector<16xi1>, vector<16xi32>
      %select_n3A_547 = arith.select %gt3A_537, %select_n3A_500, %get3A_534 : vector<16xi1>, vector<16xf32>
      %select_n3A_548 = arith.select %gt3A_537, %select_n3A_501, %broadcast_in_dim3A_536 : vector<16xi1>, vector<16xi32>
      %select_n3A_549 = arith.select %gt3A_538, %select_n3A_547, %select_n3A_504 : vector<16xi1>, vector<16xf32>
      %select_n3A_550 = arith.select %gt3A_538, %select_n3A_548, %select_n3A_505 : vector<16xi1>, vector<16xi32>
      %select_n3A_551 = arith.select %gt3A_538, %select_n3A_504, %get3A_534 : vector<16xi1>, vector<16xf32>
      %select_n3A_552 = arith.select %gt3A_538, %select_n3A_505, %broadcast_in_dim3A_536 : vector<16xi1>, vector<16xi32>
      %select_n3A_553 = arith.select %gt3A_539, %select_n3A_551, %select_n3A_508 : vector<16xi1>, vector<16xf32>
      %select_n3A_554 = arith.select %gt3A_539, %select_n3A_552, %select_n3A_509 : vector<16xi1>, vector<16xi32>
      %select_n3A_555 = arith.select %gt3A_539, %select_n3A_508, %get3A_534 : vector<16xi1>, vector<16xf32>
      %select_n3A_556 = arith.select %gt3A_539, %select_n3A_509, %broadcast_in_dim3A_536 : vector<16xi1>, vector<16xi32>
      %select_n3A_557 = arith.select %gt3A_540, %select_n3A_555, %select_n3A_512 : vector<16xi1>, vector<16xf32>
      %select_n3A_558 = arith.select %gt3A_540, %select_n3A_556, %select_n3A_513 : vector<16xi1>, vector<16xi32>
      %select_n3A_559 = arith.select %gt3A_540, %select_n3A_512, %get3A_534 : vector<16xi1>, vector<16xf32>
      %select_n3A_560 = arith.select %gt3A_540, %select_n3A_513, %broadcast_in_dim3A_536 : vector<16xi1>, vector<16xi32>
      %select_n3A_561 = arith.select %gt3A_541, %select_n3A_559, %select_n3A_516 : vector<16xi1>, vector<16xf32>
      %select_n3A_562 = arith.select %gt3A_541, %select_n3A_560, %select_n3A_517 : vector<16xi1>, vector<16xi32>
      %select_n3A_563 = arith.select %gt3A_541, %select_n3A_516, %get3A_534 : vector<16xi1>, vector<16xf32>
      %select_n3A_564 = arith.select %gt3A_541, %select_n3A_517, %broadcast_in_dim3A_536 : vector<16xi1>, vector<16xi32>
      %select_n3A_565 = arith.select %gt3A_542, %select_n3A_563, %select_n3A_520 : vector<16xi1>, vector<16xf32>
      %select_n3A_566 = arith.select %gt3A_542, %select_n3A_564, %select_n3A_521 : vector<16xi1>, vector<16xi32>
      %select_n3A_567 = arith.select %gt3A_542, %select_n3A_520, %get3A_534 : vector<16xi1>, vector<16xf32>
      %select_n3A_568 = arith.select %gt3A_542, %select_n3A_521, %broadcast_in_dim3A_536 : vector<16xi1>, vector<16xi32>
      %select_n3A_569 = arith.select %gt3A_543, %select_n3A_567, %select_n3A_524 : vector<16xi1>, vector<16xf32>
      %select_n3A_570 = arith.select %gt3A_543, %select_n3A_568, %select_n3A_525 : vector<16xi1>, vector<16xi32>
      %select_n3A_571 = arith.select %gt3A_543, %select_n3A_524, %get3A_534 : vector<16xi1>, vector<16xf32>
      %select_n3A_572 = arith.select %gt3A_543, %select_n3A_525, %broadcast_in_dim3A_536 : vector<16xi1>, vector<16xi32>
      %select_n3A_573 = arith.select %gt3A_544, %select_n3A_571, %select_n3A_528 : vector<16xi1>, vector<16xf32>
      %select_n3A_574 = arith.select %gt3A_544, %select_n3A_572, %select_n3A_529 : vector<16xi1>, vector<16xi32>
      %get3A_575 = arith.constant 12 : i32
      %get3A_576 = arith.index_cast %get3A_575 : i32 to index
      %get3A_577 = arith.index_cast %mul3A_36 : i32 to index
      %get3A_578 = tpu.vector_load %arg6[%get3A_576, %get3A_577] {strides = array<i32>} : memref<64x256xf32, #tpu.memory_space<vmem>>, vector<1x16xf32>,
      %get3A_579 = vector.shape_cast %get3A_578 : vector<1x16xf32> to vector<16xf32>
      %broadcast_in_dim3A_580 = arith.constant 12 : i32
      %broadcast_in_dim3A_581 = vector.broadcast %broadcast_in_dim3A_580 : i32 to vector<16xi32>
      %gt3A_582 = arith.cmpf ogt, %get3A_579, %select_n3A_545 : vector<16xf32>
      %gt3A_583 = arith.cmpf ogt, %get3A_579, %select_n3A_549 : vector<16xf32>
      %gt3A_584 = arith.cmpf ogt, %get3A_579, %select_n3A_553 : vector<16xf32>
      %gt3A_585 = arith.cmpf ogt, %get3A_579, %select_n3A_557 : vector<16xf32>
      %gt3A_586 = arith.cmpf ogt, %get3A_579, %select_n3A_561 : vector<16xf32>
      %gt3A_587 = arith.cmpf ogt, %get3A_579, %select_n3A_565 : vector<16xf32>
      %gt3A_588 = arith.cmpf ogt, %get3A_579, %select_n3A_569 : vector<16xf32>
      %gt3A_589 = arith.cmpf ogt, %get3A_579, %select_n3A_573 : vector<16xf32>
      %select_n3A_590 = arith.select %gt3A_582, %get3A_579, %select_n3A_545 : vector<16xi1>, vector<16xf32>
      %select_n3A_591 = arith.select %gt3A_582, %broadcast_in_dim3A_581, %select_n3A_546 : vector<16xi1>, vector<16xi32>
      %select_n3A_592 = arith.select %gt3A_582, %select_n3A_545, %get3A_579 : vector<16xi1>, vector<16xf32>
      %select_n3A_593 = arith.select %gt3A_582, %select_n3A_546, %broadcast_in_dim3A_581 : vector<16xi1>, vector<16xi32>
      %select_n3A_594 = arith.select %gt3A_583, %select_n3A_592, %select_n3A_549 : vector<16xi1>, vector<16xf32>
      %select_n3A_595 = arith.select %gt3A_583, %select_n3A_593, %select_n3A_550 : vector<16xi1>, vector<16xi32>
      %select_n3A_596 = arith.select %gt3A_583, %select_n3A_549, %get3A_579 : vector<16xi1>, vector<16xf32>
      %select_n3A_597 = arith.select %gt3A_583, %select_n3A_550, %broadcast_in_dim3A_581 : vector<16xi1>, vector<16xi32>
      %select_n3A_598 = arith.select %gt3A_584, %select_n3A_596, %select_n3A_553 : vector<16xi1>, vector<16xf32>
      %select_n3A_599 = arith.select %gt3A_584, %select_n3A_597, %select_n3A_554 : vector<16xi1>, vector<16xi32>
      %select_n3A_600 = arith.select %gt3A_584, %select_n3A_553, %get3A_579 : vector<16xi1>, vector<16xf32>
      %select_n3A_601 = arith.select %gt3A_584, %select_n3A_554, %broadcast_in_dim3A_581 : vector<16xi1>, vector<16xi32>
      %select_n3A_602 = arith.select %gt3A_585, %select_n3A_600, %select_n3A_557 : vector<16xi1>, vector<16xf32>
      %select_n3A_603 = arith.select %gt3A_585, %select_n3A_601, %select_n3A_558 : vector<16xi1>, vector<16xi32>
      %select_n3A_604 = arith.select %gt3A_585, %select_n3A_557, %get3A_579 : vector<16xi1>, vector<16xf32>
      %select_n3A_605 = arith.select %gt3A_585, %select_n3A_558, %broadcast_in_dim3A_581 : vector<16xi1>, vector<16xi32>
      %select_n3A_606 = arith.select %gt3A_586, %select_n3A_604, %select_n3A_561 : vector<16xi1>, vector<16xf32>
      %select_n3A_607 = arith.select %gt3A_586, %select_n3A_605, %select_n3A_562 : vector<16xi1>, vector<16xi32>
      %select_n3A_608 = arith.select %gt3A_586, %select_n3A_561, %get3A_579 : vector<16xi1>, vector<16xf32>
      %select_n3A_609 = arith.select %gt3A_586, %select_n3A_562, %broadcast_in_dim3A_581 : vector<16xi1>, vector<16xi32>
      %select_n3A_610 = arith.select %gt3A_587, %select_n3A_608, %select_n3A_565 : vector<16xi1>, vector<16xf32>
      %select_n3A_611 = arith.select %gt3A_587, %select_n3A_609, %select_n3A_566 : vector<16xi1>, vector<16xi32>
      %select_n3A_612 = arith.select %gt3A_587, %select_n3A_565, %get3A_579 : vector<16xi1>, vector<16xf32>
      %select_n3A_613 = arith.select %gt3A_587, %select_n3A_566, %broadcast_in_dim3A_581 : vector<16xi1>, vector<16xi32>
      %select_n3A_614 = arith.select %gt3A_588, %select_n3A_612, %select_n3A_569 : vector<16xi1>, vector<16xf32>
      %select_n3A_615 = arith.select %gt3A_588, %select_n3A_613, %select_n3A_570 : vector<16xi1>, vector<16xi32>
      %select_n3A_616 = arith.select %gt3A_588, %select_n3A_569, %get3A_579 : vector<16xi1>, vector<16xf32>
      %select_n3A_617 = arith.select %gt3A_588, %select_n3A_570, %broadcast_in_dim3A_581 : vector<16xi1>, vector<16xi32>
      %select_n3A_618 = arith.select %gt3A_589, %select_n3A_616, %select_n3A_573 : vector<16xi1>, vector<16xf32>
      %select_n3A_619 = arith.select %gt3A_589, %select_n3A_617, %select_n3A_574 : vector<16xi1>, vector<16xi32>
      %get3A_620 = arith.constant 13 : i32
      %get3A_621 = arith.index_cast %get3A_620 : i32 to index
      %get3A_622 = arith.index_cast %mul3A_36 : i32 to index
      %get3A_623 = tpu.vector_load %arg6[%get3A_621, %get3A_622] {strides = array<i32>} : memref<64x256xf32, #tpu.memory_space<vmem>>, vector<1x16xf32>,
      %get3A_624 = vector.shape_cast %get3A_623 : vector<1x16xf32> to vector<16xf32>
      %broadcast_in_dim3A_625 = arith.constant 13 : i32
      %broadcast_in_dim3A_626 = vector.broadcast %broadcast_in_dim3A_625 : i32 to vector<16xi32>
      %gt3A_627 = arith.cmpf ogt, %get3A_624, %select_n3A_590 : vector<16xf32>
      %gt3A_628 = arith.cmpf ogt, %get3A_624, %select_n3A_594 : vector<16xf32>
      %gt3A_629 = arith.cmpf ogt, %get3A_624, %select_n3A_598 : vector<16xf32>
      %gt3A_630 = arith.cmpf ogt, %get3A_624, %select_n3A_602 : vector<16xf32>
      %gt3A_631 = arith.cmpf ogt, %get3A_624, %select_n3A_606 : vector<16xf32>
      %gt3A_632 = arith.cmpf ogt, %get3A_624, %select_n3A_610 : vector<16xf32>
      %gt3A_633 = arith.cmpf ogt, %get3A_624, %select_n3A_614 : vector<16xf32>
      %gt3A_634 = arith.cmpf ogt, %get3A_624, %select_n3A_618 : vector<16xf32>
      %select_n3A_635 = arith.select %gt3A_627, %get3A_624, %select_n3A_590 : vector<16xi1>, vector<16xf32>
      %select_n3A_636 = arith.select %gt3A_627, %broadcast_in_dim3A_626, %select_n3A_591 : vector<16xi1>, vector<16xi32>
      %select_n3A_637 = arith.select %gt3A_627, %select_n3A_590, %get3A_624 : vector<16xi1>, vector<16xf32>
      %select_n3A_638 = arith.select %gt3A_627, %select_n3A_591, %broadcast_in_dim3A_626 : vector<16xi1>, vector<16xi32>
      %select_n3A_639 = arith.select %gt3A_628, %select_n3A_637, %select_n3A_594 : vector<16xi1>, vector<16xf32>
      %select_n3A_640 = arith.select %gt3A_628, %select_n3A_638, %select_n3A_595 : vector<16xi1>, vector<16xi32>
      %select_n3A_641 = arith.select %gt3A_628, %select_n3A_594, %get3A_624 : vector<16xi1>, vector<16xf32>
      %select_n3A_642 = arith.select %gt3A_628, %select_n3A_595, %broadcast_in_dim3A_626 : vector<16xi1>, vector<16xi32>
      %select_n3A_643 = arith.select %gt3A_629, %select_n3A_641, %select_n3A_598 : vector<16xi1>, vector<16xf32>
      %select_n3A_644 = arith.select %gt3A_629, %select_n3A_642, %select_n3A_599 : vector<16xi1>, vector<16xi32>
      %select_n3A_645 = arith.select %gt3A_629, %select_n3A_598, %get3A_624 : vector<16xi1>, vector<16xf32>
      %select_n3A_646 = arith.select %gt3A_629, %select_n3A_599, %broadcast_in_dim3A_626 : vector<16xi1>, vector<16xi32>
      %select_n3A_647 = arith.select %gt3A_630, %select_n3A_645, %select_n3A_602 : vector<16xi1>, vector<16xf32>
      %select_n3A_648 = arith.select %gt3A_630, %select_n3A_646, %select_n3A_603 : vector<16xi1>, vector<16xi32>
      %select_n3A_649 = arith.select %gt3A_630, %select_n3A_602, %get3A_624 : vector<16xi1>, vector<16xf32>
      %select_n3A_650 = arith.select %gt3A_630, %select_n3A_603, %broadcast_in_dim3A_626 : vector<16xi1>, vector<16xi32>
      %select_n3A_651 = arith.select %gt3A_631, %select_n3A_649, %select_n3A_606 : vector<16xi1>, vector<16xf32>
      %select_n3A_652 = arith.select %gt3A_631, %select_n3A_650, %select_n3A_607 : vector<16xi1>, vector<16xi32>
      %select_n3A_653 = arith.select %gt3A_631, %select_n3A_606, %get3A_624 : vector<16xi1>, vector<16xf32>
      %select_n3A_654 = arith.select %gt3A_631, %select_n3A_607, %broadcast_in_dim3A_626 : vector<16xi1>, vector<16xi32>
      %select_n3A_655 = arith.select %gt3A_632, %select_n3A_653, %select_n3A_610 : vector<16xi1>, vector<16xf32>
      %select_n3A_656 = arith.select %gt3A_632, %select_n3A_654, %select_n3A_611 : vector<16xi1>, vector<16xi32>
      %select_n3A_657 = arith.select %gt3A_632, %select_n3A_610, %get3A_624 : vector<16xi1>, vector<16xf32>
      %select_n3A_658 = arith.select %gt3A_632, %select_n3A_611, %broadcast_in_dim3A_626 : vector<16xi1>, vector<16xi32>
      %select_n3A_659 = arith.select %gt3A_633, %select_n3A_657, %select_n3A_614 : vector<16xi1>, vector<16xf32>
      %select_n3A_660 = arith.select %gt3A_633, %select_n3A_658, %select_n3A_615 : vector<16xi1>, vector<16xi32>
      %select_n3A_661 = arith.select %gt3A_633, %select_n3A_614, %get3A_624 : vector<16xi1>, vector<16xf32>
      %select_n3A_662 = arith.select %gt3A_633, %select_n3A_615, %broadcast_in_dim3A_626 : vector<16xi1>, vector<16xi32>
      %select_n3A_663 = arith.select %gt3A_634, %select_n3A_661, %select_n3A_618 : vector<16xi1>, vector<16xf32>
      %select_n3A_664 = arith.select %gt3A_634, %select_n3A_662, %select_n3A_619 : vector<16xi1>, vector<16xi32>
      %get3A_665 = arith.constant 14 : i32
      %get3A_666 = arith.index_cast %get3A_665 : i32 to index
      %get3A_667 = arith.index_cast %mul3A_36 : i32 to index
      %get3A_668 = tpu.vector_load %arg6[%get3A_666, %get3A_667] {strides = array<i32>} : memref<64x256xf32, #tpu.memory_space<vmem>>, vector<1x16xf32>,
      %get3A_669 = vector.shape_cast %get3A_668 : vector<1x16xf32> to vector<16xf32>
      %broadcast_in_dim3A_670 = arith.constant 14 : i32
      %broadcast_in_dim3A_671 = vector.broadcast %broadcast_in_dim3A_670 : i32 to vector<16xi32>
      %gt3A_672 = arith.cmpf ogt, %get3A_669, %select_n3A_635 : vector<16xf32>
      %gt3A_673 = arith.cmpf ogt, %get3A_669, %select_n3A_639 : vector<16xf32>
      %gt3A_674 = arith.cmpf ogt, %get3A_669, %select_n3A_643 : vector<16xf32>
      %gt3A_675 = arith.cmpf ogt, %get3A_669, %select_n3A_647 : vector<16xf32>
      %gt3A_676 = arith.cmpf ogt, %get3A_669, %select_n3A_651 : vector<16xf32>
      %gt3A_677 = arith.cmpf ogt, %get3A_669, %select_n3A_655 : vector<16xf32>
      %gt3A_678 = arith.cmpf ogt, %get3A_669, %select_n3A_659 : vector<16xf32>
      %gt3A_679 = arith.cmpf ogt, %get3A_669, %select_n3A_663 : vector<16xf32>
      %select_n3A_680 = arith.select %gt3A_672, %get3A_669, %select_n3A_635 : vector<16xi1>, vector<16xf32>
      %select_n3A_681 = arith.select %gt3A_672, %broadcast_in_dim3A_671, %select_n3A_636 : vector<16xi1>, vector<16xi32>
      %select_n3A_682 = arith.select %gt3A_672, %select_n3A_635, %get3A_669 : vector<16xi1>, vector<16xf32>
      %select_n3A_683 = arith.select %gt3A_672, %select_n3A_636, %broadcast_in_dim3A_671 : vector<16xi1>, vector<16xi32>
      %select_n3A_684 = arith.select %gt3A_673, %select_n3A_682, %select_n3A_639 : vector<16xi1>, vector<16xf32>
      %select_n3A_685 = arith.select %gt3A_673, %select_n3A_683, %select_n3A_640 : vector<16xi1>, vector<16xi32>
      %select_n3A_686 = arith.select %gt3A_673, %select_n3A_639, %get3A_669 : vector<16xi1>, vector<16xf32>
      %select_n3A_687 = arith.select %gt3A_673, %select_n3A_640, %broadcast_in_dim3A_671 : vector<16xi1>, vector<16xi32>
      %select_n3A_688 = arith.select %gt3A_674, %select_n3A_686, %select_n3A_643 : vector<16xi1>, vector<16xf32>
      %select_n3A_689 = arith.select %gt3A_674, %select_n3A_687, %select_n3A_644 : vector<16xi1>, vector<16xi32>
      %select_n3A_690 = arith.select %gt3A_674, %select_n3A_643, %get3A_669 : vector<16xi1>, vector<16xf32>
      %select_n3A_691 = arith.select %gt3A_674, %select_n3A_644, %broadcast_in_dim3A_671 : vector<16xi1>, vector<16xi32>
      %select_n3A_692 = arith.select %gt3A_675, %select_n3A_690, %select_n3A_647 : vector<16xi1>, vector<16xf32>
      %select_n3A_693 = arith.select %gt3A_675, %select_n3A_691, %select_n3A_648 : vector<16xi1>, vector<16xi32>
      %select_n3A_694 = arith.select %gt3A_675, %select_n3A_647, %get3A_669 : vector<16xi1>, vector<16xf32>
      %select_n3A_695 = arith.select %gt3A_675, %select_n3A_648, %broadcast_in_dim3A_671 : vector<16xi1>, vector<16xi32>
      %select_n3A_696 = arith.select %gt3A_676, %select_n3A_694, %select_n3A_651 : vector<16xi1>, vector<16xf32>
      %select_n3A_697 = arith.select %gt3A_676, %select_n3A_695, %select_n3A_652 : vector<16xi1>, vector<16xi32>
      %select_n3A_698 = arith.select %gt3A_676, %select_n3A_651, %get3A_669 : vector<16xi1>, vector<16xf32>
      %select_n3A_699 = arith.select %gt3A_676, %select_n3A_652, %broadcast_in_dim3A_671 : vector<16xi1>, vector<16xi32>
      %select_n3A_700 = arith.select %gt3A_677, %select_n3A_698, %select_n3A_655 : vector<16xi1>, vector<16xf32>
      %select_n3A_701 = arith.select %gt3A_677, %select_n3A_699, %select_n3A_656 : vector<16xi1>, vector<16xi32>
      %select_n3A_702 = arith.select %gt3A_677, %select_n3A_655, %get3A_669 : vector<16xi1>, vector<16xf32>
      %select_n3A_703 = arith.select %gt3A_677, %select_n3A_656, %broadcast_in_dim3A_671 : vector<16xi1>, vector<16xi32>
      %select_n3A_704 = arith.select %gt3A_678, %select_n3A_702, %select_n3A_659 : vector<16xi1>, vector<16xf32>
      %select_n3A_705 = arith.select %gt3A_678, %select_n3A_703, %select_n3A_660 : vector<16xi1>, vector<16xi32>
      %select_n3A_706 = arith.select %gt3A_678, %select_n3A_659, %get3A_669 : vector<16xi1>, vector<16xf32>
      %select_n3A_707 = arith.select %gt3A_678, %select_n3A_660, %broadcast_in_dim3A_671 : vector<16xi1>, vector<16xi32>
      %select_n3A_708 = arith.select %gt3A_679, %select_n3A_706, %select_n3A_663 : vector<16xi1>, vector<16xf32>
      %select_n3A_709 = arith.select %gt3A_679, %select_n3A_707, %select_n3A_664 : vector<16xi1>, vector<16xi32>
      %get3A_710 = arith.constant 15 : i32
      %get3A_711 = arith.index_cast %get3A_710 : i32 to index
      %get3A_712 = arith.index_cast %mul3A_36 : i32 to index
      %get3A_713 = tpu.vector_load %arg6[%get3A_711, %get3A_712] {strides = array<i32>} : memref<64x256xf32, #tpu.memory_space<vmem>>, vector<1x16xf32>,
      %get3A_714 = vector.shape_cast %get3A_713 : vector<1x16xf32> to vector<16xf32>
      %broadcast_in_dim3A_715 = arith.constant 15 : i32
      %broadcast_in_dim3A_716 = vector.broadcast %broadcast_in_dim3A_715 : i32 to vector<16xi32>
      %gt3A_717 = arith.cmpf ogt, %get3A_714, %select_n3A_680 : vector<16xf32>
      %gt3A_718 = arith.cmpf ogt, %get3A_714, %select_n3A_684 : vector<16xf32>
      %gt3A_719 = arith.cmpf ogt, %get3A_714, %select_n3A_688 : vector<16xf32>
      %gt3A_720 = arith.cmpf ogt, %get3A_714, %select_n3A_692 : vector<16xf32>
      %gt3A_721 = arith.cmpf ogt, %get3A_714, %select_n3A_696 : vector<16xf32>
      %gt3A_722 = arith.cmpf ogt, %get3A_714, %select_n3A_700 : vector<16xf32>
      %gt3A_723 = arith.cmpf ogt, %get3A_714, %select_n3A_704 : vector<16xf32>
      %gt3A_724 = arith.cmpf ogt, %get3A_714, %select_n3A_708 : vector<16xf32>
      %select_n3A_725 = arith.select %gt3A_717, %get3A_714, %select_n3A_680 : vector<16xi1>, vector<16xf32>
      %select_n3A_726 = arith.select %gt3A_717, %broadcast_in_dim3A_716, %select_n3A_681 : vector<16xi1>, vector<16xi32>
      %select_n3A_727 = arith.select %gt3A_717, %select_n3A_680, %get3A_714 : vector<16xi1>, vector<16xf32>
      %select_n3A_728 = arith.select %gt3A_717, %select_n3A_681, %broadcast_in_dim3A_716 : vector<16xi1>, vector<16xi32>
      %select_n3A_729 = arith.select %gt3A_718, %select_n3A_727, %select_n3A_684 : vector<16xi1>, vector<16xf32>
      %select_n3A_730 = arith.select %gt3A_718, %select_n3A_728, %select_n3A_685 : vector<16xi1>, vector<16xi32>
      %select_n3A_731 = arith.select %gt3A_718, %select_n3A_684, %get3A_714 : vector<16xi1>, vector<16xf32>
      %select_n3A_732 = arith.select %gt3A_718, %select_n3A_685, %broadcast_in_dim3A_716 : vector<16xi1>, vector<16xi32>
      %select_n3A_733 = arith.select %gt3A_719, %select_n3A_731, %select_n3A_688 : vector<16xi1>, vector<16xf32>
      %select_n3A_734 = arith.select %gt3A_719, %select_n3A_732, %select_n3A_689 : vector<16xi1>, vector<16xi32>
      %select_n3A_735 = arith.select %gt3A_719, %select_n3A_688, %get3A_714 : vector<16xi1>, vector<16xf32>
      %select_n3A_736 = arith.select %gt3A_719, %select_n3A_689, %broadcast_in_dim3A_716 : vector<16xi1>, vector<16xi32>
      %select_n3A_737 = arith.select %gt3A_720, %select_n3A_735, %select_n3A_692 : vector<16xi1>, vector<16xf32>
      %select_n3A_738 = arith.select %gt3A_720, %select_n3A_736, %select_n3A_693 : vector<16xi1>, vector<16xi32>
      %select_n3A_739 = arith.select %gt3A_720, %select_n3A_692, %get3A_714 : vector<16xi1>, vector<16xf32>
      %select_n3A_740 = arith.select %gt3A_720, %select_n3A_693, %broadcast_in_dim3A_716 : vector<16xi1>, vector<16xi32>
      %select_n3A_741 = arith.select %gt3A_721, %select_n3A_739, %select_n3A_696 : vector<16xi1>, vector<16xf32>
      %select_n3A_742 = arith.select %gt3A_721, %select_n3A_740, %select_n3A_697 : vector<16xi1>, vector<16xi32>
      %select_n3A_743 = arith.select %gt3A_721, %select_n3A_696, %get3A_714 : vector<16xi1>, vector<16xf32>
      %select_n3A_744 = arith.select %gt3A_721, %select_n3A_697, %broadcast_in_dim3A_716 : vector<16xi1>, vector<16xi32>
      %select_n3A_745 = arith.select %gt3A_722, %select_n3A_743, %select_n3A_700 : vector<16xi1>, vector<16xf32>
      %select_n3A_746 = arith.select %gt3A_722, %select_n3A_744, %select_n3A_701 : vector<16xi1>, vector<16xi32>
      %select_n3A_747 = arith.select %gt3A_722, %select_n3A_700, %get3A_714 : vector<16xi1>, vector<16xf32>
      %select_n3A_748 = arith.select %gt3A_722, %select_n3A_701, %broadcast_in_dim3A_716 : vector<16xi1>, vector<16xi32>
      %select_n3A_749 = arith.select %gt3A_723, %select_n3A_747, %select_n3A_704 : vector<16xi1>, vector<16xf32>
      %select_n3A_750 = arith.select %gt3A_723, %select_n3A_748, %select_n3A_705 : vector<16xi1>, vector<16xi32>
      %select_n3A_751 = arith.select %gt3A_723, %select_n3A_704, %get3A_714 : vector<16xi1>, vector<16xf32>
      %select_n3A_752 = arith.select %gt3A_723, %select_n3A_705, %broadcast_in_dim3A_716 : vector<16xi1>, vector<16xi32>
      %select_n3A_753 = arith.select %gt3A_724, %select_n3A_751, %select_n3A_708 : vector<16xi1>, vector<16xf32>
      %select_n3A_754 = arith.select %gt3A_724, %select_n3A_752, %select_n3A_709 : vector<16xi1>, vector<16xi32>
      %get3A_755 = arith.constant 16 : i32
      %get3A_756 = arith.index_cast %get3A_755 : i32 to index
      %get3A_757 = arith.index_cast %mul3A_36 : i32 to index
      %get3A_758 = tpu.vector_load %arg6[%get3A_756, %get3A_757] {strides = array<i32>} : memref<64x256xf32, #tpu.memory_space<vmem>>, vector<1x16xf32>,
      %get3A_759 = vector.shape_cast %get3A_758 : vector<1x16xf32> to vector<16xf32>
      %broadcast_in_dim3A_760 = arith.constant 16 : i32
      %broadcast_in_dim3A_761 = vector.broadcast %broadcast_in_dim3A_760 : i32 to vector<16xi32>
      %gt3A_762 = arith.cmpf ogt, %get3A_759, %select_n3A_725 : vector<16xf32>
      %gt3A_763 = arith.cmpf ogt, %get3A_759, %select_n3A_729 : vector<16xf32>
      %gt3A_764 = arith.cmpf ogt, %get3A_759, %select_n3A_733 : vector<16xf32>
      %gt3A_765 = arith.cmpf ogt, %get3A_759, %select_n3A_737 : vector<16xf32>
      %gt3A_766 = arith.cmpf ogt, %get3A_759, %select_n3A_741 : vector<16xf32>
      %gt3A_767 = arith.cmpf ogt, %get3A_759, %select_n3A_745 : vector<16xf32>
      %gt3A_768 = arith.cmpf ogt, %get3A_759, %select_n3A_749 : vector<16xf32>
      %gt3A_769 = arith.cmpf ogt, %get3A_759, %select_n3A_753 : vector<16xf32>
      %select_n3A_770 = arith.select %gt3A_762, %get3A_759, %select_n3A_725 : vector<16xi1>, vector<16xf32>
      %select_n3A_771 = arith.select %gt3A_762, %broadcast_in_dim3A_761, %select_n3A_726 : vector<16xi1>, vector<16xi32>
      %select_n3A_772 = arith.select %gt3A_762, %select_n3A_725, %get3A_759 : vector<16xi1>, vector<16xf32>
      %select_n3A_773 = arith.select %gt3A_762, %select_n3A_726, %broadcast_in_dim3A_761 : vector<16xi1>, vector<16xi32>
      %select_n3A_774 = arith.select %gt3A_763, %select_n3A_772, %select_n3A_729 : vector<16xi1>, vector<16xf32>
      %select_n3A_775 = arith.select %gt3A_763, %select_n3A_773, %select_n3A_730 : vector<16xi1>, vector<16xi32>
      %select_n3A_776 = arith.select %gt3A_763, %select_n3A_729, %get3A_759 : vector<16xi1>, vector<16xf32>
      %select_n3A_777 = arith.select %gt3A_763, %select_n3A_730, %broadcast_in_dim3A_761 : vector<16xi1>, vector<16xi32>
      %select_n3A_778 = arith.select %gt3A_764, %select_n3A_776, %select_n3A_733 : vector<16xi1>, vector<16xf32>
      %select_n3A_779 = arith.select %gt3A_764, %select_n3A_777, %select_n3A_734 : vector<16xi1>, vector<16xi32>
      %select_n3A_780 = arith.select %gt3A_764, %select_n3A_733, %get3A_759 : vector<16xi1>, vector<16xf32>
      %select_n3A_781 = arith.select %gt3A_764, %select_n3A_734, %broadcast_in_dim3A_761 : vector<16xi1>, vector<16xi32>
      %select_n3A_782 = arith.select %gt3A_765, %select_n3A_780, %select_n3A_737 : vector<16xi1>, vector<16xf32>
      %select_n3A_783 = arith.select %gt3A_765, %select_n3A_781, %select_n3A_738 : vector<16xi1>, vector<16xi32>
      %select_n3A_784 = arith.select %gt3A_765, %select_n3A_737, %get3A_759 : vector<16xi1>, vector<16xf32>
      %select_n3A_785 = arith.select %gt3A_765, %select_n3A_738, %broadcast_in_dim3A_761 : vector<16xi1>, vector<16xi32>
      %select_n3A_786 = arith.select %gt3A_766, %select_n3A_784, %select_n3A_741 : vector<16xi1>, vector<16xf32>
      %select_n3A_787 = arith.select %gt3A_766, %select_n3A_785, %select_n3A_742 : vector<16xi1>, vector<16xi32>
      %select_n3A_788 = arith.select %gt3A_766, %select_n3A_741, %get3A_759 : vector<16xi1>, vector<16xf32>
      %select_n3A_789 = arith.select %gt3A_766, %select_n3A_742, %broadcast_in_dim3A_761 : vector<16xi1>, vector<16xi32>
      %select_n3A_790 = arith.select %gt3A_767, %select_n3A_788, %select_n3A_745 : vector<16xi1>, vector<16xf32>
      %select_n3A_791 = arith.select %gt3A_767, %select_n3A_789, %select_n3A_746 : vector<16xi1>, vector<16xi32>
      %select_n3A_792 = arith.select %gt3A_767, %select_n3A_745, %get3A_759 : vector<16xi1>, vector<16xf32>
      %select_n3A_793 = arith.select %gt3A_767, %select_n3A_746, %broadcast_in_dim3A_761 : vector<16xi1>, vector<16xi32>
      %select_n3A_794 = arith.select %gt3A_768, %select_n3A_792, %select_n3A_749 : vector<16xi1>, vector<16xf32>
      %select_n3A_795 = arith.select %gt3A_768, %select_n3A_793, %select_n3A_750 : vector<16xi1>, vector<16xi32>
      %select_n3A_796 = arith.select %gt3A_768, %select_n3A_749, %get3A_759 : vector<16xi1>, vector<16xf32>
      %select_n3A_797 = arith.select %gt3A_768, %select_n3A_750, %broadcast_in_dim3A_761 : vector<16xi1>, vector<16xi32>
      %select_n3A_798 = arith.select %gt3A_769, %select_n3A_796, %select_n3A_753 : vector<16xi1>, vector<16xf32>
      %select_n3A_799 = arith.select %gt3A_769, %select_n3A_797, %select_n3A_754 : vector<16xi1>, vector<16xi32>
      %get3A_800 = arith.constant 17 : i32
      %get3A_801 = arith.index_cast %get3A_800 : i32 to index
      %get3A_802 = arith.index_cast %mul3A_36 : i32 to index
      %get3A_803 = tpu.vector_load %arg6[%get3A_801, %get3A_802] {strides = array<i32>} : memref<64x256xf32, #tpu.memory_space<vmem>>, vector<1x16xf32>,
      %get3A_804 = vector.shape_cast %get3A_803 : vector<1x16xf32> to vector<16xf32>
      %broadcast_in_dim3A_805 = arith.constant 17 : i32
      %broadcast_in_dim3A_806 = vector.broadcast %broadcast_in_dim3A_805 : i32 to vector<16xi32>
      %gt3A_807 = arith.cmpf ogt, %get3A_804, %select_n3A_770 : vector<16xf32>
      %gt3A_808 = arith.cmpf ogt, %get3A_804, %select_n3A_774 : vector<16xf32>
      %gt3A_809 = arith.cmpf ogt, %get3A_804, %select_n3A_778 : vector<16xf32>
      %gt3A_810 = arith.cmpf ogt, %get3A_804, %select_n3A_782 : vector<16xf32>
      %gt3A_811 = arith.cmpf ogt, %get3A_804, %select_n3A_786 : vector<16xf32>
      %gt3A_812 = arith.cmpf ogt, %get3A_804, %select_n3A_790 : vector<16xf32>
      %gt3A_813 = arith.cmpf ogt, %get3A_804, %select_n3A_794 : vector<16xf32>
      %gt3A_814 = arith.cmpf ogt, %get3A_804, %select_n3A_798 : vector<16xf32>
      %select_n3A_815 = arith.select %gt3A_807, %get3A_804, %select_n3A_770 : vector<16xi1>, vector<16xf32>
      %select_n3A_816 = arith.select %gt3A_807, %broadcast_in_dim3A_806, %select_n3A_771 : vector<16xi1>, vector<16xi32>
      %select_n3A_817 = arith.select %gt3A_807, %select_n3A_770, %get3A_804 : vector<16xi1>, vector<16xf32>
      %select_n3A_818 = arith.select %gt3A_807, %select_n3A_771, %broadcast_in_dim3A_806 : vector<16xi1>, vector<16xi32>
      %select_n3A_819 = arith.select %gt3A_808, %select_n3A_817, %select_n3A_774 : vector<16xi1>, vector<16xf32>
      %select_n3A_820 = arith.select %gt3A_808, %select_n3A_818, %select_n3A_775 : vector<16xi1>, vector<16xi32>
      %select_n3A_821 = arith.select %gt3A_808, %select_n3A_774, %get3A_804 : vector<16xi1>, vector<16xf32>
      %select_n3A_822 = arith.select %gt3A_808, %select_n3A_775, %broadcast_in_dim3A_806 : vector<16xi1>, vector<16xi32>
      %select_n3A_823 = arith.select %gt3A_809, %select_n3A_821, %select_n3A_778 : vector<16xi1>, vector<16xf32>
      %select_n3A_824 = arith.select %gt3A_809, %select_n3A_822, %select_n3A_779 : vector<16xi1>, vector<16xi32>
      %select_n3A_825 = arith.select %gt3A_809, %select_n3A_778, %get3A_804 : vector<16xi1>, vector<16xf32>
      %select_n3A_826 = arith.select %gt3A_809, %select_n3A_779, %broadcast_in_dim3A_806 : vector<16xi1>, vector<16xi32>
      %select_n3A_827 = arith.select %gt3A_810, %select_n3A_825, %select_n3A_782 : vector<16xi1>, vector<16xf32>
      %select_n3A_828 = arith.select %gt3A_810, %select_n3A_826, %select_n3A_783 : vector<16xi1>, vector<16xi32>
      %select_n3A_829 = arith.select %gt3A_810, %select_n3A_782, %get3A_804 : vector<16xi1>, vector<16xf32>
      %select_n3A_830 = arith.select %gt3A_810, %select_n3A_783, %broadcast_in_dim3A_806 : vector<16xi1>, vector<16xi32>
      %select_n3A_831 = arith.select %gt3A_811, %select_n3A_829, %select_n3A_786 : vector<16xi1>, vector<16xf32>
      %select_n3A_832 = arith.select %gt3A_811, %select_n3A_830, %select_n3A_787 : vector<16xi1>, vector<16xi32>
      %select_n3A_833 = arith.select %gt3A_811, %select_n3A_786, %get3A_804 : vector<16xi1>, vector<16xf32>
      %select_n3A_834 = arith.select %gt3A_811, %select_n3A_787, %broadcast_in_dim3A_806 : vector<16xi1>, vector<16xi32>
      %select_n3A_835 = arith.select %gt3A_812, %select_n3A_833, %select_n3A_790 : vector<16xi1>, vector<16xf32>
      %select_n3A_836 = arith.select %gt3A_812, %select_n3A_834, %select_n3A_791 : vector<16xi1>, vector<16xi32>
      %select_n3A_837 = arith.select %gt3A_812, %select_n3A_790, %get3A_804 : vector<16xi1>, vector<16xf32>
      %select_n3A_838 = arith.select %gt3A_812, %select_n3A_791, %broadcast_in_dim3A_806 : vector<16xi1>, vector<16xi32>
      %select_n3A_839 = arith.select %gt3A_813, %select_n3A_837, %select_n3A_794 : vector<16xi1>, vector<16xf32>
      %select_n3A_840 = arith.select %gt3A_813, %select_n3A_838, %select_n3A_795 : vector<16xi1>, vector<16xi32>
      %select_n3A_841 = arith.select %gt3A_813, %select_n3A_794, %get3A_804 : vector<16xi1>, vector<16xf32>
      %select_n3A_842 = arith.select %gt3A_813, %select_n3A_795, %broadcast_in_dim3A_806 : vector<16xi1>, vector<16xi32>
      %select_n3A_843 = arith.select %gt3A_814, %select_n3A_841, %select_n3A_798 : vector<16xi1>, vector<16xf32>
      %select_n3A_844 = arith.select %gt3A_814, %select_n3A_842, %select_n3A_799 : vector<16xi1>, vector<16xi32>
      %get3A_845 = arith.constant 18 : i32
      %get3A_846 = arith.index_cast %get3A_845 : i32 to index
      %get3A_847 = arith.index_cast %mul3A_36 : i32 to index
      %get3A_848 = tpu.vector_load %arg6[%get3A_846, %get3A_847] {strides = array<i32>} : memref<64x256xf32, #tpu.memory_space<vmem>>, vector<1x16xf32>,
      %get3A_849 = vector.shape_cast %get3A_848 : vector<1x16xf32> to vector<16xf32>
      %broadcast_in_dim3A_850 = arith.constant 18 : i32
      %broadcast_in_dim3A_851 = vector.broadcast %broadcast_in_dim3A_850 : i32 to vector<16xi32>
      %gt3A_852 = arith.cmpf ogt, %get3A_849, %select_n3A_815 : vector<16xf32>
      %gt3A_853 = arith.cmpf ogt, %get3A_849, %select_n3A_819 : vector<16xf32>
      %gt3A_854 = arith.cmpf ogt, %get3A_849, %select_n3A_823 : vector<16xf32>
      %gt3A_855 = arith.cmpf ogt, %get3A_849, %select_n3A_827 : vector<16xf32>
      %gt3A_856 = arith.cmpf ogt, %get3A_849, %select_n3A_831 : vector<16xf32>
      %gt3A_857 = arith.cmpf ogt, %get3A_849, %select_n3A_835 : vector<16xf32>
      %gt3A_858 = arith.cmpf ogt, %get3A_849, %select_n3A_839 : vector<16xf32>
      %gt3A_859 = arith.cmpf ogt, %get3A_849, %select_n3A_843 : vector<16xf32>
      %select_n3A_860 = arith.select %gt3A_852, %get3A_849, %select_n3A_815 : vector<16xi1>, vector<16xf32>
      %select_n3A_861 = arith.select %gt3A_852, %broadcast_in_dim3A_851, %select_n3A_816 : vector<16xi1>, vector<16xi32>
      %select_n3A_862 = arith.select %gt3A_852, %select_n3A_815, %get3A_849 : vector<16xi1>, vector<16xf32>
      %select_n3A_863 = arith.select %gt3A_852, %select_n3A_816, %broadcast_in_dim3A_851 : vector<16xi1>, vector<16xi32>
      %select_n3A_864 = arith.select %gt3A_853, %select_n3A_862, %select_n3A_819 : vector<16xi1>, vector<16xf32>
      %select_n3A_865 = arith.select %gt3A_853, %select_n3A_863, %select_n3A_820 : vector<16xi1>, vector<16xi32>
      %select_n3A_866 = arith.select %gt3A_853, %select_n3A_819, %get3A_849 : vector<16xi1>, vector<16xf32>
      %select_n3A_867 = arith.select %gt3A_853, %select_n3A_820, %broadcast_in_dim3A_851 : vector<16xi1>, vector<16xi32>
      %select_n3A_868 = arith.select %gt3A_854, %select_n3A_866, %select_n3A_823 : vector<16xi1>, vector<16xf32>
      %select_n3A_869 = arith.select %gt3A_854, %select_n3A_867, %select_n3A_824 : vector<16xi1>, vector<16xi32>
      %select_n3A_870 = arith.select %gt3A_854, %select_n3A_823, %get3A_849 : vector<16xi1>, vector<16xf32>
      %select_n3A_871 = arith.select %gt3A_854, %select_n3A_824, %broadcast_in_dim3A_851 : vector<16xi1>, vector<16xi32>
      %select_n3A_872 = arith.select %gt3A_855, %select_n3A_870, %select_n3A_827 : vector<16xi1>, vector<16xf32>
      %select_n3A_873 = arith.select %gt3A_855, %select_n3A_871, %select_n3A_828 : vector<16xi1>, vector<16xi32>
      %select_n3A_874 = arith.select %gt3A_855, %select_n3A_827, %get3A_849 : vector<16xi1>, vector<16xf32>
      %select_n3A_875 = arith.select %gt3A_855, %select_n3A_828, %broadcast_in_dim3A_851 : vector<16xi1>, vector<16xi32>
      %select_n3A_876 = arith.select %gt3A_856, %select_n3A_874, %select_n3A_831 : vector<16xi1>, vector<16xf32>
      %select_n3A_877 = arith.select %gt3A_856, %select_n3A_875, %select_n3A_832 : vector<16xi1>, vector<16xi32>
      %select_n3A_878 = arith.select %gt3A_856, %select_n3A_831, %get3A_849 : vector<16xi1>, vector<16xf32>
      %select_n3A_879 = arith.select %gt3A_856, %select_n3A_832, %broadcast_in_dim3A_851 : vector<16xi1>, vector<16xi32>
      %select_n3A_880 = arith.select %gt3A_857, %select_n3A_878, %select_n3A_835 : vector<16xi1>, vector<16xf32>
      %select_n3A_881 = arith.select %gt3A_857, %select_n3A_879, %select_n3A_836 : vector<16xi1>, vector<16xi32>
      %select_n3A_882 = arith.select %gt3A_857, %select_n3A_835, %get3A_849 : vector<16xi1>, vector<16xf32>
      %select_n3A_883 = arith.select %gt3A_857, %select_n3A_836, %broadcast_in_dim3A_851 : vector<16xi1>, vector<16xi32>
      %select_n3A_884 = arith.select %gt3A_858, %select_n3A_882, %select_n3A_839 : vector<16xi1>, vector<16xf32>
      %select_n3A_885 = arith.select %gt3A_858, %select_n3A_883, %select_n3A_840 : vector<16xi1>, vector<16xi32>
      %select_n3A_886 = arith.select %gt3A_858, %select_n3A_839, %get3A_849 : vector<16xi1>, vector<16xf32>
      %select_n3A_887 = arith.select %gt3A_858, %select_n3A_840, %broadcast_in_dim3A_851 : vector<16xi1>, vector<16xi32>
      %select_n3A_888 = arith.select %gt3A_859, %select_n3A_886, %select_n3A_843 : vector<16xi1>, vector<16xf32>
      %select_n3A_889 = arith.select %gt3A_859, %select_n3A_887, %select_n3A_844 : vector<16xi1>, vector<16xi32>
      %get3A_890 = arith.constant 19 : i32
      %get3A_891 = arith.index_cast %get3A_890 : i32 to index
      %get3A_892 = arith.index_cast %mul3A_36 : i32 to index
      %get3A_893 = tpu.vector_load %arg6[%get3A_891, %get3A_892] {strides = array<i32>} : memref<64x256xf32, #tpu.memory_space<vmem>>, vector<1x16xf32>,
      %get3A_894 = vector.shape_cast %get3A_893 : vector<1x16xf32> to vector<16xf32>
      %broadcast_in_dim3A_895 = arith.constant 19 : i32
      %broadcast_in_dim3A_896 = vector.broadcast %broadcast_in_dim3A_895 : i32 to vector<16xi32>
      %gt3A_897 = arith.cmpf ogt, %get3A_894, %select_n3A_860 : vector<16xf32>
      %gt3A_898 = arith.cmpf ogt, %get3A_894, %select_n3A_864 : vector<16xf32>
      %gt3A_899 = arith.cmpf ogt, %get3A_894, %select_n3A_868 : vector<16xf32>
      %gt3A_900 = arith.cmpf ogt, %get3A_894, %select_n3A_872 : vector<16xf32>
      %gt3A_901 = arith.cmpf ogt, %get3A_894, %select_n3A_876 : vector<16xf32>
      %gt3A_902 = arith.cmpf ogt, %get3A_894, %select_n3A_880 : vector<16xf32>
      %gt3A_903 = arith.cmpf ogt, %get3A_894, %select_n3A_884 : vector<16xf32>
      %gt3A_904 = arith.cmpf ogt, %get3A_894, %select_n3A_888 : vector<16xf32>
      %select_n3A_905 = arith.select %gt3A_897, %get3A_894, %select_n3A_860 : vector<16xi1>, vector<16xf32>
      %select_n3A_906 = arith.select %gt3A_897, %broadcast_in_dim3A_896, %select_n3A_861 : vector<16xi1>, vector<16xi32>
      %select_n3A_907 = arith.select %gt3A_897, %select_n3A_860, %get3A_894 : vector<16xi1>, vector<16xf32>
      %select_n3A_908 = arith.select %gt3A_897, %select_n3A_861, %broadcast_in_dim3A_896 : vector<16xi1>, vector<16xi32>
      %select_n3A_909 = arith.select %gt3A_898, %select_n3A_907, %select_n3A_864 : vector<16xi1>, vector<16xf32>
      %select_n3A_910 = arith.select %gt3A_898, %select_n3A_908, %select_n3A_865 : vector<16xi1>, vector<16xi32>
      %select_n3A_911 = arith.select %gt3A_898, %select_n3A_864, %get3A_894 : vector<16xi1>, vector<16xf32>
      %select_n3A_912 = arith.select %gt3A_898, %select_n3A_865, %broadcast_in_dim3A_896 : vector<16xi1>, vector<16xi32>
      %select_n3A_913 = arith.select %gt3A_899, %select_n3A_911, %select_n3A_868 : vector<16xi1>, vector<16xf32>
      %select_n3A_914 = arith.select %gt3A_899, %select_n3A_912, %select_n3A_869 : vector<16xi1>, vector<16xi32>
      %select_n3A_915 = arith.select %gt3A_899, %select_n3A_868, %get3A_894 : vector<16xi1>, vector<16xf32>
      %select_n3A_916 = arith.select %gt3A_899, %select_n3A_869, %broadcast_in_dim3A_896 : vector<16xi1>, vector<16xi32>
      %select_n3A_917 = arith.select %gt3A_900, %select_n3A_915, %select_n3A_872 : vector<16xi1>, vector<16xf32>
      %select_n3A_918 = arith.select %gt3A_900, %select_n3A_916, %select_n3A_873 : vector<16xi1>, vector<16xi32>
      %select_n3A_919 = arith.select %gt3A_900, %select_n3A_872, %get3A_894 : vector<16xi1>, vector<16xf32>
      %select_n3A_920 = arith.select %gt3A_900, %select_n3A_873, %broadcast_in_dim3A_896 : vector<16xi1>, vector<16xi32>
      %select_n3A_921 = arith.select %gt3A_901, %select_n3A_919, %select_n3A_876 : vector<16xi1>, vector<16xf32>
      %select_n3A_922 = arith.select %gt3A_901, %select_n3A_920, %select_n3A_877 : vector<16xi1>, vector<16xi32>
      %select_n3A_923 = arith.select %gt3A_901, %select_n3A_876, %get3A_894 : vector<16xi1>, vector<16xf32>
      %select_n3A_924 = arith.select %gt3A_901, %select_n3A_877, %broadcast_in_dim3A_896 : vector<16xi1>, vector<16xi32>
      %select_n3A_925 = arith.select %gt3A_902, %select_n3A_923, %select_n3A_880 : vector<16xi1>, vector<16xf32>
      %select_n3A_926 = arith.select %gt3A_902, %select_n3A_924, %select_n3A_881 : vector<16xi1>, vector<16xi32>
      %select_n3A_927 = arith.select %gt3A_902, %select_n3A_880, %get3A_894 : vector<16xi1>, vector<16xf32>
      %select_n3A_928 = arith.select %gt3A_902, %select_n3A_881, %broadcast_in_dim3A_896 : vector<16xi1>, vector<16xi32>
      %select_n3A_929 = arith.select %gt3A_903, %select_n3A_927, %select_n3A_884 : vector<16xi1>, vector<16xf32>
      %select_n3A_930 = arith.select %gt3A_903, %select_n3A_928, %select_n3A_885 : vector<16xi1>, vector<16xi32>
      %select_n3A_931 = arith.select %gt3A_903, %select_n3A_884, %get3A_894 : vector<16xi1>, vector<16xf32>
      %select_n3A_932 = arith.select %gt3A_903, %select_n3A_885, %broadcast_in_dim3A_896 : vector<16xi1>, vector<16xi32>
      %select_n3A_933 = arith.select %gt3A_904, %select_n3A_931, %select_n3A_888 : vector<16xi1>, vector<16xf32>
      %select_n3A_934 = arith.select %gt3A_904, %select_n3A_932, %select_n3A_889 : vector<16xi1>, vector<16xi32>
      %get3A_935 = arith.constant 20 : i32
      %get3A_936 = arith.index_cast %get3A_935 : i32 to index
      %get3A_937 = arith.index_cast %mul3A_36 : i32 to index
      %get3A_938 = tpu.vector_load %arg6[%get3A_936, %get3A_937] {strides = array<i32>} : memref<64x256xf32, #tpu.memory_space<vmem>>, vector<1x16xf32>,
      %get3A_939 = vector.shape_cast %get3A_938 : vector<1x16xf32> to vector<16xf32>
      %broadcast_in_dim3A_940 = arith.constant 20 : i32
      %broadcast_in_dim3A_941 = vector.broadcast %broadcast_in_dim3A_940 : i32 to vector<16xi32>
      %gt3A_942 = arith.cmpf ogt, %get3A_939, %select_n3A_905 : vector<16xf32>
      %gt3A_943 = arith.cmpf ogt, %get3A_939, %select_n3A_909 : vector<16xf32>
      %gt3A_944 = arith.cmpf ogt, %get3A_939, %select_n3A_913 : vector<16xf32>
      %gt3A_945 = arith.cmpf ogt, %get3A_939, %select_n3A_917 : vector<16xf32>
      %gt3A_946 = arith.cmpf ogt, %get3A_939, %select_n3A_921 : vector<16xf32>
      %gt3A_947 = arith.cmpf ogt, %get3A_939, %select_n3A_925 : vector<16xf32>
      %gt3A_948 = arith.cmpf ogt, %get3A_939, %select_n3A_929 : vector<16xf32>
      %gt3A_949 = arith.cmpf ogt, %get3A_939, %select_n3A_933 : vector<16xf32>
      %select_n3A_950 = arith.select %gt3A_942, %get3A_939, %select_n3A_905 : vector<16xi1>, vector<16xf32>
      %select_n3A_951 = arith.select %gt3A_942, %broadcast_in_dim3A_941, %select_n3A_906 : vector<16xi1>, vector<16xi32>
      %select_n3A_952 = arith.select %gt3A_942, %select_n3A_905, %get3A_939 : vector<16xi1>, vector<16xf32>
      %select_n3A_953 = arith.select %gt3A_942, %select_n3A_906, %broadcast_in_dim3A_941 : vector<16xi1>, vector<16xi32>
      %select_n3A_954 = arith.select %gt3A_943, %select_n3A_952, %select_n3A_909 : vector<16xi1>, vector<16xf32>
      %select_n3A_955 = arith.select %gt3A_943, %select_n3A_953, %select_n3A_910 : vector<16xi1>, vector<16xi32>
      %select_n3A_956 = arith.select %gt3A_943, %select_n3A_909, %get3A_939 : vector<16xi1>, vector<16xf32>
      %select_n3A_957 = arith.select %gt3A_943, %select_n3A_910, %broadcast_in_dim3A_941 : vector<16xi1>, vector<16xi32>
      %select_n3A_958 = arith.select %gt3A_944, %select_n3A_956, %select_n3A_913 : vector<16xi1>, vector<16xf32>
      %select_n3A_959 = arith.select %gt3A_944, %select_n3A_957, %select_n3A_914 : vector<16xi1>, vector<16xi32>
      %select_n3A_960 = arith.select %gt3A_944, %select_n3A_913, %get3A_939 : vector<16xi1>, vector<16xf32>
      %select_n3A_961 = arith.select %gt3A_944, %select_n3A_914, %broadcast_in_dim3A_941 : vector<16xi1>, vector<16xi32>
      %select_n3A_962 = arith.select %gt3A_945, %select_n3A_960, %select_n3A_917 : vector<16xi1>, vector<16xf32>
      %select_n3A_963 = arith.select %gt3A_945, %select_n3A_961, %select_n3A_918 : vector<16xi1>, vector<16xi32>
      %select_n3A_964 = arith.select %gt3A_945, %select_n3A_917, %get3A_939 : vector<16xi1>, vector<16xf32>
      %select_n3A_965 = arith.select %gt3A_945, %select_n3A_918, %broadcast_in_dim3A_941 : vector<16xi1>, vector<16xi32>
      %select_n3A_966 = arith.select %gt3A_946, %select_n3A_964, %select_n3A_921 : vector<16xi1>, vector<16xf32>
      %select_n3A_967 = arith.select %gt3A_946, %select_n3A_965, %select_n3A_922 : vector<16xi1>, vector<16xi32>
      %select_n3A_968 = arith.select %gt3A_946, %select_n3A_921, %get3A_939 : vector<16xi1>, vector<16xf32>
      %select_n3A_969 = arith.select %gt3A_946, %select_n3A_922, %broadcast_in_dim3A_941 : vector<16xi1>, vector<16xi32>
      %select_n3A_970 = arith.select %gt3A_947, %select_n3A_968, %select_n3A_925 : vector<16xi1>, vector<16xf32>
      %select_n3A_971 = arith.select %gt3A_947, %select_n3A_969, %select_n3A_926 : vector<16xi1>, vector<16xi32>
      %select_n3A_972 = arith.select %gt3A_947, %select_n3A_925, %get3A_939 : vector<16xi1>, vector<16xf32>
      %select_n3A_973 = arith.select %gt3A_947, %select_n3A_926, %broadcast_in_dim3A_941 : vector<16xi1>, vector<16xi32>
      %select_n3A_974 = arith.select %gt3A_948, %select_n3A_972, %select_n3A_929 : vector<16xi1>, vector<16xf32>
      %select_n3A_975 = arith.select %gt3A_948, %select_n3A_973, %select_n3A_930 : vector<16xi1>, vector<16xi32>
      %select_n3A_976 = arith.select %gt3A_948, %select_n3A_929, %get3A_939 : vector<16xi1>, vector<16xf32>
      %select_n3A_977 = arith.select %gt3A_948, %select_n3A_930, %broadcast_in_dim3A_941 : vector<16xi1>, vector<16xi32>
      %select_n3A_978 = arith.select %gt3A_949, %select_n3A_976, %select_n3A_933 : vector<16xi1>, vector<16xf32>
      %select_n3A_979 = arith.select %gt3A_949, %select_n3A_977, %select_n3A_934 : vector<16xi1>, vector<16xi32>
      %get3A_980 = arith.constant 21 : i32
      %get3A_981 = arith.index_cast %get3A_980 : i32 to index
      %get3A_982 = arith.index_cast %mul3A_36 : i32 to index
      %get3A_983 = tpu.vector_load %arg6[%get3A_981, %get3A_982] {strides = array<i32>} : memref<64x256xf32, #tpu.memory_space<vmem>>, vector<1x16xf32>,
      %get3A_984 = vector.shape_cast %get3A_983 : vector<1x16xf32> to vector<16xf32>
      %broadcast_in_dim3A_985 = arith.constant 21 : i32
      %broadcast_in_dim3A_986 = vector.broadcast %broadcast_in_dim3A_985 : i32 to vector<16xi32>
      %gt3A_987 = arith.cmpf ogt, %get3A_984, %select_n3A_950 : vector<16xf32>
      %gt3A_988 = arith.cmpf ogt, %get3A_984, %select_n3A_954 : vector<16xf32>
      %gt3A_989 = arith.cmpf ogt, %get3A_984, %select_n3A_958 : vector<16xf32>
      %gt3A_990 = arith.cmpf ogt, %get3A_984, %select_n3A_962 : vector<16xf32>
      %gt3A_991 = arith.cmpf ogt, %get3A_984, %select_n3A_966 : vector<16xf32>
      %gt3A_992 = arith.cmpf ogt, %get3A_984, %select_n3A_970 : vector<16xf32>
      %gt3A_993 = arith.cmpf ogt, %get3A_984, %select_n3A_974 : vector<16xf32>
      %gt3A_994 = arith.cmpf ogt, %get3A_984, %select_n3A_978 : vector<16xf32>
      %select_n3A_995 = arith.select %gt3A_987, %get3A_984, %select_n3A_950 : vector<16xi1>, vector<16xf32>
      %select_n3A_996 = arith.select %gt3A_987, %broadcast_in_dim3A_986, %select_n3A_951 : vector<16xi1>, vector<16xi32>
      %select_n3A_997 = arith.select %gt3A_987, %select_n3A_950, %get3A_984 : vector<16xi1>, vector<16xf32>
      %select_n3A_998 = arith.select %gt3A_987, %select_n3A_951, %broadcast_in_dim3A_986 : vector<16xi1>, vector<16xi32>
      %select_n3A_999 = arith.select %gt3A_988, %select_n3A_997, %select_n3A_954 : vector<16xi1>, vector<16xf32>
      %select_n3A_1000 = arith.select %gt3A_988, %select_n3A_998, %select_n3A_955 : vector<16xi1>, vector<16xi32>
      %select_n3A_1001 = arith.select %gt3A_988, %select_n3A_954, %get3A_984 : vector<16xi1>, vector<16xf32>
      %select_n3A_1002 = arith.select %gt3A_988, %select_n3A_955, %broadcast_in_dim3A_986 : vector<16xi1>, vector<16xi32>
      %select_n3A_1003 = arith.select %gt3A_989, %select_n3A_1001, %select_n3A_958 : vector<16xi1>, vector<16xf32>
      %select_n3A_1004 = arith.select %gt3A_989, %select_n3A_1002, %select_n3A_959 : vector<16xi1>, vector<16xi32>
      %select_n3A_1005 = arith.select %gt3A_989, %select_n3A_958, %get3A_984 : vector<16xi1>, vector<16xf32>
      %select_n3A_1006 = arith.select %gt3A_989, %select_n3A_959, %broadcast_in_dim3A_986 : vector<16xi1>, vector<16xi32>
      %select_n3A_1007 = arith.select %gt3A_990, %select_n3A_1005, %select_n3A_962 : vector<16xi1>, vector<16xf32>
      %select_n3A_1008 = arith.select %gt3A_990, %select_n3A_1006, %select_n3A_963 : vector<16xi1>, vector<16xi32>
      %select_n3A_1009 = arith.select %gt3A_990, %select_n3A_962, %get3A_984 : vector<16xi1>, vector<16xf32>
      %select_n3A_1010 = arith.select %gt3A_990, %select_n3A_963, %broadcast_in_dim3A_986 : vector<16xi1>, vector<16xi32>
      %select_n3A_1011 = arith.select %gt3A_991, %select_n3A_1009, %select_n3A_966 : vector<16xi1>, vector<16xf32>
      %select_n3A_1012 = arith.select %gt3A_991, %select_n3A_1010, %select_n3A_967 : vector<16xi1>, vector<16xi32>
      %select_n3A_1013 = arith.select %gt3A_991, %select_n3A_966, %get3A_984 : vector<16xi1>, vector<16xf32>
      %select_n3A_1014 = arith.select %gt3A_991, %select_n3A_967, %broadcast_in_dim3A_986 : vector<16xi1>, vector<16xi32>
      %select_n3A_1015 = arith.select %gt3A_992, %select_n3A_1013, %select_n3A_970 : vector<16xi1>, vector<16xf32>
      %select_n3A_1016 = arith.select %gt3A_992, %select_n3A_1014, %select_n3A_971 : vector<16xi1>, vector<16xi32>
      %select_n3A_1017 = arith.select %gt3A_992, %select_n3A_970, %get3A_984 : vector<16xi1>, vector<16xf32>
      %select_n3A_1018 = arith.select %gt3A_992, %select_n3A_971, %broadcast_in_dim3A_986 : vector<16xi1>, vector<16xi32>
      %select_n3A_1019 = arith.select %gt3A_993, %select_n3A_1017, %select_n3A_974 : vector<16xi1>, vector<16xf32>
      %select_n3A_1020 = arith.select %gt3A_993, %select_n3A_1018, %select_n3A_975 : vector<16xi1>, vector<16xi32>
      %select_n3A_1021 = arith.select %gt3A_993, %select_n3A_974, %get3A_984 : vector<16xi1>, vector<16xf32>
      %select_n3A_1022 = arith.select %gt3A_993, %select_n3A_975, %broadcast_in_dim3A_986 : vector<16xi1>, vector<16xi32>
      %select_n3A_1023 = arith.select %gt3A_994, %select_n3A_1021, %select_n3A_978 : vector<16xi1>, vector<16xf32>
      %select_n3A_1024 = arith.select %gt3A_994, %select_n3A_1022, %select_n3A_979 : vector<16xi1>, vector<16xi32>
      %get3A_1025 = arith.constant 22 : i32
      %get3A_1026 = arith.index_cast %get3A_1025 : i32 to index
      %get3A_1027 = arith.index_cast %mul3A_36 : i32 to index
      %get3A_1028 = tpu.vector_load %arg6[%get3A_1026, %get3A_1027] {strides = array<i32>} : memref<64x256xf32, #tpu.memory_space<vmem>>, vector<1x16xf32>,
      %get3A_1029 = vector.shape_cast %get3A_1028 : vector<1x16xf32> to vector<16xf32>
      %broadcast_in_dim3A_1030 = arith.constant 22 : i32
      %broadcast_in_dim3A_1031 = vector.broadcast %broadcast_in_dim3A_1030 : i32 to vector<16xi32>
      %gt3A_1032 = arith.cmpf ogt, %get3A_1029, %select_n3A_995 : vector<16xf32>
      %gt3A_1033 = arith.cmpf ogt, %get3A_1029, %select_n3A_999 : vector<16xf32>
      %gt3A_1034 = arith.cmpf ogt, %get3A_1029, %select_n3A_1003 : vector<16xf32>
      %gt3A_1035 = arith.cmpf ogt, %get3A_1029, %select_n3A_1007 : vector<16xf32>
      %gt3A_1036 = arith.cmpf ogt, %get3A_1029, %select_n3A_1011 : vector<16xf32>
      %gt3A_1037 = arith.cmpf ogt, %get3A_1029, %select_n3A_1015 : vector<16xf32>
      %gt3A_1038 = arith.cmpf ogt, %get3A_1029, %select_n3A_1019 : vector<16xf32>
      %gt3A_1039 = arith.cmpf ogt, %get3A_1029, %select_n3A_1023 : vector<16xf32>
      %select_n3A_1040 = arith.select %gt3A_1032, %get3A_1029, %select_n3A_995 : vector<16xi1>, vector<16xf32>
      %select_n3A_1041 = arith.select %gt3A_1032, %broadcast_in_dim3A_1031, %select_n3A_996 : vector<16xi1>, vector<16xi32>
      %select_n3A_1042 = arith.select %gt3A_1032, %select_n3A_995, %get3A_1029 : vector<16xi1>, vector<16xf32>
      %select_n3A_1043 = arith.select %gt3A_1032, %select_n3A_996, %broadcast_in_dim3A_1031 : vector<16xi1>, vector<16xi32>
      %select_n3A_1044 = arith.select %gt3A_1033, %select_n3A_1042, %select_n3A_999 : vector<16xi1>, vector<16xf32>
      %select_n3A_1045 = arith.select %gt3A_1033, %select_n3A_1043, %select_n3A_1000 : vector<16xi1>, vector<16xi32>
      %select_n3A_1046 = arith.select %gt3A_1033, %select_n3A_999, %get3A_1029 : vector<16xi1>, vector<16xf32>
      %select_n3A_1047 = arith.select %gt3A_1033, %select_n3A_1000, %broadcast_in_dim3A_1031 : vector<16xi1>, vector<16xi32>
      %select_n3A_1048 = arith.select %gt3A_1034, %select_n3A_1046, %select_n3A_1003 : vector<16xi1>, vector<16xf32>
      %select_n3A_1049 = arith.select %gt3A_1034, %select_n3A_1047, %select_n3A_1004 : vector<16xi1>, vector<16xi32>
      %select_n3A_1050 = arith.select %gt3A_1034, %select_n3A_1003, %get3A_1029 : vector<16xi1>, vector<16xf32>
      %select_n3A_1051 = arith.select %gt3A_1034, %select_n3A_1004, %broadcast_in_dim3A_1031 : vector<16xi1>, vector<16xi32>
      %select_n3A_1052 = arith.select %gt3A_1035, %select_n3A_1050, %select_n3A_1007 : vector<16xi1>, vector<16xf32>
      %select_n3A_1053 = arith.select %gt3A_1035, %select_n3A_1051, %select_n3A_1008 : vector<16xi1>, vector<16xi32>
      %select_n3A_1054 = arith.select %gt3A_1035, %select_n3A_1007, %get3A_1029 : vector<16xi1>, vector<16xf32>
      %select_n3A_1055 = arith.select %gt3A_1035, %select_n3A_1008, %broadcast_in_dim3A_1031 : vector<16xi1>, vector<16xi32>
      %select_n3A_1056 = arith.select %gt3A_1036, %select_n3A_1054, %select_n3A_1011 : vector<16xi1>, vector<16xf32>
      %select_n3A_1057 = arith.select %gt3A_1036, %select_n3A_1055, %select_n3A_1012 : vector<16xi1>, vector<16xi32>
      %select_n3A_1058 = arith.select %gt3A_1036, %select_n3A_1011, %get3A_1029 : vector<16xi1>, vector<16xf32>
      %select_n3A_1059 = arith.select %gt3A_1036, %select_n3A_1012, %broadcast_in_dim3A_1031 : vector<16xi1>, vector<16xi32>
      %select_n3A_1060 = arith.select %gt3A_1037, %select_n3A_1058, %select_n3A_1015 : vector<16xi1>, vector<16xf32>
      %select_n3A_1061 = arith.select %gt3A_1037, %select_n3A_1059, %select_n3A_1016 : vector<16xi1>, vector<16xi32>
      %select_n3A_1062 = arith.select %gt3A_1037, %select_n3A_1015, %get3A_1029 : vector<16xi1>, vector<16xf32>
      %select_n3A_1063 = arith.select %gt3A_1037, %select_n3A_1016, %broadcast_in_dim3A_1031 : vector<16xi1>, vector<16xi32>
      %select_n3A_1064 = arith.select %gt3A_1038, %select_n3A_1062, %select_n3A_1019 : vector<16xi1>, vector<16xf32>
      %select_n3A_1065 = arith.select %gt3A_1038, %select_n3A_1063, %select_n3A_1020 : vector<16xi1>, vector<16xi32>
      %select_n3A_1066 = arith.select %gt3A_1038, %select_n3A_1019, %get3A_1029 : vector<16xi1>, vector<16xf32>
      %select_n3A_1067 = arith.select %gt3A_1038, %select_n3A_1020, %broadcast_in_dim3A_1031 : vector<16xi1>, vector<16xi32>
      %select_n3A_1068 = arith.select %gt3A_1039, %select_n3A_1066, %select_n3A_1023 : vector<16xi1>, vector<16xf32>
      %select_n3A_1069 = arith.select %gt3A_1039, %select_n3A_1067, %select_n3A_1024 : vector<16xi1>, vector<16xi32>
      %get3A_1070 = arith.constant 23 : i32
      %get3A_1071 = arith.index_cast %get3A_1070 : i32 to index
      %get3A_1072 = arith.index_cast %mul3A_36 : i32 to index
      %get3A_1073 = tpu.vector_load %arg6[%get3A_1071, %get3A_1072] {strides = array<i32>} : memref<64x256xf32, #tpu.memory_space<vmem>>, vector<1x16xf32>,
      %get3A_1074 = vector.shape_cast %get3A_1073 : vector<1x16xf32> to vector<16xf32>
      %broadcast_in_dim3A_1075 = arith.constant 23 : i32
      %broadcast_in_dim3A_1076 = vector.broadcast %broadcast_in_dim3A_1075 : i32 to vector<16xi32>
      %gt3A_1077 = arith.cmpf ogt, %get3A_1074, %select_n3A_1040 : vector<16xf32>
      %gt3A_1078 = arith.cmpf ogt, %get3A_1074, %select_n3A_1044 : vector<16xf32>
      %gt3A_1079 = arith.cmpf ogt, %get3A_1074, %select_n3A_1048 : vector<16xf32>
      %gt3A_1080 = arith.cmpf ogt, %get3A_1074, %select_n3A_1052 : vector<16xf32>
      %gt3A_1081 = arith.cmpf ogt, %get3A_1074, %select_n3A_1056 : vector<16xf32>
      %gt3A_1082 = arith.cmpf ogt, %get3A_1074, %select_n3A_1060 : vector<16xf32>
      %gt3A_1083 = arith.cmpf ogt, %get3A_1074, %select_n3A_1064 : vector<16xf32>
      %gt3A_1084 = arith.cmpf ogt, %get3A_1074, %select_n3A_1068 : vector<16xf32>
      %select_n3A_1085 = arith.select %gt3A_1077, %get3A_1074, %select_n3A_1040 : vector<16xi1>, vector<16xf32>
      %select_n3A_1086 = arith.select %gt3A_1077, %broadcast_in_dim3A_1076, %select_n3A_1041 : vector<16xi1>, vector<16xi32>
      %select_n3A_1087 = arith.select %gt3A_1077, %select_n3A_1040, %get3A_1074 : vector<16xi1>, vector<16xf32>
      %select_n3A_1088 = arith.select %gt3A_1077, %select_n3A_1041, %broadcast_in_dim3A_1076 : vector<16xi1>, vector<16xi32>
      %select_n3A_1089 = arith.select %gt3A_1078, %select_n3A_1087, %select_n3A_1044 : vector<16xi1>, vector<16xf32>
      %select_n3A_1090 = arith.select %gt3A_1078, %select_n3A_1088, %select_n3A_1045 : vector<16xi1>, vector<16xi32>
      %select_n3A_1091 = arith.select %gt3A_1078, %select_n3A_1044, %get3A_1074 : vector<16xi1>, vector<16xf32>
      %select_n3A_1092 = arith.select %gt3A_1078, %select_n3A_1045, %broadcast_in_dim3A_1076 : vector<16xi1>, vector<16xi32>
      %select_n3A_1093 = arith.select %gt3A_1079, %select_n3A_1091, %select_n3A_1048 : vector<16xi1>, vector<16xf32>
      %select_n3A_1094 = arith.select %gt3A_1079, %select_n3A_1092, %select_n3A_1049 : vector<16xi1>, vector<16xi32>
      %select_n3A_1095 = arith.select %gt3A_1079, %select_n3A_1048, %get3A_1074 : vector<16xi1>, vector<16xf32>
      %select_n3A_1096 = arith.select %gt3A_1079, %select_n3A_1049, %broadcast_in_dim3A_1076 : vector<16xi1>, vector<16xi32>
      %select_n3A_1097 = arith.select %gt3A_1080, %select_n3A_1095, %select_n3A_1052 : vector<16xi1>, vector<16xf32>
      %select_n3A_1098 = arith.select %gt3A_1080, %select_n3A_1096, %select_n3A_1053 : vector<16xi1>, vector<16xi32>
      %select_n3A_1099 = arith.select %gt3A_1080, %select_n3A_1052, %get3A_1074 : vector<16xi1>, vector<16xf32>
      %select_n3A_1100 = arith.select %gt3A_1080, %select_n3A_1053, %broadcast_in_dim3A_1076 : vector<16xi1>, vector<16xi32>
      %select_n3A_1101 = arith.select %gt3A_1081, %select_n3A_1099, %select_n3A_1056 : vector<16xi1>, vector<16xf32>
      %select_n3A_1102 = arith.select %gt3A_1081, %select_n3A_1100, %select_n3A_1057 : vector<16xi1>, vector<16xi32>
      %select_n3A_1103 = arith.select %gt3A_1081, %select_n3A_1056, %get3A_1074 : vector<16xi1>, vector<16xf32>
      %select_n3A_1104 = arith.select %gt3A_1081, %select_n3A_1057, %broadcast_in_dim3A_1076 : vector<16xi1>, vector<16xi32>
      %select_n3A_1105 = arith.select %gt3A_1082, %select_n3A_1103, %select_n3A_1060 : vector<16xi1>, vector<16xf32>
      %select_n3A_1106 = arith.select %gt3A_1082, %select_n3A_1104, %select_n3A_1061 : vector<16xi1>, vector<16xi32>
      %select_n3A_1107 = arith.select %gt3A_1082, %select_n3A_1060, %get3A_1074 : vector<16xi1>, vector<16xf32>
      %select_n3A_1108 = arith.select %gt3A_1082, %select_n3A_1061, %broadcast_in_dim3A_1076 : vector<16xi1>, vector<16xi32>
      %select_n3A_1109 = arith.select %gt3A_1083, %select_n3A_1107, %select_n3A_1064 : vector<16xi1>, vector<16xf32>
      %select_n3A_1110 = arith.select %gt3A_1083, %select_n3A_1108, %select_n3A_1065 : vector<16xi1>, vector<16xi32>
      %select_n3A_1111 = arith.select %gt3A_1083, %select_n3A_1064, %get3A_1074 : vector<16xi1>, vector<16xf32>
      %select_n3A_1112 = arith.select %gt3A_1083, %select_n3A_1065, %broadcast_in_dim3A_1076 : vector<16xi1>, vector<16xi32>
      %select_n3A_1113 = arith.select %gt3A_1084, %select_n3A_1111, %select_n3A_1068 : vector<16xi1>, vector<16xf32>
      %select_n3A_1114 = arith.select %gt3A_1084, %select_n3A_1112, %select_n3A_1069 : vector<16xi1>, vector<16xi32>
      %get3A_1115 = arith.constant 24 : i32
      %get3A_1116 = arith.index_cast %get3A_1115 : i32 to index
      %get3A_1117 = arith.index_cast %mul3A_36 : i32 to index
      %get3A_1118 = tpu.vector_load %arg6[%get3A_1116, %get3A_1117] {strides = array<i32>} : memref<64x256xf32, #tpu.memory_space<vmem>>, vector<1x16xf32>,
      %get3A_1119 = vector.shape_cast %get3A_1118 : vector<1x16xf32> to vector<16xf32>
      %broadcast_in_dim3A_1120 = arith.constant 24 : i32
      %broadcast_in_dim3A_1121 = vector.broadcast %broadcast_in_dim3A_1120 : i32 to vector<16xi32>
      %gt3A_1122 = arith.cmpf ogt, %get3A_1119, %select_n3A_1085 : vector<16xf32>
      %gt3A_1123 = arith.cmpf ogt, %get3A_1119, %select_n3A_1089 : vector<16xf32>
      %gt3A_1124 = arith.cmpf ogt, %get3A_1119, %select_n3A_1093 : vector<16xf32>
      %gt3A_1125 = arith.cmpf ogt, %get3A_1119, %select_n3A_1097 : vector<16xf32>
      %gt3A_1126 = arith.cmpf ogt, %get3A_1119, %select_n3A_1101 : vector<16xf32>
      %gt3A_1127 = arith.cmpf ogt, %get3A_1119, %select_n3A_1105 : vector<16xf32>
      %gt3A_1128 = arith.cmpf ogt, %get3A_1119, %select_n3A_1109 : vector<16xf32>
      %gt3A_1129 = arith.cmpf ogt, %get3A_1119, %select_n3A_1113 : vector<16xf32>
      %select_n3A_1130 = arith.select %gt3A_1122, %get3A_1119, %select_n3A_1085 : vector<16xi1>, vector<16xf32>
      %select_n3A_1131 = arith.select %gt3A_1122, %broadcast_in_dim3A_1121, %select_n3A_1086 : vector<16xi1>, vector<16xi32>
      %select_n3A_1132 = arith.select %gt3A_1122, %select_n3A_1085, %get3A_1119 : vector<16xi1>, vector<16xf32>
      %select_n3A_1133 = arith.select %gt3A_1122, %select_n3A_1086, %broadcast_in_dim3A_1121 : vector<16xi1>, vector<16xi32>
      %select_n3A_1134 = arith.select %gt3A_1123, %select_n3A_1132, %select_n3A_1089 : vector<16xi1>, vector<16xf32>
      %select_n3A_1135 = arith.select %gt3A_1123, %select_n3A_1133, %select_n3A_1090 : vector<16xi1>, vector<16xi32>
      %select_n3A_1136 = arith.select %gt3A_1123, %select_n3A_1089, %get3A_1119 : vector<16xi1>, vector<16xf32>
      %select_n3A_1137 = arith.select %gt3A_1123, %select_n3A_1090, %broadcast_in_dim3A_1121 : vector<16xi1>, vector<16xi32>
      %select_n3A_1138 = arith.select %gt3A_1124, %select_n3A_1136, %select_n3A_1093 : vector<16xi1>, vector<16xf32>
      %select_n3A_1139 = arith.select %gt3A_1124, %select_n3A_1137, %select_n3A_1094 : vector<16xi1>, vector<16xi32>
      %select_n3A_1140 = arith.select %gt3A_1124, %select_n3A_1093, %get3A_1119 : vector<16xi1>, vector<16xf32>
      %select_n3A_1141 = arith.select %gt3A_1124, %select_n3A_1094, %broadcast_in_dim3A_1121 : vector<16xi1>, vector<16xi32>
      %select_n3A_1142 = arith.select %gt3A_1125, %select_n3A_1140, %select_n3A_1097 : vector<16xi1>, vector<16xf32>
      %select_n3A_1143 = arith.select %gt3A_1125, %select_n3A_1141, %select_n3A_1098 : vector<16xi1>, vector<16xi32>
      %select_n3A_1144 = arith.select %gt3A_1125, %select_n3A_1097, %get3A_1119 : vector<16xi1>, vector<16xf32>
      %select_n3A_1145 = arith.select %gt3A_1125, %select_n3A_1098, %broadcast_in_dim3A_1121 : vector<16xi1>, vector<16xi32>
      %select_n3A_1146 = arith.select %gt3A_1126, %select_n3A_1144, %select_n3A_1101 : vector<16xi1>, vector<16xf32>
      %select_n3A_1147 = arith.select %gt3A_1126, %select_n3A_1145, %select_n3A_1102 : vector<16xi1>, vector<16xi32>
      %select_n3A_1148 = arith.select %gt3A_1126, %select_n3A_1101, %get3A_1119 : vector<16xi1>, vector<16xf32>
      %select_n3A_1149 = arith.select %gt3A_1126, %select_n3A_1102, %broadcast_in_dim3A_1121 : vector<16xi1>, vector<16xi32>
      %select_n3A_1150 = arith.select %gt3A_1127, %select_n3A_1148, %select_n3A_1105 : vector<16xi1>, vector<16xf32>
      %select_n3A_1151 = arith.select %gt3A_1127, %select_n3A_1149, %select_n3A_1106 : vector<16xi1>, vector<16xi32>
      %select_n3A_1152 = arith.select %gt3A_1127, %select_n3A_1105, %get3A_1119 : vector<16xi1>, vector<16xf32>
      %select_n3A_1153 = arith.select %gt3A_1127, %select_n3A_1106, %broadcast_in_dim3A_1121 : vector<16xi1>, vector<16xi32>
      %select_n3A_1154 = arith.select %gt3A_1128, %select_n3A_1152, %select_n3A_1109 : vector<16xi1>, vector<16xf32>
      %select_n3A_1155 = arith.select %gt3A_1128, %select_n3A_1153, %select_n3A_1110 : vector<16xi1>, vector<16xi32>
      %select_n3A_1156 = arith.select %gt3A_1128, %select_n3A_1109, %get3A_1119 : vector<16xi1>, vector<16xf32>
      %select_n3A_1157 = arith.select %gt3A_1128, %select_n3A_1110, %broadcast_in_dim3A_1121 : vector<16xi1>, vector<16xi32>
      %select_n3A_1158 = arith.select %gt3A_1129, %select_n3A_1156, %select_n3A_1113 : vector<16xi1>, vector<16xf32>
      %select_n3A_1159 = arith.select %gt3A_1129, %select_n3A_1157, %select_n3A_1114 : vector<16xi1>, vector<16xi32>
      %get3A_1160 = arith.constant 25 : i32
      %get3A_1161 = arith.index_cast %get3A_1160 : i32 to index
      %get3A_1162 = arith.index_cast %mul3A_36 : i32 to index
      %get3A_1163 = tpu.vector_load %arg6[%get3A_1161, %get3A_1162] {strides = array<i32>} : memref<64x256xf32, #tpu.memory_space<vmem>>, vector<1x16xf32>,
      %get3A_1164 = vector.shape_cast %get3A_1163 : vector<1x16xf32> to vector<16xf32>
      %broadcast_in_dim3A_1165 = arith.constant 25 : i32
      %broadcast_in_dim3A_1166 = vector.broadcast %broadcast_in_dim3A_1165 : i32 to vector<16xi32>
      %gt3A_1167 = arith.cmpf ogt, %get3A_1164, %select_n3A_1130 : vector<16xf32>
      %gt3A_1168 = arith.cmpf ogt, %get3A_1164, %select_n3A_1134 : vector<16xf32>
      %gt3A_1169 = arith.cmpf ogt, %get3A_1164, %select_n3A_1138 : vector<16xf32>
      %gt3A_1170 = arith.cmpf ogt, %get3A_1164, %select_n3A_1142 : vector<16xf32>
      %gt3A_1171 = arith.cmpf ogt, %get3A_1164, %select_n3A_1146 : vector<16xf32>
      %gt3A_1172 = arith.cmpf ogt, %get3A_1164, %select_n3A_1150 : vector<16xf32>
      %gt3A_1173 = arith.cmpf ogt, %get3A_1164, %select_n3A_1154 : vector<16xf32>
      %gt3A_1174 = arith.cmpf ogt, %get3A_1164, %select_n3A_1158 : vector<16xf32>
      %select_n3A_1175 = arith.select %gt3A_1167, %get3A_1164, %select_n3A_1130 : vector<16xi1>, vector<16xf32>
      %select_n3A_1176 = arith.select %gt3A_1167, %broadcast_in_dim3A_1166, %select_n3A_1131 : vector<16xi1>, vector<16xi32>
      %select_n3A_1177 = arith.select %gt3A_1167, %select_n3A_1130, %get3A_1164 : vector<16xi1>, vector<16xf32>
      %select_n3A_1178 = arith.select %gt3A_1167, %select_n3A_1131, %broadcast_in_dim3A_1166 : vector<16xi1>, vector<16xi32>
      %select_n3A_1179 = arith.select %gt3A_1168, %select_n3A_1177, %select_n3A_1134 : vector<16xi1>, vector<16xf32>
      %select_n3A_1180 = arith.select %gt3A_1168, %select_n3A_1178, %select_n3A_1135 : vector<16xi1>, vector<16xi32>
      %select_n3A_1181 = arith.select %gt3A_1168, %select_n3A_1134, %get3A_1164 : vector<16xi1>, vector<16xf32>
      %select_n3A_1182 = arith.select %gt3A_1168, %select_n3A_1135, %broadcast_in_dim3A_1166 : vector<16xi1>, vector<16xi32>
      %select_n3A_1183 = arith.select %gt3A_1169, %select_n3A_1181, %select_n3A_1138 : vector<16xi1>, vector<16xf32>
      %select_n3A_1184 = arith.select %gt3A_1169, %select_n3A_1182, %select_n3A_1139 : vector<16xi1>, vector<16xi32>
      %select_n3A_1185 = arith.select %gt3A_1169, %select_n3A_1138, %get3A_1164 : vector<16xi1>, vector<16xf32>
      %select_n3A_1186 = arith.select %gt3A_1169, %select_n3A_1139, %broadcast_in_dim3A_1166 : vector<16xi1>, vector<16xi32>
      %select_n3A_1187 = arith.select %gt3A_1170, %select_n3A_1185, %select_n3A_1142 : vector<16xi1>, vector<16xf32>
      %select_n3A_1188 = arith.select %gt3A_1170, %select_n3A_1186, %select_n3A_1143 : vector<16xi1>, vector<16xi32>
      %select_n3A_1189 = arith.select %gt3A_1170, %select_n3A_1142, %get3A_1164 : vector<16xi1>, vector<16xf32>
      %select_n3A_1190 = arith.select %gt3A_1170, %select_n3A_1143, %broadcast_in_dim3A_1166 : vector<16xi1>, vector<16xi32>
      %select_n3A_1191 = arith.select %gt3A_1171, %select_n3A_1189, %select_n3A_1146 : vector<16xi1>, vector<16xf32>
      %select_n3A_1192 = arith.select %gt3A_1171, %select_n3A_1190, %select_n3A_1147 : vector<16xi1>, vector<16xi32>
      %select_n3A_1193 = arith.select %gt3A_1171, %select_n3A_1146, %get3A_1164 : vector<16xi1>, vector<16xf32>
      %select_n3A_1194 = arith.select %gt3A_1171, %select_n3A_1147, %broadcast_in_dim3A_1166 : vector<16xi1>, vector<16xi32>
      %select_n3A_1195 = arith.select %gt3A_1172, %select_n3A_1193, %select_n3A_1150 : vector<16xi1>, vector<16xf32>
      %select_n3A_1196 = arith.select %gt3A_1172, %select_n3A_1194, %select_n3A_1151 : vector<16xi1>, vector<16xi32>
      %select_n3A_1197 = arith.select %gt3A_1172, %select_n3A_1150, %get3A_1164 : vector<16xi1>, vector<16xf32>
      %select_n3A_1198 = arith.select %gt3A_1172, %select_n3A_1151, %broadcast_in_dim3A_1166 : vector<16xi1>, vector<16xi32>
      %select_n3A_1199 = arith.select %gt3A_1173, %select_n3A_1197, %select_n3A_1154 : vector<16xi1>, vector<16xf32>
      %select_n3A_1200 = arith.select %gt3A_1173, %select_n3A_1198, %select_n3A_1155 : vector<16xi1>, vector<16xi32>
      %select_n3A_1201 = arith.select %gt3A_1173, %select_n3A_1154, %get3A_1164 : vector<16xi1>, vector<16xf32>
      %select_n3A_1202 = arith.select %gt3A_1173, %select_n3A_1155, %broadcast_in_dim3A_1166 : vector<16xi1>, vector<16xi32>
      %select_n3A_1203 = arith.select %gt3A_1174, %select_n3A_1201, %select_n3A_1158 : vector<16xi1>, vector<16xf32>
      %select_n3A_1204 = arith.select %gt3A_1174, %select_n3A_1202, %select_n3A_1159 : vector<16xi1>, vector<16xi32>
      %get3A_1205 = arith.constant 26 : i32
      %get3A_1206 = arith.index_cast %get3A_1205 : i32 to index
      %get3A_1207 = arith.index_cast %mul3A_36 : i32 to index
      %get3A_1208 = tpu.vector_load %arg6[%get3A_1206, %get3A_1207] {strides = array<i32>} : memref<64x256xf32, #tpu.memory_space<vmem>>, vector<1x16xf32>,
      %get3A_1209 = vector.shape_cast %get3A_1208 : vector<1x16xf32> to vector<16xf32>
      %broadcast_in_dim3A_1210 = arith.constant 26 : i32
      %broadcast_in_dim3A_1211 = vector.broadcast %broadcast_in_dim3A_1210 : i32 to vector<16xi32>
      %gt3A_1212 = arith.cmpf ogt, %get3A_1209, %select_n3A_1175 : vector<16xf32>
      %gt3A_1213 = arith.cmpf ogt, %get3A_1209, %select_n3A_1179 : vector<16xf32>
      %gt3A_1214 = arith.cmpf ogt, %get3A_1209, %select_n3A_1183 : vector<16xf32>
      %gt3A_1215 = arith.cmpf ogt, %get3A_1209, %select_n3A_1187 : vector<16xf32>
      %gt3A_1216 = arith.cmpf ogt, %get3A_1209, %select_n3A_1191 : vector<16xf32>
      %gt3A_1217 = arith.cmpf ogt, %get3A_1209, %select_n3A_1195 : vector<16xf32>
      %gt3A_1218 = arith.cmpf ogt, %get3A_1209, %select_n3A_1199 : vector<16xf32>
      %gt3A_1219 = arith.cmpf ogt, %get3A_1209, %select_n3A_1203 : vector<16xf32>
      %select_n3A_1220 = arith.select %gt3A_1212, %get3A_1209, %select_n3A_1175 : vector<16xi1>, vector<16xf32>
      %select_n3A_1221 = arith.select %gt3A_1212, %broadcast_in_dim3A_1211, %select_n3A_1176 : vector<16xi1>, vector<16xi32>
      %select_n3A_1222 = arith.select %gt3A_1212, %select_n3A_1175, %get3A_1209 : vector<16xi1>, vector<16xf32>
      %select_n3A_1223 = arith.select %gt3A_1212, %select_n3A_1176, %broadcast_in_dim3A_1211 : vector<16xi1>, vector<16xi32>
      %select_n3A_1224 = arith.select %gt3A_1213, %select_n3A_1222, %select_n3A_1179 : vector<16xi1>, vector<16xf32>
      %select_n3A_1225 = arith.select %gt3A_1213, %select_n3A_1223, %select_n3A_1180 : vector<16xi1>, vector<16xi32>
      %select_n3A_1226 = arith.select %gt3A_1213, %select_n3A_1179, %get3A_1209 : vector<16xi1>, vector<16xf32>
      %select_n3A_1227 = arith.select %gt3A_1213, %select_n3A_1180, %broadcast_in_dim3A_1211 : vector<16xi1>, vector<16xi32>
      %select_n3A_1228 = arith.select %gt3A_1214, %select_n3A_1226, %select_n3A_1183 : vector<16xi1>, vector<16xf32>
      %select_n3A_1229 = arith.select %gt3A_1214, %select_n3A_1227, %select_n3A_1184 : vector<16xi1>, vector<16xi32>
      %select_n3A_1230 = arith.select %gt3A_1214, %select_n3A_1183, %get3A_1209 : vector<16xi1>, vector<16xf32>
      %select_n3A_1231 = arith.select %gt3A_1214, %select_n3A_1184, %broadcast_in_dim3A_1211 : vector<16xi1>, vector<16xi32>
      %select_n3A_1232 = arith.select %gt3A_1215, %select_n3A_1230, %select_n3A_1187 : vector<16xi1>, vector<16xf32>
      %select_n3A_1233 = arith.select %gt3A_1215, %select_n3A_1231, %select_n3A_1188 : vector<16xi1>, vector<16xi32>
      %select_n3A_1234 = arith.select %gt3A_1215, %select_n3A_1187, %get3A_1209 : vector<16xi1>, vector<16xf32>
      %select_n3A_1235 = arith.select %gt3A_1215, %select_n3A_1188, %broadcast_in_dim3A_1211 : vector<16xi1>, vector<16xi32>
      %select_n3A_1236 = arith.select %gt3A_1216, %select_n3A_1234, %select_n3A_1191 : vector<16xi1>, vector<16xf32>
      %select_n3A_1237 = arith.select %gt3A_1216, %select_n3A_1235, %select_n3A_1192 : vector<16xi1>, vector<16xi32>
      %select_n3A_1238 = arith.select %gt3A_1216, %select_n3A_1191, %get3A_1209 : vector<16xi1>, vector<16xf32>
      %select_n3A_1239 = arith.select %gt3A_1216, %select_n3A_1192, %broadcast_in_dim3A_1211 : vector<16xi1>, vector<16xi32>
      %select_n3A_1240 = arith.select %gt3A_1217, %select_n3A_1238, %select_n3A_1195 : vector<16xi1>, vector<16xf32>
      %select_n3A_1241 = arith.select %gt3A_1217, %select_n3A_1239, %select_n3A_1196 : vector<16xi1>, vector<16xi32>
      %select_n3A_1242 = arith.select %gt3A_1217, %select_n3A_1195, %get3A_1209 : vector<16xi1>, vector<16xf32>
      %select_n3A_1243 = arith.select %gt3A_1217, %select_n3A_1196, %broadcast_in_dim3A_1211 : vector<16xi1>, vector<16xi32>
      %select_n3A_1244 = arith.select %gt3A_1218, %select_n3A_1242, %select_n3A_1199 : vector<16xi1>, vector<16xf32>
      %select_n3A_1245 = arith.select %gt3A_1218, %select_n3A_1243, %select_n3A_1200 : vector<16xi1>, vector<16xi32>
      %select_n3A_1246 = arith.select %gt3A_1218, %select_n3A_1199, %get3A_1209 : vector<16xi1>, vector<16xf32>
      %select_n3A_1247 = arith.select %gt3A_1218, %select_n3A_1200, %broadcast_in_dim3A_1211 : vector<16xi1>, vector<16xi32>
      %select_n3A_1248 = arith.select %gt3A_1219, %select_n3A_1246, %select_n3A_1203 : vector<16xi1>, vector<16xf32>
      %select_n3A_1249 = arith.select %gt3A_1219, %select_n3A_1247, %select_n3A_1204 : vector<16xi1>, vector<16xi32>
      %get3A_1250 = arith.constant 27 : i32
      %get3A_1251 = arith.index_cast %get3A_1250 : i32 to index
      %get3A_1252 = arith.index_cast %mul3A_36 : i32 to index
      %get3A_1253 = tpu.vector_load %arg6[%get3A_1251, %get3A_1252] {strides = array<i32>} : memref<64x256xf32, #tpu.memory_space<vmem>>, vector<1x16xf32>,
      %get3A_1254 = vector.shape_cast %get3A_1253 : vector<1x16xf32> to vector<16xf32>
      %broadcast_in_dim3A_1255 = arith.constant 27 : i32
      %broadcast_in_dim3A_1256 = vector.broadcast %broadcast_in_dim3A_1255 : i32 to vector<16xi32>
      %gt3A_1257 = arith.cmpf ogt, %get3A_1254, %select_n3A_1220 : vector<16xf32>
      %gt3A_1258 = arith.cmpf ogt, %get3A_1254, %select_n3A_1224 : vector<16xf32>
      %gt3A_1259 = arith.cmpf ogt, %get3A_1254, %select_n3A_1228 : vector<16xf32>
      %gt3A_1260 = arith.cmpf ogt, %get3A_1254, %select_n3A_1232 : vector<16xf32>
      %gt3A_1261 = arith.cmpf ogt, %get3A_1254, %select_n3A_1236 : vector<16xf32>
      %gt3A_1262 = arith.cmpf ogt, %get3A_1254, %select_n3A_1240 : vector<16xf32>
      %gt3A_1263 = arith.cmpf ogt, %get3A_1254, %select_n3A_1244 : vector<16xf32>
      %gt3A_1264 = arith.cmpf ogt, %get3A_1254, %select_n3A_1248 : vector<16xf32>
      %select_n3A_1265 = arith.select %gt3A_1257, %get3A_1254, %select_n3A_1220 : vector<16xi1>, vector<16xf32>
      %select_n3A_1266 = arith.select %gt3A_1257, %broadcast_in_dim3A_1256, %select_n3A_1221 : vector<16xi1>, vector<16xi32>
      %select_n3A_1267 = arith.select %gt3A_1257, %select_n3A_1220, %get3A_1254 : vector<16xi1>, vector<16xf32>
      %select_n3A_1268 = arith.select %gt3A_1257, %select_n3A_1221, %broadcast_in_dim3A_1256 : vector<16xi1>, vector<16xi32>
      %select_n3A_1269 = arith.select %gt3A_1258, %select_n3A_1267, %select_n3A_1224 : vector<16xi1>, vector<16xf32>
      %select_n3A_1270 = arith.select %gt3A_1258, %select_n3A_1268, %select_n3A_1225 : vector<16xi1>, vector<16xi32>
      %select_n3A_1271 = arith.select %gt3A_1258, %select_n3A_1224, %get3A_1254 : vector<16xi1>, vector<16xf32>
      %select_n3A_1272 = arith.select %gt3A_1258, %select_n3A_1225, %broadcast_in_dim3A_1256 : vector<16xi1>, vector<16xi32>
      %select_n3A_1273 = arith.select %gt3A_1259, %select_n3A_1271, %select_n3A_1228 : vector<16xi1>, vector<16xf32>
      %select_n3A_1274 = arith.select %gt3A_1259, %select_n3A_1272, %select_n3A_1229 : vector<16xi1>, vector<16xi32>
      %select_n3A_1275 = arith.select %gt3A_1259, %select_n3A_1228, %get3A_1254 : vector<16xi1>, vector<16xf32>
      %select_n3A_1276 = arith.select %gt3A_1259, %select_n3A_1229, %broadcast_in_dim3A_1256 : vector<16xi1>, vector<16xi32>
      %select_n3A_1277 = arith.select %gt3A_1260, %select_n3A_1275, %select_n3A_1232 : vector<16xi1>, vector<16xf32>
      %select_n3A_1278 = arith.select %gt3A_1260, %select_n3A_1276, %select_n3A_1233 : vector<16xi1>, vector<16xi32>
      %select_n3A_1279 = arith.select %gt3A_1260, %select_n3A_1232, %get3A_1254 : vector<16xi1>, vector<16xf32>
      %select_n3A_1280 = arith.select %gt3A_1260, %select_n3A_1233, %broadcast_in_dim3A_1256 : vector<16xi1>, vector<16xi32>
      %select_n3A_1281 = arith.select %gt3A_1261, %select_n3A_1279, %select_n3A_1236 : vector<16xi1>, vector<16xf32>
      %select_n3A_1282 = arith.select %gt3A_1261, %select_n3A_1280, %select_n3A_1237 : vector<16xi1>, vector<16xi32>
      %select_n3A_1283 = arith.select %gt3A_1261, %select_n3A_1236, %get3A_1254 : vector<16xi1>, vector<16xf32>
      %select_n3A_1284 = arith.select %gt3A_1261, %select_n3A_1237, %broadcast_in_dim3A_1256 : vector<16xi1>, vector<16xi32>
      %select_n3A_1285 = arith.select %gt3A_1262, %select_n3A_1283, %select_n3A_1240 : vector<16xi1>, vector<16xf32>
      %select_n3A_1286 = arith.select %gt3A_1262, %select_n3A_1284, %select_n3A_1241 : vector<16xi1>, vector<16xi32>
      %select_n3A_1287 = arith.select %gt3A_1262, %select_n3A_1240, %get3A_1254 : vector<16xi1>, vector<16xf32>
      %select_n3A_1288 = arith.select %gt3A_1262, %select_n3A_1241, %broadcast_in_dim3A_1256 : vector<16xi1>, vector<16xi32>
      %select_n3A_1289 = arith.select %gt3A_1263, %select_n3A_1287, %select_n3A_1244 : vector<16xi1>, vector<16xf32>
      %select_n3A_1290 = arith.select %gt3A_1263, %select_n3A_1288, %select_n3A_1245 : vector<16xi1>, vector<16xi32>
      %select_n3A_1291 = arith.select %gt3A_1263, %select_n3A_1244, %get3A_1254 : vector<16xi1>, vector<16xf32>
      %select_n3A_1292 = arith.select %gt3A_1263, %select_n3A_1245, %broadcast_in_dim3A_1256 : vector<16xi1>, vector<16xi32>
      %select_n3A_1293 = arith.select %gt3A_1264, %select_n3A_1291, %select_n3A_1248 : vector<16xi1>, vector<16xf32>
      %select_n3A_1294 = arith.select %gt3A_1264, %select_n3A_1292, %select_n3A_1249 : vector<16xi1>, vector<16xi32>
      %get3A_1295 = arith.constant 28 : i32
      %get3A_1296 = arith.index_cast %get3A_1295 : i32 to index
      %get3A_1297 = arith.index_cast %mul3A_36 : i32 to index
      %get3A_1298 = tpu.vector_load %arg6[%get3A_1296, %get3A_1297] {strides = array<i32>} : memref<64x256xf32, #tpu.memory_space<vmem>>, vector<1x16xf32>,
      %get3A_1299 = vector.shape_cast %get3A_1298 : vector<1x16xf32> to vector<16xf32>
      %broadcast_in_dim3A_1300 = arith.constant 28 : i32
      %broadcast_in_dim3A_1301 = vector.broadcast %broadcast_in_dim3A_1300 : i32 to vector<16xi32>
      %gt3A_1302 = arith.cmpf ogt, %get3A_1299, %select_n3A_1265 : vector<16xf32>
      %gt3A_1303 = arith.cmpf ogt, %get3A_1299, %select_n3A_1269 : vector<16xf32>
      %gt3A_1304 = arith.cmpf ogt, %get3A_1299, %select_n3A_1273 : vector<16xf32>
      %gt3A_1305 = arith.cmpf ogt, %get3A_1299, %select_n3A_1277 : vector<16xf32>
      %gt3A_1306 = arith.cmpf ogt, %get3A_1299, %select_n3A_1281 : vector<16xf32>
      %gt3A_1307 = arith.cmpf ogt, %get3A_1299, %select_n3A_1285 : vector<16xf32>
      %gt3A_1308 = arith.cmpf ogt, %get3A_1299, %select_n3A_1289 : vector<16xf32>
      %gt3A_1309 = arith.cmpf ogt, %get3A_1299, %select_n3A_1293 : vector<16xf32>
      %select_n3A_1310 = arith.select %gt3A_1302, %get3A_1299, %select_n3A_1265 : vector<16xi1>, vector<16xf32>
      %select_n3A_1311 = arith.select %gt3A_1302, %broadcast_in_dim3A_1301, %select_n3A_1266 : vector<16xi1>, vector<16xi32>
      %select_n3A_1312 = arith.select %gt3A_1302, %select_n3A_1265, %get3A_1299 : vector<16xi1>, vector<16xf32>
      %select_n3A_1313 = arith.select %gt3A_1302, %select_n3A_1266, %broadcast_in_dim3A_1301 : vector<16xi1>, vector<16xi32>
      %select_n3A_1314 = arith.select %gt3A_1303, %select_n3A_1312, %select_n3A_1269 : vector<16xi1>, vector<16xf32>
      %select_n3A_1315 = arith.select %gt3A_1303, %select_n3A_1313, %select_n3A_1270 : vector<16xi1>, vector<16xi32>
      %select_n3A_1316 = arith.select %gt3A_1303, %select_n3A_1269, %get3A_1299 : vector<16xi1>, vector<16xf32>
      %select_n3A_1317 = arith.select %gt3A_1303, %select_n3A_1270, %broadcast_in_dim3A_1301 : vector<16xi1>, vector<16xi32>
      %select_n3A_1318 = arith.select %gt3A_1304, %select_n3A_1316, %select_n3A_1273 : vector<16xi1>, vector<16xf32>
      %select_n3A_1319 = arith.select %gt3A_1304, %select_n3A_1317, %select_n3A_1274 : vector<16xi1>, vector<16xi32>
      %select_n3A_1320 = arith.select %gt3A_1304, %select_n3A_1273, %get3A_1299 : vector<16xi1>, vector<16xf32>
      %select_n3A_1321 = arith.select %gt3A_1304, %select_n3A_1274, %broadcast_in_dim3A_1301 : vector<16xi1>, vector<16xi32>
      %select_n3A_1322 = arith.select %gt3A_1305, %select_n3A_1320, %select_n3A_1277 : vector<16xi1>, vector<16xf32>
      %select_n3A_1323 = arith.select %gt3A_1305, %select_n3A_1321, %select_n3A_1278 : vector<16xi1>, vector<16xi32>
      %select_n3A_1324 = arith.select %gt3A_1305, %select_n3A_1277, %get3A_1299 : vector<16xi1>, vector<16xf32>
      %select_n3A_1325 = arith.select %gt3A_1305, %select_n3A_1278, %broadcast_in_dim3A_1301 : vector<16xi1>, vector<16xi32>
      %select_n3A_1326 = arith.select %gt3A_1306, %select_n3A_1324, %select_n3A_1281 : vector<16xi1>, vector<16xf32>
      %select_n3A_1327 = arith.select %gt3A_1306, %select_n3A_1325, %select_n3A_1282 : vector<16xi1>, vector<16xi32>
      %select_n3A_1328 = arith.select %gt3A_1306, %select_n3A_1281, %get3A_1299 : vector<16xi1>, vector<16xf32>
      %select_n3A_1329 = arith.select %gt3A_1306, %select_n3A_1282, %broadcast_in_dim3A_1301 : vector<16xi1>, vector<16xi32>
      %select_n3A_1330 = arith.select %gt3A_1307, %select_n3A_1328, %select_n3A_1285 : vector<16xi1>, vector<16xf32>
      %select_n3A_1331 = arith.select %gt3A_1307, %select_n3A_1329, %select_n3A_1286 : vector<16xi1>, vector<16xi32>
      %select_n3A_1332 = arith.select %gt3A_1307, %select_n3A_1285, %get3A_1299 : vector<16xi1>, vector<16xf32>
      %select_n3A_1333 = arith.select %gt3A_1307, %select_n3A_1286, %broadcast_in_dim3A_1301 : vector<16xi1>, vector<16xi32>
      %select_n3A_1334 = arith.select %gt3A_1308, %select_n3A_1332, %select_n3A_1289 : vector<16xi1>, vector<16xf32>
      %select_n3A_1335 = arith.select %gt3A_1308, %select_n3A_1333, %select_n3A_1290 : vector<16xi1>, vector<16xi32>
      %select_n3A_1336 = arith.select %gt3A_1308, %select_n3A_1289, %get3A_1299 : vector<16xi1>, vector<16xf32>
      %select_n3A_1337 = arith.select %gt3A_1308, %select_n3A_1290, %broadcast_in_dim3A_1301 : vector<16xi1>, vector<16xi32>
      %select_n3A_1338 = arith.select %gt3A_1309, %select_n3A_1336, %select_n3A_1293 : vector<16xi1>, vector<16xf32>
      %select_n3A_1339 = arith.select %gt3A_1309, %select_n3A_1337, %select_n3A_1294 : vector<16xi1>, vector<16xi32>
      %get3A_1340 = arith.constant 29 : i32
      %get3A_1341 = arith.index_cast %get3A_1340 : i32 to index
      %get3A_1342 = arith.index_cast %mul3A_36 : i32 to index
      %get3A_1343 = tpu.vector_load %arg6[%get3A_1341, %get3A_1342] {strides = array<i32>} : memref<64x256xf32, #tpu.memory_space<vmem>>, vector<1x16xf32>,
      %get3A_1344 = vector.shape_cast %get3A_1343 : vector<1x16xf32> to vector<16xf32>
      %broadcast_in_dim3A_1345 = arith.constant 29 : i32
      %broadcast_in_dim3A_1346 = vector.broadcast %broadcast_in_dim3A_1345 : i32 to vector<16xi32>
      %gt3A_1347 = arith.cmpf ogt, %get3A_1344, %select_n3A_1310 : vector<16xf32>
      %gt3A_1348 = arith.cmpf ogt, %get3A_1344, %select_n3A_1314 : vector<16xf32>
      %gt3A_1349 = arith.cmpf ogt, %get3A_1344, %select_n3A_1318 : vector<16xf32>
      %gt3A_1350 = arith.cmpf ogt, %get3A_1344, %select_n3A_1322 : vector<16xf32>
      %gt3A_1351 = arith.cmpf ogt, %get3A_1344, %select_n3A_1326 : vector<16xf32>
      %gt3A_1352 = arith.cmpf ogt, %get3A_1344, %select_n3A_1330 : vector<16xf32>
      %gt3A_1353 = arith.cmpf ogt, %get3A_1344, %select_n3A_1334 : vector<16xf32>
      %gt3A_1354 = arith.cmpf ogt, %get3A_1344, %select_n3A_1338 : vector<16xf32>
      %select_n3A_1355 = arith.select %gt3A_1347, %get3A_1344, %select_n3A_1310 : vector<16xi1>, vector<16xf32>
      %select_n3A_1356 = arith.select %gt3A_1347, %broadcast_in_dim3A_1346, %select_n3A_1311 : vector<16xi1>, vector<16xi32>
      %select_n3A_1357 = arith.select %gt3A_1347, %select_n3A_1310, %get3A_1344 : vector<16xi1>, vector<16xf32>
      %select_n3A_1358 = arith.select %gt3A_1347, %select_n3A_1311, %broadcast_in_dim3A_1346 : vector<16xi1>, vector<16xi32>
      %select_n3A_1359 = arith.select %gt3A_1348, %select_n3A_1357, %select_n3A_1314 : vector<16xi1>, vector<16xf32>
      %select_n3A_1360 = arith.select %gt3A_1348, %select_n3A_1358, %select_n3A_1315 : vector<16xi1>, vector<16xi32>
      %select_n3A_1361 = arith.select %gt3A_1348, %select_n3A_1314, %get3A_1344 : vector<16xi1>, vector<16xf32>
      %select_n3A_1362 = arith.select %gt3A_1348, %select_n3A_1315, %broadcast_in_dim3A_1346 : vector<16xi1>, vector<16xi32>
      %select_n3A_1363 = arith.select %gt3A_1349, %select_n3A_1361, %select_n3A_1318 : vector<16xi1>, vector<16xf32>
      %select_n3A_1364 = arith.select %gt3A_1349, %select_n3A_1362, %select_n3A_1319 : vector<16xi1>, vector<16xi32>
      %select_n3A_1365 = arith.select %gt3A_1349, %select_n3A_1318, %get3A_1344 : vector<16xi1>, vector<16xf32>
      %select_n3A_1366 = arith.select %gt3A_1349, %select_n3A_1319, %broadcast_in_dim3A_1346 : vector<16xi1>, vector<16xi32>
      %select_n3A_1367 = arith.select %gt3A_1350, %select_n3A_1365, %select_n3A_1322 : vector<16xi1>, vector<16xf32>
      %select_n3A_1368 = arith.select %gt3A_1350, %select_n3A_1366, %select_n3A_1323 : vector<16xi1>, vector<16xi32>
      %select_n3A_1369 = arith.select %gt3A_1350, %select_n3A_1322, %get3A_1344 : vector<16xi1>, vector<16xf32>
      %select_n3A_1370 = arith.select %gt3A_1350, %select_n3A_1323, %broadcast_in_dim3A_1346 : vector<16xi1>, vector<16xi32>
      %select_n3A_1371 = arith.select %gt3A_1351, %select_n3A_1369, %select_n3A_1326 : vector<16xi1>, vector<16xf32>
      %select_n3A_1372 = arith.select %gt3A_1351, %select_n3A_1370, %select_n3A_1327 : vector<16xi1>, vector<16xi32>
      %select_n3A_1373 = arith.select %gt3A_1351, %select_n3A_1326, %get3A_1344 : vector<16xi1>, vector<16xf32>
      %select_n3A_1374 = arith.select %gt3A_1351, %select_n3A_1327, %broadcast_in_dim3A_1346 : vector<16xi1>, vector<16xi32>
      %select_n3A_1375 = arith.select %gt3A_1352, %select_n3A_1373, %select_n3A_1330 : vector<16xi1>, vector<16xf32>
      %select_n3A_1376 = arith.select %gt3A_1352, %select_n3A_1374, %select_n3A_1331 : vector<16xi1>, vector<16xi32>
      %select_n3A_1377 = arith.select %gt3A_1352, %select_n3A_1330, %get3A_1344 : vector<16xi1>, vector<16xf32>
      %select_n3A_1378 = arith.select %gt3A_1352, %select_n3A_1331, %broadcast_in_dim3A_1346 : vector<16xi1>, vector<16xi32>
      %select_n3A_1379 = arith.select %gt3A_1353, %select_n3A_1377, %select_n3A_1334 : vector<16xi1>, vector<16xf32>
      %select_n3A_1380 = arith.select %gt3A_1353, %select_n3A_1378, %select_n3A_1335 : vector<16xi1>, vector<16xi32>
      %select_n3A_1381 = arith.select %gt3A_1353, %select_n3A_1334, %get3A_1344 : vector<16xi1>, vector<16xf32>
      %select_n3A_1382 = arith.select %gt3A_1353, %select_n3A_1335, %broadcast_in_dim3A_1346 : vector<16xi1>, vector<16xi32>
      %select_n3A_1383 = arith.select %gt3A_1354, %select_n3A_1381, %select_n3A_1338 : vector<16xi1>, vector<16xf32>
      %select_n3A_1384 = arith.select %gt3A_1354, %select_n3A_1382, %select_n3A_1339 : vector<16xi1>, vector<16xi32>
      %get3A_1385 = arith.constant 30 : i32
      %get3A_1386 = arith.index_cast %get3A_1385 : i32 to index
      %get3A_1387 = arith.index_cast %mul3A_36 : i32 to index
      %get3A_1388 = tpu.vector_load %arg6[%get3A_1386, %get3A_1387] {strides = array<i32>} : memref<64x256xf32, #tpu.memory_space<vmem>>, vector<1x16xf32>,
      %get3A_1389 = vector.shape_cast %get3A_1388 : vector<1x16xf32> to vector<16xf32>
      %broadcast_in_dim3A_1390 = arith.constant 30 : i32
      %broadcast_in_dim3A_1391 = vector.broadcast %broadcast_in_dim3A_1390 : i32 to vector<16xi32>
      %gt3A_1392 = arith.cmpf ogt, %get3A_1389, %select_n3A_1355 : vector<16xf32>
      %gt3A_1393 = arith.cmpf ogt, %get3A_1389, %select_n3A_1359 : vector<16xf32>
      %gt3A_1394 = arith.cmpf ogt, %get3A_1389, %select_n3A_1363 : vector<16xf32>
      %gt3A_1395 = arith.cmpf ogt, %get3A_1389, %select_n3A_1367 : vector<16xf32>
      %gt3A_1396 = arith.cmpf ogt, %get3A_1389, %select_n3A_1371 : vector<16xf32>
      %gt3A_1397 = arith.cmpf ogt, %get3A_1389, %select_n3A_1375 : vector<16xf32>
      %gt3A_1398 = arith.cmpf ogt, %get3A_1389, %select_n3A_1379 : vector<16xf32>
      %gt3A_1399 = arith.cmpf ogt, %get3A_1389, %select_n3A_1383 : vector<16xf32>
      %select_n3A_1400 = arith.select %gt3A_1392, %get3A_1389, %select_n3A_1355 : vector<16xi1>, vector<16xf32>
      %select_n3A_1401 = arith.select %gt3A_1392, %broadcast_in_dim3A_1391, %select_n3A_1356 : vector<16xi1>, vector<16xi32>
      %select_n3A_1402 = arith.select %gt3A_1392, %select_n3A_1355, %get3A_1389 : vector<16xi1>, vector<16xf32>
      %select_n3A_1403 = arith.select %gt3A_1392, %select_n3A_1356, %broadcast_in_dim3A_1391 : vector<16xi1>, vector<16xi32>
      %select_n3A_1404 = arith.select %gt3A_1393, %select_n3A_1402, %select_n3A_1359 : vector<16xi1>, vector<16xf32>
      %select_n3A_1405 = arith.select %gt3A_1393, %select_n3A_1403, %select_n3A_1360 : vector<16xi1>, vector<16xi32>
      %select_n3A_1406 = arith.select %gt3A_1393, %select_n3A_1359, %get3A_1389 : vector<16xi1>, vector<16xf32>
      %select_n3A_1407 = arith.select %gt3A_1393, %select_n3A_1360, %broadcast_in_dim3A_1391 : vector<16xi1>, vector<16xi32>
      %select_n3A_1408 = arith.select %gt3A_1394, %select_n3A_1406, %select_n3A_1363 : vector<16xi1>, vector<16xf32>
      %select_n3A_1409 = arith.select %gt3A_1394, %select_n3A_1407, %select_n3A_1364 : vector<16xi1>, vector<16xi32>
      %select_n3A_1410 = arith.select %gt3A_1394, %select_n3A_1363, %get3A_1389 : vector<16xi1>, vector<16xf32>
      %select_n3A_1411 = arith.select %gt3A_1394, %select_n3A_1364, %broadcast_in_dim3A_1391 : vector<16xi1>, vector<16xi32>
      %select_n3A_1412 = arith.select %gt3A_1395, %select_n3A_1410, %select_n3A_1367 : vector<16xi1>, vector<16xf32>
      %select_n3A_1413 = arith.select %gt3A_1395, %select_n3A_1411, %select_n3A_1368 : vector<16xi1>, vector<16xi32>
      %select_n3A_1414 = arith.select %gt3A_1395, %select_n3A_1367, %get3A_1389 : vector<16xi1>, vector<16xf32>
      %select_n3A_1415 = arith.select %gt3A_1395, %select_n3A_1368, %broadcast_in_dim3A_1391 : vector<16xi1>, vector<16xi32>
      %select_n3A_1416 = arith.select %gt3A_1396, %select_n3A_1414, %select_n3A_1371 : vector<16xi1>, vector<16xf32>
      %select_n3A_1417 = arith.select %gt3A_1396, %select_n3A_1415, %select_n3A_1372 : vector<16xi1>, vector<16xi32>
      %select_n3A_1418 = arith.select %gt3A_1396, %select_n3A_1371, %get3A_1389 : vector<16xi1>, vector<16xf32>
      %select_n3A_1419 = arith.select %gt3A_1396, %select_n3A_1372, %broadcast_in_dim3A_1391 : vector<16xi1>, vector<16xi32>
      %select_n3A_1420 = arith.select %gt3A_1397, %select_n3A_1418, %select_n3A_1375 : vector<16xi1>, vector<16xf32>
      %select_n3A_1421 = arith.select %gt3A_1397, %select_n3A_1419, %select_n3A_1376 : vector<16xi1>, vector<16xi32>
      %select_n3A_1422 = arith.select %gt3A_1397, %select_n3A_1375, %get3A_1389 : vector<16xi1>, vector<16xf32>
      %select_n3A_1423 = arith.select %gt3A_1397, %select_n3A_1376, %broadcast_in_dim3A_1391 : vector<16xi1>, vector<16xi32>
      %select_n3A_1424 = arith.select %gt3A_1398, %select_n3A_1422, %select_n3A_1379 : vector<16xi1>, vector<16xf32>
      %select_n3A_1425 = arith.select %gt3A_1398, %select_n3A_1423, %select_n3A_1380 : vector<16xi1>, vector<16xi32>
      %select_n3A_1426 = arith.select %gt3A_1398, %select_n3A_1379, %get3A_1389 : vector<16xi1>, vector<16xf32>
      %select_n3A_1427 = arith.select %gt3A_1398, %select_n3A_1380, %broadcast_in_dim3A_1391 : vector<16xi1>, vector<16xi32>
      %select_n3A_1428 = arith.select %gt3A_1399, %select_n3A_1426, %select_n3A_1383 : vector<16xi1>, vector<16xf32>
      %select_n3A_1429 = arith.select %gt3A_1399, %select_n3A_1427, %select_n3A_1384 : vector<16xi1>, vector<16xi32>
      %get3A_1430 = arith.constant 31 : i32
      %get3A_1431 = arith.index_cast %get3A_1430 : i32 to index
      %get3A_1432 = arith.index_cast %mul3A_36 : i32 to index
      %get3A_1433 = tpu.vector_load %arg6[%get3A_1431, %get3A_1432] {strides = array<i32>} : memref<64x256xf32, #tpu.memory_space<vmem>>, vector<1x16xf32>,
      %get3A_1434 = vector.shape_cast %get3A_1433 : vector<1x16xf32> to vector<16xf32>
      %broadcast_in_dim3A_1435 = arith.constant 31 : i32
      %broadcast_in_dim3A_1436 = vector.broadcast %broadcast_in_dim3A_1435 : i32 to vector<16xi32>
      %gt3A_1437 = arith.cmpf ogt, %get3A_1434, %select_n3A_1400 : vector<16xf32>
      %gt3A_1438 = arith.cmpf ogt, %get3A_1434, %select_n3A_1404 : vector<16xf32>
      %gt3A_1439 = arith.cmpf ogt, %get3A_1434, %select_n3A_1408 : vector<16xf32>
      %gt3A_1440 = arith.cmpf ogt, %get3A_1434, %select_n3A_1412 : vector<16xf32>
      %gt3A_1441 = arith.cmpf ogt, %get3A_1434, %select_n3A_1416 : vector<16xf32>
      %gt3A_1442 = arith.cmpf ogt, %get3A_1434, %select_n3A_1420 : vector<16xf32>
      %gt3A_1443 = arith.cmpf ogt, %get3A_1434, %select_n3A_1424 : vector<16xf32>
      %gt3A_1444 = arith.cmpf ogt, %get3A_1434, %select_n3A_1428 : vector<16xf32>
      %select_n3A_1445 = arith.select %gt3A_1437, %get3A_1434, %select_n3A_1400 : vector<16xi1>, vector<16xf32>
      %select_n3A_1446 = arith.select %gt3A_1437, %broadcast_in_dim3A_1436, %select_n3A_1401 : vector<16xi1>, vector<16xi32>
      %select_n3A_1447 = arith.select %gt3A_1437, %select_n3A_1400, %get3A_1434 : vector<16xi1>, vector<16xf32>
      %select_n3A_1448 = arith.select %gt3A_1437, %select_n3A_1401, %broadcast_in_dim3A_1436 : vector<16xi1>, vector<16xi32>
      %select_n3A_1449 = arith.select %gt3A_1438, %select_n3A_1447, %select_n3A_1404 : vector<16xi1>, vector<16xf32>
      %select_n3A_1450 = arith.select %gt3A_1438, %select_n3A_1448, %select_n3A_1405 : vector<16xi1>, vector<16xi32>
      %select_n3A_1451 = arith.select %gt3A_1438, %select_n3A_1404, %get3A_1434 : vector<16xi1>, vector<16xf32>
      %select_n3A_1452 = arith.select %gt3A_1438, %select_n3A_1405, %broadcast_in_dim3A_1436 : vector<16xi1>, vector<16xi32>
      %select_n3A_1453 = arith.select %gt3A_1439, %select_n3A_1451, %select_n3A_1408 : vector<16xi1>, vector<16xf32>
      %select_n3A_1454 = arith.select %gt3A_1439, %select_n3A_1452, %select_n3A_1409 : vector<16xi1>, vector<16xi32>
      %select_n3A_1455 = arith.select %gt3A_1439, %select_n3A_1408, %get3A_1434 : vector<16xi1>, vector<16xf32>
      %select_n3A_1456 = arith.select %gt3A_1439, %select_n3A_1409, %broadcast_in_dim3A_1436 : vector<16xi1>, vector<16xi32>
      %select_n3A_1457 = arith.select %gt3A_1440, %select_n3A_1455, %select_n3A_1412 : vector<16xi1>, vector<16xf32>
      %select_n3A_1458 = arith.select %gt3A_1440, %select_n3A_1456, %select_n3A_1413 : vector<16xi1>, vector<16xi32>
      %select_n3A_1459 = arith.select %gt3A_1440, %select_n3A_1412, %get3A_1434 : vector<16xi1>, vector<16xf32>
      %select_n3A_1460 = arith.select %gt3A_1440, %select_n3A_1413, %broadcast_in_dim3A_1436 : vector<16xi1>, vector<16xi32>
      %select_n3A_1461 = arith.select %gt3A_1441, %select_n3A_1459, %select_n3A_1416 : vector<16xi1>, vector<16xf32>
      %select_n3A_1462 = arith.select %gt3A_1441, %select_n3A_1460, %select_n3A_1417 : vector<16xi1>, vector<16xi32>
      %select_n3A_1463 = arith.select %gt3A_1441, %select_n3A_1416, %get3A_1434 : vector<16xi1>, vector<16xf32>
      %select_n3A_1464 = arith.select %gt3A_1441, %select_n3A_1417, %broadcast_in_dim3A_1436 : vector<16xi1>, vector<16xi32>
      %select_n3A_1465 = arith.select %gt3A_1442, %select_n3A_1463, %select_n3A_1420 : vector<16xi1>, vector<16xf32>
      %select_n3A_1466 = arith.select %gt3A_1442, %select_n3A_1464, %select_n3A_1421 : vector<16xi1>, vector<16xi32>
      %select_n3A_1467 = arith.select %gt3A_1442, %select_n3A_1420, %get3A_1434 : vector<16xi1>, vector<16xf32>
      %select_n3A_1468 = arith.select %gt3A_1442, %select_n3A_1421, %broadcast_in_dim3A_1436 : vector<16xi1>, vector<16xi32>
      %select_n3A_1469 = arith.select %gt3A_1443, %select_n3A_1467, %select_n3A_1424 : vector<16xi1>, vector<16xf32>
      %select_n3A_1470 = arith.select %gt3A_1443, %select_n3A_1468, %select_n3A_1425 : vector<16xi1>, vector<16xi32>
      %select_n3A_1471 = arith.select %gt3A_1443, %select_n3A_1424, %get3A_1434 : vector<16xi1>, vector<16xf32>
      %select_n3A_1472 = arith.select %gt3A_1443, %select_n3A_1425, %broadcast_in_dim3A_1436 : vector<16xi1>, vector<16xi32>
      %select_n3A_1473 = arith.select %gt3A_1444, %select_n3A_1471, %select_n3A_1428 : vector<16xi1>, vector<16xf32>
      %select_n3A_1474 = arith.select %gt3A_1444, %select_n3A_1472, %select_n3A_1429 : vector<16xi1>, vector<16xi32>
      %get3A_1475 = arith.constant 32 : i32
      %get3A_1476 = arith.index_cast %get3A_1475 : i32 to index
      %get3A_1477 = arith.index_cast %mul3A_36 : i32 to index
      %get3A_1478 = tpu.vector_load %arg6[%get3A_1476, %get3A_1477] {strides = array<i32>} : memref<64x256xf32, #tpu.memory_space<vmem>>, vector<1x16xf32>,
      %get3A_1479 = vector.shape_cast %get3A_1478 : vector<1x16xf32> to vector<16xf32>
      %broadcast_in_dim3A_1480 = arith.constant 32 : i32
      %broadcast_in_dim3A_1481 = vector.broadcast %broadcast_in_dim3A_1480 : i32 to vector<16xi32>
      %gt3A_1482 = arith.cmpf ogt, %get3A_1479, %select_n3A_1445 : vector<16xf32>
      %gt3A_1483 = arith.cmpf ogt, %get3A_1479, %select_n3A_1449 : vector<16xf32>
      %gt3A_1484 = arith.cmpf ogt, %get3A_1479, %select_n3A_1453 : vector<16xf32>
      %gt3A_1485 = arith.cmpf ogt, %get3A_1479, %select_n3A_1457 : vector<16xf32>
      %gt3A_1486 = arith.cmpf ogt, %get3A_1479, %select_n3A_1461 : vector<16xf32>
      %gt3A_1487 = arith.cmpf ogt, %get3A_1479, %select_n3A_1465 : vector<16xf32>
      %gt3A_1488 = arith.cmpf ogt, %get3A_1479, %select_n3A_1469 : vector<16xf32>
      %gt3A_1489 = arith.cmpf ogt, %get3A_1479, %select_n3A_1473 : vector<16xf32>
      %select_n3A_1490 = arith.select %gt3A_1482, %get3A_1479, %select_n3A_1445 : vector<16xi1>, vector<16xf32>
      %select_n3A_1491 = arith.select %gt3A_1482, %broadcast_in_dim3A_1481, %select_n3A_1446 : vector<16xi1>, vector<16xi32>
      %select_n3A_1492 = arith.select %gt3A_1482, %select_n3A_1445, %get3A_1479 : vector<16xi1>, vector<16xf32>
      %select_n3A_1493 = arith.select %gt3A_1482, %select_n3A_1446, %broadcast_in_dim3A_1481 : vector<16xi1>, vector<16xi32>
      %select_n3A_1494 = arith.select %gt3A_1483, %select_n3A_1492, %select_n3A_1449 : vector<16xi1>, vector<16xf32>
      %select_n3A_1495 = arith.select %gt3A_1483, %select_n3A_1493, %select_n3A_1450 : vector<16xi1>, vector<16xi32>
      %select_n3A_1496 = arith.select %gt3A_1483, %select_n3A_1449, %get3A_1479 : vector<16xi1>, vector<16xf32>
      %select_n3A_1497 = arith.select %gt3A_1483, %select_n3A_1450, %broadcast_in_dim3A_1481 : vector<16xi1>, vector<16xi32>
      %select_n3A_1498 = arith.select %gt3A_1484, %select_n3A_1496, %select_n3A_1453 : vector<16xi1>, vector<16xf32>
      %select_n3A_1499 = arith.select %gt3A_1484, %select_n3A_1497, %select_n3A_1454 : vector<16xi1>, vector<16xi32>
      %select_n3A_1500 = arith.select %gt3A_1484, %select_n3A_1453, %get3A_1479 : vector<16xi1>, vector<16xf32>
      %select_n3A_1501 = arith.select %gt3A_1484, %select_n3A_1454, %broadcast_in_dim3A_1481 : vector<16xi1>, vector<16xi32>
      %select_n3A_1502 = arith.select %gt3A_1485, %select_n3A_1500, %select_n3A_1457 : vector<16xi1>, vector<16xf32>
      %select_n3A_1503 = arith.select %gt3A_1485, %select_n3A_1501, %select_n3A_1458 : vector<16xi1>, vector<16xi32>
      %select_n3A_1504 = arith.select %gt3A_1485, %select_n3A_1457, %get3A_1479 : vector<16xi1>, vector<16xf32>
      %select_n3A_1505 = arith.select %gt3A_1485, %select_n3A_1458, %broadcast_in_dim3A_1481 : vector<16xi1>, vector<16xi32>
      %select_n3A_1506 = arith.select %gt3A_1486, %select_n3A_1504, %select_n3A_1461 : vector<16xi1>, vector<16xf32>
      %select_n3A_1507 = arith.select %gt3A_1486, %select_n3A_1505, %select_n3A_1462 : vector<16xi1>, vector<16xi32>
      %select_n3A_1508 = arith.select %gt3A_1486, %select_n3A_1461, %get3A_1479 : vector<16xi1>, vector<16xf32>
      %select_n3A_1509 = arith.select %gt3A_1486, %select_n3A_1462, %broadcast_in_dim3A_1481 : vector<16xi1>, vector<16xi32>
      %select_n3A_1510 = arith.select %gt3A_1487, %select_n3A_1508, %select_n3A_1465 : vector<16xi1>, vector<16xf32>
      %select_n3A_1511 = arith.select %gt3A_1487, %select_n3A_1509, %select_n3A_1466 : vector<16xi1>, vector<16xi32>
      %select_n3A_1512 = arith.select %gt3A_1487, %select_n3A_1465, %get3A_1479 : vector<16xi1>, vector<16xf32>
      %select_n3A_1513 = arith.select %gt3A_1487, %select_n3A_1466, %broadcast_in_dim3A_1481 : vector<16xi1>, vector<16xi32>
      %select_n3A_1514 = arith.select %gt3A_1488, %select_n3A_1512, %select_n3A_1469 : vector<16xi1>, vector<16xf32>
      %select_n3A_1515 = arith.select %gt3A_1488, %select_n3A_1513, %select_n3A_1470 : vector<16xi1>, vector<16xi32>
      %select_n3A_1516 = arith.select %gt3A_1488, %select_n3A_1469, %get3A_1479 : vector<16xi1>, vector<16xf32>
      %select_n3A_1517 = arith.select %gt3A_1488, %select_n3A_1470, %broadcast_in_dim3A_1481 : vector<16xi1>, vector<16xi32>
      %select_n3A_1518 = arith.select %gt3A_1489, %select_n3A_1516, %select_n3A_1473 : vector<16xi1>, vector<16xf32>
      %select_n3A_1519 = arith.select %gt3A_1489, %select_n3A_1517, %select_n3A_1474 : vector<16xi1>, vector<16xi32>
      %get3A_1520 = arith.constant 33 : i32
      %get3A_1521 = arith.index_cast %get3A_1520 : i32 to index
      %get3A_1522 = arith.index_cast %mul3A_36 : i32 to index
      %get3A_1523 = tpu.vector_load %arg6[%get3A_1521, %get3A_1522] {strides = array<i32>} : memref<64x256xf32, #tpu.memory_space<vmem>>, vector<1x16xf32>,
      %get3A_1524 = vector.shape_cast %get3A_1523 : vector<1x16xf32> to vector<16xf32>
      %broadcast_in_dim3A_1525 = arith.constant 33 : i32
      %broadcast_in_dim3A_1526 = vector.broadcast %broadcast_in_dim3A_1525 : i32 to vector<16xi32>
      %gt3A_1527 = arith.cmpf ogt, %get3A_1524, %select_n3A_1490 : vector<16xf32>
      %gt3A_1528 = arith.cmpf ogt, %get3A_1524, %select_n3A_1494 : vector<16xf32>
      %gt3A_1529 = arith.cmpf ogt, %get3A_1524, %select_n3A_1498 : vector<16xf32>
      %gt3A_1530 = arith.cmpf ogt, %get3A_1524, %select_n3A_1502 : vector<16xf32>
      %gt3A_1531 = arith.cmpf ogt, %get3A_1524, %select_n3A_1506 : vector<16xf32>
      %gt3A_1532 = arith.cmpf ogt, %get3A_1524, %select_n3A_1510 : vector<16xf32>
      %gt3A_1533 = arith.cmpf ogt, %get3A_1524, %select_n3A_1514 : vector<16xf32>
      %gt3A_1534 = arith.cmpf ogt, %get3A_1524, %select_n3A_1518 : vector<16xf32>
      %select_n3A_1535 = arith.select %gt3A_1527, %get3A_1524, %select_n3A_1490 : vector<16xi1>, vector<16xf32>
      %select_n3A_1536 = arith.select %gt3A_1527, %broadcast_in_dim3A_1526, %select_n3A_1491 : vector<16xi1>, vector<16xi32>
      %select_n3A_1537 = arith.select %gt3A_1527, %select_n3A_1490, %get3A_1524 : vector<16xi1>, vector<16xf32>
      %select_n3A_1538 = arith.select %gt3A_1527, %select_n3A_1491, %broadcast_in_dim3A_1526 : vector<16xi1>, vector<16xi32>
      %select_n3A_1539 = arith.select %gt3A_1528, %select_n3A_1537, %select_n3A_1494 : vector<16xi1>, vector<16xf32>
      %select_n3A_1540 = arith.select %gt3A_1528, %select_n3A_1538, %select_n3A_1495 : vector<16xi1>, vector<16xi32>
      %select_n3A_1541 = arith.select %gt3A_1528, %select_n3A_1494, %get3A_1524 : vector<16xi1>, vector<16xf32>
      %select_n3A_1542 = arith.select %gt3A_1528, %select_n3A_1495, %broadcast_in_dim3A_1526 : vector<16xi1>, vector<16xi32>
      %select_n3A_1543 = arith.select %gt3A_1529, %select_n3A_1541, %select_n3A_1498 : vector<16xi1>, vector<16xf32>
      %select_n3A_1544 = arith.select %gt3A_1529, %select_n3A_1542, %select_n3A_1499 : vector<16xi1>, vector<16xi32>
      %select_n3A_1545 = arith.select %gt3A_1529, %select_n3A_1498, %get3A_1524 : vector<16xi1>, vector<16xf32>
      %select_n3A_1546 = arith.select %gt3A_1529, %select_n3A_1499, %broadcast_in_dim3A_1526 : vector<16xi1>, vector<16xi32>
      %select_n3A_1547 = arith.select %gt3A_1530, %select_n3A_1545, %select_n3A_1502 : vector<16xi1>, vector<16xf32>
      %select_n3A_1548 = arith.select %gt3A_1530, %select_n3A_1546, %select_n3A_1503 : vector<16xi1>, vector<16xi32>
      %select_n3A_1549 = arith.select %gt3A_1530, %select_n3A_1502, %get3A_1524 : vector<16xi1>, vector<16xf32>
      %select_n3A_1550 = arith.select %gt3A_1530, %select_n3A_1503, %broadcast_in_dim3A_1526 : vector<16xi1>, vector<16xi32>
      %select_n3A_1551 = arith.select %gt3A_1531, %select_n3A_1549, %select_n3A_1506 : vector<16xi1>, vector<16xf32>
      %select_n3A_1552 = arith.select %gt3A_1531, %select_n3A_1550, %select_n3A_1507 : vector<16xi1>, vector<16xi32>
      %select_n3A_1553 = arith.select %gt3A_1531, %select_n3A_1506, %get3A_1524 : vector<16xi1>, vector<16xf32>
      %select_n3A_1554 = arith.select %gt3A_1531, %select_n3A_1507, %broadcast_in_dim3A_1526 : vector<16xi1>, vector<16xi32>
      %select_n3A_1555 = arith.select %gt3A_1532, %select_n3A_1553, %select_n3A_1510 : vector<16xi1>, vector<16xf32>
      %select_n3A_1556 = arith.select %gt3A_1532, %select_n3A_1554, %select_n3A_1511 : vector<16xi1>, vector<16xi32>
      %select_n3A_1557 = arith.select %gt3A_1532, %select_n3A_1510, %get3A_1524 : vector<16xi1>, vector<16xf32>
      %select_n3A_1558 = arith.select %gt3A_1532, %select_n3A_1511, %broadcast_in_dim3A_1526 : vector<16xi1>, vector<16xi32>
      %select_n3A_1559 = arith.select %gt3A_1533, %select_n3A_1557, %select_n3A_1514 : vector<16xi1>, vector<16xf32>
      %select_n3A_1560 = arith.select %gt3A_1533, %select_n3A_1558, %select_n3A_1515 : vector<16xi1>, vector<16xi32>
      %select_n3A_1561 = arith.select %gt3A_1533, %select_n3A_1514, %get3A_1524 : vector<16xi1>, vector<16xf32>
      %select_n3A_1562 = arith.select %gt3A_1533, %select_n3A_1515, %broadcast_in_dim3A_1526 : vector<16xi1>, vector<16xi32>
      %select_n3A_1563 = arith.select %gt3A_1534, %select_n3A_1561, %select_n3A_1518 : vector<16xi1>, vector<16xf32>
      %select_n3A_1564 = arith.select %gt3A_1534, %select_n3A_1562, %select_n3A_1519 : vector<16xi1>, vector<16xi32>
      %get3A_1565 = arith.constant 34 : i32
      %get3A_1566 = arith.index_cast %get3A_1565 : i32 to index
      %get3A_1567 = arith.index_cast %mul3A_36 : i32 to index
      %get3A_1568 = tpu.vector_load %arg6[%get3A_1566, %get3A_1567] {strides = array<i32>} : memref<64x256xf32, #tpu.memory_space<vmem>>, vector<1x16xf32>,
      %get3A_1569 = vector.shape_cast %get3A_1568 : vector<1x16xf32> to vector<16xf32>
      %broadcast_in_dim3A_1570 = arith.constant 34 : i32
      %broadcast_in_dim3A_1571 = vector.broadcast %broadcast_in_dim3A_1570 : i32 to vector<16xi32>
      %gt3A_1572 = arith.cmpf ogt, %get3A_1569, %select_n3A_1535 : vector<16xf32>
      %gt3A_1573 = arith.cmpf ogt, %get3A_1569, %select_n3A_1539 : vector<16xf32>
      %gt3A_1574 = arith.cmpf ogt, %get3A_1569, %select_n3A_1543 : vector<16xf32>
      %gt3A_1575 = arith.cmpf ogt, %get3A_1569, %select_n3A_1547 : vector<16xf32>
      %gt3A_1576 = arith.cmpf ogt, %get3A_1569, %select_n3A_1551 : vector<16xf32>
      %gt3A_1577 = arith.cmpf ogt, %get3A_1569, %select_n3A_1555 : vector<16xf32>
      %gt3A_1578 = arith.cmpf ogt, %get3A_1569, %select_n3A_1559 : vector<16xf32>
      %gt3A_1579 = arith.cmpf ogt, %get3A_1569, %select_n3A_1563 : vector<16xf32>
      %select_n3A_1580 = arith.select %gt3A_1572, %get3A_1569, %select_n3A_1535 : vector<16xi1>, vector<16xf32>
      %select_n3A_1581 = arith.select %gt3A_1572, %broadcast_in_dim3A_1571, %select_n3A_1536 : vector<16xi1>, vector<16xi32>
      %select_n3A_1582 = arith.select %gt3A_1572, %select_n3A_1535, %get3A_1569 : vector<16xi1>, vector<16xf32>
      %select_n3A_1583 = arith.select %gt3A_1572, %select_n3A_1536, %broadcast_in_dim3A_1571 : vector<16xi1>, vector<16xi32>
      %select_n3A_1584 = arith.select %gt3A_1573, %select_n3A_1582, %select_n3A_1539 : vector<16xi1>, vector<16xf32>
      %select_n3A_1585 = arith.select %gt3A_1573, %select_n3A_1583, %select_n3A_1540 : vector<16xi1>, vector<16xi32>
      %select_n3A_1586 = arith.select %gt3A_1573, %select_n3A_1539, %get3A_1569 : vector<16xi1>, vector<16xf32>
      %select_n3A_1587 = arith.select %gt3A_1573, %select_n3A_1540, %broadcast_in_dim3A_1571 : vector<16xi1>, vector<16xi32>
      %select_n3A_1588 = arith.select %gt3A_1574, %select_n3A_1586, %select_n3A_1543 : vector<16xi1>, vector<16xf32>
      %select_n3A_1589 = arith.select %gt3A_1574, %select_n3A_1587, %select_n3A_1544 : vector<16xi1>, vector<16xi32>
      %select_n3A_1590 = arith.select %gt3A_1574, %select_n3A_1543, %get3A_1569 : vector<16xi1>, vector<16xf32>
      %select_n3A_1591 = arith.select %gt3A_1574, %select_n3A_1544, %broadcast_in_dim3A_1571 : vector<16xi1>, vector<16xi32>
      %select_n3A_1592 = arith.select %gt3A_1575, %select_n3A_1590, %select_n3A_1547 : vector<16xi1>, vector<16xf32>
      %select_n3A_1593 = arith.select %gt3A_1575, %select_n3A_1591, %select_n3A_1548 : vector<16xi1>, vector<16xi32>
      %select_n3A_1594 = arith.select %gt3A_1575, %select_n3A_1547, %get3A_1569 : vector<16xi1>, vector<16xf32>
      %select_n3A_1595 = arith.select %gt3A_1575, %select_n3A_1548, %broadcast_in_dim3A_1571 : vector<16xi1>, vector<16xi32>
      %select_n3A_1596 = arith.select %gt3A_1576, %select_n3A_1594, %select_n3A_1551 : vector<16xi1>, vector<16xf32>
      %select_n3A_1597 = arith.select %gt3A_1576, %select_n3A_1595, %select_n3A_1552 : vector<16xi1>, vector<16xi32>
      %select_n3A_1598 = arith.select %gt3A_1576, %select_n3A_1551, %get3A_1569 : vector<16xi1>, vector<16xf32>
      %select_n3A_1599 = arith.select %gt3A_1576, %select_n3A_1552, %broadcast_in_dim3A_1571 : vector<16xi1>, vector<16xi32>
      %select_n3A_1600 = arith.select %gt3A_1577, %select_n3A_1598, %select_n3A_1555 : vector<16xi1>, vector<16xf32>
      %select_n3A_1601 = arith.select %gt3A_1577, %select_n3A_1599, %select_n3A_1556 : vector<16xi1>, vector<16xi32>
      %select_n3A_1602 = arith.select %gt3A_1577, %select_n3A_1555, %get3A_1569 : vector<16xi1>, vector<16xf32>
      %select_n3A_1603 = arith.select %gt3A_1577, %select_n3A_1556, %broadcast_in_dim3A_1571 : vector<16xi1>, vector<16xi32>
      %select_n3A_1604 = arith.select %gt3A_1578, %select_n3A_1602, %select_n3A_1559 : vector<16xi1>, vector<16xf32>
      %select_n3A_1605 = arith.select %gt3A_1578, %select_n3A_1603, %select_n3A_1560 : vector<16xi1>, vector<16xi32>
      %select_n3A_1606 = arith.select %gt3A_1578, %select_n3A_1559, %get3A_1569 : vector<16xi1>, vector<16xf32>
      %select_n3A_1607 = arith.select %gt3A_1578, %select_n3A_1560, %broadcast_in_dim3A_1571 : vector<16xi1>, vector<16xi32>
      %select_n3A_1608 = arith.select %gt3A_1579, %select_n3A_1606, %select_n3A_1563 : vector<16xi1>, vector<16xf32>
      %select_n3A_1609 = arith.select %gt3A_1579, %select_n3A_1607, %select_n3A_1564 : vector<16xi1>, vector<16xi32>
      %get3A_1610 = arith.constant 35 : i32
      %get3A_1611 = arith.index_cast %get3A_1610 : i32 to index
      %get3A_1612 = arith.index_cast %mul3A_36 : i32 to index
      %get3A_1613 = tpu.vector_load %arg6[%get3A_1611, %get3A_1612] {strides = array<i32>} : memref<64x256xf32, #tpu.memory_space<vmem>>, vector<1x16xf32>,
      %get3A_1614 = vector.shape_cast %get3A_1613 : vector<1x16xf32> to vector<16xf32>
      %broadcast_in_dim3A_1615 = arith.constant 35 : i32
      %broadcast_in_dim3A_1616 = vector.broadcast %broadcast_in_dim3A_1615 : i32 to vector<16xi32>
      %gt3A_1617 = arith.cmpf ogt, %get3A_1614, %select_n3A_1580 : vector<16xf32>
      %gt3A_1618 = arith.cmpf ogt, %get3A_1614, %select_n3A_1584 : vector<16xf32>
      %gt3A_1619 = arith.cmpf ogt, %get3A_1614, %select_n3A_1588 : vector<16xf32>
      %gt3A_1620 = arith.cmpf ogt, %get3A_1614, %select_n3A_1592 : vector<16xf32>
      %gt3A_1621 = arith.cmpf ogt, %get3A_1614, %select_n3A_1596 : vector<16xf32>
      %gt3A_1622 = arith.cmpf ogt, %get3A_1614, %select_n3A_1600 : vector<16xf32>
      %gt3A_1623 = arith.cmpf ogt, %get3A_1614, %select_n3A_1604 : vector<16xf32>
      %gt3A_1624 = arith.cmpf ogt, %get3A_1614, %select_n3A_1608 : vector<16xf32>
      %select_n3A_1625 = arith.select %gt3A_1617, %get3A_1614, %select_n3A_1580 : vector<16xi1>, vector<16xf32>
      %select_n3A_1626 = arith.select %gt3A_1617, %broadcast_in_dim3A_1616, %select_n3A_1581 : vector<16xi1>, vector<16xi32>
      %select_n3A_1627 = arith.select %gt3A_1617, %select_n3A_1580, %get3A_1614 : vector<16xi1>, vector<16xf32>
      %select_n3A_1628 = arith.select %gt3A_1617, %select_n3A_1581, %broadcast_in_dim3A_1616 : vector<16xi1>, vector<16xi32>
      %select_n3A_1629 = arith.select %gt3A_1618, %select_n3A_1627, %select_n3A_1584 : vector<16xi1>, vector<16xf32>
      %select_n3A_1630 = arith.select %gt3A_1618, %select_n3A_1628, %select_n3A_1585 : vector<16xi1>, vector<16xi32>
      %select_n3A_1631 = arith.select %gt3A_1618, %select_n3A_1584, %get3A_1614 : vector<16xi1>, vector<16xf32>
      %select_n3A_1632 = arith.select %gt3A_1618, %select_n3A_1585, %broadcast_in_dim3A_1616 : vector<16xi1>, vector<16xi32>
      %select_n3A_1633 = arith.select %gt3A_1619, %select_n3A_1631, %select_n3A_1588 : vector<16xi1>, vector<16xf32>
      %select_n3A_1634 = arith.select %gt3A_1619, %select_n3A_1632, %select_n3A_1589 : vector<16xi1>, vector<16xi32>
      %select_n3A_1635 = arith.select %gt3A_1619, %select_n3A_1588, %get3A_1614 : vector<16xi1>, vector<16xf32>
      %select_n3A_1636 = arith.select %gt3A_1619, %select_n3A_1589, %broadcast_in_dim3A_1616 : vector<16xi1>, vector<16xi32>
      %select_n3A_1637 = arith.select %gt3A_1620, %select_n3A_1635, %select_n3A_1592 : vector<16xi1>, vector<16xf32>
      %select_n3A_1638 = arith.select %gt3A_1620, %select_n3A_1636, %select_n3A_1593 : vector<16xi1>, vector<16xi32>
      %select_n3A_1639 = arith.select %gt3A_1620, %select_n3A_1592, %get3A_1614 : vector<16xi1>, vector<16xf32>
      %select_n3A_1640 = arith.select %gt3A_1620, %select_n3A_1593, %broadcast_in_dim3A_1616 : vector<16xi1>, vector<16xi32>
      %select_n3A_1641 = arith.select %gt3A_1621, %select_n3A_1639, %select_n3A_1596 : vector<16xi1>, vector<16xf32>
      %select_n3A_1642 = arith.select %gt3A_1621, %select_n3A_1640, %select_n3A_1597 : vector<16xi1>, vector<16xi32>
      %select_n3A_1643 = arith.select %gt3A_1621, %select_n3A_1596, %get3A_1614 : vector<16xi1>, vector<16xf32>
      %select_n3A_1644 = arith.select %gt3A_1621, %select_n3A_1597, %broadcast_in_dim3A_1616 : vector<16xi1>, vector<16xi32>
      %select_n3A_1645 = arith.select %gt3A_1622, %select_n3A_1643, %select_n3A_1600 : vector<16xi1>, vector<16xf32>
      %select_n3A_1646 = arith.select %gt3A_1622, %select_n3A_1644, %select_n3A_1601 : vector<16xi1>, vector<16xi32>
      %select_n3A_1647 = arith.select %gt3A_1622, %select_n3A_1600, %get3A_1614 : vector<16xi1>, vector<16xf32>
      %select_n3A_1648 = arith.select %gt3A_1622, %select_n3A_1601, %broadcast_in_dim3A_1616 : vector<16xi1>, vector<16xi32>
      %select_n3A_1649 = arith.select %gt3A_1623, %select_n3A_1647, %select_n3A_1604 : vector<16xi1>, vector<16xf32>
      %select_n3A_1650 = arith.select %gt3A_1623, %select_n3A_1648, %select_n3A_1605 : vector<16xi1>, vector<16xi32>
      %select_n3A_1651 = arith.select %gt3A_1623, %select_n3A_1604, %get3A_1614 : vector<16xi1>, vector<16xf32>
      %select_n3A_1652 = arith.select %gt3A_1623, %select_n3A_1605, %broadcast_in_dim3A_1616 : vector<16xi1>, vector<16xi32>
      %select_n3A_1653 = arith.select %gt3A_1624, %select_n3A_1651, %select_n3A_1608 : vector<16xi1>, vector<16xf32>
      %select_n3A_1654 = arith.select %gt3A_1624, %select_n3A_1652, %select_n3A_1609 : vector<16xi1>, vector<16xi32>
      %get3A_1655 = arith.constant 36 : i32
      %get3A_1656 = arith.index_cast %get3A_1655 : i32 to index
      %get3A_1657 = arith.index_cast %mul3A_36 : i32 to index
      %get3A_1658 = tpu.vector_load %arg6[%get3A_1656, %get3A_1657] {strides = array<i32>} : memref<64x256xf32, #tpu.memory_space<vmem>>, vector<1x16xf32>,
      %get3A_1659 = vector.shape_cast %get3A_1658 : vector<1x16xf32> to vector<16xf32>
      %broadcast_in_dim3A_1660 = arith.constant 36 : i32
      %broadcast_in_dim3A_1661 = vector.broadcast %broadcast_in_dim3A_1660 : i32 to vector<16xi32>
      %gt3A_1662 = arith.cmpf ogt, %get3A_1659, %select_n3A_1625 : vector<16xf32>
      %gt3A_1663 = arith.cmpf ogt, %get3A_1659, %select_n3A_1629 : vector<16xf32>
      %gt3A_1664 = arith.cmpf ogt, %get3A_1659, %select_n3A_1633 : vector<16xf32>
      %gt3A_1665 = arith.cmpf ogt, %get3A_1659, %select_n3A_1637 : vector<16xf32>
      %gt3A_1666 = arith.cmpf ogt, %get3A_1659, %select_n3A_1641 : vector<16xf32>
      %gt3A_1667 = arith.cmpf ogt, %get3A_1659, %select_n3A_1645 : vector<16xf32>
      %gt3A_1668 = arith.cmpf ogt, %get3A_1659, %select_n3A_1649 : vector<16xf32>
      %gt3A_1669 = arith.cmpf ogt, %get3A_1659, %select_n3A_1653 : vector<16xf32>
      %select_n3A_1670 = arith.select %gt3A_1662, %get3A_1659, %select_n3A_1625 : vector<16xi1>, vector<16xf32>
      %select_n3A_1671 = arith.select %gt3A_1662, %broadcast_in_dim3A_1661, %select_n3A_1626 : vector<16xi1>, vector<16xi32>
      %select_n3A_1672 = arith.select %gt3A_1662, %select_n3A_1625, %get3A_1659 : vector<16xi1>, vector<16xf32>
      %select_n3A_1673 = arith.select %gt3A_1662, %select_n3A_1626, %broadcast_in_dim3A_1661 : vector<16xi1>, vector<16xi32>
      %select_n3A_1674 = arith.select %gt3A_1663, %select_n3A_1672, %select_n3A_1629 : vector<16xi1>, vector<16xf32>
      %select_n3A_1675 = arith.select %gt3A_1663, %select_n3A_1673, %select_n3A_1630 : vector<16xi1>, vector<16xi32>
      %select_n3A_1676 = arith.select %gt3A_1663, %select_n3A_1629, %get3A_1659 : vector<16xi1>, vector<16xf32>
      %select_n3A_1677 = arith.select %gt3A_1663, %select_n3A_1630, %broadcast_in_dim3A_1661 : vector<16xi1>, vector<16xi32>
      %select_n3A_1678 = arith.select %gt3A_1664, %select_n3A_1676, %select_n3A_1633 : vector<16xi1>, vector<16xf32>
      %select_n3A_1679 = arith.select %gt3A_1664, %select_n3A_1677, %select_n3A_1634 : vector<16xi1>, vector<16xi32>
      %select_n3A_1680 = arith.select %gt3A_1664, %select_n3A_1633, %get3A_1659 : vector<16xi1>, vector<16xf32>
      %select_n3A_1681 = arith.select %gt3A_1664, %select_n3A_1634, %broadcast_in_dim3A_1661 : vector<16xi1>, vector<16xi32>
      %select_n3A_1682 = arith.select %gt3A_1665, %select_n3A_1680, %select_n3A_1637 : vector<16xi1>, vector<16xf32>
      %select_n3A_1683 = arith.select %gt3A_1665, %select_n3A_1681, %select_n3A_1638 : vector<16xi1>, vector<16xi32>
      %select_n3A_1684 = arith.select %gt3A_1665, %select_n3A_1637, %get3A_1659 : vector<16xi1>, vector<16xf32>
      %select_n3A_1685 = arith.select %gt3A_1665, %select_n3A_1638, %broadcast_in_dim3A_1661 : vector<16xi1>, vector<16xi32>
      %select_n3A_1686 = arith.select %gt3A_1666, %select_n3A_1684, %select_n3A_1641 : vector<16xi1>, vector<16xf32>
      %select_n3A_1687 = arith.select %gt3A_1666, %select_n3A_1685, %select_n3A_1642 : vector<16xi1>, vector<16xi32>
      %select_n3A_1688 = arith.select %gt3A_1666, %select_n3A_1641, %get3A_1659 : vector<16xi1>, vector<16xf32>
      %select_n3A_1689 = arith.select %gt3A_1666, %select_n3A_1642, %broadcast_in_dim3A_1661 : vector<16xi1>, vector<16xi32>
      %select_n3A_1690 = arith.select %gt3A_1667, %select_n3A_1688, %select_n3A_1645 : vector<16xi1>, vector<16xf32>
      %select_n3A_1691 = arith.select %gt3A_1667, %select_n3A_1689, %select_n3A_1646 : vector<16xi1>, vector<16xi32>
      %select_n3A_1692 = arith.select %gt3A_1667, %select_n3A_1645, %get3A_1659 : vector<16xi1>, vector<16xf32>
      %select_n3A_1693 = arith.select %gt3A_1667, %select_n3A_1646, %broadcast_in_dim3A_1661 : vector<16xi1>, vector<16xi32>
      %select_n3A_1694 = arith.select %gt3A_1668, %select_n3A_1692, %select_n3A_1649 : vector<16xi1>, vector<16xf32>
      %select_n3A_1695 = arith.select %gt3A_1668, %select_n3A_1693, %select_n3A_1650 : vector<16xi1>, vector<16xi32>
      %select_n3A_1696 = arith.select %gt3A_1668, %select_n3A_1649, %get3A_1659 : vector<16xi1>, vector<16xf32>
      %select_n3A_1697 = arith.select %gt3A_1668, %select_n3A_1650, %broadcast_in_dim3A_1661 : vector<16xi1>, vector<16xi32>
      %select_n3A_1698 = arith.select %gt3A_1669, %select_n3A_1696, %select_n3A_1653 : vector<16xi1>, vector<16xf32>
      %select_n3A_1699 = arith.select %gt3A_1669, %select_n3A_1697, %select_n3A_1654 : vector<16xi1>, vector<16xi32>
      %get3A_1700 = arith.constant 37 : i32
      %get3A_1701 = arith.index_cast %get3A_1700 : i32 to index
      %get3A_1702 = arith.index_cast %mul3A_36 : i32 to index
      %get3A_1703 = tpu.vector_load %arg6[%get3A_1701, %get3A_1702] {strides = array<i32>} : memref<64x256xf32, #tpu.memory_space<vmem>>, vector<1x16xf32>,
      %get3A_1704 = vector.shape_cast %get3A_1703 : vector<1x16xf32> to vector<16xf32>
      %broadcast_in_dim3A_1705 = arith.constant 37 : i32
      %broadcast_in_dim3A_1706 = vector.broadcast %broadcast_in_dim3A_1705 : i32 to vector<16xi32>
      %gt3A_1707 = arith.cmpf ogt, %get3A_1704, %select_n3A_1670 : vector<16xf32>
      %gt3A_1708 = arith.cmpf ogt, %get3A_1704, %select_n3A_1674 : vector<16xf32>
      %gt3A_1709 = arith.cmpf ogt, %get3A_1704, %select_n3A_1678 : vector<16xf32>
      %gt3A_1710 = arith.cmpf ogt, %get3A_1704, %select_n3A_1682 : vector<16xf32>
      %gt3A_1711 = arith.cmpf ogt, %get3A_1704, %select_n3A_1686 : vector<16xf32>
      %gt3A_1712 = arith.cmpf ogt, %get3A_1704, %select_n3A_1690 : vector<16xf32>
      %gt3A_1713 = arith.cmpf ogt, %get3A_1704, %select_n3A_1694 : vector<16xf32>
      %gt3A_1714 = arith.cmpf ogt, %get3A_1704, %select_n3A_1698 : vector<16xf32>
      %select_n3A_1715 = arith.select %gt3A_1707, %get3A_1704, %select_n3A_1670 : vector<16xi1>, vector<16xf32>
      %select_n3A_1716 = arith.select %gt3A_1707, %broadcast_in_dim3A_1706, %select_n3A_1671 : vector<16xi1>, vector<16xi32>
      %select_n3A_1717 = arith.select %gt3A_1707, %select_n3A_1670, %get3A_1704 : vector<16xi1>, vector<16xf32>
      %select_n3A_1718 = arith.select %gt3A_1707, %select_n3A_1671, %broadcast_in_dim3A_1706 : vector<16xi1>, vector<16xi32>
      %select_n3A_1719 = arith.select %gt3A_1708, %select_n3A_1717, %select_n3A_1674 : vector<16xi1>, vector<16xf32>
      %select_n3A_1720 = arith.select %gt3A_1708, %select_n3A_1718, %select_n3A_1675 : vector<16xi1>, vector<16xi32>
      %select_n3A_1721 = arith.select %gt3A_1708, %select_n3A_1674, %get3A_1704 : vector<16xi1>, vector<16xf32>
      %select_n3A_1722 = arith.select %gt3A_1708, %select_n3A_1675, %broadcast_in_dim3A_1706 : vector<16xi1>, vector<16xi32>
      %select_n3A_1723 = arith.select %gt3A_1709, %select_n3A_1721, %select_n3A_1678 : vector<16xi1>, vector<16xf32>
      %select_n3A_1724 = arith.select %gt3A_1709, %select_n3A_1722, %select_n3A_1679 : vector<16xi1>, vector<16xi32>
      %select_n3A_1725 = arith.select %gt3A_1709, %select_n3A_1678, %get3A_1704 : vector<16xi1>, vector<16xf32>
      %select_n3A_1726 = arith.select %gt3A_1709, %select_n3A_1679, %broadcast_in_dim3A_1706 : vector<16xi1>, vector<16xi32>
      %select_n3A_1727 = arith.select %gt3A_1710, %select_n3A_1725, %select_n3A_1682 : vector<16xi1>, vector<16xf32>
      %select_n3A_1728 = arith.select %gt3A_1710, %select_n3A_1726, %select_n3A_1683 : vector<16xi1>, vector<16xi32>
      %select_n3A_1729 = arith.select %gt3A_1710, %select_n3A_1682, %get3A_1704 : vector<16xi1>, vector<16xf32>
      %select_n3A_1730 = arith.select %gt3A_1710, %select_n3A_1683, %broadcast_in_dim3A_1706 : vector<16xi1>, vector<16xi32>
      %select_n3A_1731 = arith.select %gt3A_1711, %select_n3A_1729, %select_n3A_1686 : vector<16xi1>, vector<16xf32>
      %select_n3A_1732 = arith.select %gt3A_1711, %select_n3A_1730, %select_n3A_1687 : vector<16xi1>, vector<16xi32>
      %select_n3A_1733 = arith.select %gt3A_1711, %select_n3A_1686, %get3A_1704 : vector<16xi1>, vector<16xf32>
      %select_n3A_1734 = arith.select %gt3A_1711, %select_n3A_1687, %broadcast_in_dim3A_1706 : vector<16xi1>, vector<16xi32>
      %select_n3A_1735 = arith.select %gt3A_1712, %select_n3A_1733, %select_n3A_1690 : vector<16xi1>, vector<16xf32>
      %select_n3A_1736 = arith.select %gt3A_1712, %select_n3A_1734, %select_n3A_1691 : vector<16xi1>, vector<16xi32>
      %select_n3A_1737 = arith.select %gt3A_1712, %select_n3A_1690, %get3A_1704 : vector<16xi1>, vector<16xf32>
      %select_n3A_1738 = arith.select %gt3A_1712, %select_n3A_1691, %broadcast_in_dim3A_1706 : vector<16xi1>, vector<16xi32>
      %select_n3A_1739 = arith.select %gt3A_1713, %select_n3A_1737, %select_n3A_1694 : vector<16xi1>, vector<16xf32>
      %select_n3A_1740 = arith.select %gt3A_1713, %select_n3A_1738, %select_n3A_1695 : vector<16xi1>, vector<16xi32>
      %select_n3A_1741 = arith.select %gt3A_1713, %select_n3A_1694, %get3A_1704 : vector<16xi1>, vector<16xf32>
      %select_n3A_1742 = arith.select %gt3A_1713, %select_n3A_1695, %broadcast_in_dim3A_1706 : vector<16xi1>, vector<16xi32>
      %select_n3A_1743 = arith.select %gt3A_1714, %select_n3A_1741, %select_n3A_1698 : vector<16xi1>, vector<16xf32>
      %select_n3A_1744 = arith.select %gt3A_1714, %select_n3A_1742, %select_n3A_1699 : vector<16xi1>, vector<16xi32>
      %get3A_1745 = arith.constant 38 : i32
      %get3A_1746 = arith.index_cast %get3A_1745 : i32 to index
      %get3A_1747 = arith.index_cast %mul3A_36 : i32 to index
      %get3A_1748 = tpu.vector_load %arg6[%get3A_1746, %get3A_1747] {strides = array<i32>} : memref<64x256xf32, #tpu.memory_space<vmem>>, vector<1x16xf32>,
      %get3A_1749 = vector.shape_cast %get3A_1748 : vector<1x16xf32> to vector<16xf32>
      %broadcast_in_dim3A_1750 = arith.constant 38 : i32
      %broadcast_in_dim3A_1751 = vector.broadcast %broadcast_in_dim3A_1750 : i32 to vector<16xi32>
      %gt3A_1752 = arith.cmpf ogt, %get3A_1749, %select_n3A_1715 : vector<16xf32>
      %gt3A_1753 = arith.cmpf ogt, %get3A_1749, %select_n3A_1719 : vector<16xf32>
      %gt3A_1754 = arith.cmpf ogt, %get3A_1749, %select_n3A_1723 : vector<16xf32>
      %gt3A_1755 = arith.cmpf ogt, %get3A_1749, %select_n3A_1727 : vector<16xf32>
      %gt3A_1756 = arith.cmpf ogt, %get3A_1749, %select_n3A_1731 : vector<16xf32>
      %gt3A_1757 = arith.cmpf ogt, %get3A_1749, %select_n3A_1735 : vector<16xf32>
      %gt3A_1758 = arith.cmpf ogt, %get3A_1749, %select_n3A_1739 : vector<16xf32>
      %gt3A_1759 = arith.cmpf ogt, %get3A_1749, %select_n3A_1743 : vector<16xf32>
      %select_n3A_1760 = arith.select %gt3A_1752, %get3A_1749, %select_n3A_1715 : vector<16xi1>, vector<16xf32>
      %select_n3A_1761 = arith.select %gt3A_1752, %broadcast_in_dim3A_1751, %select_n3A_1716 : vector<16xi1>, vector<16xi32>
      %select_n3A_1762 = arith.select %gt3A_1752, %select_n3A_1715, %get3A_1749 : vector<16xi1>, vector<16xf32>
      %select_n3A_1763 = arith.select %gt3A_1752, %select_n3A_1716, %broadcast_in_dim3A_1751 : vector<16xi1>, vector<16xi32>
      %select_n3A_1764 = arith.select %gt3A_1753, %select_n3A_1762, %select_n3A_1719 : vector<16xi1>, vector<16xf32>
      %select_n3A_1765 = arith.select %gt3A_1753, %select_n3A_1763, %select_n3A_1720 : vector<16xi1>, vector<16xi32>
      %select_n3A_1766 = arith.select %gt3A_1753, %select_n3A_1719, %get3A_1749 : vector<16xi1>, vector<16xf32>
      %select_n3A_1767 = arith.select %gt3A_1753, %select_n3A_1720, %broadcast_in_dim3A_1751 : vector<16xi1>, vector<16xi32>
      %select_n3A_1768 = arith.select %gt3A_1754, %select_n3A_1766, %select_n3A_1723 : vector<16xi1>, vector<16xf32>
      %select_n3A_1769 = arith.select %gt3A_1754, %select_n3A_1767, %select_n3A_1724 : vector<16xi1>, vector<16xi32>
      %select_n3A_1770 = arith.select %gt3A_1754, %select_n3A_1723, %get3A_1749 : vector<16xi1>, vector<16xf32>
      %select_n3A_1771 = arith.select %gt3A_1754, %select_n3A_1724, %broadcast_in_dim3A_1751 : vector<16xi1>, vector<16xi32>
      %select_n3A_1772 = arith.select %gt3A_1755, %select_n3A_1770, %select_n3A_1727 : vector<16xi1>, vector<16xf32>
      %select_n3A_1773 = arith.select %gt3A_1755, %select_n3A_1771, %select_n3A_1728 : vector<16xi1>, vector<16xi32>
      %select_n3A_1774 = arith.select %gt3A_1755, %select_n3A_1727, %get3A_1749 : vector<16xi1>, vector<16xf32>
      %select_n3A_1775 = arith.select %gt3A_1755, %select_n3A_1728, %broadcast_in_dim3A_1751 : vector<16xi1>, vector<16xi32>
      %select_n3A_1776 = arith.select %gt3A_1756, %select_n3A_1774, %select_n3A_1731 : vector<16xi1>, vector<16xf32>
      %select_n3A_1777 = arith.select %gt3A_1756, %select_n3A_1775, %select_n3A_1732 : vector<16xi1>, vector<16xi32>
      %select_n3A_1778 = arith.select %gt3A_1756, %select_n3A_1731, %get3A_1749 : vector<16xi1>, vector<16xf32>
      %select_n3A_1779 = arith.select %gt3A_1756, %select_n3A_1732, %broadcast_in_dim3A_1751 : vector<16xi1>, vector<16xi32>
      %select_n3A_1780 = arith.select %gt3A_1757, %select_n3A_1778, %select_n3A_1735 : vector<16xi1>, vector<16xf32>
      %select_n3A_1781 = arith.select %gt3A_1757, %select_n3A_1779, %select_n3A_1736 : vector<16xi1>, vector<16xi32>
      %select_n3A_1782 = arith.select %gt3A_1757, %select_n3A_1735, %get3A_1749 : vector<16xi1>, vector<16xf32>
      %select_n3A_1783 = arith.select %gt3A_1757, %select_n3A_1736, %broadcast_in_dim3A_1751 : vector<16xi1>, vector<16xi32>
      %select_n3A_1784 = arith.select %gt3A_1758, %select_n3A_1782, %select_n3A_1739 : vector<16xi1>, vector<16xf32>
      %select_n3A_1785 = arith.select %gt3A_1758, %select_n3A_1783, %select_n3A_1740 : vector<16xi1>, vector<16xi32>
      %select_n3A_1786 = arith.select %gt3A_1758, %select_n3A_1739, %get3A_1749 : vector<16xi1>, vector<16xf32>
      %select_n3A_1787 = arith.select %gt3A_1758, %select_n3A_1740, %broadcast_in_dim3A_1751 : vector<16xi1>, vector<16xi32>
      %select_n3A_1788 = arith.select %gt3A_1759, %select_n3A_1786, %select_n3A_1743 : vector<16xi1>, vector<16xf32>
      %select_n3A_1789 = arith.select %gt3A_1759, %select_n3A_1787, %select_n3A_1744 : vector<16xi1>, vector<16xi32>
      %get3A_1790 = arith.constant 39 : i32
      %get3A_1791 = arith.index_cast %get3A_1790 : i32 to index
      %get3A_1792 = arith.index_cast %mul3A_36 : i32 to index
      %get3A_1793 = tpu.vector_load %arg6[%get3A_1791, %get3A_1792] {strides = array<i32>} : memref<64x256xf32, #tpu.memory_space<vmem>>, vector<1x16xf32>,
      %get3A_1794 = vector.shape_cast %get3A_1793 : vector<1x16xf32> to vector<16xf32>
      %broadcast_in_dim3A_1795 = arith.constant 39 : i32
      %broadcast_in_dim3A_1796 = vector.broadcast %broadcast_in_dim3A_1795 : i32 to vector<16xi32>
      %gt3A_1797 = arith.cmpf ogt, %get3A_1794, %select_n3A_1760 : vector<16xf32>
      %gt3A_1798 = arith.cmpf ogt, %get3A_1794, %select_n3A_1764 : vector<16xf32>
      %gt3A_1799 = arith.cmpf ogt, %get3A_1794, %select_n3A_1768 : vector<16xf32>
      %gt3A_1800 = arith.cmpf ogt, %get3A_1794, %select_n3A_1772 : vector<16xf32>
      %gt3A_1801 = arith.cmpf ogt, %get3A_1794, %select_n3A_1776 : vector<16xf32>
      %gt3A_1802 = arith.cmpf ogt, %get3A_1794, %select_n3A_1780 : vector<16xf32>
      %gt3A_1803 = arith.cmpf ogt, %get3A_1794, %select_n3A_1784 : vector<16xf32>
      %gt3A_1804 = arith.cmpf ogt, %get3A_1794, %select_n3A_1788 : vector<16xf32>
      %select_n3A_1805 = arith.select %gt3A_1797, %get3A_1794, %select_n3A_1760 : vector<16xi1>, vector<16xf32>
      %select_n3A_1806 = arith.select %gt3A_1797, %broadcast_in_dim3A_1796, %select_n3A_1761 : vector<16xi1>, vector<16xi32>
      %select_n3A_1807 = arith.select %gt3A_1797, %select_n3A_1760, %get3A_1794 : vector<16xi1>, vector<16xf32>
      %select_n3A_1808 = arith.select %gt3A_1797, %select_n3A_1761, %broadcast_in_dim3A_1796 : vector<16xi1>, vector<16xi32>
      %select_n3A_1809 = arith.select %gt3A_1798, %select_n3A_1807, %select_n3A_1764 : vector<16xi1>, vector<16xf32>
      %select_n3A_1810 = arith.select %gt3A_1798, %select_n3A_1808, %select_n3A_1765 : vector<16xi1>, vector<16xi32>
      %select_n3A_1811 = arith.select %gt3A_1798, %select_n3A_1764, %get3A_1794 : vector<16xi1>, vector<16xf32>
      %select_n3A_1812 = arith.select %gt3A_1798, %select_n3A_1765, %broadcast_in_dim3A_1796 : vector<16xi1>, vector<16xi32>
      %select_n3A_1813 = arith.select %gt3A_1799, %select_n3A_1811, %select_n3A_1768 : vector<16xi1>, vector<16xf32>
      %select_n3A_1814 = arith.select %gt3A_1799, %select_n3A_1812, %select_n3A_1769 : vector<16xi1>, vector<16xi32>
      %select_n3A_1815 = arith.select %gt3A_1799, %select_n3A_1768, %get3A_1794 : vector<16xi1>, vector<16xf32>
      %select_n3A_1816 = arith.select %gt3A_1799, %select_n3A_1769, %broadcast_in_dim3A_1796 : vector<16xi1>, vector<16xi32>
      %select_n3A_1817 = arith.select %gt3A_1800, %select_n3A_1815, %select_n3A_1772 : vector<16xi1>, vector<16xf32>
      %select_n3A_1818 = arith.select %gt3A_1800, %select_n3A_1816, %select_n3A_1773 : vector<16xi1>, vector<16xi32>
      %select_n3A_1819 = arith.select %gt3A_1800, %select_n3A_1772, %get3A_1794 : vector<16xi1>, vector<16xf32>
      %select_n3A_1820 = arith.select %gt3A_1800, %select_n3A_1773, %broadcast_in_dim3A_1796 : vector<16xi1>, vector<16xi32>
      %select_n3A_1821 = arith.select %gt3A_1801, %select_n3A_1819, %select_n3A_1776 : vector<16xi1>, vector<16xf32>
      %select_n3A_1822 = arith.select %gt3A_1801, %select_n3A_1820, %select_n3A_1777 : vector<16xi1>, vector<16xi32>
      %select_n3A_1823 = arith.select %gt3A_1801, %select_n3A_1776, %get3A_1794 : vector<16xi1>, vector<16xf32>
      %select_n3A_1824 = arith.select %gt3A_1801, %select_n3A_1777, %broadcast_in_dim3A_1796 : vector<16xi1>, vector<16xi32>
      %select_n3A_1825 = arith.select %gt3A_1802, %select_n3A_1823, %select_n3A_1780 : vector<16xi1>, vector<16xf32>
      %select_n3A_1826 = arith.select %gt3A_1802, %select_n3A_1824, %select_n3A_1781 : vector<16xi1>, vector<16xi32>
      %select_n3A_1827 = arith.select %gt3A_1802, %select_n3A_1780, %get3A_1794 : vector<16xi1>, vector<16xf32>
      %select_n3A_1828 = arith.select %gt3A_1802, %select_n3A_1781, %broadcast_in_dim3A_1796 : vector<16xi1>, vector<16xi32>
      %select_n3A_1829 = arith.select %gt3A_1803, %select_n3A_1827, %select_n3A_1784 : vector<16xi1>, vector<16xf32>
      %select_n3A_1830 = arith.select %gt3A_1803, %select_n3A_1828, %select_n3A_1785 : vector<16xi1>, vector<16xi32>
      %select_n3A_1831 = arith.select %gt3A_1803, %select_n3A_1784, %get3A_1794 : vector<16xi1>, vector<16xf32>
      %select_n3A_1832 = arith.select %gt3A_1803, %select_n3A_1785, %broadcast_in_dim3A_1796 : vector<16xi1>, vector<16xi32>
      %select_n3A_1833 = arith.select %gt3A_1804, %select_n3A_1831, %select_n3A_1788 : vector<16xi1>, vector<16xf32>
      %select_n3A_1834 = arith.select %gt3A_1804, %select_n3A_1832, %select_n3A_1789 : vector<16xi1>, vector<16xi32>
      %get3A_1835 = arith.constant 40 : i32
      %get3A_1836 = arith.index_cast %get3A_1835 : i32 to index
      %get3A_1837 = arith.index_cast %mul3A_36 : i32 to index
      %get3A_1838 = tpu.vector_load %arg6[%get3A_1836, %get3A_1837] {strides = array<i32>} : memref<64x256xf32, #tpu.memory_space<vmem>>, vector<1x16xf32>,
      %get3A_1839 = vector.shape_cast %get3A_1838 : vector<1x16xf32> to vector<16xf32>
      %broadcast_in_dim3A_1840 = arith.constant 40 : i32
      %broadcast_in_dim3A_1841 = vector.broadcast %broadcast_in_dim3A_1840 : i32 to vector<16xi32>
      %gt3A_1842 = arith.cmpf ogt, %get3A_1839, %select_n3A_1805 : vector<16xf32>
      %gt3A_1843 = arith.cmpf ogt, %get3A_1839, %select_n3A_1809 : vector<16xf32>
      %gt3A_1844 = arith.cmpf ogt, %get3A_1839, %select_n3A_1813 : vector<16xf32>
      %gt3A_1845 = arith.cmpf ogt, %get3A_1839, %select_n3A_1817 : vector<16xf32>
      %gt3A_1846 = arith.cmpf ogt, %get3A_1839, %select_n3A_1821 : vector<16xf32>
      %gt3A_1847 = arith.cmpf ogt, %get3A_1839, %select_n3A_1825 : vector<16xf32>
      %gt3A_1848 = arith.cmpf ogt, %get3A_1839, %select_n3A_1829 : vector<16xf32>
      %gt3A_1849 = arith.cmpf ogt, %get3A_1839, %select_n3A_1833 : vector<16xf32>
      %select_n3A_1850 = arith.select %gt3A_1842, %get3A_1839, %select_n3A_1805 : vector<16xi1>, vector<16xf32>
      %select_n3A_1851 = arith.select %gt3A_1842, %broadcast_in_dim3A_1841, %select_n3A_1806 : vector<16xi1>, vector<16xi32>
      %select_n3A_1852 = arith.select %gt3A_1842, %select_n3A_1805, %get3A_1839 : vector<16xi1>, vector<16xf32>
      %select_n3A_1853 = arith.select %gt3A_1842, %select_n3A_1806, %broadcast_in_dim3A_1841 : vector<16xi1>, vector<16xi32>
      %select_n3A_1854 = arith.select %gt3A_1843, %select_n3A_1852, %select_n3A_1809 : vector<16xi1>, vector<16xf32>
      %select_n3A_1855 = arith.select %gt3A_1843, %select_n3A_1853, %select_n3A_1810 : vector<16xi1>, vector<16xi32>
      %select_n3A_1856 = arith.select %gt3A_1843, %select_n3A_1809, %get3A_1839 : vector<16xi1>, vector<16xf32>
      %select_n3A_1857 = arith.select %gt3A_1843, %select_n3A_1810, %broadcast_in_dim3A_1841 : vector<16xi1>, vector<16xi32>
      %select_n3A_1858 = arith.select %gt3A_1844, %select_n3A_1856, %select_n3A_1813 : vector<16xi1>, vector<16xf32>
      %select_n3A_1859 = arith.select %gt3A_1844, %select_n3A_1857, %select_n3A_1814 : vector<16xi1>, vector<16xi32>
      %select_n3A_1860 = arith.select %gt3A_1844, %select_n3A_1813, %get3A_1839 : vector<16xi1>, vector<16xf32>
      %select_n3A_1861 = arith.select %gt3A_1844, %select_n3A_1814, %broadcast_in_dim3A_1841 : vector<16xi1>, vector<16xi32>
      %select_n3A_1862 = arith.select %gt3A_1845, %select_n3A_1860, %select_n3A_1817 : vector<16xi1>, vector<16xf32>
      %select_n3A_1863 = arith.select %gt3A_1845, %select_n3A_1861, %select_n3A_1818 : vector<16xi1>, vector<16xi32>
      %select_n3A_1864 = arith.select %gt3A_1845, %select_n3A_1817, %get3A_1839 : vector<16xi1>, vector<16xf32>
      %select_n3A_1865 = arith.select %gt3A_1845, %select_n3A_1818, %broadcast_in_dim3A_1841 : vector<16xi1>, vector<16xi32>
      %select_n3A_1866 = arith.select %gt3A_1846, %select_n3A_1864, %select_n3A_1821 : vector<16xi1>, vector<16xf32>
      %select_n3A_1867 = arith.select %gt3A_1846, %select_n3A_1865, %select_n3A_1822 : vector<16xi1>, vector<16xi32>
      %select_n3A_1868 = arith.select %gt3A_1846, %select_n3A_1821, %get3A_1839 : vector<16xi1>, vector<16xf32>
      %select_n3A_1869 = arith.select %gt3A_1846, %select_n3A_1822, %broadcast_in_dim3A_1841 : vector<16xi1>, vector<16xi32>
      %select_n3A_1870 = arith.select %gt3A_1847, %select_n3A_1868, %select_n3A_1825 : vector<16xi1>, vector<16xf32>
      %select_n3A_1871 = arith.select %gt3A_1847, %select_n3A_1869, %select_n3A_1826 : vector<16xi1>, vector<16xi32>
      %select_n3A_1872 = arith.select %gt3A_1847, %select_n3A_1825, %get3A_1839 : vector<16xi1>, vector<16xf32>
      %select_n3A_1873 = arith.select %gt3A_1847, %select_n3A_1826, %broadcast_in_dim3A_1841 : vector<16xi1>, vector<16xi32>
      %select_n3A_1874 = arith.select %gt3A_1848, %select_n3A_1872, %select_n3A_1829 : vector<16xi1>, vector<16xf32>
      %select_n3A_1875 = arith.select %gt3A_1848, %select_n3A_1873, %select_n3A_1830 : vector<16xi1>, vector<16xi32>
      %select_n3A_1876 = arith.select %gt3A_1848, %select_n3A_1829, %get3A_1839 : vector<16xi1>, vector<16xf32>
      %select_n3A_1877 = arith.select %gt3A_1848, %select_n3A_1830, %broadcast_in_dim3A_1841 : vector<16xi1>, vector<16xi32>
      %select_n3A_1878 = arith.select %gt3A_1849, %select_n3A_1876, %select_n3A_1833 : vector<16xi1>, vector<16xf32>
      %select_n3A_1879 = arith.select %gt3A_1849, %select_n3A_1877, %select_n3A_1834 : vector<16xi1>, vector<16xi32>
      %get3A_1880 = arith.constant 41 : i32
      %get3A_1881 = arith.index_cast %get3A_1880 : i32 to index
      %get3A_1882 = arith.index_cast %mul3A_36 : i32 to index
      %get3A_1883 = tpu.vector_load %arg6[%get3A_1881, %get3A_1882] {strides = array<i32>} : memref<64x256xf32, #tpu.memory_space<vmem>>, vector<1x16xf32>,
      %get3A_1884 = vector.shape_cast %get3A_1883 : vector<1x16xf32> to vector<16xf32>
      %broadcast_in_dim3A_1885 = arith.constant 41 : i32
      %broadcast_in_dim3A_1886 = vector.broadcast %broadcast_in_dim3A_1885 : i32 to vector<16xi32>
      %gt3A_1887 = arith.cmpf ogt, %get3A_1884, %select_n3A_1850 : vector<16xf32>
      %gt3A_1888 = arith.cmpf ogt, %get3A_1884, %select_n3A_1854 : vector<16xf32>
      %gt3A_1889 = arith.cmpf ogt, %get3A_1884, %select_n3A_1858 : vector<16xf32>
      %gt3A_1890 = arith.cmpf ogt, %get3A_1884, %select_n3A_1862 : vector<16xf32>
      %gt3A_1891 = arith.cmpf ogt, %get3A_1884, %select_n3A_1866 : vector<16xf32>
      %gt3A_1892 = arith.cmpf ogt, %get3A_1884, %select_n3A_1870 : vector<16xf32>
      %gt3A_1893 = arith.cmpf ogt, %get3A_1884, %select_n3A_1874 : vector<16xf32>
      %gt3A_1894 = arith.cmpf ogt, %get3A_1884, %select_n3A_1878 : vector<16xf32>
      %select_n3A_1895 = arith.select %gt3A_1887, %get3A_1884, %select_n3A_1850 : vector<16xi1>, vector<16xf32>
      %select_n3A_1896 = arith.select %gt3A_1887, %broadcast_in_dim3A_1886, %select_n3A_1851 : vector<16xi1>, vector<16xi32>
      %select_n3A_1897 = arith.select %gt3A_1887, %select_n3A_1850, %get3A_1884 : vector<16xi1>, vector<16xf32>
      %select_n3A_1898 = arith.select %gt3A_1887, %select_n3A_1851, %broadcast_in_dim3A_1886 : vector<16xi1>, vector<16xi32>
      %select_n3A_1899 = arith.select %gt3A_1888, %select_n3A_1897, %select_n3A_1854 : vector<16xi1>, vector<16xf32>
      %select_n3A_1900 = arith.select %gt3A_1888, %select_n3A_1898, %select_n3A_1855 : vector<16xi1>, vector<16xi32>
      %select_n3A_1901 = arith.select %gt3A_1888, %select_n3A_1854, %get3A_1884 : vector<16xi1>, vector<16xf32>
      %select_n3A_1902 = arith.select %gt3A_1888, %select_n3A_1855, %broadcast_in_dim3A_1886 : vector<16xi1>, vector<16xi32>
      %select_n3A_1903 = arith.select %gt3A_1889, %select_n3A_1901, %select_n3A_1858 : vector<16xi1>, vector<16xf32>
      %select_n3A_1904 = arith.select %gt3A_1889, %select_n3A_1902, %select_n3A_1859 : vector<16xi1>, vector<16xi32>
      %select_n3A_1905 = arith.select %gt3A_1889, %select_n3A_1858, %get3A_1884 : vector<16xi1>, vector<16xf32>
      %select_n3A_1906 = arith.select %gt3A_1889, %select_n3A_1859, %broadcast_in_dim3A_1886 : vector<16xi1>, vector<16xi32>
      %select_n3A_1907 = arith.select %gt3A_1890, %select_n3A_1905, %select_n3A_1862 : vector<16xi1>, vector<16xf32>
      %select_n3A_1908 = arith.select %gt3A_1890, %select_n3A_1906, %select_n3A_1863 : vector<16xi1>, vector<16xi32>
      %select_n3A_1909 = arith.select %gt3A_1890, %select_n3A_1862, %get3A_1884 : vector<16xi1>, vector<16xf32>
      %select_n3A_1910 = arith.select %gt3A_1890, %select_n3A_1863, %broadcast_in_dim3A_1886 : vector<16xi1>, vector<16xi32>
      %select_n3A_1911 = arith.select %gt3A_1891, %select_n3A_1909, %select_n3A_1866 : vector<16xi1>, vector<16xf32>
      %select_n3A_1912 = arith.select %gt3A_1891, %select_n3A_1910, %select_n3A_1867 : vector<16xi1>, vector<16xi32>
      %select_n3A_1913 = arith.select %gt3A_1891, %select_n3A_1866, %get3A_1884 : vector<16xi1>, vector<16xf32>
      %select_n3A_1914 = arith.select %gt3A_1891, %select_n3A_1867, %broadcast_in_dim3A_1886 : vector<16xi1>, vector<16xi32>
      %select_n3A_1915 = arith.select %gt3A_1892, %select_n3A_1913, %select_n3A_1870 : vector<16xi1>, vector<16xf32>
      %select_n3A_1916 = arith.select %gt3A_1892, %select_n3A_1914, %select_n3A_1871 : vector<16xi1>, vector<16xi32>
      %select_n3A_1917 = arith.select %gt3A_1892, %select_n3A_1870, %get3A_1884 : vector<16xi1>, vector<16xf32>
      %select_n3A_1918 = arith.select %gt3A_1892, %select_n3A_1871, %broadcast_in_dim3A_1886 : vector<16xi1>, vector<16xi32>
      %select_n3A_1919 = arith.select %gt3A_1893, %select_n3A_1917, %select_n3A_1874 : vector<16xi1>, vector<16xf32>
      %select_n3A_1920 = arith.select %gt3A_1893, %select_n3A_1918, %select_n3A_1875 : vector<16xi1>, vector<16xi32>
      %select_n3A_1921 = arith.select %gt3A_1893, %select_n3A_1874, %get3A_1884 : vector<16xi1>, vector<16xf32>
      %select_n3A_1922 = arith.select %gt3A_1893, %select_n3A_1875, %broadcast_in_dim3A_1886 : vector<16xi1>, vector<16xi32>
      %select_n3A_1923 = arith.select %gt3A_1894, %select_n3A_1921, %select_n3A_1878 : vector<16xi1>, vector<16xf32>
      %select_n3A_1924 = arith.select %gt3A_1894, %select_n3A_1922, %select_n3A_1879 : vector<16xi1>, vector<16xi32>
      %get3A_1925 = arith.constant 42 : i32
      %get3A_1926 = arith.index_cast %get3A_1925 : i32 to index
      %get3A_1927 = arith.index_cast %mul3A_36 : i32 to index
      %get3A_1928 = tpu.vector_load %arg6[%get3A_1926, %get3A_1927] {strides = array<i32>} : memref<64x256xf32, #tpu.memory_space<vmem>>, vector<1x16xf32>,
      %get3A_1929 = vector.shape_cast %get3A_1928 : vector<1x16xf32> to vector<16xf32>
      %broadcast_in_dim3A_1930 = arith.constant 42 : i32
      %broadcast_in_dim3A_1931 = vector.broadcast %broadcast_in_dim3A_1930 : i32 to vector<16xi32>
      %gt3A_1932 = arith.cmpf ogt, %get3A_1929, %select_n3A_1895 : vector<16xf32>
      %gt3A_1933 = arith.cmpf ogt, %get3A_1929, %select_n3A_1899 : vector<16xf32>
      %gt3A_1934 = arith.cmpf ogt, %get3A_1929, %select_n3A_1903 : vector<16xf32>
      %gt3A_1935 = arith.cmpf ogt, %get3A_1929, %select_n3A_1907 : vector<16xf32>
      %gt3A_1936 = arith.cmpf ogt, %get3A_1929, %select_n3A_1911 : vector<16xf32>
      %gt3A_1937 = arith.cmpf ogt, %get3A_1929, %select_n3A_1915 : vector<16xf32>
      %gt3A_1938 = arith.cmpf ogt, %get3A_1929, %select_n3A_1919 : vector<16xf32>
      %gt3A_1939 = arith.cmpf ogt, %get3A_1929, %select_n3A_1923 : vector<16xf32>
      %select_n3A_1940 = arith.select %gt3A_1932, %get3A_1929, %select_n3A_1895 : vector<16xi1>, vector<16xf32>
      %select_n3A_1941 = arith.select %gt3A_1932, %broadcast_in_dim3A_1931, %select_n3A_1896 : vector<16xi1>, vector<16xi32>
      %select_n3A_1942 = arith.select %gt3A_1932, %select_n3A_1895, %get3A_1929 : vector<16xi1>, vector<16xf32>
      %select_n3A_1943 = arith.select %gt3A_1932, %select_n3A_1896, %broadcast_in_dim3A_1931 : vector<16xi1>, vector<16xi32>
      %select_n3A_1944 = arith.select %gt3A_1933, %select_n3A_1942, %select_n3A_1899 : vector<16xi1>, vector<16xf32>
      %select_n3A_1945 = arith.select %gt3A_1933, %select_n3A_1943, %select_n3A_1900 : vector<16xi1>, vector<16xi32>
      %select_n3A_1946 = arith.select %gt3A_1933, %select_n3A_1899, %get3A_1929 : vector<16xi1>, vector<16xf32>
      %select_n3A_1947 = arith.select %gt3A_1933, %select_n3A_1900, %broadcast_in_dim3A_1931 : vector<16xi1>, vector<16xi32>
      %select_n3A_1948 = arith.select %gt3A_1934, %select_n3A_1946, %select_n3A_1903 : vector<16xi1>, vector<16xf32>
      %select_n3A_1949 = arith.select %gt3A_1934, %select_n3A_1947, %select_n3A_1904 : vector<16xi1>, vector<16xi32>
      %select_n3A_1950 = arith.select %gt3A_1934, %select_n3A_1903, %get3A_1929 : vector<16xi1>, vector<16xf32>
      %select_n3A_1951 = arith.select %gt3A_1934, %select_n3A_1904, %broadcast_in_dim3A_1931 : vector<16xi1>, vector<16xi32>
      %select_n3A_1952 = arith.select %gt3A_1935, %select_n3A_1950, %select_n3A_1907 : vector<16xi1>, vector<16xf32>
      %select_n3A_1953 = arith.select %gt3A_1935, %select_n3A_1951, %select_n3A_1908 : vector<16xi1>, vector<16xi32>
      %select_n3A_1954 = arith.select %gt3A_1935, %select_n3A_1907, %get3A_1929 : vector<16xi1>, vector<16xf32>
      %select_n3A_1955 = arith.select %gt3A_1935, %select_n3A_1908, %broadcast_in_dim3A_1931 : vector<16xi1>, vector<16xi32>
      %select_n3A_1956 = arith.select %gt3A_1936, %select_n3A_1954, %select_n3A_1911 : vector<16xi1>, vector<16xf32>
      %select_n3A_1957 = arith.select %gt3A_1936, %select_n3A_1955, %select_n3A_1912 : vector<16xi1>, vector<16xi32>
      %select_n3A_1958 = arith.select %gt3A_1936, %select_n3A_1911, %get3A_1929 : vector<16xi1>, vector<16xf32>
      %select_n3A_1959 = arith.select %gt3A_1936, %select_n3A_1912, %broadcast_in_dim3A_1931 : vector<16xi1>, vector<16xi32>
      %select_n3A_1960 = arith.select %gt3A_1937, %select_n3A_1958, %select_n3A_1915 : vector<16xi1>, vector<16xf32>
      %select_n3A_1961 = arith.select %gt3A_1937, %select_n3A_1959, %select_n3A_1916 : vector<16xi1>, vector<16xi32>
      %select_n3A_1962 = arith.select %gt3A_1937, %select_n3A_1915, %get3A_1929 : vector<16xi1>, vector<16xf32>
      %select_n3A_1963 = arith.select %gt3A_1937, %select_n3A_1916, %broadcast_in_dim3A_1931 : vector<16xi1>, vector<16xi32>
      %select_n3A_1964 = arith.select %gt3A_1938, %select_n3A_1962, %select_n3A_1919 : vector<16xi1>, vector<16xf32>
      %select_n3A_1965 = arith.select %gt3A_1938, %select_n3A_1963, %select_n3A_1920 : vector<16xi1>, vector<16xi32>
      %select_n3A_1966 = arith.select %gt3A_1938, %select_n3A_1919, %get3A_1929 : vector<16xi1>, vector<16xf32>
      %select_n3A_1967 = arith.select %gt3A_1938, %select_n3A_1920, %broadcast_in_dim3A_1931 : vector<16xi1>, vector<16xi32>
      %select_n3A_1968 = arith.select %gt3A_1939, %select_n3A_1966, %select_n3A_1923 : vector<16xi1>, vector<16xf32>
      %select_n3A_1969 = arith.select %gt3A_1939, %select_n3A_1967, %select_n3A_1924 : vector<16xi1>, vector<16xi32>
      %get3A_1970 = arith.constant 43 : i32
      %get3A_1971 = arith.index_cast %get3A_1970 : i32 to index
      %get3A_1972 = arith.index_cast %mul3A_36 : i32 to index
      %get3A_1973 = tpu.vector_load %arg6[%get3A_1971, %get3A_1972] {strides = array<i32>} : memref<64x256xf32, #tpu.memory_space<vmem>>, vector<1x16xf32>,
      %get3A_1974 = vector.shape_cast %get3A_1973 : vector<1x16xf32> to vector<16xf32>
      %broadcast_in_dim3A_1975 = arith.constant 43 : i32
      %broadcast_in_dim3A_1976 = vector.broadcast %broadcast_in_dim3A_1975 : i32 to vector<16xi32>
      %gt3A_1977 = arith.cmpf ogt, %get3A_1974, %select_n3A_1940 : vector<16xf32>
      %gt3A_1978 = arith.cmpf ogt, %get3A_1974, %select_n3A_1944 : vector<16xf32>
      %gt3A_1979 = arith.cmpf ogt, %get3A_1974, %select_n3A_1948 : vector<16xf32>
      %gt3A_1980 = arith.cmpf ogt, %get3A_1974, %select_n3A_1952 : vector<16xf32>
      %gt3A_1981 = arith.cmpf ogt, %get3A_1974, %select_n3A_1956 : vector<16xf32>
      %gt3A_1982 = arith.cmpf ogt, %get3A_1974, %select_n3A_1960 : vector<16xf32>
      %gt3A_1983 = arith.cmpf ogt, %get3A_1974, %select_n3A_1964 : vector<16xf32>
      %gt3A_1984 = arith.cmpf ogt, %get3A_1974, %select_n3A_1968 : vector<16xf32>
      %select_n3A_1985 = arith.select %gt3A_1977, %get3A_1974, %select_n3A_1940 : vector<16xi1>, vector<16xf32>
      %select_n3A_1986 = arith.select %gt3A_1977, %broadcast_in_dim3A_1976, %select_n3A_1941 : vector<16xi1>, vector<16xi32>
      %select_n3A_1987 = arith.select %gt3A_1977, %select_n3A_1940, %get3A_1974 : vector<16xi1>, vector<16xf32>
      %select_n3A_1988 = arith.select %gt3A_1977, %select_n3A_1941, %broadcast_in_dim3A_1976 : vector<16xi1>, vector<16xi32>
      %select_n3A_1989 = arith.select %gt3A_1978, %select_n3A_1987, %select_n3A_1944 : vector<16xi1>, vector<16xf32>
      %select_n3A_1990 = arith.select %gt3A_1978, %select_n3A_1988, %select_n3A_1945 : vector<16xi1>, vector<16xi32>
      %select_n3A_1991 = arith.select %gt3A_1978, %select_n3A_1944, %get3A_1974 : vector<16xi1>, vector<16xf32>
      %select_n3A_1992 = arith.select %gt3A_1978, %select_n3A_1945, %broadcast_in_dim3A_1976 : vector<16xi1>, vector<16xi32>
      %select_n3A_1993 = arith.select %gt3A_1979, %select_n3A_1991, %select_n3A_1948 : vector<16xi1>, vector<16xf32>
      %select_n3A_1994 = arith.select %gt3A_1979, %select_n3A_1992, %select_n3A_1949 : vector<16xi1>, vector<16xi32>
      %select_n3A_1995 = arith.select %gt3A_1979, %select_n3A_1948, %get3A_1974 : vector<16xi1>, vector<16xf32>
      %select_n3A_1996 = arith.select %gt3A_1979, %select_n3A_1949, %broadcast_in_dim3A_1976 : vector<16xi1>, vector<16xi32>
      %select_n3A_1997 = arith.select %gt3A_1980, %select_n3A_1995, %select_n3A_1952 : vector<16xi1>, vector<16xf32>
      %select_n3A_1998 = arith.select %gt3A_1980, %select_n3A_1996, %select_n3A_1953 : vector<16xi1>, vector<16xi32>
      %select_n3A_1999 = arith.select %gt3A_1980, %select_n3A_1952, %get3A_1974 : vector<16xi1>, vector<16xf32>
      %select_n3A_2000 = arith.select %gt3A_1980, %select_n3A_1953, %broadcast_in_dim3A_1976 : vector<16xi1>, vector<16xi32>
      %select_n3A_2001 = arith.select %gt3A_1981, %select_n3A_1999, %select_n3A_1956 : vector<16xi1>, vector<16xf32>
      %select_n3A_2002 = arith.select %gt3A_1981, %select_n3A_2000, %select_n3A_1957 : vector<16xi1>, vector<16xi32>
      %select_n3A_2003 = arith.select %gt3A_1981, %select_n3A_1956, %get3A_1974 : vector<16xi1>, vector<16xf32>
      %select_n3A_2004 = arith.select %gt3A_1981, %select_n3A_1957, %broadcast_in_dim3A_1976 : vector<16xi1>, vector<16xi32>
      %select_n3A_2005 = arith.select %gt3A_1982, %select_n3A_2003, %select_n3A_1960 : vector<16xi1>, vector<16xf32>
      %select_n3A_2006 = arith.select %gt3A_1982, %select_n3A_2004, %select_n3A_1961 : vector<16xi1>, vector<16xi32>
      %select_n3A_2007 = arith.select %gt3A_1982, %select_n3A_1960, %get3A_1974 : vector<16xi1>, vector<16xf32>
      %select_n3A_2008 = arith.select %gt3A_1982, %select_n3A_1961, %broadcast_in_dim3A_1976 : vector<16xi1>, vector<16xi32>
      %select_n3A_2009 = arith.select %gt3A_1983, %select_n3A_2007, %select_n3A_1964 : vector<16xi1>, vector<16xf32>
      %select_n3A_2010 = arith.select %gt3A_1983, %select_n3A_2008, %select_n3A_1965 : vector<16xi1>, vector<16xi32>
      %select_n3A_2011 = arith.select %gt3A_1983, %select_n3A_1964, %get3A_1974 : vector<16xi1>, vector<16xf32>
      %select_n3A_2012 = arith.select %gt3A_1983, %select_n3A_1965, %broadcast_in_dim3A_1976 : vector<16xi1>, vector<16xi32>
      %select_n3A_2013 = arith.select %gt3A_1984, %select_n3A_2011, %select_n3A_1968 : vector<16xi1>, vector<16xf32>
      %select_n3A_2014 = arith.select %gt3A_1984, %select_n3A_2012, %select_n3A_1969 : vector<16xi1>, vector<16xi32>
      %get3A_2015 = arith.constant 44 : i32
      %get3A_2016 = arith.index_cast %get3A_2015 : i32 to index
      %get3A_2017 = arith.index_cast %mul3A_36 : i32 to index
      %get3A_2018 = tpu.vector_load %arg6[%get3A_2016, %get3A_2017] {strides = array<i32>} : memref<64x256xf32, #tpu.memory_space<vmem>>, vector<1x16xf32>,
      %get3A_2019 = vector.shape_cast %get3A_2018 : vector<1x16xf32> to vector<16xf32>
      %broadcast_in_dim3A_2020 = arith.constant 44 : i32
      %broadcast_in_dim3A_2021 = vector.broadcast %broadcast_in_dim3A_2020 : i32 to vector<16xi32>
      %gt3A_2022 = arith.cmpf ogt, %get3A_2019, %select_n3A_1985 : vector<16xf32>
      %gt3A_2023 = arith.cmpf ogt, %get3A_2019, %select_n3A_1989 : vector<16xf32>
      %gt3A_2024 = arith.cmpf ogt, %get3A_2019, %select_n3A_1993 : vector<16xf32>
      %gt3A_2025 = arith.cmpf ogt, %get3A_2019, %select_n3A_1997 : vector<16xf32>
      %gt3A_2026 = arith.cmpf ogt, %get3A_2019, %select_n3A_2001 : vector<16xf32>
      %gt3A_2027 = arith.cmpf ogt, %get3A_2019, %select_n3A_2005 : vector<16xf32>
      %gt3A_2028 = arith.cmpf ogt, %get3A_2019, %select_n3A_2009 : vector<16xf32>
      %gt3A_2029 = arith.cmpf ogt, %get3A_2019, %select_n3A_2013 : vector<16xf32>
      %select_n3A_2030 = arith.select %gt3A_2022, %get3A_2019, %select_n3A_1985 : vector<16xi1>, vector<16xf32>
      %select_n3A_2031 = arith.select %gt3A_2022, %broadcast_in_dim3A_2021, %select_n3A_1986 : vector<16xi1>, vector<16xi32>
      %select_n3A_2032 = arith.select %gt3A_2022, %select_n3A_1985, %get3A_2019 : vector<16xi1>, vector<16xf32>
      %select_n3A_2033 = arith.select %gt3A_2022, %select_n3A_1986, %broadcast_in_dim3A_2021 : vector<16xi1>, vector<16xi32>
      %select_n3A_2034 = arith.select %gt3A_2023, %select_n3A_2032, %select_n3A_1989 : vector<16xi1>, vector<16xf32>
      %select_n3A_2035 = arith.select %gt3A_2023, %select_n3A_2033, %select_n3A_1990 : vector<16xi1>, vector<16xi32>
      %select_n3A_2036 = arith.select %gt3A_2023, %select_n3A_1989, %get3A_2019 : vector<16xi1>, vector<16xf32>
      %select_n3A_2037 = arith.select %gt3A_2023, %select_n3A_1990, %broadcast_in_dim3A_2021 : vector<16xi1>, vector<16xi32>
      %select_n3A_2038 = arith.select %gt3A_2024, %select_n3A_2036, %select_n3A_1993 : vector<16xi1>, vector<16xf32>
      %select_n3A_2039 = arith.select %gt3A_2024, %select_n3A_2037, %select_n3A_1994 : vector<16xi1>, vector<16xi32>
      %select_n3A_2040 = arith.select %gt3A_2024, %select_n3A_1993, %get3A_2019 : vector<16xi1>, vector<16xf32>
      %select_n3A_2041 = arith.select %gt3A_2024, %select_n3A_1994, %broadcast_in_dim3A_2021 : vector<16xi1>, vector<16xi32>
      %select_n3A_2042 = arith.select %gt3A_2025, %select_n3A_2040, %select_n3A_1997 : vector<16xi1>, vector<16xf32>
      %select_n3A_2043 = arith.select %gt3A_2025, %select_n3A_2041, %select_n3A_1998 : vector<16xi1>, vector<16xi32>
      %select_n3A_2044 = arith.select %gt3A_2025, %select_n3A_1997, %get3A_2019 : vector<16xi1>, vector<16xf32>
      %select_n3A_2045 = arith.select %gt3A_2025, %select_n3A_1998, %broadcast_in_dim3A_2021 : vector<16xi1>, vector<16xi32>
      %select_n3A_2046 = arith.select %gt3A_2026, %select_n3A_2044, %select_n3A_2001 : vector<16xi1>, vector<16xf32>
      %select_n3A_2047 = arith.select %gt3A_2026, %select_n3A_2045, %select_n3A_2002 : vector<16xi1>, vector<16xi32>
      %select_n3A_2048 = arith.select %gt3A_2026, %select_n3A_2001, %get3A_2019 : vector<16xi1>, vector<16xf32>
      %select_n3A_2049 = arith.select %gt3A_2026, %select_n3A_2002, %broadcast_in_dim3A_2021 : vector<16xi1>, vector<16xi32>
      %select_n3A_2050 = arith.select %gt3A_2027, %select_n3A_2048, %select_n3A_2005 : vector<16xi1>, vector<16xf32>
      %select_n3A_2051 = arith.select %gt3A_2027, %select_n3A_2049, %select_n3A_2006 : vector<16xi1>, vector<16xi32>
      %select_n3A_2052 = arith.select %gt3A_2027, %select_n3A_2005, %get3A_2019 : vector<16xi1>, vector<16xf32>
      %select_n3A_2053 = arith.select %gt3A_2027, %select_n3A_2006, %broadcast_in_dim3A_2021 : vector<16xi1>, vector<16xi32>
      %select_n3A_2054 = arith.select %gt3A_2028, %select_n3A_2052, %select_n3A_2009 : vector<16xi1>, vector<16xf32>
      %select_n3A_2055 = arith.select %gt3A_2028, %select_n3A_2053, %select_n3A_2010 : vector<16xi1>, vector<16xi32>
      %select_n3A_2056 = arith.select %gt3A_2028, %select_n3A_2009, %get3A_2019 : vector<16xi1>, vector<16xf32>
      %select_n3A_2057 = arith.select %gt3A_2028, %select_n3A_2010, %broadcast_in_dim3A_2021 : vector<16xi1>, vector<16xi32>
      %select_n3A_2058 = arith.select %gt3A_2029, %select_n3A_2056, %select_n3A_2013 : vector<16xi1>, vector<16xf32>
      %select_n3A_2059 = arith.select %gt3A_2029, %select_n3A_2057, %select_n3A_2014 : vector<16xi1>, vector<16xi32>
      %get3A_2060 = arith.constant 45 : i32
      %get3A_2061 = arith.index_cast %get3A_2060 : i32 to index
      %get3A_2062 = arith.index_cast %mul3A_36 : i32 to index
      %get3A_2063 = tpu.vector_load %arg6[%get3A_2061, %get3A_2062] {strides = array<i32>} : memref<64x256xf32, #tpu.memory_space<vmem>>, vector<1x16xf32>,
      %get3A_2064 = vector.shape_cast %get3A_2063 : vector<1x16xf32> to vector<16xf32>
      %broadcast_in_dim3A_2065 = arith.constant 45 : i32
      %broadcast_in_dim3A_2066 = vector.broadcast %broadcast_in_dim3A_2065 : i32 to vector<16xi32>
      %gt3A_2067 = arith.cmpf ogt, %get3A_2064, %select_n3A_2030 : vector<16xf32>
      %gt3A_2068 = arith.cmpf ogt, %get3A_2064, %select_n3A_2034 : vector<16xf32>
      %gt3A_2069 = arith.cmpf ogt, %get3A_2064, %select_n3A_2038 : vector<16xf32>
      %gt3A_2070 = arith.cmpf ogt, %get3A_2064, %select_n3A_2042 : vector<16xf32>
      %gt3A_2071 = arith.cmpf ogt, %get3A_2064, %select_n3A_2046 : vector<16xf32>
      %gt3A_2072 = arith.cmpf ogt, %get3A_2064, %select_n3A_2050 : vector<16xf32>
      %gt3A_2073 = arith.cmpf ogt, %get3A_2064, %select_n3A_2054 : vector<16xf32>
      %gt3A_2074 = arith.cmpf ogt, %get3A_2064, %select_n3A_2058 : vector<16xf32>
      %select_n3A_2075 = arith.select %gt3A_2067, %get3A_2064, %select_n3A_2030 : vector<16xi1>, vector<16xf32>
      %select_n3A_2076 = arith.select %gt3A_2067, %broadcast_in_dim3A_2066, %select_n3A_2031 : vector<16xi1>, vector<16xi32>
      %select_n3A_2077 = arith.select %gt3A_2067, %select_n3A_2030, %get3A_2064 : vector<16xi1>, vector<16xf32>
      %select_n3A_2078 = arith.select %gt3A_2067, %select_n3A_2031, %broadcast_in_dim3A_2066 : vector<16xi1>, vector<16xi32>
      %select_n3A_2079 = arith.select %gt3A_2068, %select_n3A_2077, %select_n3A_2034 : vector<16xi1>, vector<16xf32>
      %select_n3A_2080 = arith.select %gt3A_2068, %select_n3A_2078, %select_n3A_2035 : vector<16xi1>, vector<16xi32>
      %select_n3A_2081 = arith.select %gt3A_2068, %select_n3A_2034, %get3A_2064 : vector<16xi1>, vector<16xf32>
      %select_n3A_2082 = arith.select %gt3A_2068, %select_n3A_2035, %broadcast_in_dim3A_2066 : vector<16xi1>, vector<16xi32>
      %select_n3A_2083 = arith.select %gt3A_2069, %select_n3A_2081, %select_n3A_2038 : vector<16xi1>, vector<16xf32>
      %select_n3A_2084 = arith.select %gt3A_2069, %select_n3A_2082, %select_n3A_2039 : vector<16xi1>, vector<16xi32>
      %select_n3A_2085 = arith.select %gt3A_2069, %select_n3A_2038, %get3A_2064 : vector<16xi1>, vector<16xf32>
      %select_n3A_2086 = arith.select %gt3A_2069, %select_n3A_2039, %broadcast_in_dim3A_2066 : vector<16xi1>, vector<16xi32>
      %select_n3A_2087 = arith.select %gt3A_2070, %select_n3A_2085, %select_n3A_2042 : vector<16xi1>, vector<16xf32>
      %select_n3A_2088 = arith.select %gt3A_2070, %select_n3A_2086, %select_n3A_2043 : vector<16xi1>, vector<16xi32>
      %select_n3A_2089 = arith.select %gt3A_2070, %select_n3A_2042, %get3A_2064 : vector<16xi1>, vector<16xf32>
      %select_n3A_2090 = arith.select %gt3A_2070, %select_n3A_2043, %broadcast_in_dim3A_2066 : vector<16xi1>, vector<16xi32>
      %select_n3A_2091 = arith.select %gt3A_2071, %select_n3A_2089, %select_n3A_2046 : vector<16xi1>, vector<16xf32>
      %select_n3A_2092 = arith.select %gt3A_2071, %select_n3A_2090, %select_n3A_2047 : vector<16xi1>, vector<16xi32>
      %select_n3A_2093 = arith.select %gt3A_2071, %select_n3A_2046, %get3A_2064 : vector<16xi1>, vector<16xf32>
      %select_n3A_2094 = arith.select %gt3A_2071, %select_n3A_2047, %broadcast_in_dim3A_2066 : vector<16xi1>, vector<16xi32>
      %select_n3A_2095 = arith.select %gt3A_2072, %select_n3A_2093, %select_n3A_2050 : vector<16xi1>, vector<16xf32>
      %select_n3A_2096 = arith.select %gt3A_2072, %select_n3A_2094, %select_n3A_2051 : vector<16xi1>, vector<16xi32>
      %select_n3A_2097 = arith.select %gt3A_2072, %select_n3A_2050, %get3A_2064 : vector<16xi1>, vector<16xf32>
      %select_n3A_2098 = arith.select %gt3A_2072, %select_n3A_2051, %broadcast_in_dim3A_2066 : vector<16xi1>, vector<16xi32>
      %select_n3A_2099 = arith.select %gt3A_2073, %select_n3A_2097, %select_n3A_2054 : vector<16xi1>, vector<16xf32>
      %select_n3A_2100 = arith.select %gt3A_2073, %select_n3A_2098, %select_n3A_2055 : vector<16xi1>, vector<16xi32>
      %select_n3A_2101 = arith.select %gt3A_2073, %select_n3A_2054, %get3A_2064 : vector<16xi1>, vector<16xf32>
      %select_n3A_2102 = arith.select %gt3A_2073, %select_n3A_2055, %broadcast_in_dim3A_2066 : vector<16xi1>, vector<16xi32>
      %select_n3A_2103 = arith.select %gt3A_2074, %select_n3A_2101, %select_n3A_2058 : vector<16xi1>, vector<16xf32>
      %select_n3A_2104 = arith.select %gt3A_2074, %select_n3A_2102, %select_n3A_2059 : vector<16xi1>, vector<16xi32>
      %get3A_2105 = arith.constant 46 : i32
      %get3A_2106 = arith.index_cast %get3A_2105 : i32 to index
      %get3A_2107 = arith.index_cast %mul3A_36 : i32 to index
      %get3A_2108 = tpu.vector_load %arg6[%get3A_2106, %get3A_2107] {strides = array<i32>} : memref<64x256xf32, #tpu.memory_space<vmem>>, vector<1x16xf32>,
      %get3A_2109 = vector.shape_cast %get3A_2108 : vector<1x16xf32> to vector<16xf32>
      %broadcast_in_dim3A_2110 = arith.constant 46 : i32
      %broadcast_in_dim3A_2111 = vector.broadcast %broadcast_in_dim3A_2110 : i32 to vector<16xi32>
      %gt3A_2112 = arith.cmpf ogt, %get3A_2109, %select_n3A_2075 : vector<16xf32>
      %gt3A_2113 = arith.cmpf ogt, %get3A_2109, %select_n3A_2079 : vector<16xf32>
      %gt3A_2114 = arith.cmpf ogt, %get3A_2109, %select_n3A_2083 : vector<16xf32>
      %gt3A_2115 = arith.cmpf ogt, %get3A_2109, %select_n3A_2087 : vector<16xf32>
      %gt3A_2116 = arith.cmpf ogt, %get3A_2109, %select_n3A_2091 : vector<16xf32>
      %gt3A_2117 = arith.cmpf ogt, %get3A_2109, %select_n3A_2095 : vector<16xf32>
      %gt3A_2118 = arith.cmpf ogt, %get3A_2109, %select_n3A_2099 : vector<16xf32>
      %gt3A_2119 = arith.cmpf ogt, %get3A_2109, %select_n3A_2103 : vector<16xf32>
      %select_n3A_2120 = arith.select %gt3A_2112, %get3A_2109, %select_n3A_2075 : vector<16xi1>, vector<16xf32>
      %select_n3A_2121 = arith.select %gt3A_2112, %broadcast_in_dim3A_2111, %select_n3A_2076 : vector<16xi1>, vector<16xi32>
      %select_n3A_2122 = arith.select %gt3A_2112, %select_n3A_2075, %get3A_2109 : vector<16xi1>, vector<16xf32>
      %select_n3A_2123 = arith.select %gt3A_2112, %select_n3A_2076, %broadcast_in_dim3A_2111 : vector<16xi1>, vector<16xi32>
      %select_n3A_2124 = arith.select %gt3A_2113, %select_n3A_2122, %select_n3A_2079 : vector<16xi1>, vector<16xf32>
      %select_n3A_2125 = arith.select %gt3A_2113, %select_n3A_2123, %select_n3A_2080 : vector<16xi1>, vector<16xi32>
      %select_n3A_2126 = arith.select %gt3A_2113, %select_n3A_2079, %get3A_2109 : vector<16xi1>, vector<16xf32>
      %select_n3A_2127 = arith.select %gt3A_2113, %select_n3A_2080, %broadcast_in_dim3A_2111 : vector<16xi1>, vector<16xi32>
      %select_n3A_2128 = arith.select %gt3A_2114, %select_n3A_2126, %select_n3A_2083 : vector<16xi1>, vector<16xf32>
      %select_n3A_2129 = arith.select %gt3A_2114, %select_n3A_2127, %select_n3A_2084 : vector<16xi1>, vector<16xi32>
      %select_n3A_2130 = arith.select %gt3A_2114, %select_n3A_2083, %get3A_2109 : vector<16xi1>, vector<16xf32>
      %select_n3A_2131 = arith.select %gt3A_2114, %select_n3A_2084, %broadcast_in_dim3A_2111 : vector<16xi1>, vector<16xi32>
      %select_n3A_2132 = arith.select %gt3A_2115, %select_n3A_2130, %select_n3A_2087 : vector<16xi1>, vector<16xf32>
      %select_n3A_2133 = arith.select %gt3A_2115, %select_n3A_2131, %select_n3A_2088 : vector<16xi1>, vector<16xi32>
      %select_n3A_2134 = arith.select %gt3A_2115, %select_n3A_2087, %get3A_2109 : vector<16xi1>, vector<16xf32>
      %select_n3A_2135 = arith.select %gt3A_2115, %select_n3A_2088, %broadcast_in_dim3A_2111 : vector<16xi1>, vector<16xi32>
      %select_n3A_2136 = arith.select %gt3A_2116, %select_n3A_2134, %select_n3A_2091 : vector<16xi1>, vector<16xf32>
      %select_n3A_2137 = arith.select %gt3A_2116, %select_n3A_2135, %select_n3A_2092 : vector<16xi1>, vector<16xi32>
      %select_n3A_2138 = arith.select %gt3A_2116, %select_n3A_2091, %get3A_2109 : vector<16xi1>, vector<16xf32>
      %select_n3A_2139 = arith.select %gt3A_2116, %select_n3A_2092, %broadcast_in_dim3A_2111 : vector<16xi1>, vector<16xi32>
      %select_n3A_2140 = arith.select %gt3A_2117, %select_n3A_2138, %select_n3A_2095 : vector<16xi1>, vector<16xf32>
      %select_n3A_2141 = arith.select %gt3A_2117, %select_n3A_2139, %select_n3A_2096 : vector<16xi1>, vector<16xi32>
      %select_n3A_2142 = arith.select %gt3A_2117, %select_n3A_2095, %get3A_2109 : vector<16xi1>, vector<16xf32>
      %select_n3A_2143 = arith.select %gt3A_2117, %select_n3A_2096, %broadcast_in_dim3A_2111 : vector<16xi1>, vector<16xi32>
      %select_n3A_2144 = arith.select %gt3A_2118, %select_n3A_2142, %select_n3A_2099 : vector<16xi1>, vector<16xf32>
      %select_n3A_2145 = arith.select %gt3A_2118, %select_n3A_2143, %select_n3A_2100 : vector<16xi1>, vector<16xi32>
      %select_n3A_2146 = arith.select %gt3A_2118, %select_n3A_2099, %get3A_2109 : vector<16xi1>, vector<16xf32>
      %select_n3A_2147 = arith.select %gt3A_2118, %select_n3A_2100, %broadcast_in_dim3A_2111 : vector<16xi1>, vector<16xi32>
      %select_n3A_2148 = arith.select %gt3A_2119, %select_n3A_2146, %select_n3A_2103 : vector<16xi1>, vector<16xf32>
      %select_n3A_2149 = arith.select %gt3A_2119, %select_n3A_2147, %select_n3A_2104 : vector<16xi1>, vector<16xi32>
      %get3A_2150 = arith.constant 47 : i32
      %get3A_2151 = arith.index_cast %get3A_2150 : i32 to index
      %get3A_2152 = arith.index_cast %mul3A_36 : i32 to index
      %get3A_2153 = tpu.vector_load %arg6[%get3A_2151, %get3A_2152] {strides = array<i32>} : memref<64x256xf32, #tpu.memory_space<vmem>>, vector<1x16xf32>,
      %get3A_2154 = vector.shape_cast %get3A_2153 : vector<1x16xf32> to vector<16xf32>
      %broadcast_in_dim3A_2155 = arith.constant 47 : i32
      %broadcast_in_dim3A_2156 = vector.broadcast %broadcast_in_dim3A_2155 : i32 to vector<16xi32>
      %gt3A_2157 = arith.cmpf ogt, %get3A_2154, %select_n3A_2120 : vector<16xf32>
      %gt3A_2158 = arith.cmpf ogt, %get3A_2154, %select_n3A_2124 : vector<16xf32>
      %gt3A_2159 = arith.cmpf ogt, %get3A_2154, %select_n3A_2128 : vector<16xf32>
      %gt3A_2160 = arith.cmpf ogt, %get3A_2154, %select_n3A_2132 : vector<16xf32>
      %gt3A_2161 = arith.cmpf ogt, %get3A_2154, %select_n3A_2136 : vector<16xf32>
      %gt3A_2162 = arith.cmpf ogt, %get3A_2154, %select_n3A_2140 : vector<16xf32>
      %gt3A_2163 = arith.cmpf ogt, %get3A_2154, %select_n3A_2144 : vector<16xf32>
      %gt3A_2164 = arith.cmpf ogt, %get3A_2154, %select_n3A_2148 : vector<16xf32>
      %select_n3A_2165 = arith.select %gt3A_2157, %get3A_2154, %select_n3A_2120 : vector<16xi1>, vector<16xf32>
      %select_n3A_2166 = arith.select %gt3A_2157, %broadcast_in_dim3A_2156, %select_n3A_2121 : vector<16xi1>, vector<16xi32>
      %select_n3A_2167 = arith.select %gt3A_2157, %select_n3A_2120, %get3A_2154 : vector<16xi1>, vector<16xf32>
      %select_n3A_2168 = arith.select %gt3A_2157, %select_n3A_2121, %broadcast_in_dim3A_2156 : vector<16xi1>, vector<16xi32>
      %select_n3A_2169 = arith.select %gt3A_2158, %select_n3A_2167, %select_n3A_2124 : vector<16xi1>, vector<16xf32>
      %select_n3A_2170 = arith.select %gt3A_2158, %select_n3A_2168, %select_n3A_2125 : vector<16xi1>, vector<16xi32>
      %select_n3A_2171 = arith.select %gt3A_2158, %select_n3A_2124, %get3A_2154 : vector<16xi1>, vector<16xf32>
      %select_n3A_2172 = arith.select %gt3A_2158, %select_n3A_2125, %broadcast_in_dim3A_2156 : vector<16xi1>, vector<16xi32>
      %select_n3A_2173 = arith.select %gt3A_2159, %select_n3A_2171, %select_n3A_2128 : vector<16xi1>, vector<16xf32>
      %select_n3A_2174 = arith.select %gt3A_2159, %select_n3A_2172, %select_n3A_2129 : vector<16xi1>, vector<16xi32>
      %select_n3A_2175 = arith.select %gt3A_2159, %select_n3A_2128, %get3A_2154 : vector<16xi1>, vector<16xf32>
      %select_n3A_2176 = arith.select %gt3A_2159, %select_n3A_2129, %broadcast_in_dim3A_2156 : vector<16xi1>, vector<16xi32>
      %select_n3A_2177 = arith.select %gt3A_2160, %select_n3A_2175, %select_n3A_2132 : vector<16xi1>, vector<16xf32>
      %select_n3A_2178 = arith.select %gt3A_2160, %select_n3A_2176, %select_n3A_2133 : vector<16xi1>, vector<16xi32>
      %select_n3A_2179 = arith.select %gt3A_2160, %select_n3A_2132, %get3A_2154 : vector<16xi1>, vector<16xf32>
      %select_n3A_2180 = arith.select %gt3A_2160, %select_n3A_2133, %broadcast_in_dim3A_2156 : vector<16xi1>, vector<16xi32>
      %select_n3A_2181 = arith.select %gt3A_2161, %select_n3A_2179, %select_n3A_2136 : vector<16xi1>, vector<16xf32>
      %select_n3A_2182 = arith.select %gt3A_2161, %select_n3A_2180, %select_n3A_2137 : vector<16xi1>, vector<16xi32>
      %select_n3A_2183 = arith.select %gt3A_2161, %select_n3A_2136, %get3A_2154 : vector<16xi1>, vector<16xf32>
      %select_n3A_2184 = arith.select %gt3A_2161, %select_n3A_2137, %broadcast_in_dim3A_2156 : vector<16xi1>, vector<16xi32>
      %select_n3A_2185 = arith.select %gt3A_2162, %select_n3A_2183, %select_n3A_2140 : vector<16xi1>, vector<16xf32>
      %select_n3A_2186 = arith.select %gt3A_2162, %select_n3A_2184, %select_n3A_2141 : vector<16xi1>, vector<16xi32>
      %select_n3A_2187 = arith.select %gt3A_2162, %select_n3A_2140, %get3A_2154 : vector<16xi1>, vector<16xf32>
      %select_n3A_2188 = arith.select %gt3A_2162, %select_n3A_2141, %broadcast_in_dim3A_2156 : vector<16xi1>, vector<16xi32>
      %select_n3A_2189 = arith.select %gt3A_2163, %select_n3A_2187, %select_n3A_2144 : vector<16xi1>, vector<16xf32>
      %select_n3A_2190 = arith.select %gt3A_2163, %select_n3A_2188, %select_n3A_2145 : vector<16xi1>, vector<16xi32>
      %select_n3A_2191 = arith.select %gt3A_2163, %select_n3A_2144, %get3A_2154 : vector<16xi1>, vector<16xf32>
      %select_n3A_2192 = arith.select %gt3A_2163, %select_n3A_2145, %broadcast_in_dim3A_2156 : vector<16xi1>, vector<16xi32>
      %select_n3A_2193 = arith.select %gt3A_2164, %select_n3A_2191, %select_n3A_2148 : vector<16xi1>, vector<16xf32>
      %select_n3A_2194 = arith.select %gt3A_2164, %select_n3A_2192, %select_n3A_2149 : vector<16xi1>, vector<16xi32>
      %get3A_2195 = arith.constant 48 : i32
      %get3A_2196 = arith.index_cast %get3A_2195 : i32 to index
      %get3A_2197 = arith.index_cast %mul3A_36 : i32 to index
      %get3A_2198 = tpu.vector_load %arg6[%get3A_2196, %get3A_2197] {strides = array<i32>} : memref<64x256xf32, #tpu.memory_space<vmem>>, vector<1x16xf32>,
      %get3A_2199 = vector.shape_cast %get3A_2198 : vector<1x16xf32> to vector<16xf32>
      %broadcast_in_dim3A_2200 = arith.constant 48 : i32
      %broadcast_in_dim3A_2201 = vector.broadcast %broadcast_in_dim3A_2200 : i32 to vector<16xi32>
      %gt3A_2202 = arith.cmpf ogt, %get3A_2199, %select_n3A_2165 : vector<16xf32>
      %gt3A_2203 = arith.cmpf ogt, %get3A_2199, %select_n3A_2169 : vector<16xf32>
      %gt3A_2204 = arith.cmpf ogt, %get3A_2199, %select_n3A_2173 : vector<16xf32>
      %gt3A_2205 = arith.cmpf ogt, %get3A_2199, %select_n3A_2177 : vector<16xf32>
      %gt3A_2206 = arith.cmpf ogt, %get3A_2199, %select_n3A_2181 : vector<16xf32>
      %gt3A_2207 = arith.cmpf ogt, %get3A_2199, %select_n3A_2185 : vector<16xf32>
      %gt3A_2208 = arith.cmpf ogt, %get3A_2199, %select_n3A_2189 : vector<16xf32>
      %gt3A_2209 = arith.cmpf ogt, %get3A_2199, %select_n3A_2193 : vector<16xf32>
      %select_n3A_2210 = arith.select %gt3A_2202, %get3A_2199, %select_n3A_2165 : vector<16xi1>, vector<16xf32>
      %select_n3A_2211 = arith.select %gt3A_2202, %broadcast_in_dim3A_2201, %select_n3A_2166 : vector<16xi1>, vector<16xi32>
      %select_n3A_2212 = arith.select %gt3A_2202, %select_n3A_2165, %get3A_2199 : vector<16xi1>, vector<16xf32>
      %select_n3A_2213 = arith.select %gt3A_2202, %select_n3A_2166, %broadcast_in_dim3A_2201 : vector<16xi1>, vector<16xi32>
      %select_n3A_2214 = arith.select %gt3A_2203, %select_n3A_2212, %select_n3A_2169 : vector<16xi1>, vector<16xf32>
      %select_n3A_2215 = arith.select %gt3A_2203, %select_n3A_2213, %select_n3A_2170 : vector<16xi1>, vector<16xi32>
      %select_n3A_2216 = arith.select %gt3A_2203, %select_n3A_2169, %get3A_2199 : vector<16xi1>, vector<16xf32>
      %select_n3A_2217 = arith.select %gt3A_2203, %select_n3A_2170, %broadcast_in_dim3A_2201 : vector<16xi1>, vector<16xi32>
      %select_n3A_2218 = arith.select %gt3A_2204, %select_n3A_2216, %select_n3A_2173 : vector<16xi1>, vector<16xf32>
      %select_n3A_2219 = arith.select %gt3A_2204, %select_n3A_2217, %select_n3A_2174 : vector<16xi1>, vector<16xi32>
      %select_n3A_2220 = arith.select %gt3A_2204, %select_n3A_2173, %get3A_2199 : vector<16xi1>, vector<16xf32>
      %select_n3A_2221 = arith.select %gt3A_2204, %select_n3A_2174, %broadcast_in_dim3A_2201 : vector<16xi1>, vector<16xi32>
      %select_n3A_2222 = arith.select %gt3A_2205, %select_n3A_2220, %select_n3A_2177 : vector<16xi1>, vector<16xf32>
      %select_n3A_2223 = arith.select %gt3A_2205, %select_n3A_2221, %select_n3A_2178 : vector<16xi1>, vector<16xi32>
      %select_n3A_2224 = arith.select %gt3A_2205, %select_n3A_2177, %get3A_2199 : vector<16xi1>, vector<16xf32>
      %select_n3A_2225 = arith.select %gt3A_2205, %select_n3A_2178, %broadcast_in_dim3A_2201 : vector<16xi1>, vector<16xi32>
      %select_n3A_2226 = arith.select %gt3A_2206, %select_n3A_2224, %select_n3A_2181 : vector<16xi1>, vector<16xf32>
      %select_n3A_2227 = arith.select %gt3A_2206, %select_n3A_2225, %select_n3A_2182 : vector<16xi1>, vector<16xi32>
      %select_n3A_2228 = arith.select %gt3A_2206, %select_n3A_2181, %get3A_2199 : vector<16xi1>, vector<16xf32>
      %select_n3A_2229 = arith.select %gt3A_2206, %select_n3A_2182, %broadcast_in_dim3A_2201 : vector<16xi1>, vector<16xi32>
      %select_n3A_2230 = arith.select %gt3A_2207, %select_n3A_2228, %select_n3A_2185 : vector<16xi1>, vector<16xf32>
      %select_n3A_2231 = arith.select %gt3A_2207, %select_n3A_2229, %select_n3A_2186 : vector<16xi1>, vector<16xi32>
      %select_n3A_2232 = arith.select %gt3A_2207, %select_n3A_2185, %get3A_2199 : vector<16xi1>, vector<16xf32>
      %select_n3A_2233 = arith.select %gt3A_2207, %select_n3A_2186, %broadcast_in_dim3A_2201 : vector<16xi1>, vector<16xi32>
      %select_n3A_2234 = arith.select %gt3A_2208, %select_n3A_2232, %select_n3A_2189 : vector<16xi1>, vector<16xf32>
      %select_n3A_2235 = arith.select %gt3A_2208, %select_n3A_2233, %select_n3A_2190 : vector<16xi1>, vector<16xi32>
      %select_n3A_2236 = arith.select %gt3A_2208, %select_n3A_2189, %get3A_2199 : vector<16xi1>, vector<16xf32>
      %select_n3A_2237 = arith.select %gt3A_2208, %select_n3A_2190, %broadcast_in_dim3A_2201 : vector<16xi1>, vector<16xi32>
      %select_n3A_2238 = arith.select %gt3A_2209, %select_n3A_2236, %select_n3A_2193 : vector<16xi1>, vector<16xf32>
      %select_n3A_2239 = arith.select %gt3A_2209, %select_n3A_2237, %select_n3A_2194 : vector<16xi1>, vector<16xi32>
      %get3A_2240 = arith.constant 49 : i32
      %get3A_2241 = arith.index_cast %get3A_2240 : i32 to index
      %get3A_2242 = arith.index_cast %mul3A_36 : i32 to index
      %get3A_2243 = tpu.vector_load %arg6[%get3A_2241, %get3A_2242] {strides = array<i32>} : memref<64x256xf32, #tpu.memory_space<vmem>>, vector<1x16xf32>,
      %get3A_2244 = vector.shape_cast %get3A_2243 : vector<1x16xf32> to vector<16xf32>
      %broadcast_in_dim3A_2245 = arith.constant 49 : i32
      %broadcast_in_dim3A_2246 = vector.broadcast %broadcast_in_dim3A_2245 : i32 to vector<16xi32>
      %gt3A_2247 = arith.cmpf ogt, %get3A_2244, %select_n3A_2210 : vector<16xf32>
      %gt3A_2248 = arith.cmpf ogt, %get3A_2244, %select_n3A_2214 : vector<16xf32>
      %gt3A_2249 = arith.cmpf ogt, %get3A_2244, %select_n3A_2218 : vector<16xf32>
      %gt3A_2250 = arith.cmpf ogt, %get3A_2244, %select_n3A_2222 : vector<16xf32>
      %gt3A_2251 = arith.cmpf ogt, %get3A_2244, %select_n3A_2226 : vector<16xf32>
      %gt3A_2252 = arith.cmpf ogt, %get3A_2244, %select_n3A_2230 : vector<16xf32>
      %gt3A_2253 = arith.cmpf ogt, %get3A_2244, %select_n3A_2234 : vector<16xf32>
      %gt3A_2254 = arith.cmpf ogt, %get3A_2244, %select_n3A_2238 : vector<16xf32>
      %select_n3A_2255 = arith.select %gt3A_2247, %get3A_2244, %select_n3A_2210 : vector<16xi1>, vector<16xf32>
      %select_n3A_2256 = arith.select %gt3A_2247, %broadcast_in_dim3A_2246, %select_n3A_2211 : vector<16xi1>, vector<16xi32>
      %select_n3A_2257 = arith.select %gt3A_2247, %select_n3A_2210, %get3A_2244 : vector<16xi1>, vector<16xf32>
      %select_n3A_2258 = arith.select %gt3A_2247, %select_n3A_2211, %broadcast_in_dim3A_2246 : vector<16xi1>, vector<16xi32>
      %select_n3A_2259 = arith.select %gt3A_2248, %select_n3A_2257, %select_n3A_2214 : vector<16xi1>, vector<16xf32>
      %select_n3A_2260 = arith.select %gt3A_2248, %select_n3A_2258, %select_n3A_2215 : vector<16xi1>, vector<16xi32>
      %select_n3A_2261 = arith.select %gt3A_2248, %select_n3A_2214, %get3A_2244 : vector<16xi1>, vector<16xf32>
      %select_n3A_2262 = arith.select %gt3A_2248, %select_n3A_2215, %broadcast_in_dim3A_2246 : vector<16xi1>, vector<16xi32>
      %select_n3A_2263 = arith.select %gt3A_2249, %select_n3A_2261, %select_n3A_2218 : vector<16xi1>, vector<16xf32>
      %select_n3A_2264 = arith.select %gt3A_2249, %select_n3A_2262, %select_n3A_2219 : vector<16xi1>, vector<16xi32>
      %select_n3A_2265 = arith.select %gt3A_2249, %select_n3A_2218, %get3A_2244 : vector<16xi1>, vector<16xf32>
      %select_n3A_2266 = arith.select %gt3A_2249, %select_n3A_2219, %broadcast_in_dim3A_2246 : vector<16xi1>, vector<16xi32>
      %select_n3A_2267 = arith.select %gt3A_2250, %select_n3A_2265, %select_n3A_2222 : vector<16xi1>, vector<16xf32>
      %select_n3A_2268 = arith.select %gt3A_2250, %select_n3A_2266, %select_n3A_2223 : vector<16xi1>, vector<16xi32>
      %select_n3A_2269 = arith.select %gt3A_2250, %select_n3A_2222, %get3A_2244 : vector<16xi1>, vector<16xf32>
      %select_n3A_2270 = arith.select %gt3A_2250, %select_n3A_2223, %broadcast_in_dim3A_2246 : vector<16xi1>, vector<16xi32>
      %select_n3A_2271 = arith.select %gt3A_2251, %select_n3A_2269, %select_n3A_2226 : vector<16xi1>, vector<16xf32>
      %select_n3A_2272 = arith.select %gt3A_2251, %select_n3A_2270, %select_n3A_2227 : vector<16xi1>, vector<16xi32>
      %select_n3A_2273 = arith.select %gt3A_2251, %select_n3A_2226, %get3A_2244 : vector<16xi1>, vector<16xf32>
      %select_n3A_2274 = arith.select %gt3A_2251, %select_n3A_2227, %broadcast_in_dim3A_2246 : vector<16xi1>, vector<16xi32>
      %select_n3A_2275 = arith.select %gt3A_2252, %select_n3A_2273, %select_n3A_2230 : vector<16xi1>, vector<16xf32>
      %select_n3A_2276 = arith.select %gt3A_2252, %select_n3A_2274, %select_n3A_2231 : vector<16xi1>, vector<16xi32>
      %select_n3A_2277 = arith.select %gt3A_2252, %select_n3A_2230, %get3A_2244 : vector<16xi1>, vector<16xf32>
      %select_n3A_2278 = arith.select %gt3A_2252, %select_n3A_2231, %broadcast_in_dim3A_2246 : vector<16xi1>, vector<16xi32>
      %select_n3A_2279 = arith.select %gt3A_2253, %select_n3A_2277, %select_n3A_2234 : vector<16xi1>, vector<16xf32>
      %select_n3A_2280 = arith.select %gt3A_2253, %select_n3A_2278, %select_n3A_2235 : vector<16xi1>, vector<16xi32>
      %select_n3A_2281 = arith.select %gt3A_2253, %select_n3A_2234, %get3A_2244 : vector<16xi1>, vector<16xf32>
      %select_n3A_2282 = arith.select %gt3A_2253, %select_n3A_2235, %broadcast_in_dim3A_2246 : vector<16xi1>, vector<16xi32>
      %select_n3A_2283 = arith.select %gt3A_2254, %select_n3A_2281, %select_n3A_2238 : vector<16xi1>, vector<16xf32>
      %select_n3A_2284 = arith.select %gt3A_2254, %select_n3A_2282, %select_n3A_2239 : vector<16xi1>, vector<16xi32>
      %get3A_2285 = arith.constant 50 : i32
      %get3A_2286 = arith.index_cast %get3A_2285 : i32 to index
      %get3A_2287 = arith.index_cast %mul3A_36 : i32 to index
      %get3A_2288 = tpu.vector_load %arg6[%get3A_2286, %get3A_2287] {strides = array<i32>} : memref<64x256xf32, #tpu.memory_space<vmem>>, vector<1x16xf32>,
      %get3A_2289 = vector.shape_cast %get3A_2288 : vector<1x16xf32> to vector<16xf32>
      %broadcast_in_dim3A_2290 = arith.constant 50 : i32
      %broadcast_in_dim3A_2291 = vector.broadcast %broadcast_in_dim3A_2290 : i32 to vector<16xi32>
      %gt3A_2292 = arith.cmpf ogt, %get3A_2289, %select_n3A_2255 : vector<16xf32>
      %gt3A_2293 = arith.cmpf ogt, %get3A_2289, %select_n3A_2259 : vector<16xf32>
      %gt3A_2294 = arith.cmpf ogt, %get3A_2289, %select_n3A_2263 : vector<16xf32>
      %gt3A_2295 = arith.cmpf ogt, %get3A_2289, %select_n3A_2267 : vector<16xf32>
      %gt3A_2296 = arith.cmpf ogt, %get3A_2289, %select_n3A_2271 : vector<16xf32>
      %gt3A_2297 = arith.cmpf ogt, %get3A_2289, %select_n3A_2275 : vector<16xf32>
      %gt3A_2298 = arith.cmpf ogt, %get3A_2289, %select_n3A_2279 : vector<16xf32>
      %gt3A_2299 = arith.cmpf ogt, %get3A_2289, %select_n3A_2283 : vector<16xf32>
      %select_n3A_2300 = arith.select %gt3A_2292, %get3A_2289, %select_n3A_2255 : vector<16xi1>, vector<16xf32>
      %select_n3A_2301 = arith.select %gt3A_2292, %broadcast_in_dim3A_2291, %select_n3A_2256 : vector<16xi1>, vector<16xi32>
      %select_n3A_2302 = arith.select %gt3A_2292, %select_n3A_2255, %get3A_2289 : vector<16xi1>, vector<16xf32>
      %select_n3A_2303 = arith.select %gt3A_2292, %select_n3A_2256, %broadcast_in_dim3A_2291 : vector<16xi1>, vector<16xi32>
      %select_n3A_2304 = arith.select %gt3A_2293, %select_n3A_2302, %select_n3A_2259 : vector<16xi1>, vector<16xf32>
      %select_n3A_2305 = arith.select %gt3A_2293, %select_n3A_2303, %select_n3A_2260 : vector<16xi1>, vector<16xi32>
      %select_n3A_2306 = arith.select %gt3A_2293, %select_n3A_2259, %get3A_2289 : vector<16xi1>, vector<16xf32>
      %select_n3A_2307 = arith.select %gt3A_2293, %select_n3A_2260, %broadcast_in_dim3A_2291 : vector<16xi1>, vector<16xi32>
      %select_n3A_2308 = arith.select %gt3A_2294, %select_n3A_2306, %select_n3A_2263 : vector<16xi1>, vector<16xf32>
      %select_n3A_2309 = arith.select %gt3A_2294, %select_n3A_2307, %select_n3A_2264 : vector<16xi1>, vector<16xi32>
      %select_n3A_2310 = arith.select %gt3A_2294, %select_n3A_2263, %get3A_2289 : vector<16xi1>, vector<16xf32>
      %select_n3A_2311 = arith.select %gt3A_2294, %select_n3A_2264, %broadcast_in_dim3A_2291 : vector<16xi1>, vector<16xi32>
      %select_n3A_2312 = arith.select %gt3A_2295, %select_n3A_2310, %select_n3A_2267 : vector<16xi1>, vector<16xf32>
      %select_n3A_2313 = arith.select %gt3A_2295, %select_n3A_2311, %select_n3A_2268 : vector<16xi1>, vector<16xi32>
      %select_n3A_2314 = arith.select %gt3A_2295, %select_n3A_2267, %get3A_2289 : vector<16xi1>, vector<16xf32>
      %select_n3A_2315 = arith.select %gt3A_2295, %select_n3A_2268, %broadcast_in_dim3A_2291 : vector<16xi1>, vector<16xi32>
      %select_n3A_2316 = arith.select %gt3A_2296, %select_n3A_2314, %select_n3A_2271 : vector<16xi1>, vector<16xf32>
      %select_n3A_2317 = arith.select %gt3A_2296, %select_n3A_2315, %select_n3A_2272 : vector<16xi1>, vector<16xi32>
      %select_n3A_2318 = arith.select %gt3A_2296, %select_n3A_2271, %get3A_2289 : vector<16xi1>, vector<16xf32>
      %select_n3A_2319 = arith.select %gt3A_2296, %select_n3A_2272, %broadcast_in_dim3A_2291 : vector<16xi1>, vector<16xi32>
      %select_n3A_2320 = arith.select %gt3A_2297, %select_n3A_2318, %select_n3A_2275 : vector<16xi1>, vector<16xf32>
      %select_n3A_2321 = arith.select %gt3A_2297, %select_n3A_2319, %select_n3A_2276 : vector<16xi1>, vector<16xi32>
      %select_n3A_2322 = arith.select %gt3A_2297, %select_n3A_2275, %get3A_2289 : vector<16xi1>, vector<16xf32>
      %select_n3A_2323 = arith.select %gt3A_2297, %select_n3A_2276, %broadcast_in_dim3A_2291 : vector<16xi1>, vector<16xi32>
      %select_n3A_2324 = arith.select %gt3A_2298, %select_n3A_2322, %select_n3A_2279 : vector<16xi1>, vector<16xf32>
      %select_n3A_2325 = arith.select %gt3A_2298, %select_n3A_2323, %select_n3A_2280 : vector<16xi1>, vector<16xi32>
      %select_n3A_2326 = arith.select %gt3A_2298, %select_n3A_2279, %get3A_2289 : vector<16xi1>, vector<16xf32>
      %select_n3A_2327 = arith.select %gt3A_2298, %select_n3A_2280, %broadcast_in_dim3A_2291 : vector<16xi1>, vector<16xi32>
      %select_n3A_2328 = arith.select %gt3A_2299, %select_n3A_2326, %select_n3A_2283 : vector<16xi1>, vector<16xf32>
      %select_n3A_2329 = arith.select %gt3A_2299, %select_n3A_2327, %select_n3A_2284 : vector<16xi1>, vector<16xi32>
      %get3A_2330 = arith.constant 51 : i32
      %get3A_2331 = arith.index_cast %get3A_2330 : i32 to index
      %get3A_2332 = arith.index_cast %mul3A_36 : i32 to index
      %get3A_2333 = tpu.vector_load %arg6[%get3A_2331, %get3A_2332] {strides = array<i32>} : memref<64x256xf32, #tpu.memory_space<vmem>>, vector<1x16xf32>,
      %get3A_2334 = vector.shape_cast %get3A_2333 : vector<1x16xf32> to vector<16xf32>
      %broadcast_in_dim3A_2335 = arith.constant 51 : i32
      %broadcast_in_dim3A_2336 = vector.broadcast %broadcast_in_dim3A_2335 : i32 to vector<16xi32>
      %gt3A_2337 = arith.cmpf ogt, %get3A_2334, %select_n3A_2300 : vector<16xf32>
      %gt3A_2338 = arith.cmpf ogt, %get3A_2334, %select_n3A_2304 : vector<16xf32>
      %gt3A_2339 = arith.cmpf ogt, %get3A_2334, %select_n3A_2308 : vector<16xf32>
      %gt3A_2340 = arith.cmpf ogt, %get3A_2334, %select_n3A_2312 : vector<16xf32>
      %gt3A_2341 = arith.cmpf ogt, %get3A_2334, %select_n3A_2316 : vector<16xf32>
      %gt3A_2342 = arith.cmpf ogt, %get3A_2334, %select_n3A_2320 : vector<16xf32>
      %gt3A_2343 = arith.cmpf ogt, %get3A_2334, %select_n3A_2324 : vector<16xf32>
      %gt3A_2344 = arith.cmpf ogt, %get3A_2334, %select_n3A_2328 : vector<16xf32>
      %select_n3A_2345 = arith.select %gt3A_2337, %get3A_2334, %select_n3A_2300 : vector<16xi1>, vector<16xf32>
      %select_n3A_2346 = arith.select %gt3A_2337, %broadcast_in_dim3A_2336, %select_n3A_2301 : vector<16xi1>, vector<16xi32>
      %select_n3A_2347 = arith.select %gt3A_2337, %select_n3A_2300, %get3A_2334 : vector<16xi1>, vector<16xf32>
      %select_n3A_2348 = arith.select %gt3A_2337, %select_n3A_2301, %broadcast_in_dim3A_2336 : vector<16xi1>, vector<16xi32>
      %select_n3A_2349 = arith.select %gt3A_2338, %select_n3A_2347, %select_n3A_2304 : vector<16xi1>, vector<16xf32>
      %select_n3A_2350 = arith.select %gt3A_2338, %select_n3A_2348, %select_n3A_2305 : vector<16xi1>, vector<16xi32>
      %select_n3A_2351 = arith.select %gt3A_2338, %select_n3A_2304, %get3A_2334 : vector<16xi1>, vector<16xf32>
      %select_n3A_2352 = arith.select %gt3A_2338, %select_n3A_2305, %broadcast_in_dim3A_2336 : vector<16xi1>, vector<16xi32>
      %select_n3A_2353 = arith.select %gt3A_2339, %select_n3A_2351, %select_n3A_2308 : vector<16xi1>, vector<16xf32>
      %select_n3A_2354 = arith.select %gt3A_2339, %select_n3A_2352, %select_n3A_2309 : vector<16xi1>, vector<16xi32>
      %select_n3A_2355 = arith.select %gt3A_2339, %select_n3A_2308, %get3A_2334 : vector<16xi1>, vector<16xf32>
      %select_n3A_2356 = arith.select %gt3A_2339, %select_n3A_2309, %broadcast_in_dim3A_2336 : vector<16xi1>, vector<16xi32>
      %select_n3A_2357 = arith.select %gt3A_2340, %select_n3A_2355, %select_n3A_2312 : vector<16xi1>, vector<16xf32>
      %select_n3A_2358 = arith.select %gt3A_2340, %select_n3A_2356, %select_n3A_2313 : vector<16xi1>, vector<16xi32>
      %select_n3A_2359 = arith.select %gt3A_2340, %select_n3A_2312, %get3A_2334 : vector<16xi1>, vector<16xf32>
      %select_n3A_2360 = arith.select %gt3A_2340, %select_n3A_2313, %broadcast_in_dim3A_2336 : vector<16xi1>, vector<16xi32>
      %select_n3A_2361 = arith.select %gt3A_2341, %select_n3A_2359, %select_n3A_2316 : vector<16xi1>, vector<16xf32>
      %select_n3A_2362 = arith.select %gt3A_2341, %select_n3A_2360, %select_n3A_2317 : vector<16xi1>, vector<16xi32>
      %select_n3A_2363 = arith.select %gt3A_2341, %select_n3A_2316, %get3A_2334 : vector<16xi1>, vector<16xf32>
      %select_n3A_2364 = arith.select %gt3A_2341, %select_n3A_2317, %broadcast_in_dim3A_2336 : vector<16xi1>, vector<16xi32>
      %select_n3A_2365 = arith.select %gt3A_2342, %select_n3A_2363, %select_n3A_2320 : vector<16xi1>, vector<16xf32>
      %select_n3A_2366 = arith.select %gt3A_2342, %select_n3A_2364, %select_n3A_2321 : vector<16xi1>, vector<16xi32>
      %select_n3A_2367 = arith.select %gt3A_2342, %select_n3A_2320, %get3A_2334 : vector<16xi1>, vector<16xf32>
      %select_n3A_2368 = arith.select %gt3A_2342, %select_n3A_2321, %broadcast_in_dim3A_2336 : vector<16xi1>, vector<16xi32>
      %select_n3A_2369 = arith.select %gt3A_2343, %select_n3A_2367, %select_n3A_2324 : vector<16xi1>, vector<16xf32>
      %select_n3A_2370 = arith.select %gt3A_2343, %select_n3A_2368, %select_n3A_2325 : vector<16xi1>, vector<16xi32>
      %select_n3A_2371 = arith.select %gt3A_2343, %select_n3A_2324, %get3A_2334 : vector<16xi1>, vector<16xf32>
      %select_n3A_2372 = arith.select %gt3A_2343, %select_n3A_2325, %broadcast_in_dim3A_2336 : vector<16xi1>, vector<16xi32>
      %select_n3A_2373 = arith.select %gt3A_2344, %select_n3A_2371, %select_n3A_2328 : vector<16xi1>, vector<16xf32>
      %select_n3A_2374 = arith.select %gt3A_2344, %select_n3A_2372, %select_n3A_2329 : vector<16xi1>, vector<16xi32>
      %get3A_2375 = arith.constant 52 : i32
      %get3A_2376 = arith.index_cast %get3A_2375 : i32 to index
      %get3A_2377 = arith.index_cast %mul3A_36 : i32 to index
      %get3A_2378 = tpu.vector_load %arg6[%get3A_2376, %get3A_2377] {strides = array<i32>} : memref<64x256xf32, #tpu.memory_space<vmem>>, vector<1x16xf32>,
      %get3A_2379 = vector.shape_cast %get3A_2378 : vector<1x16xf32> to vector<16xf32>
      %broadcast_in_dim3A_2380 = arith.constant 52 : i32
      %broadcast_in_dim3A_2381 = vector.broadcast %broadcast_in_dim3A_2380 : i32 to vector<16xi32>
      %gt3A_2382 = arith.cmpf ogt, %get3A_2379, %select_n3A_2345 : vector<16xf32>
      %gt3A_2383 = arith.cmpf ogt, %get3A_2379, %select_n3A_2349 : vector<16xf32>
      %gt3A_2384 = arith.cmpf ogt, %get3A_2379, %select_n3A_2353 : vector<16xf32>
      %gt3A_2385 = arith.cmpf ogt, %get3A_2379, %select_n3A_2357 : vector<16xf32>
      %gt3A_2386 = arith.cmpf ogt, %get3A_2379, %select_n3A_2361 : vector<16xf32>
      %gt3A_2387 = arith.cmpf ogt, %get3A_2379, %select_n3A_2365 : vector<16xf32>
      %gt3A_2388 = arith.cmpf ogt, %get3A_2379, %select_n3A_2369 : vector<16xf32>
      %gt3A_2389 = arith.cmpf ogt, %get3A_2379, %select_n3A_2373 : vector<16xf32>
      %select_n3A_2390 = arith.select %gt3A_2382, %get3A_2379, %select_n3A_2345 : vector<16xi1>, vector<16xf32>
      %select_n3A_2391 = arith.select %gt3A_2382, %broadcast_in_dim3A_2381, %select_n3A_2346 : vector<16xi1>, vector<16xi32>
      %select_n3A_2392 = arith.select %gt3A_2382, %select_n3A_2345, %get3A_2379 : vector<16xi1>, vector<16xf32>
      %select_n3A_2393 = arith.select %gt3A_2382, %select_n3A_2346, %broadcast_in_dim3A_2381 : vector<16xi1>, vector<16xi32>
      %select_n3A_2394 = arith.select %gt3A_2383, %select_n3A_2392, %select_n3A_2349 : vector<16xi1>, vector<16xf32>
      %select_n3A_2395 = arith.select %gt3A_2383, %select_n3A_2393, %select_n3A_2350 : vector<16xi1>, vector<16xi32>
      %select_n3A_2396 = arith.select %gt3A_2383, %select_n3A_2349, %get3A_2379 : vector<16xi1>, vector<16xf32>
      %select_n3A_2397 = arith.select %gt3A_2383, %select_n3A_2350, %broadcast_in_dim3A_2381 : vector<16xi1>, vector<16xi32>
      %select_n3A_2398 = arith.select %gt3A_2384, %select_n3A_2396, %select_n3A_2353 : vector<16xi1>, vector<16xf32>
      %select_n3A_2399 = arith.select %gt3A_2384, %select_n3A_2397, %select_n3A_2354 : vector<16xi1>, vector<16xi32>
      %select_n3A_2400 = arith.select %gt3A_2384, %select_n3A_2353, %get3A_2379 : vector<16xi1>, vector<16xf32>
      %select_n3A_2401 = arith.select %gt3A_2384, %select_n3A_2354, %broadcast_in_dim3A_2381 : vector<16xi1>, vector<16xi32>
      %select_n3A_2402 = arith.select %gt3A_2385, %select_n3A_2400, %select_n3A_2357 : vector<16xi1>, vector<16xf32>
      %select_n3A_2403 = arith.select %gt3A_2385, %select_n3A_2401, %select_n3A_2358 : vector<16xi1>, vector<16xi32>
      %select_n3A_2404 = arith.select %gt3A_2385, %select_n3A_2357, %get3A_2379 : vector<16xi1>, vector<16xf32>
      %select_n3A_2405 = arith.select %gt3A_2385, %select_n3A_2358, %broadcast_in_dim3A_2381 : vector<16xi1>, vector<16xi32>
      %select_n3A_2406 = arith.select %gt3A_2386, %select_n3A_2404, %select_n3A_2361 : vector<16xi1>, vector<16xf32>
      %select_n3A_2407 = arith.select %gt3A_2386, %select_n3A_2405, %select_n3A_2362 : vector<16xi1>, vector<16xi32>
      %select_n3A_2408 = arith.select %gt3A_2386, %select_n3A_2361, %get3A_2379 : vector<16xi1>, vector<16xf32>
      %select_n3A_2409 = arith.select %gt3A_2386, %select_n3A_2362, %broadcast_in_dim3A_2381 : vector<16xi1>, vector<16xi32>
      %select_n3A_2410 = arith.select %gt3A_2387, %select_n3A_2408, %select_n3A_2365 : vector<16xi1>, vector<16xf32>
      %select_n3A_2411 = arith.select %gt3A_2387, %select_n3A_2409, %select_n3A_2366 : vector<16xi1>, vector<16xi32>
      %select_n3A_2412 = arith.select %gt3A_2387, %select_n3A_2365, %get3A_2379 : vector<16xi1>, vector<16xf32>
      %select_n3A_2413 = arith.select %gt3A_2387, %select_n3A_2366, %broadcast_in_dim3A_2381 : vector<16xi1>, vector<16xi32>
      %select_n3A_2414 = arith.select %gt3A_2388, %select_n3A_2412, %select_n3A_2369 : vector<16xi1>, vector<16xf32>
      %select_n3A_2415 = arith.select %gt3A_2388, %select_n3A_2413, %select_n3A_2370 : vector<16xi1>, vector<16xi32>
      %select_n3A_2416 = arith.select %gt3A_2388, %select_n3A_2369, %get3A_2379 : vector<16xi1>, vector<16xf32>
      %select_n3A_2417 = arith.select %gt3A_2388, %select_n3A_2370, %broadcast_in_dim3A_2381 : vector<16xi1>, vector<16xi32>
      %select_n3A_2418 = arith.select %gt3A_2389, %select_n3A_2416, %select_n3A_2373 : vector<16xi1>, vector<16xf32>
      %select_n3A_2419 = arith.select %gt3A_2389, %select_n3A_2417, %select_n3A_2374 : vector<16xi1>, vector<16xi32>
      %get3A_2420 = arith.constant 53 : i32
      %get3A_2421 = arith.index_cast %get3A_2420 : i32 to index
      %get3A_2422 = arith.index_cast %mul3A_36 : i32 to index
      %get3A_2423 = tpu.vector_load %arg6[%get3A_2421, %get3A_2422] {strides = array<i32>} : memref<64x256xf32, #tpu.memory_space<vmem>>, vector<1x16xf32>,
      %get3A_2424 = vector.shape_cast %get3A_2423 : vector<1x16xf32> to vector<16xf32>
      %broadcast_in_dim3A_2425 = arith.constant 53 : i32
      %broadcast_in_dim3A_2426 = vector.broadcast %broadcast_in_dim3A_2425 : i32 to vector<16xi32>
      %gt3A_2427 = arith.cmpf ogt, %get3A_2424, %select_n3A_2390 : vector<16xf32>
      %gt3A_2428 = arith.cmpf ogt, %get3A_2424, %select_n3A_2394 : vector<16xf32>
      %gt3A_2429 = arith.cmpf ogt, %get3A_2424, %select_n3A_2398 : vector<16xf32>
      %gt3A_2430 = arith.cmpf ogt, %get3A_2424, %select_n3A_2402 : vector<16xf32>
      %gt3A_2431 = arith.cmpf ogt, %get3A_2424, %select_n3A_2406 : vector<16xf32>
      %gt3A_2432 = arith.cmpf ogt, %get3A_2424, %select_n3A_2410 : vector<16xf32>
      %gt3A_2433 = arith.cmpf ogt, %get3A_2424, %select_n3A_2414 : vector<16xf32>
      %gt3A_2434 = arith.cmpf ogt, %get3A_2424, %select_n3A_2418 : vector<16xf32>
      %select_n3A_2435 = arith.select %gt3A_2427, %get3A_2424, %select_n3A_2390 : vector<16xi1>, vector<16xf32>
      %select_n3A_2436 = arith.select %gt3A_2427, %broadcast_in_dim3A_2426, %select_n3A_2391 : vector<16xi1>, vector<16xi32>
      %select_n3A_2437 = arith.select %gt3A_2427, %select_n3A_2390, %get3A_2424 : vector<16xi1>, vector<16xf32>
      %select_n3A_2438 = arith.select %gt3A_2427, %select_n3A_2391, %broadcast_in_dim3A_2426 : vector<16xi1>, vector<16xi32>
      %select_n3A_2439 = arith.select %gt3A_2428, %select_n3A_2437, %select_n3A_2394 : vector<16xi1>, vector<16xf32>
      %select_n3A_2440 = arith.select %gt3A_2428, %select_n3A_2438, %select_n3A_2395 : vector<16xi1>, vector<16xi32>
      %select_n3A_2441 = arith.select %gt3A_2428, %select_n3A_2394, %get3A_2424 : vector<16xi1>, vector<16xf32>
      %select_n3A_2442 = arith.select %gt3A_2428, %select_n3A_2395, %broadcast_in_dim3A_2426 : vector<16xi1>, vector<16xi32>
      %select_n3A_2443 = arith.select %gt3A_2429, %select_n3A_2441, %select_n3A_2398 : vector<16xi1>, vector<16xf32>
      %select_n3A_2444 = arith.select %gt3A_2429, %select_n3A_2442, %select_n3A_2399 : vector<16xi1>, vector<16xi32>
      %select_n3A_2445 = arith.select %gt3A_2429, %select_n3A_2398, %get3A_2424 : vector<16xi1>, vector<16xf32>
      %select_n3A_2446 = arith.select %gt3A_2429, %select_n3A_2399, %broadcast_in_dim3A_2426 : vector<16xi1>, vector<16xi32>
      %select_n3A_2447 = arith.select %gt3A_2430, %select_n3A_2445, %select_n3A_2402 : vector<16xi1>, vector<16xf32>
      %select_n3A_2448 = arith.select %gt3A_2430, %select_n3A_2446, %select_n3A_2403 : vector<16xi1>, vector<16xi32>
      %select_n3A_2449 = arith.select %gt3A_2430, %select_n3A_2402, %get3A_2424 : vector<16xi1>, vector<16xf32>
      %select_n3A_2450 = arith.select %gt3A_2430, %select_n3A_2403, %broadcast_in_dim3A_2426 : vector<16xi1>, vector<16xi32>
      %select_n3A_2451 = arith.select %gt3A_2431, %select_n3A_2449, %select_n3A_2406 : vector<16xi1>, vector<16xf32>
      %select_n3A_2452 = arith.select %gt3A_2431, %select_n3A_2450, %select_n3A_2407 : vector<16xi1>, vector<16xi32>
      %select_n3A_2453 = arith.select %gt3A_2431, %select_n3A_2406, %get3A_2424 : vector<16xi1>, vector<16xf32>
      %select_n3A_2454 = arith.select %gt3A_2431, %select_n3A_2407, %broadcast_in_dim3A_2426 : vector<16xi1>, vector<16xi32>
      %select_n3A_2455 = arith.select %gt3A_2432, %select_n3A_2453, %select_n3A_2410 : vector<16xi1>, vector<16xf32>
      %select_n3A_2456 = arith.select %gt3A_2432, %select_n3A_2454, %select_n3A_2411 : vector<16xi1>, vector<16xi32>
      %select_n3A_2457 = arith.select %gt3A_2432, %select_n3A_2410, %get3A_2424 : vector<16xi1>, vector<16xf32>
      %select_n3A_2458 = arith.select %gt3A_2432, %select_n3A_2411, %broadcast_in_dim3A_2426 : vector<16xi1>, vector<16xi32>
      %select_n3A_2459 = arith.select %gt3A_2433, %select_n3A_2457, %select_n3A_2414 : vector<16xi1>, vector<16xf32>
      %select_n3A_2460 = arith.select %gt3A_2433, %select_n3A_2458, %select_n3A_2415 : vector<16xi1>, vector<16xi32>
      %select_n3A_2461 = arith.select %gt3A_2433, %select_n3A_2414, %get3A_2424 : vector<16xi1>, vector<16xf32>
      %select_n3A_2462 = arith.select %gt3A_2433, %select_n3A_2415, %broadcast_in_dim3A_2426 : vector<16xi1>, vector<16xi32>
      %select_n3A_2463 = arith.select %gt3A_2434, %select_n3A_2461, %select_n3A_2418 : vector<16xi1>, vector<16xf32>
      %select_n3A_2464 = arith.select %gt3A_2434, %select_n3A_2462, %select_n3A_2419 : vector<16xi1>, vector<16xi32>
      %get3A_2465 = arith.constant 54 : i32
      %get3A_2466 = arith.index_cast %get3A_2465 : i32 to index
      %get3A_2467 = arith.index_cast %mul3A_36 : i32 to index
      %get3A_2468 = tpu.vector_load %arg6[%get3A_2466, %get3A_2467] {strides = array<i32>} : memref<64x256xf32, #tpu.memory_space<vmem>>, vector<1x16xf32>,
      %get3A_2469 = vector.shape_cast %get3A_2468 : vector<1x16xf32> to vector<16xf32>
      %broadcast_in_dim3A_2470 = arith.constant 54 : i32
      %broadcast_in_dim3A_2471 = vector.broadcast %broadcast_in_dim3A_2470 : i32 to vector<16xi32>
      %gt3A_2472 = arith.cmpf ogt, %get3A_2469, %select_n3A_2435 : vector<16xf32>
      %gt3A_2473 = arith.cmpf ogt, %get3A_2469, %select_n3A_2439 : vector<16xf32>
      %gt3A_2474 = arith.cmpf ogt, %get3A_2469, %select_n3A_2443 : vector<16xf32>
      %gt3A_2475 = arith.cmpf ogt, %get3A_2469, %select_n3A_2447 : vector<16xf32>
      %gt3A_2476 = arith.cmpf ogt, %get3A_2469, %select_n3A_2451 : vector<16xf32>
      %gt3A_2477 = arith.cmpf ogt, %get3A_2469, %select_n3A_2455 : vector<16xf32>
      %gt3A_2478 = arith.cmpf ogt, %get3A_2469, %select_n3A_2459 : vector<16xf32>
      %gt3A_2479 = arith.cmpf ogt, %get3A_2469, %select_n3A_2463 : vector<16xf32>
      %select_n3A_2480 = arith.select %gt3A_2472, %get3A_2469, %select_n3A_2435 : vector<16xi1>, vector<16xf32>
      %select_n3A_2481 = arith.select %gt3A_2472, %broadcast_in_dim3A_2471, %select_n3A_2436 : vector<16xi1>, vector<16xi32>
      %select_n3A_2482 = arith.select %gt3A_2472, %select_n3A_2435, %get3A_2469 : vector<16xi1>, vector<16xf32>
      %select_n3A_2483 = arith.select %gt3A_2472, %select_n3A_2436, %broadcast_in_dim3A_2471 : vector<16xi1>, vector<16xi32>
      %select_n3A_2484 = arith.select %gt3A_2473, %select_n3A_2482, %select_n3A_2439 : vector<16xi1>, vector<16xf32>
      %select_n3A_2485 = arith.select %gt3A_2473, %select_n3A_2483, %select_n3A_2440 : vector<16xi1>, vector<16xi32>
      %select_n3A_2486 = arith.select %gt3A_2473, %select_n3A_2439, %get3A_2469 : vector<16xi1>, vector<16xf32>
      %select_n3A_2487 = arith.select %gt3A_2473, %select_n3A_2440, %broadcast_in_dim3A_2471 : vector<16xi1>, vector<16xi32>
      %select_n3A_2488 = arith.select %gt3A_2474, %select_n3A_2486, %select_n3A_2443 : vector<16xi1>, vector<16xf32>
      %select_n3A_2489 = arith.select %gt3A_2474, %select_n3A_2487, %select_n3A_2444 : vector<16xi1>, vector<16xi32>
      %select_n3A_2490 = arith.select %gt3A_2474, %select_n3A_2443, %get3A_2469 : vector<16xi1>, vector<16xf32>
      %select_n3A_2491 = arith.select %gt3A_2474, %select_n3A_2444, %broadcast_in_dim3A_2471 : vector<16xi1>, vector<16xi32>
      %select_n3A_2492 = arith.select %gt3A_2475, %select_n3A_2490, %select_n3A_2447 : vector<16xi1>, vector<16xf32>
      %select_n3A_2493 = arith.select %gt3A_2475, %select_n3A_2491, %select_n3A_2448 : vector<16xi1>, vector<16xi32>
      %select_n3A_2494 = arith.select %gt3A_2475, %select_n3A_2447, %get3A_2469 : vector<16xi1>, vector<16xf32>
      %select_n3A_2495 = arith.select %gt3A_2475, %select_n3A_2448, %broadcast_in_dim3A_2471 : vector<16xi1>, vector<16xi32>
      %select_n3A_2496 = arith.select %gt3A_2476, %select_n3A_2494, %select_n3A_2451 : vector<16xi1>, vector<16xf32>
      %select_n3A_2497 = arith.select %gt3A_2476, %select_n3A_2495, %select_n3A_2452 : vector<16xi1>, vector<16xi32>
      %select_n3A_2498 = arith.select %gt3A_2476, %select_n3A_2451, %get3A_2469 : vector<16xi1>, vector<16xf32>
      %select_n3A_2499 = arith.select %gt3A_2476, %select_n3A_2452, %broadcast_in_dim3A_2471 : vector<16xi1>, vector<16xi32>
      %select_n3A_2500 = arith.select %gt3A_2477, %select_n3A_2498, %select_n3A_2455 : vector<16xi1>, vector<16xf32>
      %select_n3A_2501 = arith.select %gt3A_2477, %select_n3A_2499, %select_n3A_2456 : vector<16xi1>, vector<16xi32>
      %select_n3A_2502 = arith.select %gt3A_2477, %select_n3A_2455, %get3A_2469 : vector<16xi1>, vector<16xf32>
      %select_n3A_2503 = arith.select %gt3A_2477, %select_n3A_2456, %broadcast_in_dim3A_2471 : vector<16xi1>, vector<16xi32>
      %select_n3A_2504 = arith.select %gt3A_2478, %select_n3A_2502, %select_n3A_2459 : vector<16xi1>, vector<16xf32>
      %select_n3A_2505 = arith.select %gt3A_2478, %select_n3A_2503, %select_n3A_2460 : vector<16xi1>, vector<16xi32>
      %select_n3A_2506 = arith.select %gt3A_2478, %select_n3A_2459, %get3A_2469 : vector<16xi1>, vector<16xf32>
      %select_n3A_2507 = arith.select %gt3A_2478, %select_n3A_2460, %broadcast_in_dim3A_2471 : vector<16xi1>, vector<16xi32>
      %select_n3A_2508 = arith.select %gt3A_2479, %select_n3A_2506, %select_n3A_2463 : vector<16xi1>, vector<16xf32>
      %select_n3A_2509 = arith.select %gt3A_2479, %select_n3A_2507, %select_n3A_2464 : vector<16xi1>, vector<16xi32>
      %get3A_2510 = arith.constant 55 : i32
      %get3A_2511 = arith.index_cast %get3A_2510 : i32 to index
      %get3A_2512 = arith.index_cast %mul3A_36 : i32 to index
      %get3A_2513 = tpu.vector_load %arg6[%get3A_2511, %get3A_2512] {strides = array<i32>} : memref<64x256xf32, #tpu.memory_space<vmem>>, vector<1x16xf32>,
      %get3A_2514 = vector.shape_cast %get3A_2513 : vector<1x16xf32> to vector<16xf32>
      %broadcast_in_dim3A_2515 = arith.constant 55 : i32
      %broadcast_in_dim3A_2516 = vector.broadcast %broadcast_in_dim3A_2515 : i32 to vector<16xi32>
      %gt3A_2517 = arith.cmpf ogt, %get3A_2514, %select_n3A_2480 : vector<16xf32>
      %gt3A_2518 = arith.cmpf ogt, %get3A_2514, %select_n3A_2484 : vector<16xf32>
      %gt3A_2519 = arith.cmpf ogt, %get3A_2514, %select_n3A_2488 : vector<16xf32>
      %gt3A_2520 = arith.cmpf ogt, %get3A_2514, %select_n3A_2492 : vector<16xf32>
      %gt3A_2521 = arith.cmpf ogt, %get3A_2514, %select_n3A_2496 : vector<16xf32>
      %gt3A_2522 = arith.cmpf ogt, %get3A_2514, %select_n3A_2500 : vector<16xf32>
      %gt3A_2523 = arith.cmpf ogt, %get3A_2514, %select_n3A_2504 : vector<16xf32>
      %gt3A_2524 = arith.cmpf ogt, %get3A_2514, %select_n3A_2508 : vector<16xf32>
      %select_n3A_2525 = arith.select %gt3A_2517, %get3A_2514, %select_n3A_2480 : vector<16xi1>, vector<16xf32>
      %select_n3A_2526 = arith.select %gt3A_2517, %broadcast_in_dim3A_2516, %select_n3A_2481 : vector<16xi1>, vector<16xi32>
      %select_n3A_2527 = arith.select %gt3A_2517, %select_n3A_2480, %get3A_2514 : vector<16xi1>, vector<16xf32>
      %select_n3A_2528 = arith.select %gt3A_2517, %select_n3A_2481, %broadcast_in_dim3A_2516 : vector<16xi1>, vector<16xi32>
      %select_n3A_2529 = arith.select %gt3A_2518, %select_n3A_2527, %select_n3A_2484 : vector<16xi1>, vector<16xf32>
      %select_n3A_2530 = arith.select %gt3A_2518, %select_n3A_2528, %select_n3A_2485 : vector<16xi1>, vector<16xi32>
      %select_n3A_2531 = arith.select %gt3A_2518, %select_n3A_2484, %get3A_2514 : vector<16xi1>, vector<16xf32>
      %select_n3A_2532 = arith.select %gt3A_2518, %select_n3A_2485, %broadcast_in_dim3A_2516 : vector<16xi1>, vector<16xi32>
      %select_n3A_2533 = arith.select %gt3A_2519, %select_n3A_2531, %select_n3A_2488 : vector<16xi1>, vector<16xf32>
      %select_n3A_2534 = arith.select %gt3A_2519, %select_n3A_2532, %select_n3A_2489 : vector<16xi1>, vector<16xi32>
      %select_n3A_2535 = arith.select %gt3A_2519, %select_n3A_2488, %get3A_2514 : vector<16xi1>, vector<16xf32>
      %select_n3A_2536 = arith.select %gt3A_2519, %select_n3A_2489, %broadcast_in_dim3A_2516 : vector<16xi1>, vector<16xi32>
      %select_n3A_2537 = arith.select %gt3A_2520, %select_n3A_2535, %select_n3A_2492 : vector<16xi1>, vector<16xf32>
      %select_n3A_2538 = arith.select %gt3A_2520, %select_n3A_2536, %select_n3A_2493 : vector<16xi1>, vector<16xi32>
      %select_n3A_2539 = arith.select %gt3A_2520, %select_n3A_2492, %get3A_2514 : vector<16xi1>, vector<16xf32>
      %select_n3A_2540 = arith.select %gt3A_2520, %select_n3A_2493, %broadcast_in_dim3A_2516 : vector<16xi1>, vector<16xi32>
      %select_n3A_2541 = arith.select %gt3A_2521, %select_n3A_2539, %select_n3A_2496 : vector<16xi1>, vector<16xf32>
      %select_n3A_2542 = arith.select %gt3A_2521, %select_n3A_2540, %select_n3A_2497 : vector<16xi1>, vector<16xi32>
      %select_n3A_2543 = arith.select %gt3A_2521, %select_n3A_2496, %get3A_2514 : vector<16xi1>, vector<16xf32>
      %select_n3A_2544 = arith.select %gt3A_2521, %select_n3A_2497, %broadcast_in_dim3A_2516 : vector<16xi1>, vector<16xi32>
      %select_n3A_2545 = arith.select %gt3A_2522, %select_n3A_2543, %select_n3A_2500 : vector<16xi1>, vector<16xf32>
      %select_n3A_2546 = arith.select %gt3A_2522, %select_n3A_2544, %select_n3A_2501 : vector<16xi1>, vector<16xi32>
      %select_n3A_2547 = arith.select %gt3A_2522, %select_n3A_2500, %get3A_2514 : vector<16xi1>, vector<16xf32>
      %select_n3A_2548 = arith.select %gt3A_2522, %select_n3A_2501, %broadcast_in_dim3A_2516 : vector<16xi1>, vector<16xi32>
      %select_n3A_2549 = arith.select %gt3A_2523, %select_n3A_2547, %select_n3A_2504 : vector<16xi1>, vector<16xf32>
      %select_n3A_2550 = arith.select %gt3A_2523, %select_n3A_2548, %select_n3A_2505 : vector<16xi1>, vector<16xi32>
      %select_n3A_2551 = arith.select %gt3A_2523, %select_n3A_2504, %get3A_2514 : vector<16xi1>, vector<16xf32>
      %select_n3A_2552 = arith.select %gt3A_2523, %select_n3A_2505, %broadcast_in_dim3A_2516 : vector<16xi1>, vector<16xi32>
      %select_n3A_2553 = arith.select %gt3A_2524, %select_n3A_2551, %select_n3A_2508 : vector<16xi1>, vector<16xf32>
      %select_n3A_2554 = arith.select %gt3A_2524, %select_n3A_2552, %select_n3A_2509 : vector<16xi1>, vector<16xi32>
      %get3A_2555 = arith.constant 56 : i32
      %get3A_2556 = arith.index_cast %get3A_2555 : i32 to index
      %get3A_2557 = arith.index_cast %mul3A_36 : i32 to index
      %get3A_2558 = tpu.vector_load %arg6[%get3A_2556, %get3A_2557] {strides = array<i32>} : memref<64x256xf32, #tpu.memory_space<vmem>>, vector<1x16xf32>,
      %get3A_2559 = vector.shape_cast %get3A_2558 : vector<1x16xf32> to vector<16xf32>
      %broadcast_in_dim3A_2560 = arith.constant 56 : i32
      %broadcast_in_dim3A_2561 = vector.broadcast %broadcast_in_dim3A_2560 : i32 to vector<16xi32>
      %gt3A_2562 = arith.cmpf ogt, %get3A_2559, %select_n3A_2525 : vector<16xf32>
      %gt3A_2563 = arith.cmpf ogt, %get3A_2559, %select_n3A_2529 : vector<16xf32>
      %gt3A_2564 = arith.cmpf ogt, %get3A_2559, %select_n3A_2533 : vector<16xf32>
      %gt3A_2565 = arith.cmpf ogt, %get3A_2559, %select_n3A_2537 : vector<16xf32>
      %gt3A_2566 = arith.cmpf ogt, %get3A_2559, %select_n3A_2541 : vector<16xf32>
      %gt3A_2567 = arith.cmpf ogt, %get3A_2559, %select_n3A_2545 : vector<16xf32>
      %gt3A_2568 = arith.cmpf ogt, %get3A_2559, %select_n3A_2549 : vector<16xf32>
      %gt3A_2569 = arith.cmpf ogt, %get3A_2559, %select_n3A_2553 : vector<16xf32>
      %select_n3A_2570 = arith.select %gt3A_2562, %get3A_2559, %select_n3A_2525 : vector<16xi1>, vector<16xf32>
      %select_n3A_2571 = arith.select %gt3A_2562, %broadcast_in_dim3A_2561, %select_n3A_2526 : vector<16xi1>, vector<16xi32>
      %select_n3A_2572 = arith.select %gt3A_2562, %select_n3A_2525, %get3A_2559 : vector<16xi1>, vector<16xf32>
      %select_n3A_2573 = arith.select %gt3A_2562, %select_n3A_2526, %broadcast_in_dim3A_2561 : vector<16xi1>, vector<16xi32>
      %select_n3A_2574 = arith.select %gt3A_2563, %select_n3A_2572, %select_n3A_2529 : vector<16xi1>, vector<16xf32>
      %select_n3A_2575 = arith.select %gt3A_2563, %select_n3A_2573, %select_n3A_2530 : vector<16xi1>, vector<16xi32>
      %select_n3A_2576 = arith.select %gt3A_2563, %select_n3A_2529, %get3A_2559 : vector<16xi1>, vector<16xf32>
      %select_n3A_2577 = arith.select %gt3A_2563, %select_n3A_2530, %broadcast_in_dim3A_2561 : vector<16xi1>, vector<16xi32>
      %select_n3A_2578 = arith.select %gt3A_2564, %select_n3A_2576, %select_n3A_2533 : vector<16xi1>, vector<16xf32>
      %select_n3A_2579 = arith.select %gt3A_2564, %select_n3A_2577, %select_n3A_2534 : vector<16xi1>, vector<16xi32>
      %select_n3A_2580 = arith.select %gt3A_2564, %select_n3A_2533, %get3A_2559 : vector<16xi1>, vector<16xf32>
      %select_n3A_2581 = arith.select %gt3A_2564, %select_n3A_2534, %broadcast_in_dim3A_2561 : vector<16xi1>, vector<16xi32>
      %select_n3A_2582 = arith.select %gt3A_2565, %select_n3A_2580, %select_n3A_2537 : vector<16xi1>, vector<16xf32>
      %select_n3A_2583 = arith.select %gt3A_2565, %select_n3A_2581, %select_n3A_2538 : vector<16xi1>, vector<16xi32>
      %select_n3A_2584 = arith.select %gt3A_2565, %select_n3A_2537, %get3A_2559 : vector<16xi1>, vector<16xf32>
      %select_n3A_2585 = arith.select %gt3A_2565, %select_n3A_2538, %broadcast_in_dim3A_2561 : vector<16xi1>, vector<16xi32>
      %select_n3A_2586 = arith.select %gt3A_2566, %select_n3A_2584, %select_n3A_2541 : vector<16xi1>, vector<16xf32>
      %select_n3A_2587 = arith.select %gt3A_2566, %select_n3A_2585, %select_n3A_2542 : vector<16xi1>, vector<16xi32>
      %select_n3A_2588 = arith.select %gt3A_2566, %select_n3A_2541, %get3A_2559 : vector<16xi1>, vector<16xf32>
      %select_n3A_2589 = arith.select %gt3A_2566, %select_n3A_2542, %broadcast_in_dim3A_2561 : vector<16xi1>, vector<16xi32>
      %select_n3A_2590 = arith.select %gt3A_2567, %select_n3A_2588, %select_n3A_2545 : vector<16xi1>, vector<16xf32>
      %select_n3A_2591 = arith.select %gt3A_2567, %select_n3A_2589, %select_n3A_2546 : vector<16xi1>, vector<16xi32>
      %select_n3A_2592 = arith.select %gt3A_2567, %select_n3A_2545, %get3A_2559 : vector<16xi1>, vector<16xf32>
      %select_n3A_2593 = arith.select %gt3A_2567, %select_n3A_2546, %broadcast_in_dim3A_2561 : vector<16xi1>, vector<16xi32>
      %select_n3A_2594 = arith.select %gt3A_2568, %select_n3A_2592, %select_n3A_2549 : vector<16xi1>, vector<16xf32>
      %select_n3A_2595 = arith.select %gt3A_2568, %select_n3A_2593, %select_n3A_2550 : vector<16xi1>, vector<16xi32>
      %select_n3A_2596 = arith.select %gt3A_2568, %select_n3A_2549, %get3A_2559 : vector<16xi1>, vector<16xf32>
      %select_n3A_2597 = arith.select %gt3A_2568, %select_n3A_2550, %broadcast_in_dim3A_2561 : vector<16xi1>, vector<16xi32>
      %select_n3A_2598 = arith.select %gt3A_2569, %select_n3A_2596, %select_n3A_2553 : vector<16xi1>, vector<16xf32>
      %select_n3A_2599 = arith.select %gt3A_2569, %select_n3A_2597, %select_n3A_2554 : vector<16xi1>, vector<16xi32>
      %get3A_2600 = arith.constant 57 : i32
      %get3A_2601 = arith.index_cast %get3A_2600 : i32 to index
      %get3A_2602 = arith.index_cast %mul3A_36 : i32 to index
      %get3A_2603 = tpu.vector_load %arg6[%get3A_2601, %get3A_2602] {strides = array<i32>} : memref<64x256xf32, #tpu.memory_space<vmem>>, vector<1x16xf32>,
      %get3A_2604 = vector.shape_cast %get3A_2603 : vector<1x16xf32> to vector<16xf32>
      %broadcast_in_dim3A_2605 = arith.constant 57 : i32
      %broadcast_in_dim3A_2606 = vector.broadcast %broadcast_in_dim3A_2605 : i32 to vector<16xi32>
      %gt3A_2607 = arith.cmpf ogt, %get3A_2604, %select_n3A_2570 : vector<16xf32>
      %gt3A_2608 = arith.cmpf ogt, %get3A_2604, %select_n3A_2574 : vector<16xf32>
      %gt3A_2609 = arith.cmpf ogt, %get3A_2604, %select_n3A_2578 : vector<16xf32>
      %gt3A_2610 = arith.cmpf ogt, %get3A_2604, %select_n3A_2582 : vector<16xf32>
      %gt3A_2611 = arith.cmpf ogt, %get3A_2604, %select_n3A_2586 : vector<16xf32>
      %gt3A_2612 = arith.cmpf ogt, %get3A_2604, %select_n3A_2590 : vector<16xf32>
      %gt3A_2613 = arith.cmpf ogt, %get3A_2604, %select_n3A_2594 : vector<16xf32>
      %gt3A_2614 = arith.cmpf ogt, %get3A_2604, %select_n3A_2598 : vector<16xf32>
      %select_n3A_2615 = arith.select %gt3A_2607, %get3A_2604, %select_n3A_2570 : vector<16xi1>, vector<16xf32>
      %select_n3A_2616 = arith.select %gt3A_2607, %broadcast_in_dim3A_2606, %select_n3A_2571 : vector<16xi1>, vector<16xi32>
      %select_n3A_2617 = arith.select %gt3A_2607, %select_n3A_2570, %get3A_2604 : vector<16xi1>, vector<16xf32>
      %select_n3A_2618 = arith.select %gt3A_2607, %select_n3A_2571, %broadcast_in_dim3A_2606 : vector<16xi1>, vector<16xi32>
      %select_n3A_2619 = arith.select %gt3A_2608, %select_n3A_2617, %select_n3A_2574 : vector<16xi1>, vector<16xf32>
      %select_n3A_2620 = arith.select %gt3A_2608, %select_n3A_2618, %select_n3A_2575 : vector<16xi1>, vector<16xi32>
      %select_n3A_2621 = arith.select %gt3A_2608, %select_n3A_2574, %get3A_2604 : vector<16xi1>, vector<16xf32>
      %select_n3A_2622 = arith.select %gt3A_2608, %select_n3A_2575, %broadcast_in_dim3A_2606 : vector<16xi1>, vector<16xi32>
      %select_n3A_2623 = arith.select %gt3A_2609, %select_n3A_2621, %select_n3A_2578 : vector<16xi1>, vector<16xf32>
      %select_n3A_2624 = arith.select %gt3A_2609, %select_n3A_2622, %select_n3A_2579 : vector<16xi1>, vector<16xi32>
      %select_n3A_2625 = arith.select %gt3A_2609, %select_n3A_2578, %get3A_2604 : vector<16xi1>, vector<16xf32>
      %select_n3A_2626 = arith.select %gt3A_2609, %select_n3A_2579, %broadcast_in_dim3A_2606 : vector<16xi1>, vector<16xi32>
      %select_n3A_2627 = arith.select %gt3A_2610, %select_n3A_2625, %select_n3A_2582 : vector<16xi1>, vector<16xf32>
      %select_n3A_2628 = arith.select %gt3A_2610, %select_n3A_2626, %select_n3A_2583 : vector<16xi1>, vector<16xi32>
      %select_n3A_2629 = arith.select %gt3A_2610, %select_n3A_2582, %get3A_2604 : vector<16xi1>, vector<16xf32>
      %select_n3A_2630 = arith.select %gt3A_2610, %select_n3A_2583, %broadcast_in_dim3A_2606 : vector<16xi1>, vector<16xi32>
      %select_n3A_2631 = arith.select %gt3A_2611, %select_n3A_2629, %select_n3A_2586 : vector<16xi1>, vector<16xf32>
      %select_n3A_2632 = arith.select %gt3A_2611, %select_n3A_2630, %select_n3A_2587 : vector<16xi1>, vector<16xi32>
      %select_n3A_2633 = arith.select %gt3A_2611, %select_n3A_2586, %get3A_2604 : vector<16xi1>, vector<16xf32>
      %select_n3A_2634 = arith.select %gt3A_2611, %select_n3A_2587, %broadcast_in_dim3A_2606 : vector<16xi1>, vector<16xi32>
      %select_n3A_2635 = arith.select %gt3A_2612, %select_n3A_2633, %select_n3A_2590 : vector<16xi1>, vector<16xf32>
      %select_n3A_2636 = arith.select %gt3A_2612, %select_n3A_2634, %select_n3A_2591 : vector<16xi1>, vector<16xi32>
      %select_n3A_2637 = arith.select %gt3A_2612, %select_n3A_2590, %get3A_2604 : vector<16xi1>, vector<16xf32>
      %select_n3A_2638 = arith.select %gt3A_2612, %select_n3A_2591, %broadcast_in_dim3A_2606 : vector<16xi1>, vector<16xi32>
      %select_n3A_2639 = arith.select %gt3A_2613, %select_n3A_2637, %select_n3A_2594 : vector<16xi1>, vector<16xf32>
      %select_n3A_2640 = arith.select %gt3A_2613, %select_n3A_2638, %select_n3A_2595 : vector<16xi1>, vector<16xi32>
      %select_n3A_2641 = arith.select %gt3A_2613, %select_n3A_2594, %get3A_2604 : vector<16xi1>, vector<16xf32>
      %select_n3A_2642 = arith.select %gt3A_2613, %select_n3A_2595, %broadcast_in_dim3A_2606 : vector<16xi1>, vector<16xi32>
      %select_n3A_2643 = arith.select %gt3A_2614, %select_n3A_2641, %select_n3A_2598 : vector<16xi1>, vector<16xf32>
      %select_n3A_2644 = arith.select %gt3A_2614, %select_n3A_2642, %select_n3A_2599 : vector<16xi1>, vector<16xi32>
      %get3A_2645 = arith.constant 58 : i32
      %get3A_2646 = arith.index_cast %get3A_2645 : i32 to index
      %get3A_2647 = arith.index_cast %mul3A_36 : i32 to index
      %get3A_2648 = tpu.vector_load %arg6[%get3A_2646, %get3A_2647] {strides = array<i32>} : memref<64x256xf32, #tpu.memory_space<vmem>>, vector<1x16xf32>,
      %get3A_2649 = vector.shape_cast %get3A_2648 : vector<1x16xf32> to vector<16xf32>
      %broadcast_in_dim3A_2650 = arith.constant 58 : i32
      %broadcast_in_dim3A_2651 = vector.broadcast %broadcast_in_dim3A_2650 : i32 to vector<16xi32>
      %gt3A_2652 = arith.cmpf ogt, %get3A_2649, %select_n3A_2615 : vector<16xf32>
      %gt3A_2653 = arith.cmpf ogt, %get3A_2649, %select_n3A_2619 : vector<16xf32>
      %gt3A_2654 = arith.cmpf ogt, %get3A_2649, %select_n3A_2623 : vector<16xf32>
      %gt3A_2655 = arith.cmpf ogt, %get3A_2649, %select_n3A_2627 : vector<16xf32>
      %gt3A_2656 = arith.cmpf ogt, %get3A_2649, %select_n3A_2631 : vector<16xf32>
      %gt3A_2657 = arith.cmpf ogt, %get3A_2649, %select_n3A_2635 : vector<16xf32>
      %gt3A_2658 = arith.cmpf ogt, %get3A_2649, %select_n3A_2639 : vector<16xf32>
      %gt3A_2659 = arith.cmpf ogt, %get3A_2649, %select_n3A_2643 : vector<16xf32>
      %select_n3A_2660 = arith.select %gt3A_2652, %get3A_2649, %select_n3A_2615 : vector<16xi1>, vector<16xf32>
      %select_n3A_2661 = arith.select %gt3A_2652, %broadcast_in_dim3A_2651, %select_n3A_2616 : vector<16xi1>, vector<16xi32>
      %select_n3A_2662 = arith.select %gt3A_2652, %select_n3A_2615, %get3A_2649 : vector<16xi1>, vector<16xf32>
      %select_n3A_2663 = arith.select %gt3A_2652, %select_n3A_2616, %broadcast_in_dim3A_2651 : vector<16xi1>, vector<16xi32>
      %select_n3A_2664 = arith.select %gt3A_2653, %select_n3A_2662, %select_n3A_2619 : vector<16xi1>, vector<16xf32>
      %select_n3A_2665 = arith.select %gt3A_2653, %select_n3A_2663, %select_n3A_2620 : vector<16xi1>, vector<16xi32>
      %select_n3A_2666 = arith.select %gt3A_2653, %select_n3A_2619, %get3A_2649 : vector<16xi1>, vector<16xf32>
      %select_n3A_2667 = arith.select %gt3A_2653, %select_n3A_2620, %broadcast_in_dim3A_2651 : vector<16xi1>, vector<16xi32>
      %select_n3A_2668 = arith.select %gt3A_2654, %select_n3A_2666, %select_n3A_2623 : vector<16xi1>, vector<16xf32>
      %select_n3A_2669 = arith.select %gt3A_2654, %select_n3A_2667, %select_n3A_2624 : vector<16xi1>, vector<16xi32>
      %select_n3A_2670 = arith.select %gt3A_2654, %select_n3A_2623, %get3A_2649 : vector<16xi1>, vector<16xf32>
      %select_n3A_2671 = arith.select %gt3A_2654, %select_n3A_2624, %broadcast_in_dim3A_2651 : vector<16xi1>, vector<16xi32>
      %select_n3A_2672 = arith.select %gt3A_2655, %select_n3A_2670, %select_n3A_2627 : vector<16xi1>, vector<16xf32>
      %select_n3A_2673 = arith.select %gt3A_2655, %select_n3A_2671, %select_n3A_2628 : vector<16xi1>, vector<16xi32>
      %select_n3A_2674 = arith.select %gt3A_2655, %select_n3A_2627, %get3A_2649 : vector<16xi1>, vector<16xf32>
      %select_n3A_2675 = arith.select %gt3A_2655, %select_n3A_2628, %broadcast_in_dim3A_2651 : vector<16xi1>, vector<16xi32>
      %select_n3A_2676 = arith.select %gt3A_2656, %select_n3A_2674, %select_n3A_2631 : vector<16xi1>, vector<16xf32>
      %select_n3A_2677 = arith.select %gt3A_2656, %select_n3A_2675, %select_n3A_2632 : vector<16xi1>, vector<16xi32>
      %select_n3A_2678 = arith.select %gt3A_2656, %select_n3A_2631, %get3A_2649 : vector<16xi1>, vector<16xf32>
      %select_n3A_2679 = arith.select %gt3A_2656, %select_n3A_2632, %broadcast_in_dim3A_2651 : vector<16xi1>, vector<16xi32>
      %select_n3A_2680 = arith.select %gt3A_2657, %select_n3A_2678, %select_n3A_2635 : vector<16xi1>, vector<16xf32>
      %select_n3A_2681 = arith.select %gt3A_2657, %select_n3A_2679, %select_n3A_2636 : vector<16xi1>, vector<16xi32>
      %select_n3A_2682 = arith.select %gt3A_2657, %select_n3A_2635, %get3A_2649 : vector<16xi1>, vector<16xf32>
      %select_n3A_2683 = arith.select %gt3A_2657, %select_n3A_2636, %broadcast_in_dim3A_2651 : vector<16xi1>, vector<16xi32>
      %select_n3A_2684 = arith.select %gt3A_2658, %select_n3A_2682, %select_n3A_2639 : vector<16xi1>, vector<16xf32>
      %select_n3A_2685 = arith.select %gt3A_2658, %select_n3A_2683, %select_n3A_2640 : vector<16xi1>, vector<16xi32>
      %select_n3A_2686 = arith.select %gt3A_2658, %select_n3A_2639, %get3A_2649 : vector<16xi1>, vector<16xf32>
      %select_n3A_2687 = arith.select %gt3A_2658, %select_n3A_2640, %broadcast_in_dim3A_2651 : vector<16xi1>, vector<16xi32>
      %select_n3A_2688 = arith.select %gt3A_2659, %select_n3A_2686, %select_n3A_2643 : vector<16xi1>, vector<16xf32>
      %select_n3A_2689 = arith.select %gt3A_2659, %select_n3A_2687, %select_n3A_2644 : vector<16xi1>, vector<16xi32>
      %get3A_2690 = arith.constant 59 : i32
      %get3A_2691 = arith.index_cast %get3A_2690 : i32 to index
      %get3A_2692 = arith.index_cast %mul3A_36 : i32 to index
      %get3A_2693 = tpu.vector_load %arg6[%get3A_2691, %get3A_2692] {strides = array<i32>} : memref<64x256xf32, #tpu.memory_space<vmem>>, vector<1x16xf32>,
      %get3A_2694 = vector.shape_cast %get3A_2693 : vector<1x16xf32> to vector<16xf32>
      %broadcast_in_dim3A_2695 = arith.constant 59 : i32
      %broadcast_in_dim3A_2696 = vector.broadcast %broadcast_in_dim3A_2695 : i32 to vector<16xi32>
      %gt3A_2697 = arith.cmpf ogt, %get3A_2694, %select_n3A_2660 : vector<16xf32>
      %gt3A_2698 = arith.cmpf ogt, %get3A_2694, %select_n3A_2664 : vector<16xf32>
      %gt3A_2699 = arith.cmpf ogt, %get3A_2694, %select_n3A_2668 : vector<16xf32>
      %gt3A_2700 = arith.cmpf ogt, %get3A_2694, %select_n3A_2672 : vector<16xf32>
      %gt3A_2701 = arith.cmpf ogt, %get3A_2694, %select_n3A_2676 : vector<16xf32>
      %gt3A_2702 = arith.cmpf ogt, %get3A_2694, %select_n3A_2680 : vector<16xf32>
      %gt3A_2703 = arith.cmpf ogt, %get3A_2694, %select_n3A_2684 : vector<16xf32>
      %gt3A_2704 = arith.cmpf ogt, %get3A_2694, %select_n3A_2688 : vector<16xf32>
      %select_n3A_2705 = arith.select %gt3A_2697, %get3A_2694, %select_n3A_2660 : vector<16xi1>, vector<16xf32>
      %select_n3A_2706 = arith.select %gt3A_2697, %broadcast_in_dim3A_2696, %select_n3A_2661 : vector<16xi1>, vector<16xi32>
      %select_n3A_2707 = arith.select %gt3A_2697, %select_n3A_2660, %get3A_2694 : vector<16xi1>, vector<16xf32>
      %select_n3A_2708 = arith.select %gt3A_2697, %select_n3A_2661, %broadcast_in_dim3A_2696 : vector<16xi1>, vector<16xi32>
      %select_n3A_2709 = arith.select %gt3A_2698, %select_n3A_2707, %select_n3A_2664 : vector<16xi1>, vector<16xf32>
      %select_n3A_2710 = arith.select %gt3A_2698, %select_n3A_2708, %select_n3A_2665 : vector<16xi1>, vector<16xi32>
      %select_n3A_2711 = arith.select %gt3A_2698, %select_n3A_2664, %get3A_2694 : vector<16xi1>, vector<16xf32>
      %select_n3A_2712 = arith.select %gt3A_2698, %select_n3A_2665, %broadcast_in_dim3A_2696 : vector<16xi1>, vector<16xi32>
      %select_n3A_2713 = arith.select %gt3A_2699, %select_n3A_2711, %select_n3A_2668 : vector<16xi1>, vector<16xf32>
      %select_n3A_2714 = arith.select %gt3A_2699, %select_n3A_2712, %select_n3A_2669 : vector<16xi1>, vector<16xi32>
      %select_n3A_2715 = arith.select %gt3A_2699, %select_n3A_2668, %get3A_2694 : vector<16xi1>, vector<16xf32>
      %select_n3A_2716 = arith.select %gt3A_2699, %select_n3A_2669, %broadcast_in_dim3A_2696 : vector<16xi1>, vector<16xi32>
      %select_n3A_2717 = arith.select %gt3A_2700, %select_n3A_2715, %select_n3A_2672 : vector<16xi1>, vector<16xf32>
      %select_n3A_2718 = arith.select %gt3A_2700, %select_n3A_2716, %select_n3A_2673 : vector<16xi1>, vector<16xi32>
      %select_n3A_2719 = arith.select %gt3A_2700, %select_n3A_2672, %get3A_2694 : vector<16xi1>, vector<16xf32>
      %select_n3A_2720 = arith.select %gt3A_2700, %select_n3A_2673, %broadcast_in_dim3A_2696 : vector<16xi1>, vector<16xi32>
      %select_n3A_2721 = arith.select %gt3A_2701, %select_n3A_2719, %select_n3A_2676 : vector<16xi1>, vector<16xf32>
      %select_n3A_2722 = arith.select %gt3A_2701, %select_n3A_2720, %select_n3A_2677 : vector<16xi1>, vector<16xi32>
      %select_n3A_2723 = arith.select %gt3A_2701, %select_n3A_2676, %get3A_2694 : vector<16xi1>, vector<16xf32>
      %select_n3A_2724 = arith.select %gt3A_2701, %select_n3A_2677, %broadcast_in_dim3A_2696 : vector<16xi1>, vector<16xi32>
      %select_n3A_2725 = arith.select %gt3A_2702, %select_n3A_2723, %select_n3A_2680 : vector<16xi1>, vector<16xf32>
      %select_n3A_2726 = arith.select %gt3A_2702, %select_n3A_2724, %select_n3A_2681 : vector<16xi1>, vector<16xi32>
      %select_n3A_2727 = arith.select %gt3A_2702, %select_n3A_2680, %get3A_2694 : vector<16xi1>, vector<16xf32>
      %select_n3A_2728 = arith.select %gt3A_2702, %select_n3A_2681, %broadcast_in_dim3A_2696 : vector<16xi1>, vector<16xi32>
      %select_n3A_2729 = arith.select %gt3A_2703, %select_n3A_2727, %select_n3A_2684 : vector<16xi1>, vector<16xf32>
      %select_n3A_2730 = arith.select %gt3A_2703, %select_n3A_2728, %select_n3A_2685 : vector<16xi1>, vector<16xi32>
      %select_n3A_2731 = arith.select %gt3A_2703, %select_n3A_2684, %get3A_2694 : vector<16xi1>, vector<16xf32>
      %select_n3A_2732 = arith.select %gt3A_2703, %select_n3A_2685, %broadcast_in_dim3A_2696 : vector<16xi1>, vector<16xi32>
      %select_n3A_2733 = arith.select %gt3A_2704, %select_n3A_2731, %select_n3A_2688 : vector<16xi1>, vector<16xf32>
      %select_n3A_2734 = arith.select %gt3A_2704, %select_n3A_2732, %select_n3A_2689 : vector<16xi1>, vector<16xi32>
      %get3A_2735 = arith.constant 60 : i32
      %get3A_2736 = arith.index_cast %get3A_2735 : i32 to index
      %get3A_2737 = arith.index_cast %mul3A_36 : i32 to index
      %get3A_2738 = tpu.vector_load %arg6[%get3A_2736, %get3A_2737] {strides = array<i32>} : memref<64x256xf32, #tpu.memory_space<vmem>>, vector<1x16xf32>,
      %get3A_2739 = vector.shape_cast %get3A_2738 : vector<1x16xf32> to vector<16xf32>
      %broadcast_in_dim3A_2740 = arith.constant 60 : i32
      %broadcast_in_dim3A_2741 = vector.broadcast %broadcast_in_dim3A_2740 : i32 to vector<16xi32>
      %gt3A_2742 = arith.cmpf ogt, %get3A_2739, %select_n3A_2705 : vector<16xf32>
      %gt3A_2743 = arith.cmpf ogt, %get3A_2739, %select_n3A_2709 : vector<16xf32>
      %gt3A_2744 = arith.cmpf ogt, %get3A_2739, %select_n3A_2713 : vector<16xf32>
      %gt3A_2745 = arith.cmpf ogt, %get3A_2739, %select_n3A_2717 : vector<16xf32>
      %gt3A_2746 = arith.cmpf ogt, %get3A_2739, %select_n3A_2721 : vector<16xf32>
      %gt3A_2747 = arith.cmpf ogt, %get3A_2739, %select_n3A_2725 : vector<16xf32>
      %gt3A_2748 = arith.cmpf ogt, %get3A_2739, %select_n3A_2729 : vector<16xf32>
      %gt3A_2749 = arith.cmpf ogt, %get3A_2739, %select_n3A_2733 : vector<16xf32>
      %select_n3A_2750 = arith.select %gt3A_2742, %get3A_2739, %select_n3A_2705 : vector<16xi1>, vector<16xf32>
      %select_n3A_2751 = arith.select %gt3A_2742, %broadcast_in_dim3A_2741, %select_n3A_2706 : vector<16xi1>, vector<16xi32>
      %select_n3A_2752 = arith.select %gt3A_2742, %select_n3A_2705, %get3A_2739 : vector<16xi1>, vector<16xf32>
      %select_n3A_2753 = arith.select %gt3A_2742, %select_n3A_2706, %broadcast_in_dim3A_2741 : vector<16xi1>, vector<16xi32>
      %select_n3A_2754 = arith.select %gt3A_2743, %select_n3A_2752, %select_n3A_2709 : vector<16xi1>, vector<16xf32>
      %select_n3A_2755 = arith.select %gt3A_2743, %select_n3A_2753, %select_n3A_2710 : vector<16xi1>, vector<16xi32>
      %select_n3A_2756 = arith.select %gt3A_2743, %select_n3A_2709, %get3A_2739 : vector<16xi1>, vector<16xf32>
      %select_n3A_2757 = arith.select %gt3A_2743, %select_n3A_2710, %broadcast_in_dim3A_2741 : vector<16xi1>, vector<16xi32>
      %select_n3A_2758 = arith.select %gt3A_2744, %select_n3A_2756, %select_n3A_2713 : vector<16xi1>, vector<16xf32>
      %select_n3A_2759 = arith.select %gt3A_2744, %select_n3A_2757, %select_n3A_2714 : vector<16xi1>, vector<16xi32>
      %select_n3A_2760 = arith.select %gt3A_2744, %select_n3A_2713, %get3A_2739 : vector<16xi1>, vector<16xf32>
      %select_n3A_2761 = arith.select %gt3A_2744, %select_n3A_2714, %broadcast_in_dim3A_2741 : vector<16xi1>, vector<16xi32>
      %select_n3A_2762 = arith.select %gt3A_2745, %select_n3A_2760, %select_n3A_2717 : vector<16xi1>, vector<16xf32>
      %select_n3A_2763 = arith.select %gt3A_2745, %select_n3A_2761, %select_n3A_2718 : vector<16xi1>, vector<16xi32>
      %select_n3A_2764 = arith.select %gt3A_2745, %select_n3A_2717, %get3A_2739 : vector<16xi1>, vector<16xf32>
      %select_n3A_2765 = arith.select %gt3A_2745, %select_n3A_2718, %broadcast_in_dim3A_2741 : vector<16xi1>, vector<16xi32>
      %select_n3A_2766 = arith.select %gt3A_2746, %select_n3A_2764, %select_n3A_2721 : vector<16xi1>, vector<16xf32>
      %select_n3A_2767 = arith.select %gt3A_2746, %select_n3A_2765, %select_n3A_2722 : vector<16xi1>, vector<16xi32>
      %select_n3A_2768 = arith.select %gt3A_2746, %select_n3A_2721, %get3A_2739 : vector<16xi1>, vector<16xf32>
      %select_n3A_2769 = arith.select %gt3A_2746, %select_n3A_2722, %broadcast_in_dim3A_2741 : vector<16xi1>, vector<16xi32>
      %select_n3A_2770 = arith.select %gt3A_2747, %select_n3A_2768, %select_n3A_2725 : vector<16xi1>, vector<16xf32>
      %select_n3A_2771 = arith.select %gt3A_2747, %select_n3A_2769, %select_n3A_2726 : vector<16xi1>, vector<16xi32>
      %select_n3A_2772 = arith.select %gt3A_2747, %select_n3A_2725, %get3A_2739 : vector<16xi1>, vector<16xf32>
      %select_n3A_2773 = arith.select %gt3A_2747, %select_n3A_2726, %broadcast_in_dim3A_2741 : vector<16xi1>, vector<16xi32>
      %select_n3A_2774 = arith.select %gt3A_2748, %select_n3A_2772, %select_n3A_2729 : vector<16xi1>, vector<16xf32>
      %select_n3A_2775 = arith.select %gt3A_2748, %select_n3A_2773, %select_n3A_2730 : vector<16xi1>, vector<16xi32>
      %select_n3A_2776 = arith.select %gt3A_2748, %select_n3A_2729, %get3A_2739 : vector<16xi1>, vector<16xf32>
      %select_n3A_2777 = arith.select %gt3A_2748, %select_n3A_2730, %broadcast_in_dim3A_2741 : vector<16xi1>, vector<16xi32>
      %select_n3A_2778 = arith.select %gt3A_2749, %select_n3A_2776, %select_n3A_2733 : vector<16xi1>, vector<16xf32>
      %select_n3A_2779 = arith.select %gt3A_2749, %select_n3A_2777, %select_n3A_2734 : vector<16xi1>, vector<16xi32>
      %get3A_2780 = arith.constant 61 : i32
      %get3A_2781 = arith.index_cast %get3A_2780 : i32 to index
      %get3A_2782 = arith.index_cast %mul3A_36 : i32 to index
      %get3A_2783 = tpu.vector_load %arg6[%get3A_2781, %get3A_2782] {strides = array<i32>} : memref<64x256xf32, #tpu.memory_space<vmem>>, vector<1x16xf32>,
      %get3A_2784 = vector.shape_cast %get3A_2783 : vector<1x16xf32> to vector<16xf32>
      %broadcast_in_dim3A_2785 = arith.constant 61 : i32
      %broadcast_in_dim3A_2786 = vector.broadcast %broadcast_in_dim3A_2785 : i32 to vector<16xi32>
      %gt3A_2787 = arith.cmpf ogt, %get3A_2784, %select_n3A_2750 : vector<16xf32>
      %gt3A_2788 = arith.cmpf ogt, %get3A_2784, %select_n3A_2754 : vector<16xf32>
      %gt3A_2789 = arith.cmpf ogt, %get3A_2784, %select_n3A_2758 : vector<16xf32>
      %gt3A_2790 = arith.cmpf ogt, %get3A_2784, %select_n3A_2762 : vector<16xf32>
      %gt3A_2791 = arith.cmpf ogt, %get3A_2784, %select_n3A_2766 : vector<16xf32>
      %gt3A_2792 = arith.cmpf ogt, %get3A_2784, %select_n3A_2770 : vector<16xf32>
      %gt3A_2793 = arith.cmpf ogt, %get3A_2784, %select_n3A_2774 : vector<16xf32>
      %gt3A_2794 = arith.cmpf ogt, %get3A_2784, %select_n3A_2778 : vector<16xf32>
      %select_n3A_2795 = arith.select %gt3A_2787, %get3A_2784, %select_n3A_2750 : vector<16xi1>, vector<16xf32>
      %select_n3A_2796 = arith.select %gt3A_2787, %broadcast_in_dim3A_2786, %select_n3A_2751 : vector<16xi1>, vector<16xi32>
      %select_n3A_2797 = arith.select %gt3A_2787, %select_n3A_2750, %get3A_2784 : vector<16xi1>, vector<16xf32>
      %select_n3A_2798 = arith.select %gt3A_2787, %select_n3A_2751, %broadcast_in_dim3A_2786 : vector<16xi1>, vector<16xi32>
      %select_n3A_2799 = arith.select %gt3A_2788, %select_n3A_2797, %select_n3A_2754 : vector<16xi1>, vector<16xf32>
      %select_n3A_2800 = arith.select %gt3A_2788, %select_n3A_2798, %select_n3A_2755 : vector<16xi1>, vector<16xi32>
      %select_n3A_2801 = arith.select %gt3A_2788, %select_n3A_2754, %get3A_2784 : vector<16xi1>, vector<16xf32>
      %select_n3A_2802 = arith.select %gt3A_2788, %select_n3A_2755, %broadcast_in_dim3A_2786 : vector<16xi1>, vector<16xi32>
      %select_n3A_2803 = arith.select %gt3A_2789, %select_n3A_2801, %select_n3A_2758 : vector<16xi1>, vector<16xf32>
      %select_n3A_2804 = arith.select %gt3A_2789, %select_n3A_2802, %select_n3A_2759 : vector<16xi1>, vector<16xi32>
      %select_n3A_2805 = arith.select %gt3A_2789, %select_n3A_2758, %get3A_2784 : vector<16xi1>, vector<16xf32>
      %select_n3A_2806 = arith.select %gt3A_2789, %select_n3A_2759, %broadcast_in_dim3A_2786 : vector<16xi1>, vector<16xi32>
      %select_n3A_2807 = arith.select %gt3A_2790, %select_n3A_2805, %select_n3A_2762 : vector<16xi1>, vector<16xf32>
      %select_n3A_2808 = arith.select %gt3A_2790, %select_n3A_2806, %select_n3A_2763 : vector<16xi1>, vector<16xi32>
      %select_n3A_2809 = arith.select %gt3A_2790, %select_n3A_2762, %get3A_2784 : vector<16xi1>, vector<16xf32>
      %select_n3A_2810 = arith.select %gt3A_2790, %select_n3A_2763, %broadcast_in_dim3A_2786 : vector<16xi1>, vector<16xi32>
      %select_n3A_2811 = arith.select %gt3A_2791, %select_n3A_2809, %select_n3A_2766 : vector<16xi1>, vector<16xf32>
      %select_n3A_2812 = arith.select %gt3A_2791, %select_n3A_2810, %select_n3A_2767 : vector<16xi1>, vector<16xi32>
      %select_n3A_2813 = arith.select %gt3A_2791, %select_n3A_2766, %get3A_2784 : vector<16xi1>, vector<16xf32>
      %select_n3A_2814 = arith.select %gt3A_2791, %select_n3A_2767, %broadcast_in_dim3A_2786 : vector<16xi1>, vector<16xi32>
      %select_n3A_2815 = arith.select %gt3A_2792, %select_n3A_2813, %select_n3A_2770 : vector<16xi1>, vector<16xf32>
      %select_n3A_2816 = arith.select %gt3A_2792, %select_n3A_2814, %select_n3A_2771 : vector<16xi1>, vector<16xi32>
      %select_n3A_2817 = arith.select %gt3A_2792, %select_n3A_2770, %get3A_2784 : vector<16xi1>, vector<16xf32>
      %select_n3A_2818 = arith.select %gt3A_2792, %select_n3A_2771, %broadcast_in_dim3A_2786 : vector<16xi1>, vector<16xi32>
      %select_n3A_2819 = arith.select %gt3A_2793, %select_n3A_2817, %select_n3A_2774 : vector<16xi1>, vector<16xf32>
      %select_n3A_2820 = arith.select %gt3A_2793, %select_n3A_2818, %select_n3A_2775 : vector<16xi1>, vector<16xi32>
      %select_n3A_2821 = arith.select %gt3A_2793, %select_n3A_2774, %get3A_2784 : vector<16xi1>, vector<16xf32>
      %select_n3A_2822 = arith.select %gt3A_2793, %select_n3A_2775, %broadcast_in_dim3A_2786 : vector<16xi1>, vector<16xi32>
      %select_n3A_2823 = arith.select %gt3A_2794, %select_n3A_2821, %select_n3A_2778 : vector<16xi1>, vector<16xf32>
      %select_n3A_2824 = arith.select %gt3A_2794, %select_n3A_2822, %select_n3A_2779 : vector<16xi1>, vector<16xi32>
      %get3A_2825 = arith.constant 62 : i32
      %get3A_2826 = arith.index_cast %get3A_2825 : i32 to index
      %get3A_2827 = arith.index_cast %mul3A_36 : i32 to index
      %get3A_2828 = tpu.vector_load %arg6[%get3A_2826, %get3A_2827] {strides = array<i32>} : memref<64x256xf32, #tpu.memory_space<vmem>>, vector<1x16xf32>,
      %get3A_2829 = vector.shape_cast %get3A_2828 : vector<1x16xf32> to vector<16xf32>
      %broadcast_in_dim3A_2830 = arith.constant 62 : i32
      %broadcast_in_dim3A_2831 = vector.broadcast %broadcast_in_dim3A_2830 : i32 to vector<16xi32>
      %gt3A_2832 = arith.cmpf ogt, %get3A_2829, %select_n3A_2795 : vector<16xf32>
      %gt3A_2833 = arith.cmpf ogt, %get3A_2829, %select_n3A_2799 : vector<16xf32>
      %gt3A_2834 = arith.cmpf ogt, %get3A_2829, %select_n3A_2803 : vector<16xf32>
      %gt3A_2835 = arith.cmpf ogt, %get3A_2829, %select_n3A_2807 : vector<16xf32>
      %gt3A_2836 = arith.cmpf ogt, %get3A_2829, %select_n3A_2811 : vector<16xf32>
      %gt3A_2837 = arith.cmpf ogt, %get3A_2829, %select_n3A_2815 : vector<16xf32>
      %gt3A_2838 = arith.cmpf ogt, %get3A_2829, %select_n3A_2819 : vector<16xf32>
      %gt3A_2839 = arith.cmpf ogt, %get3A_2829, %select_n3A_2823 : vector<16xf32>
      %select_n3A_2840 = arith.select %gt3A_2832, %get3A_2829, %select_n3A_2795 : vector<16xi1>, vector<16xf32>
      %select_n3A_2841 = arith.select %gt3A_2832, %broadcast_in_dim3A_2831, %select_n3A_2796 : vector<16xi1>, vector<16xi32>
      %select_n3A_2842 = arith.select %gt3A_2832, %select_n3A_2795, %get3A_2829 : vector<16xi1>, vector<16xf32>
      %select_n3A_2843 = arith.select %gt3A_2832, %select_n3A_2796, %broadcast_in_dim3A_2831 : vector<16xi1>, vector<16xi32>
      %select_n3A_2844 = arith.select %gt3A_2833, %select_n3A_2842, %select_n3A_2799 : vector<16xi1>, vector<16xf32>
      %select_n3A_2845 = arith.select %gt3A_2833, %select_n3A_2843, %select_n3A_2800 : vector<16xi1>, vector<16xi32>
      %select_n3A_2846 = arith.select %gt3A_2833, %select_n3A_2799, %get3A_2829 : vector<16xi1>, vector<16xf32>
      %select_n3A_2847 = arith.select %gt3A_2833, %select_n3A_2800, %broadcast_in_dim3A_2831 : vector<16xi1>, vector<16xi32>
      %select_n3A_2848 = arith.select %gt3A_2834, %select_n3A_2846, %select_n3A_2803 : vector<16xi1>, vector<16xf32>
      %select_n3A_2849 = arith.select %gt3A_2834, %select_n3A_2847, %select_n3A_2804 : vector<16xi1>, vector<16xi32>
      %select_n3A_2850 = arith.select %gt3A_2834, %select_n3A_2803, %get3A_2829 : vector<16xi1>, vector<16xf32>
      %select_n3A_2851 = arith.select %gt3A_2834, %select_n3A_2804, %broadcast_in_dim3A_2831 : vector<16xi1>, vector<16xi32>
      %select_n3A_2852 = arith.select %gt3A_2835, %select_n3A_2850, %select_n3A_2807 : vector<16xi1>, vector<16xf32>
      %select_n3A_2853 = arith.select %gt3A_2835, %select_n3A_2851, %select_n3A_2808 : vector<16xi1>, vector<16xi32>
      %select_n3A_2854 = arith.select %gt3A_2835, %select_n3A_2807, %get3A_2829 : vector<16xi1>, vector<16xf32>
      %select_n3A_2855 = arith.select %gt3A_2835, %select_n3A_2808, %broadcast_in_dim3A_2831 : vector<16xi1>, vector<16xi32>
      %select_n3A_2856 = arith.select %gt3A_2836, %select_n3A_2854, %select_n3A_2811 : vector<16xi1>, vector<16xf32>
      %select_n3A_2857 = arith.select %gt3A_2836, %select_n3A_2855, %select_n3A_2812 : vector<16xi1>, vector<16xi32>
      %select_n3A_2858 = arith.select %gt3A_2836, %select_n3A_2811, %get3A_2829 : vector<16xi1>, vector<16xf32>
      %select_n3A_2859 = arith.select %gt3A_2836, %select_n3A_2812, %broadcast_in_dim3A_2831 : vector<16xi1>, vector<16xi32>
      %select_n3A_2860 = arith.select %gt3A_2837, %select_n3A_2858, %select_n3A_2815 : vector<16xi1>, vector<16xf32>
      %select_n3A_2861 = arith.select %gt3A_2837, %select_n3A_2859, %select_n3A_2816 : vector<16xi1>, vector<16xi32>
      %select_n3A_2862 = arith.select %gt3A_2837, %select_n3A_2815, %get3A_2829 : vector<16xi1>, vector<16xf32>
      %select_n3A_2863 = arith.select %gt3A_2837, %select_n3A_2816, %broadcast_in_dim3A_2831 : vector<16xi1>, vector<16xi32>
      %select_n3A_2864 = arith.select %gt3A_2838, %select_n3A_2862, %select_n3A_2819 : vector<16xi1>, vector<16xf32>
      %select_n3A_2865 = arith.select %gt3A_2838, %select_n3A_2863, %select_n3A_2820 : vector<16xi1>, vector<16xi32>
      %select_n3A_2866 = arith.select %gt3A_2838, %select_n3A_2819, %get3A_2829 : vector<16xi1>, vector<16xf32>
      %select_n3A_2867 = arith.select %gt3A_2838, %select_n3A_2820, %broadcast_in_dim3A_2831 : vector<16xi1>, vector<16xi32>
      %select_n3A_2868 = arith.select %gt3A_2839, %select_n3A_2866, %select_n3A_2823 : vector<16xi1>, vector<16xf32>
      %select_n3A_2869 = arith.select %gt3A_2839, %select_n3A_2867, %select_n3A_2824 : vector<16xi1>, vector<16xi32>
      %get3A_2870 = arith.constant 63 : i32
      %get3A_2871 = arith.index_cast %get3A_2870 : i32 to index
      %get3A_2872 = arith.index_cast %mul3A_36 : i32 to index
      %get3A_2873 = tpu.vector_load %arg6[%get3A_2871, %get3A_2872] {strides = array<i32>} : memref<64x256xf32, #tpu.memory_space<vmem>>, vector<1x16xf32>,
      %get3A_2874 = vector.shape_cast %get3A_2873 : vector<1x16xf32> to vector<16xf32>
      %broadcast_in_dim3A_2875 = arith.constant 63 : i32
      %broadcast_in_dim3A_2876 = vector.broadcast %broadcast_in_dim3A_2875 : i32 to vector<16xi32>
      %gt3A_2877 = arith.cmpf ogt, %get3A_2874, %select_n3A_2840 : vector<16xf32>
      %gt3A_2878 = arith.cmpf ogt, %get3A_2874, %select_n3A_2844 : vector<16xf32>
      %gt3A_2879 = arith.cmpf ogt, %get3A_2874, %select_n3A_2848 : vector<16xf32>
      %gt3A_2880 = arith.cmpf ogt, %get3A_2874, %select_n3A_2852 : vector<16xf32>
      %gt3A_2881 = arith.cmpf ogt, %get3A_2874, %select_n3A_2856 : vector<16xf32>
      %gt3A_2882 = arith.cmpf ogt, %get3A_2874, %select_n3A_2860 : vector<16xf32>
      %gt3A_2883 = arith.cmpf ogt, %get3A_2874, %select_n3A_2864 : vector<16xf32>
      %gt3A_2884 = arith.cmpf ogt, %get3A_2874, %select_n3A_2868 : vector<16xf32>
      %select_n3A_2885 = arith.select %gt3A_2877, %get3A_2874, %select_n3A_2840 : vector<16xi1>, vector<16xf32>
      %select_n3A_2886 = arith.select %gt3A_2877, %broadcast_in_dim3A_2876, %select_n3A_2841 : vector<16xi1>, vector<16xi32>
      %select_n3A_2887 = arith.select %gt3A_2877, %select_n3A_2840, %get3A_2874 : vector<16xi1>, vector<16xf32>
      %select_n3A_2888 = arith.select %gt3A_2877, %select_n3A_2841, %broadcast_in_dim3A_2876 : vector<16xi1>, vector<16xi32>
      %select_n3A_2889 = arith.select %gt3A_2878, %select_n3A_2887, %select_n3A_2844 : vector<16xi1>, vector<16xf32>
      %select_n3A_2890 = arith.select %gt3A_2878, %select_n3A_2888, %select_n3A_2845 : vector<16xi1>, vector<16xi32>
      %select_n3A_2891 = arith.select %gt3A_2878, %select_n3A_2844, %get3A_2874 : vector<16xi1>, vector<16xf32>
      %select_n3A_2892 = arith.select %gt3A_2878, %select_n3A_2845, %broadcast_in_dim3A_2876 : vector<16xi1>, vector<16xi32>
      %select_n3A_2893 = arith.select %gt3A_2879, %select_n3A_2891, %select_n3A_2848 : vector<16xi1>, vector<16xf32>
      %select_n3A_2894 = arith.select %gt3A_2879, %select_n3A_2892, %select_n3A_2849 : vector<16xi1>, vector<16xi32>
      %select_n3A_2895 = arith.select %gt3A_2879, %select_n3A_2848, %get3A_2874 : vector<16xi1>, vector<16xf32>
      %select_n3A_2896 = arith.select %gt3A_2879, %select_n3A_2849, %broadcast_in_dim3A_2876 : vector<16xi1>, vector<16xi32>
      %select_n3A_2897 = arith.select %gt3A_2880, %select_n3A_2895, %select_n3A_2852 : vector<16xi1>, vector<16xf32>
      %select_n3A_2898 = arith.select %gt3A_2880, %select_n3A_2896, %select_n3A_2853 : vector<16xi1>, vector<16xi32>
      %select_n3A_2899 = arith.select %gt3A_2880, %select_n3A_2852, %get3A_2874 : vector<16xi1>, vector<16xf32>
      %select_n3A_2900 = arith.select %gt3A_2880, %select_n3A_2853, %broadcast_in_dim3A_2876 : vector<16xi1>, vector<16xi32>
      %select_n3A_2901 = arith.select %gt3A_2881, %select_n3A_2899, %select_n3A_2856 : vector<16xi1>, vector<16xf32>
      %select_n3A_2902 = arith.select %gt3A_2881, %select_n3A_2900, %select_n3A_2857 : vector<16xi1>, vector<16xi32>
      %select_n3A_2903 = arith.select %gt3A_2881, %select_n3A_2856, %get3A_2874 : vector<16xi1>, vector<16xf32>
      %select_n3A_2904 = arith.select %gt3A_2881, %select_n3A_2857, %broadcast_in_dim3A_2876 : vector<16xi1>, vector<16xi32>
      %select_n3A_2905 = arith.select %gt3A_2882, %select_n3A_2903, %select_n3A_2860 : vector<16xi1>, vector<16xf32>
      %select_n3A_2906 = arith.select %gt3A_2882, %select_n3A_2904, %select_n3A_2861 : vector<16xi1>, vector<16xi32>
      %select_n3A_2907 = arith.select %gt3A_2882, %select_n3A_2860, %get3A_2874 : vector<16xi1>, vector<16xf32>
      %select_n3A_2908 = arith.select %gt3A_2882, %select_n3A_2861, %broadcast_in_dim3A_2876 : vector<16xi1>, vector<16xi32>
      %select_n3A_2909 = arith.select %gt3A_2883, %select_n3A_2907, %select_n3A_2864 : vector<16xi1>, vector<16xf32>
      %select_n3A_2910 = arith.select %gt3A_2883, %select_n3A_2908, %select_n3A_2865 : vector<16xi1>, vector<16xi32>
      %select_n3A_2911 = arith.select %gt3A_2883, %select_n3A_2864, %get3A_2874 : vector<16xi1>, vector<16xf32>
      %select_n3A_2912 = arith.select %gt3A_2883, %select_n3A_2865, %broadcast_in_dim3A_2876 : vector<16xi1>, vector<16xi32>
      %select_n3A_2913 = arith.select %gt3A_2884, %select_n3A_2911, %select_n3A_2868 : vector<16xi1>, vector<16xf32>
      %select_n3A_2914 = arith.select %gt3A_2884, %select_n3A_2912, %select_n3A_2869 : vector<16xi1>, vector<16xi32>
      %and3A = arith.constant 15 : i32
      %and3A_2915 = vector.broadcast %and3A : i32 to vector<16xi32>
      %and3A_2916 = arith.andi %select_n3A_2886, %and3A_2915 : vector<16xi32>
      %shift_right_arithmetic3A = arith.constant 4 : i32
      %shift_right_arithmetic3A_2917 = vector.broadcast %shift_right_arithmetic3A : i32 to vector<16xi32>
      %shift_right_arithmetic3A_2918 = arith.shrsi %select_n3A_2886, %shift_right_arithmetic3A_2917 : vector<16xi32>
      %broadcast_in_dim3A_2919 = vector.shape_cast %and3A_2916 : vector<16xi32> to vector<16x1xi32>
      %gather3A = vector.shape_cast %broadcast_in_dim3A_2919 : vector<16x1xi32> to vector<16xi32>
      %gather3A_2920 = tpu.dynamic_gather %get3A_19[%gather3A] in [0] : vector<16xf32>, vector<16xi32> -> vector<16xf32>
      %eq3A = arith.constant 1 : i32
      %eq3A_2921 = vector.broadcast %eq3A : i32 to vector<16xi32>
      %eq3A_2922 = arith.cmpi eq, %shift_right_arithmetic3A_2918, %eq3A_2921 : vector<16xi32>
      %broadcast_in_dim3A_2923 = vector.shape_cast %and3A_2916 : vector<16xi32> to vector<16x1xi32>
      %gather3A_2924 = vector.shape_cast %broadcast_in_dim3A_2923 : vector<16x1xi32> to vector<16xi32>
      %gather3A_2925 = tpu.dynamic_gather %get3A_22[%gather3A_2924] in [0] : vector<16xf32>, vector<16xi32> -> vector<16xf32>
      %select_n3A_2926 = arith.select %eq3A_2922, %gather3A_2925, %gather3A_2920 : vector<16xi1>, vector<16xf32>
      %eq3A_2927 = arith.constant 2 : i32
      %eq3A_2928 = vector.broadcast %eq3A_2927 : i32 to vector<16xi32>
      %eq3A_2929 = arith.cmpi eq, %shift_right_arithmetic3A_2918, %eq3A_2928 : vector<16xi32>
      %broadcast_in_dim3A_2930 = vector.shape_cast %and3A_2916 : vector<16xi32> to vector<16x1xi32>
      %gather3A_2931 = vector.shape_cast %broadcast_in_dim3A_2930 : vector<16x1xi32> to vector<16xi32>
      %gather3A_2932 = tpu.dynamic_gather %get3A_25[%gather3A_2931] in [0] : vector<16xf32>, vector<16xi32> -> vector<16xf32>
      %select_n3A_2933 = arith.select %eq3A_2929, %gather3A_2932, %select_n3A_2926 : vector<16xi1>, vector<16xf32>
      %eq3A_2934 = arith.constant 3 : i32
      %eq3A_2935 = vector.broadcast %eq3A_2934 : i32 to vector<16xi32>
      %eq3A_2936 = arith.cmpi eq, %shift_right_arithmetic3A_2918, %eq3A_2935 : vector<16xi32>
      %broadcast_in_dim3A_2937 = vector.shape_cast %and3A_2916 : vector<16xi32> to vector<16x1xi32>
      %gather3A_2938 = vector.shape_cast %broadcast_in_dim3A_2937 : vector<16x1xi32> to vector<16xi32>
      %gather3A_2939 = tpu.dynamic_gather %get3A_28[%gather3A_2938] in [0] : vector<16xf32>, vector<16xi32> -> vector<16xf32>
      %select_n3A_2940 = arith.select %eq3A_2936, %gather3A_2939, %select_n3A_2933 : vector<16xi1>, vector<16xf32>
      %sub3A = arith.subf %select_n3A_2885, %select_n3A_2940 : vector<16xf32>
      %neg3A = arith.constant 0.000000e+00 : f32
      %neg3A_2941 = vector.broadcast %neg3A : f32 to vector<16xf32>
      %neg3A_2942 = arith.subf %neg3A_2941, %sub3A : vector<16xf32>
      %exp3A = math.exp %neg3A_2942 : vector<16xf32>
      %add3A_2943 = arith.constant 1.000000e+00 : f32
      %add3A_2944 = vector.broadcast %add3A_2943 : f32 to vector<16xf32>
      %add3A_2945 = arith.addf %add3A_2944, %exp3A : vector<16xf32>
      %div3A = arith.constant 1.000000e+00 : f32
      %div3A_2946 = vector.broadcast %div3A : f32 to vector<16xf32>
      %div3A_2947 = arith.divf %div3A_2946, %add3A_2945 : vector<16xf32>
      %and3A_2948 = arith.constant 15 : i32
      %and3A_2949 = vector.broadcast %and3A_2948 : i32 to vector<16xi32>
      %and3A_2950 = arith.andi %select_n3A_2890, %and3A_2949 : vector<16xi32>
      %shift_right_arithmetic3A_2951 = arith.constant 4 : i32
      %shift_right_arithmetic3A_2952 = vector.broadcast %shift_right_arithmetic3A_2951 : i32 to vector<16xi32>
      %shift_right_arithmetic3A_2953 = arith.shrsi %select_n3A_2890, %shift_right_arithmetic3A_2952 : vector<16xi32>
      %broadcast_in_dim3A_2954 = vector.shape_cast %and3A_2950 : vector<16xi32> to vector<16x1xi32>
      %gather3A_2955 = vector.shape_cast %broadcast_in_dim3A_2954 : vector<16x1xi32> to vector<16xi32>
      %gather3A_2956 = tpu.dynamic_gather %get3A_19[%gather3A_2955] in [0] : vector<16xf32>, vector<16xi32> -> vector<16xf32>
      %eq3A_2957 = arith.constant 1 : i32
      %eq3A_2958 = vector.broadcast %eq3A_2957 : i32 to vector<16xi32>
      %eq3A_2959 = arith.cmpi eq, %shift_right_arithmetic3A_2953, %eq3A_2958 : vector<16xi32>
      %broadcast_in_dim3A_2960 = vector.shape_cast %and3A_2950 : vector<16xi32> to vector<16x1xi32>
      %gather3A_2961 = vector.shape_cast %broadcast_in_dim3A_2960 : vector<16x1xi32> to vector<16xi32>
      %gather3A_2962 = tpu.dynamic_gather %get3A_22[%gather3A_2961] in [0] : vector<16xf32>, vector<16xi32> -> vector<16xf32>
      %select_n3A_2963 = arith.select %eq3A_2959, %gather3A_2962, %gather3A_2956 : vector<16xi1>, vector<16xf32>
      %eq3A_2964 = arith.constant 2 : i32
      %eq3A_2965 = vector.broadcast %eq3A_2964 : i32 to vector<16xi32>
      %eq3A_2966 = arith.cmpi eq, %shift_right_arithmetic3A_2953, %eq3A_2965 : vector<16xi32>
      %broadcast_in_dim3A_2967 = vector.shape_cast %and3A_2950 : vector<16xi32> to vector<16x1xi32>
      %gather3A_2968 = vector.shape_cast %broadcast_in_dim3A_2967 : vector<16x1xi32> to vector<16xi32>
      %gather3A_2969 = tpu.dynamic_gather %get3A_25[%gather3A_2968] in [0] : vector<16xf32>, vector<16xi32> -> vector<16xf32>
      %select_n3A_2970 = arith.select %eq3A_2966, %gather3A_2969, %select_n3A_2963 : vector<16xi1>, vector<16xf32>
      %eq3A_2971 = arith.constant 3 : i32
      %eq3A_2972 = vector.broadcast %eq3A_2971 : i32 to vector<16xi32>
      %eq3A_2973 = arith.cmpi eq, %shift_right_arithmetic3A_2953, %eq3A_2972 : vector<16xi32>
      %broadcast_in_dim3A_2974 = vector.shape_cast %and3A_2950 : vector<16xi32> to vector<16x1xi32>
      %gather3A_2975 = vector.shape_cast %broadcast_in_dim3A_2974 : vector<16x1xi32> to vector<16xi32>
      %gather3A_2976 = tpu.dynamic_gather %get3A_28[%gather3A_2975] in [0] : vector<16xf32>, vector<16xi32> -> vector<16xf32>
      %select_n3A_2977 = arith.select %eq3A_2973, %gather3A_2976, %select_n3A_2970 : vector<16xi1>, vector<16xf32>
      %sub3A_2978 = arith.subf %select_n3A_2889, %select_n3A_2977 : vector<16xf32>
      %neg3A_2979 = arith.constant 0.000000e+00 : f32
      %neg3A_2980 = vector.broadcast %neg3A_2979 : f32 to vector<16xf32>
      %neg3A_2981 = arith.subf %neg3A_2980, %sub3A_2978 : vector<16xf32>
      %exp3A_2982 = math.exp %neg3A_2981 : vector<16xf32>
      %add3A_2983 = arith.constant 1.000000e+00 : f32
      %add3A_2984 = vector.broadcast %add3A_2983 : f32 to vector<16xf32>
      %add3A_2985 = arith.addf %add3A_2984, %exp3A_2982 : vector<16xf32>
      %div3A_2986 = arith.constant 1.000000e+00 : f32
      %div3A_2987 = vector.broadcast %div3A_2986 : f32 to vector<16xf32>
      %div3A_2988 = arith.divf %div3A_2987, %add3A_2985 : vector<16xf32>
      %and3A_2989 = arith.constant 15 : i32
      %and3A_2990 = vector.broadcast %and3A_2989 : i32 to vector<16xi32>
      %and3A_2991 = arith.andi %select_n3A_2894, %and3A_2990 : vector<16xi32>
      %shift_right_arithmetic3A_2992 = arith.constant 4 : i32
      %shift_right_arithmetic3A_2993 = vector.broadcast %shift_right_arithmetic3A_2992 : i32 to vector<16xi32>
      %shift_right_arithmetic3A_2994 = arith.shrsi %select_n3A_2894, %shift_right_arithmetic3A_2993 : vector<16xi32>
      %broadcast_in_dim3A_2995 = vector.shape_cast %and3A_2991 : vector<16xi32> to vector<16x1xi32>
      %gather3A_2996 = vector.shape_cast %broadcast_in_dim3A_2995 : vector<16x1xi32> to vector<16xi32>
      %gather3A_2997 = tpu.dynamic_gather %get3A_19[%gather3A_2996] in [0] : vector<16xf32>, vector<16xi32> -> vector<16xf32>
      %eq3A_2998 = arith.constant 1 : i32
      %eq3A_2999 = vector.broadcast %eq3A_2998 : i32 to vector<16xi32>
      %eq3A_3000 = arith.cmpi eq, %shift_right_arithmetic3A_2994, %eq3A_2999 : vector<16xi32>
      %broadcast_in_dim3A_3001 = vector.shape_cast %and3A_2991 : vector<16xi32> to vector<16x1xi32>
      %gather3A_3002 = vector.shape_cast %broadcast_in_dim3A_3001 : vector<16x1xi32> to vector<16xi32>
      %gather3A_3003 = tpu.dynamic_gather %get3A_22[%gather3A_3002] in [0] : vector<16xf32>, vector<16xi32> -> vector<16xf32>
      %select_n3A_3004 = arith.select %eq3A_3000, %gather3A_3003, %gather3A_2997 : vector<16xi1>, vector<16xf32>
      %eq3A_3005 = arith.constant 2 : i32
      %eq3A_3006 = vector.broadcast %eq3A_3005 : i32 to vector<16xi32>
      %eq3A_3007 = arith.cmpi eq, %shift_right_arithmetic3A_2994, %eq3A_3006 : vector<16xi32>
      %broadcast_in_dim3A_3008 = vector.shape_cast %and3A_2991 : vector<16xi32> to vector<16x1xi32>
      %gather3A_3009 = vector.shape_cast %broadcast_in_dim3A_3008 : vector<16x1xi32> to vector<16xi32>
      %gather3A_3010 = tpu.dynamic_gather %get3A_25[%gather3A_3009] in [0] : vector<16xf32>, vector<16xi32> -> vector<16xf32>
      %select_n3A_3011 = arith.select %eq3A_3007, %gather3A_3010, %select_n3A_3004 : vector<16xi1>, vector<16xf32>
      %eq3A_3012 = arith.constant 3 : i32
      %eq3A_3013 = vector.broadcast %eq3A_3012 : i32 to vector<16xi32>
      %eq3A_3014 = arith.cmpi eq, %shift_right_arithmetic3A_2994, %eq3A_3013 : vector<16xi32>
      %broadcast_in_dim3A_3015 = vector.shape_cast %and3A_2991 : vector<16xi32> to vector<16x1xi32>
      %gather3A_3016 = vector.shape_cast %broadcast_in_dim3A_3015 : vector<16x1xi32> to vector<16xi32>
      %gather3A_3017 = tpu.dynamic_gather %get3A_28[%gather3A_3016] in [0] : vector<16xf32>, vector<16xi32> -> vector<16xf32>
      %select_n3A_3018 = arith.select %eq3A_3014, %gather3A_3017, %select_n3A_3011 : vector<16xi1>, vector<16xf32>
      %sub3A_3019 = arith.subf %select_n3A_2893, %select_n3A_3018 : vector<16xf32>
      %neg3A_3020 = arith.constant 0.000000e+00 : f32
      %neg3A_3021 = vector.broadcast %neg3A_3020 : f32 to vector<16xf32>
      %neg3A_3022 = arith.subf %neg3A_3021, %sub3A_3019 : vector<16xf32>
      %exp3A_3023 = math.exp %neg3A_3022 : vector<16xf32>
      %add3A_3024 = arith.constant 1.000000e+00 : f32
      %add3A_3025 = vector.broadcast %add3A_3024 : f32 to vector<16xf32>
      %add3A_3026 = arith.addf %add3A_3025, %exp3A_3023 : vector<16xf32>
      %div3A_3027 = arith.constant 1.000000e+00 : f32
      %div3A_3028 = vector.broadcast %div3A_3027 : f32 to vector<16xf32>
      %div3A_3029 = arith.divf %div3A_3028, %add3A_3026 : vector<16xf32>
      %and3A_3030 = arith.constant 15 : i32
      %and3A_3031 = vector.broadcast %and3A_3030 : i32 to vector<16xi32>
      %and3A_3032 = arith.andi %select_n3A_2898, %and3A_3031 : vector<16xi32>
      %shift_right_arithmetic3A_3033 = arith.constant 4 : i32
      %shift_right_arithmetic3A_3034 = vector.broadcast %shift_right_arithmetic3A_3033 : i32 to vector<16xi32>
      %shift_right_arithmetic3A_3035 = arith.shrsi %select_n3A_2898, %shift_right_arithmetic3A_3034 : vector<16xi32>
      %broadcast_in_dim3A_3036 = vector.shape_cast %and3A_3032 : vector<16xi32> to vector<16x1xi32>
      %gather3A_3037 = vector.shape_cast %broadcast_in_dim3A_3036 : vector<16x1xi32> to vector<16xi32>
      %gather3A_3038 = tpu.dynamic_gather %get3A_19[%gather3A_3037] in [0] : vector<16xf32>, vector<16xi32> -> vector<16xf32>
      %eq3A_3039 = arith.constant 1 : i32
      %eq3A_3040 = vector.broadcast %eq3A_3039 : i32 to vector<16xi32>
      %eq3A_3041 = arith.cmpi eq, %shift_right_arithmetic3A_3035, %eq3A_3040 : vector<16xi32>
      %broadcast_in_dim3A_3042 = vector.shape_cast %and3A_3032 : vector<16xi32> to vector<16x1xi32>
      %gather3A_3043 = vector.shape_cast %broadcast_in_dim3A_3042 : vector<16x1xi32> to vector<16xi32>
      %gather3A_3044 = tpu.dynamic_gather %get3A_22[%gather3A_3043] in [0] : vector<16xf32>, vector<16xi32> -> vector<16xf32>
      %select_n3A_3045 = arith.select %eq3A_3041, %gather3A_3044, %gather3A_3038 : vector<16xi1>, vector<16xf32>
      %eq3A_3046 = arith.constant 2 : i32
      %eq3A_3047 = vector.broadcast %eq3A_3046 : i32 to vector<16xi32>
      %eq3A_3048 = arith.cmpi eq, %shift_right_arithmetic3A_3035, %eq3A_3047 : vector<16xi32>
      %broadcast_in_dim3A_3049 = vector.shape_cast %and3A_3032 : vector<16xi32> to vector<16x1xi32>
      %gather3A_3050 = vector.shape_cast %broadcast_in_dim3A_3049 : vector<16x1xi32> to vector<16xi32>
      %gather3A_3051 = tpu.dynamic_gather %get3A_25[%gather3A_3050] in [0] : vector<16xf32>, vector<16xi32> -> vector<16xf32>
      %select_n3A_3052 = arith.select %eq3A_3048, %gather3A_3051, %select_n3A_3045 : vector<16xi1>, vector<16xf32>
      %eq3A_3053 = arith.constant 3 : i32
      %eq3A_3054 = vector.broadcast %eq3A_3053 : i32 to vector<16xi32>
      %eq3A_3055 = arith.cmpi eq, %shift_right_arithmetic3A_3035, %eq3A_3054 : vector<16xi32>
      %broadcast_in_dim3A_3056 = vector.shape_cast %and3A_3032 : vector<16xi32> to vector<16x1xi32>
      %gather3A_3057 = vector.shape_cast %broadcast_in_dim3A_3056 : vector<16x1xi32> to vector<16xi32>
      %gather3A_3058 = tpu.dynamic_gather %get3A_28[%gather3A_3057] in [0] : vector<16xf32>, vector<16xi32> -> vector<16xf32>
      %select_n3A_3059 = arith.select %eq3A_3055, %gather3A_3058, %select_n3A_3052 : vector<16xi1>, vector<16xf32>
      %sub3A_3060 = arith.subf %select_n3A_2897, %select_n3A_3059 : vector<16xf32>
      %neg3A_3061 = arith.constant 0.000000e+00 : f32
      %neg3A_3062 = vector.broadcast %neg3A_3061 : f32 to vector<16xf32>
      %neg3A_3063 = arith.subf %neg3A_3062, %sub3A_3060 : vector<16xf32>
      %exp3A_3064 = math.exp %neg3A_3063 : vector<16xf32>
      %add3A_3065 = arith.constant 1.000000e+00 : f32
      %add3A_3066 = vector.broadcast %add3A_3065 : f32 to vector<16xf32>
      %add3A_3067 = arith.addf %add3A_3066, %exp3A_3064 : vector<16xf32>
      %div3A_3068 = arith.constant 1.000000e+00 : f32
      %div3A_3069 = vector.broadcast %div3A_3068 : f32 to vector<16xf32>
      %div3A_3070 = arith.divf %div3A_3069, %add3A_3067 : vector<16xf32>
      %and3A_3071 = arith.constant 15 : i32
      %and3A_3072 = vector.broadcast %and3A_3071 : i32 to vector<16xi32>
      %and3A_3073 = arith.andi %select_n3A_2902, %and3A_3072 : vector<16xi32>
      %shift_right_arithmetic3A_3074 = arith.constant 4 : i32
      %shift_right_arithmetic3A_3075 = vector.broadcast %shift_right_arithmetic3A_3074 : i32 to vector<16xi32>
      %shift_right_arithmetic3A_3076 = arith.shrsi %select_n3A_2902, %shift_right_arithmetic3A_3075 : vector<16xi32>
      %broadcast_in_dim3A_3077 = vector.shape_cast %and3A_3073 : vector<16xi32> to vector<16x1xi32>
      %gather3A_3078 = vector.shape_cast %broadcast_in_dim3A_3077 : vector<16x1xi32> to vector<16xi32>
      %gather3A_3079 = tpu.dynamic_gather %get3A_19[%gather3A_3078] in [0] : vector<16xf32>, vector<16xi32> -> vector<16xf32>
      %eq3A_3080 = arith.constant 1 : i32
      %eq3A_3081 = vector.broadcast %eq3A_3080 : i32 to vector<16xi32>
      %eq3A_3082 = arith.cmpi eq, %shift_right_arithmetic3A_3076, %eq3A_3081 : vector<16xi32>
      %broadcast_in_dim3A_3083 = vector.shape_cast %and3A_3073 : vector<16xi32> to vector<16x1xi32>
      %gather3A_3084 = vector.shape_cast %broadcast_in_dim3A_3083 : vector<16x1xi32> to vector<16xi32>
      %gather3A_3085 = tpu.dynamic_gather %get3A_22[%gather3A_3084] in [0] : vector<16xf32>, vector<16xi32> -> vector<16xf32>
      %select_n3A_3086 = arith.select %eq3A_3082, %gather3A_3085, %gather3A_3079 : vector<16xi1>, vector<16xf32>
      %eq3A_3087 = arith.constant 2 : i32
      %eq3A_3088 = vector.broadcast %eq3A_3087 : i32 to vector<16xi32>
      %eq3A_3089 = arith.cmpi eq, %shift_right_arithmetic3A_3076, %eq3A_3088 : vector<16xi32>
      %broadcast_in_dim3A_3090 = vector.shape_cast %and3A_3073 : vector<16xi32> to vector<16x1xi32>
      %gather3A_3091 = vector.shape_cast %broadcast_in_dim3A_3090 : vector<16x1xi32> to vector<16xi32>
      %gather3A_3092 = tpu.dynamic_gather %get3A_25[%gather3A_3091] in [0] : vector<16xf32>, vector<16xi32> -> vector<16xf32>
      %select_n3A_3093 = arith.select %eq3A_3089, %gather3A_3092, %select_n3A_3086 : vector<16xi1>, vector<16xf32>
      %eq3A_3094 = arith.constant 3 : i32
      %eq3A_3095 = vector.broadcast %eq3A_3094 : i32 to vector<16xi32>
      %eq3A_3096 = arith.cmpi eq, %shift_right_arithmetic3A_3076, %eq3A_3095 : vector<16xi32>
      %broadcast_in_dim3A_3097 = vector.shape_cast %and3A_3073 : vector<16xi32> to vector<16x1xi32>
      %gather3A_3098 = vector.shape_cast %broadcast_in_dim3A_3097 : vector<16x1xi32> to vector<16xi32>
      %gather3A_3099 = tpu.dynamic_gather %get3A_28[%gather3A_3098] in [0] : vector<16xf32>, vector<16xi32> -> vector<16xf32>
      %select_n3A_3100 = arith.select %eq3A_3096, %gather3A_3099, %select_n3A_3093 : vector<16xi1>, vector<16xf32>
      %sub3A_3101 = arith.subf %select_n3A_2901, %select_n3A_3100 : vector<16xf32>
      %neg3A_3102 = arith.constant 0.000000e+00 : f32
      %neg3A_3103 = vector.broadcast %neg3A_3102 : f32 to vector<16xf32>
      %neg3A_3104 = arith.subf %neg3A_3103, %sub3A_3101 : vector<16xf32>
      %exp3A_3105 = math.exp %neg3A_3104 : vector<16xf32>
      %add3A_3106 = arith.constant 1.000000e+00 : f32
      %add3A_3107 = vector.broadcast %add3A_3106 : f32 to vector<16xf32>
      %add3A_3108 = arith.addf %add3A_3107, %exp3A_3105 : vector<16xf32>
      %div3A_3109 = arith.constant 1.000000e+00 : f32
      %div3A_3110 = vector.broadcast %div3A_3109 : f32 to vector<16xf32>
      %div3A_3111 = arith.divf %div3A_3110, %add3A_3108 : vector<16xf32>
      %and3A_3112 = arith.constant 15 : i32
      %and3A_3113 = vector.broadcast %and3A_3112 : i32 to vector<16xi32>
      %and3A_3114 = arith.andi %select_n3A_2906, %and3A_3113 : vector<16xi32>
      %shift_right_arithmetic3A_3115 = arith.constant 4 : i32
      %shift_right_arithmetic3A_3116 = vector.broadcast %shift_right_arithmetic3A_3115 : i32 to vector<16xi32>
      %shift_right_arithmetic3A_3117 = arith.shrsi %select_n3A_2906, %shift_right_arithmetic3A_3116 : vector<16xi32>
      %broadcast_in_dim3A_3118 = vector.shape_cast %and3A_3114 : vector<16xi32> to vector<16x1xi32>
      %gather3A_3119 = vector.shape_cast %broadcast_in_dim3A_3118 : vector<16x1xi32> to vector<16xi32>
      %gather3A_3120 = tpu.dynamic_gather %get3A_19[%gather3A_3119] in [0] : vector<16xf32>, vector<16xi32> -> vector<16xf32>
      %eq3A_3121 = arith.constant 1 : i32
      %eq3A_3122 = vector.broadcast %eq3A_3121 : i32 to vector<16xi32>
      %eq3A_3123 = arith.cmpi eq, %shift_right_arithmetic3A_3117, %eq3A_3122 : vector<16xi32>
      %broadcast_in_dim3A_3124 = vector.shape_cast %and3A_3114 : vector<16xi32> to vector<16x1xi32>
      %gather3A_3125 = vector.shape_cast %broadcast_in_dim3A_3124 : vector<16x1xi32> to vector<16xi32>
      %gather3A_3126 = tpu.dynamic_gather %get3A_22[%gather3A_3125] in [0] : vector<16xf32>, vector<16xi32> -> vector<16xf32>
      %select_n3A_3127 = arith.select %eq3A_3123, %gather3A_3126, %gather3A_3120 : vector<16xi1>, vector<16xf32>
      %eq3A_3128 = arith.constant 2 : i32
      %eq3A_3129 = vector.broadcast %eq3A_3128 : i32 to vector<16xi32>
      %eq3A_3130 = arith.cmpi eq, %shift_right_arithmetic3A_3117, %eq3A_3129 : vector<16xi32>
      %broadcast_in_dim3A_3131 = vector.shape_cast %and3A_3114 : vector<16xi32> to vector<16x1xi32>
      %gather3A_3132 = vector.shape_cast %broadcast_in_dim3A_3131 : vector<16x1xi32> to vector<16xi32>
      %gather3A_3133 = tpu.dynamic_gather %get3A_25[%gather3A_3132] in [0] : vector<16xf32>, vector<16xi32> -> vector<16xf32>
      %select_n3A_3134 = arith.select %eq3A_3130, %gather3A_3133, %select_n3A_3127 : vector<16xi1>, vector<16xf32>
      %eq3A_3135 = arith.constant 3 : i32
      %eq3A_3136 = vector.broadcast %eq3A_3135 : i32 to vector<16xi32>
      %eq3A_3137 = arith.cmpi eq, %shift_right_arithmetic3A_3117, %eq3A_3136 : vector<16xi32>
      %broadcast_in_dim3A_3138 = vector.shape_cast %and3A_3114 : vector<16xi32> to vector<16x1xi32>
      %gather3A_3139 = vector.shape_cast %broadcast_in_dim3A_3138 : vector<16x1xi32> to vector<16xi32>
      %gather3A_3140 = tpu.dynamic_gather %get3A_28[%gather3A_3139] in [0] : vector<16xf32>, vector<16xi32> -> vector<16xf32>
      %select_n3A_3141 = arith.select %eq3A_3137, %gather3A_3140, %select_n3A_3134 : vector<16xi1>, vector<16xf32>
      %sub3A_3142 = arith.subf %select_n3A_2905, %select_n3A_3141 : vector<16xf32>
      %neg3A_3143 = arith.constant 0.000000e+00 : f32
      %neg3A_3144 = vector.broadcast %neg3A_3143 : f32 to vector<16xf32>
      %neg3A_3145 = arith.subf %neg3A_3144, %sub3A_3142 : vector<16xf32>
      %exp3A_3146 = math.exp %neg3A_3145 : vector<16xf32>
      %add3A_3147 = arith.constant 1.000000e+00 : f32
      %add3A_3148 = vector.broadcast %add3A_3147 : f32 to vector<16xf32>
      %add3A_3149 = arith.addf %add3A_3148, %exp3A_3146 : vector<16xf32>
      %div3A_3150 = arith.constant 1.000000e+00 : f32
      %div3A_3151 = vector.broadcast %div3A_3150 : f32 to vector<16xf32>
      %div3A_3152 = arith.divf %div3A_3151, %add3A_3149 : vector<16xf32>
      %and3A_3153 = arith.constant 15 : i32
      %and3A_3154 = vector.broadcast %and3A_3153 : i32 to vector<16xi32>
      %and3A_3155 = arith.andi %select_n3A_2910, %and3A_3154 : vector<16xi32>
      %shift_right_arithmetic3A_3156 = arith.constant 4 : i32
      %shift_right_arithmetic3A_3157 = vector.broadcast %shift_right_arithmetic3A_3156 : i32 to vector<16xi32>
      %shift_right_arithmetic3A_3158 = arith.shrsi %select_n3A_2910, %shift_right_arithmetic3A_3157 : vector<16xi32>
      %broadcast_in_dim3A_3159 = vector.shape_cast %and3A_3155 : vector<16xi32> to vector<16x1xi32>
      %gather3A_3160 = vector.shape_cast %broadcast_in_dim3A_3159 : vector<16x1xi32> to vector<16xi32>
      %gather3A_3161 = tpu.dynamic_gather %get3A_19[%gather3A_3160] in [0] : vector<16xf32>, vector<16xi32> -> vector<16xf32>
      %eq3A_3162 = arith.constant 1 : i32
      %eq3A_3163 = vector.broadcast %eq3A_3162 : i32 to vector<16xi32>
      %eq3A_3164 = arith.cmpi eq, %shift_right_arithmetic3A_3158, %eq3A_3163 : vector<16xi32>
      %broadcast_in_dim3A_3165 = vector.shape_cast %and3A_3155 : vector<16xi32> to vector<16x1xi32>
      %gather3A_3166 = vector.shape_cast %broadcast_in_dim3A_3165 : vector<16x1xi32> to vector<16xi32>
      %gather3A_3167 = tpu.dynamic_gather %get3A_22[%gather3A_3166] in [0] : vector<16xf32>, vector<16xi32> -> vector<16xf32>
      %select_n3A_3168 = arith.select %eq3A_3164, %gather3A_3167, %gather3A_3161 : vector<16xi1>, vector<16xf32>
      %eq3A_3169 = arith.constant 2 : i32
      %eq3A_3170 = vector.broadcast %eq3A_3169 : i32 to vector<16xi32>
      %eq3A_3171 = arith.cmpi eq, %shift_right_arithmetic3A_3158, %eq3A_3170 : vector<16xi32>
      %broadcast_in_dim3A_3172 = vector.shape_cast %and3A_3155 : vector<16xi32> to vector<16x1xi32>
      %gather3A_3173 = vector.shape_cast %broadcast_in_dim3A_3172 : vector<16x1xi32> to vector<16xi32>
      %gather3A_3174 = tpu.dynamic_gather %get3A_25[%gather3A_3173] in [0] : vector<16xf32>, vector<16xi32> -> vector<16xf32>
      %select_n3A_3175 = arith.select %eq3A_3171, %gather3A_3174, %select_n3A_3168 : vector<16xi1>, vector<16xf32>
      %eq3A_3176 = arith.constant 3 : i32
      %eq3A_3177 = vector.broadcast %eq3A_3176 : i32 to vector<16xi32>
      %eq3A_3178 = arith.cmpi eq, %shift_right_arithmetic3A_3158, %eq3A_3177 : vector<16xi32>
      %broadcast_in_dim3A_3179 = vector.shape_cast %and3A_3155 : vector<16xi32> to vector<16x1xi32>
      %gather3A_3180 = vector.shape_cast %broadcast_in_dim3A_3179 : vector<16x1xi32> to vector<16xi32>
      %gather3A_3181 = tpu.dynamic_gather %get3A_28[%gather3A_3180] in [0] : vector<16xf32>, vector<16xi32> -> vector<16xf32>
      %select_n3A_3182 = arith.select %eq3A_3178, %gather3A_3181, %select_n3A_3175 : vector<16xi1>, vector<16xf32>
      %sub3A_3183 = arith.subf %select_n3A_2909, %select_n3A_3182 : vector<16xf32>
      %neg3A_3184 = arith.constant 0.000000e+00 : f32
      %neg3A_3185 = vector.broadcast %neg3A_3184 : f32 to vector<16xf32>
      %neg3A_3186 = arith.subf %neg3A_3185, %sub3A_3183 : vector<16xf32>
      %exp3A_3187 = math.exp %neg3A_3186 : vector<16xf32>
      %add3A_3188 = arith.constant 1.000000e+00 : f32
      %add3A_3189 = vector.broadcast %add3A_3188 : f32 to vector<16xf32>
      %add3A_3190 = arith.addf %add3A_3189, %exp3A_3187 : vector<16xf32>
      %div3A_3191 = arith.constant 1.000000e+00 : f32
      %div3A_3192 = vector.broadcast %div3A_3191 : f32 to vector<16xf32>
      %div3A_3193 = arith.divf %div3A_3192, %add3A_3190 : vector<16xf32>
      %and3A_3194 = arith.constant 15 : i32
      %and3A_3195 = vector.broadcast %and3A_3194 : i32 to vector<16xi32>
      %and3A_3196 = arith.andi %select_n3A_2914, %and3A_3195 : vector<16xi32>
      %shift_right_arithmetic3A_3197 = arith.constant 4 : i32
      %shift_right_arithmetic3A_3198 = vector.broadcast %shift_right_arithmetic3A_3197 : i32 to vector<16xi32>
      %shift_right_arithmetic3A_3199 = arith.shrsi %select_n3A_2914, %shift_right_arithmetic3A_3198 : vector<16xi32>
      %broadcast_in_dim3A_3200 = vector.shape_cast %and3A_3196 : vector<16xi32> to vector<16x1xi32>
      %gather3A_3201 = vector.shape_cast %broadcast_in_dim3A_3200 : vector<16x1xi32> to vector<16xi32>
      %gather3A_3202 = tpu.dynamic_gather %get3A_19[%gather3A_3201] in [0] : vector<16xf32>, vector<16xi32> -> vector<16xf32>
      %eq3A_3203 = arith.constant 1 : i32
      %eq3A_3204 = vector.broadcast %eq3A_3203 : i32 to vector<16xi32>
      %eq3A_3205 = arith.cmpi eq, %shift_right_arithmetic3A_3199, %eq3A_3204 : vector<16xi32>
      %broadcast_in_dim3A_3206 = vector.shape_cast %and3A_3196 : vector<16xi32> to vector<16x1xi32>
      %gather3A_3207 = vector.shape_cast %broadcast_in_dim3A_3206 : vector<16x1xi32> to vector<16xi32>
      %gather3A_3208 = tpu.dynamic_gather %get3A_22[%gather3A_3207] in [0] : vector<16xf32>, vector<16xi32> -> vector<16xf32>
      %select_n3A_3209 = arith.select %eq3A_3205, %gather3A_3208, %gather3A_3202 : vector<16xi1>, vector<16xf32>
      %eq3A_3210 = arith.constant 2 : i32
      %eq3A_3211 = vector.broadcast %eq3A_3210 : i32 to vector<16xi32>
      %eq3A_3212 = arith.cmpi eq, %shift_right_arithmetic3A_3199, %eq3A_3211 : vector<16xi32>
      %broadcast_in_dim3A_3213 = vector.shape_cast %and3A_3196 : vector<16xi32> to vector<16x1xi32>
      %gather3A_3214 = vector.shape_cast %broadcast_in_dim3A_3213 : vector<16x1xi32> to vector<16xi32>
      %gather3A_3215 = tpu.dynamic_gather %get3A_25[%gather3A_3214] in [0] : vector<16xf32>, vector<16xi32> -> vector<16xf32>
      %select_n3A_3216 = arith.select %eq3A_3212, %gather3A_3215, %select_n3A_3209 : vector<16xi1>, vector<16xf32>
      %eq3A_3217 = arith.constant 3 : i32
      %eq3A_3218 = vector.broadcast %eq3A_3217 : i32 to vector<16xi32>
      %eq3A_3219 = arith.cmpi eq, %shift_right_arithmetic3A_3199, %eq3A_3218 : vector<16xi32>
      %broadcast_in_dim3A_3220 = vector.shape_cast %and3A_3196 : vector<16xi32> to vector<16x1xi32>
      %gather3A_3221 = vector.shape_cast %broadcast_in_dim3A_3220 : vector<16x1xi32> to vector<16xi32>
      %gather3A_3222 = tpu.dynamic_gather %get3A_28[%gather3A_3221] in [0] : vector<16xf32>, vector<16xi32> -> vector<16xf32>
      %select_n3A_3223 = arith.select %eq3A_3219, %gather3A_3222, %select_n3A_3216 : vector<16xi1>, vector<16xf32>
      %sub3A_3224 = arith.subf %select_n3A_2913, %select_n3A_3223 : vector<16xf32>
      %neg3A_3225 = arith.constant 0.000000e+00 : f32
      %neg3A_3226 = vector.broadcast %neg3A_3225 : f32 to vector<16xf32>
      %neg3A_3227 = arith.subf %neg3A_3226, %sub3A_3224 : vector<16xf32>
      %exp3A_3228 = math.exp %neg3A_3227 : vector<16xf32>
      %add3A_3229 = arith.constant 1.000000e+00 : f32
      %add3A_3230 = vector.broadcast %add3A_3229 : f32 to vector<16xf32>
      %add3A_3231 = arith.addf %add3A_3230, %exp3A_3228 : vector<16xf32>
      %div3A_3232 = arith.constant 1.000000e+00 : f32
      %div3A_3233 = vector.broadcast %div3A_3232 : f32 to vector<16xf32>
      %div3A_3234 = arith.divf %div3A_3233, %add3A_3231 : vector<16xf32>
      %add3A_3235 = arith.addf %div3A_2947, %div3A_2988 : vector<16xf32>
      %add3A_3236 = arith.addf %add3A_3235, %div3A_3029 : vector<16xf32>
      %add3A_3237 = arith.addf %add3A_3236, %div3A_3070 : vector<16xf32>
      %add3A_3238 = arith.addf %add3A_3237, %div3A_3111 : vector<16xf32>
      %add3A_3239 = arith.addf %add3A_3238, %div3A_3152 : vector<16xf32>
      %add3A_3240 = arith.addf %add3A_3239, %div3A_3193 : vector<16xf32>
      %add3A_3241 = arith.addf %add3A_3240, %div3A_3234 : vector<16xf32>
      %max3A = arith.constant 9.99999996E-13 : f32
      %max3A_3242 = vector.broadcast %max3A : f32 to vector<16xf32>
      %max3A_3243 = arith.maximumf %add3A_3241, %max3A_3242 : vector<16xf32>
      %div3A_3244 = arith.constant 1.000000e+00 : f32
      %div3A_3245 = vector.broadcast %div3A_3244 : f32 to vector<16xf32>
      %div3A_3246 = arith.divf %div3A_3245, %max3A_3243 : vector<16xf32>
      %swap3A = arith.constant 0 : i32
      %swap3A_3247 = arith.index_cast %swap3A : i32 to index
      %swap3A_3248 = arith.index_cast %mul3A_36 : i32 to index
      %swap3A_3249 = tpu.vector_load %arg8[%swap3A_3247, %swap3A_3248] {strides = array<i32>} : memref<8x256xi32, #tpu.memory_space<vmem>>, vector<1x16xi32>,
      %swap3A_3250 = vector.shape_cast %swap3A_3249 : vector<1x16xi32> to vector<16xi32>
      %swap3A_3251 = vector.shape_cast %select_n3A_2886 : vector<16xi32> to vector<1x16xi32>
      tpu.vector_store %arg8[%swap3A_3247, %swap3A_3248], %swap3A_3251 {strides = array<i32>} : memref<8x256xi32, #tpu.memory_space<vmem>>, vector<1x16xi32>,
      %mul3A_3252 = arith.mulf %div3A_2947, %div3A_3246 : vector<16xf32>
      %swap3A_3253 = arith.constant 0 : i32
      %swap3A_3254 = arith.index_cast %swap3A_3253 : i32 to index
      %swap3A_3255 = arith.index_cast %mul3A_36 : i32 to index
      %swap3A_3256 = tpu.vector_load %arg9[%swap3A_3254, %swap3A_3255] {strides = array<i32>} : memref<8x256xf32, #tpu.memory_space<vmem>>, vector<1x16xf32>,
      %swap3A_3257 = vector.shape_cast %swap3A_3256 : vector<1x16xf32> to vector<16xf32>
      %swap3A_3258 = vector.shape_cast %mul3A_3252 : vector<16xf32> to vector<1x16xf32>
      tpu.vector_store %arg9[%swap3A_3254, %swap3A_3255], %swap3A_3258 {strides = array<i32>} : memref<8x256xf32, #tpu.memory_space<vmem>>, vector<1x16xf32>,
      %swap3A_3259 = arith.constant 1 : i32
      %swap3A_3260 = arith.index_cast %swap3A_3259 : i32 to index
      %swap3A_3261 = arith.index_cast %mul3A_36 : i32 to index
      %swap3A_3262 = tpu.vector_load %arg8[%swap3A_3260, %swap3A_3261] {strides = array<i32>} : memref<8x256xi32, #tpu.memory_space<vmem>>, vector<1x16xi32>,
      %swap3A_3263 = vector.shape_cast %swap3A_3262 : vector<1x16xi32> to vector<16xi32>
      %swap3A_3264 = vector.shape_cast %select_n3A_2890 : vector<16xi32> to vector<1x16xi32>
      tpu.vector_store %arg8[%swap3A_3260, %swap3A_3261], %swap3A_3264 {strides = array<i32>} : memref<8x256xi32, #tpu.memory_space<vmem>>, vector<1x16xi32>,
      %mul3A_3265 = arith.mulf %div3A_2988, %div3A_3246 : vector<16xf32>
      %swap3A_3266 = arith.constant 1 : i32
      %swap3A_3267 = arith.index_cast %swap3A_3266 : i32 to index
      %swap3A_3268 = arith.index_cast %mul3A_36 : i32 to index
      %swap3A_3269 = tpu.vector_load %arg9[%swap3A_3267, %swap3A_3268] {strides = array<i32>} : memref<8x256xf32, #tpu.memory_space<vmem>>, vector<1x16xf32>,
      %swap3A_3270 = vector.shape_cast %swap3A_3269 : vector<1x16xf32> to vector<16xf32>
      %swap3A_3271 = vector.shape_cast %mul3A_3265 : vector<16xf32> to vector<1x16xf32>
      tpu.vector_store %arg9[%swap3A_3267, %swap3A_3268], %swap3A_3271 {strides = array<i32>} : memref<8x256xf32, #tpu.memory_space<vmem>>, vector<1x16xf32>,
      %swap3A_3272 = arith.constant 2 : i32
      %swap3A_3273 = arith.index_cast %swap3A_3272 : i32 to index
      %swap3A_3274 = arith.index_cast %mul3A_36 : i32 to index
      %swap3A_3275 = tpu.vector_load %arg8[%swap3A_3273, %swap3A_3274] {strides = array<i32>} : memref<8x256xi32, #tpu.memory_space<vmem>>, vector<1x16xi32>,
      %swap3A_3276 = vector.shape_cast %swap3A_3275 : vector<1x16xi32> to vector<16xi32>
      %swap3A_3277 = vector.shape_cast %select_n3A_2894 : vector<16xi32> to vector<1x16xi32>
      tpu.vector_store %arg8[%swap3A_3273, %swap3A_3274], %swap3A_3277 {strides = array<i32>} : memref<8x256xi32, #tpu.memory_space<vmem>>, vector<1x16xi32>,
      %mul3A_3278 = arith.mulf %div3A_3029, %div3A_3246 : vector<16xf32>
      %swap3A_3279 = arith.constant 2 : i32
      %swap3A_3280 = arith.index_cast %swap3A_3279 : i32 to index
      %swap3A_3281 = arith.index_cast %mul3A_36 : i32 to index
      %swap3A_3282 = tpu.vector_load %arg9[%swap3A_3280, %swap3A_3281] {strides = array<i32>} : memref<8x256xf32, #tpu.memory_space<vmem>>, vector<1x16xf32>,
      %swap3A_3283 = vector.shape_cast %swap3A_3282 : vector<1x16xf32> to vector<16xf32>
      %swap3A_3284 = vector.shape_cast %mul3A_3278 : vector<16xf32> to vector<1x16xf32>
      tpu.vector_store %arg9[%swap3A_3280, %swap3A_3281], %swap3A_3284 {strides = array<i32>} : memref<8x256xf32, #tpu.memory_space<vmem>>, vector<1x16xf32>,
      %swap3A_3285 = arith.constant 3 : i32
      %swap3A_3286 = arith.index_cast %swap3A_3285 : i32 to index
      %swap3A_3287 = arith.index_cast %mul3A_36 : i32 to index
      %swap3A_3288 = tpu.vector_load %arg8[%swap3A_3286, %swap3A_3287] {strides = array<i32>} : memref<8x256xi32, #tpu.memory_space<vmem>>, vector<1x16xi32>,
      %swap3A_3289 = vector.shape_cast %swap3A_3288 : vector<1x16xi32> to vector<16xi32>
      %swap3A_3290 = vector.shape_cast %select_n3A_2898 : vector<16xi32> to vector<1x16xi32>
      tpu.vector_store %arg8[%swap3A_3286, %swap3A_3287], %swap3A_3290 {strides = array<i32>} : memref<8x256xi32, #tpu.memory_space<vmem>>, vector<1x16xi32>,
      %mul3A_3291 = arith.mulf %div3A_3070, %div3A_3246 : vector<16xf32>
      %swap3A_3292 = arith.constant 3 : i32
      %swap3A_3293 = arith.index_cast %swap3A_3292 : i32 to index
      %swap3A_3294 = arith.index_cast %mul3A_36 : i32 to index
      %swap3A_3295 = tpu.vector_load %arg9[%swap3A_3293, %swap3A_3294] {strides = array<i32>} : memref<8x256xf32, #tpu.memory_space<vmem>>, vector<1x16xf32>,
      %swap3A_3296 = vector.shape_cast %swap3A_3295 : vector<1x16xf32> to vector<16xf32>
      %swap3A_3297 = vector.shape_cast %mul3A_3291 : vector<16xf32> to vector<1x16xf32>
      tpu.vector_store %arg9[%swap3A_3293, %swap3A_3294], %swap3A_3297 {strides = array<i32>} : memref<8x256xf32, #tpu.memory_space<vmem>>, vector<1x16xf32>,
      %swap3A_3298 = arith.constant 4 : i32
      %swap3A_3299 = arith.index_cast %swap3A_3298 : i32 to index
      %swap3A_3300 = arith.index_cast %mul3A_36 : i32 to index
      %swap3A_3301 = tpu.vector_load %arg8[%swap3A_3299, %swap3A_3300] {strides = array<i32>} : memref<8x256xi32, #tpu.memory_space<vmem>>, vector<1x16xi32>,
      %swap3A_3302 = vector.shape_cast %swap3A_3301 : vector<1x16xi32> to vector<16xi32>
      %swap3A_3303 = vector.shape_cast %select_n3A_2902 : vector<16xi32> to vector<1x16xi32>
      tpu.vector_store %arg8[%swap3A_3299, %swap3A_3300], %swap3A_3303 {strides = array<i32>} : memref<8x256xi32, #tpu.memory_space<vmem>>, vector<1x16xi32>,
      %mul3A_3304 = arith.mulf %div3A_3111, %div3A_3246 : vector<16xf32>
      %swap3A_3305 = arith.constant 4 : i32
      %swap3A_3306 = arith.index_cast %swap3A_3305 : i32 to index
      %swap3A_3307 = arith.index_cast %mul3A_36 : i32 to index
      %swap3A_3308 = tpu.vector_load %arg9[%swap3A_3306, %swap3A_3307] {strides = array<i32>} : memref<8x256xf32, #tpu.memory_space<vmem>>, vector<1x16xf32>,
      %swap3A_3309 = vector.shape_cast %swap3A_3308 : vector<1x16xf32> to vector<16xf32>
      %swap3A_3310 = vector.shape_cast %mul3A_3304 : vector<16xf32> to vector<1x16xf32>
      tpu.vector_store %arg9[%swap3A_3306, %swap3A_3307], %swap3A_3310 {strides = array<i32>} : memref<8x256xf32, #tpu.memory_space<vmem>>, vector<1x16xf32>,
      %swap3A_3311 = arith.constant 5 : i32
      %swap3A_3312 = arith.index_cast %swap3A_3311 : i32 to index
      %swap3A_3313 = arith.index_cast %mul3A_36 : i32 to index
      %swap3A_3314 = tpu.vector_load %arg8[%swap3A_3312, %swap3A_3313] {strides = array<i32>} : memref<8x256xi32, #tpu.memory_space<vmem>>, vector<1x16xi32>,
      %swap3A_3315 = vector.shape_cast %swap3A_3314 : vector<1x16xi32> to vector<16xi32>
      %swap3A_3316 = vector.shape_cast %select_n3A_2906 : vector<16xi32> to vector<1x16xi32>
      tpu.vector_store %arg8[%swap3A_3312, %swap3A_3313], %swap3A_3316 {strides = array<i32>} : memref<8x256xi32, #tpu.memory_space<vmem>>, vector<1x16xi32>,
      %mul3A_3317 = arith.mulf %div3A_3152, %div3A_3246 : vector<16xf32>
      %swap3A_3318 = arith.constant 5 : i32
      %swap3A_3319 = arith.index_cast %swap3A_3318 : i32 to index
      %swap3A_3320 = arith.index_cast %mul3A_36 : i32 to index
      %swap3A_3321 = tpu.vector_load %arg9[%swap3A_3319, %swap3A_3320] {strides = array<i32>} : memref<8x256xf32, #tpu.memory_space<vmem>>, vector<1x16xf32>,
      %swap3A_3322 = vector.shape_cast %swap3A_3321 : vector<1x16xf32> to vector<16xf32>
      %swap3A_3323 = vector.shape_cast %mul3A_3317 : vector<16xf32> to vector<1x16xf32>
      tpu.vector_store %arg9[%swap3A_3319, %swap3A_3320], %swap3A_3323 {strides = array<i32>} : memref<8x256xf32, #tpu.memory_space<vmem>>, vector<1x16xf32>,
      %swap3A_3324 = arith.constant 6 : i32
      %swap3A_3325 = arith.index_cast %swap3A_3324 : i32 to index
      %swap3A_3326 = arith.index_cast %mul3A_36 : i32 to index
      %swap3A_3327 = tpu.vector_load %arg8[%swap3A_3325, %swap3A_3326] {strides = array<i32>} : memref<8x256xi32, #tpu.memory_space<vmem>>, vector<1x16xi32>,
      %swap3A_3328 = vector.shape_cast %swap3A_3327 : vector<1x16xi32> to vector<16xi32>
      %swap3A_3329 = vector.shape_cast %select_n3A_2910 : vector<16xi32> to vector<1x16xi32>
      tpu.vector_store %arg8[%swap3A_3325, %swap3A_3326], %swap3A_3329 {strides = array<i32>} : memref<8x256xi32, #tpu.memory_space<vmem>>, vector<1x16xi32>,
      %mul3A_3330 = arith.mulf %div3A_3193, %div3A_3246 : vector<16xf32>
      %swap3A_3331 = arith.constant 6 : i32
      %swap3A_3332 = arith.index_cast %swap3A_3331 : i32 to index
      %swap3A_3333 = arith.index_cast %mul3A_36 : i32 to index
      %swap3A_3334 = tpu.vector_load %arg9[%swap3A_3332, %swap3A_3333] {strides = array<i32>} : memref<8x256xf32, #tpu.memory_space<vmem>>, vector<1x16xf32>,
      %swap3A_3335 = vector.shape_cast %swap3A_3334 : vector<1x16xf32> to vector<16xf32>
      %swap3A_3336 = vector.shape_cast %mul3A_3330 : vector<16xf32> to vector<1x16xf32>
      tpu.vector_store %arg9[%swap3A_3332, %swap3A_3333], %swap3A_3336 {strides = array<i32>} : memref<8x256xf32, #tpu.memory_space<vmem>>, vector<1x16xf32>,
      %swap3A_3337 = arith.constant 7 : i32
      %swap3A_3338 = arith.index_cast %swap3A_3337 : i32 to index
      %swap3A_3339 = arith.index_cast %mul3A_36 : i32 to index
      %swap3A_3340 = tpu.vector_load %arg8[%swap3A_3338, %swap3A_3339] {strides = array<i32>} : memref<8x256xi32, #tpu.memory_space<vmem>>, vector<1x16xi32>,
      %swap3A_3341 = vector.shape_cast %swap3A_3340 : vector<1x16xi32> to vector<16xi32>
      %swap3A_3342 = vector.shape_cast %select_n3A_2914 : vector<16xi32> to vector<1x16xi32>
      tpu.vector_store %arg8[%swap3A_3338, %swap3A_3339], %swap3A_3342 {strides = array<i32>} : memref<8x256xi32, #tpu.memory_space<vmem>>, vector<1x16xi32>,
      %mul3A_3343 = arith.mulf %div3A_3234, %div3A_3246 : vector<16xf32>
      %swap3A_3344 = arith.constant 7 : i32
      %swap3A_3345 = arith.index_cast %swap3A_3344 : i32 to index
      %swap3A_3346 = arith.index_cast %mul3A_36 : i32 to index
      %swap3A_3347 = tpu.vector_load %arg9[%swap3A_3345, %swap3A_3346] {strides = array<i32>} : memref<8x256xf32, #tpu.memory_space<vmem>>, vector<1x16xf32>,
      %swap3A_3348 = vector.shape_cast %swap3A_3347 : vector<1x16xf32> to vector<16xf32>
      %swap3A_3349 = vector.shape_cast %mul3A_3343 : vector<16xf32> to vector<1x16xf32>
      tpu.vector_store %arg9[%swap3A_3345, %swap3A_3346], %swap3A_3349 {strides = array<i32>} : memref<8x256xf32, #tpu.memory_space<vmem>>, vector<1x16xf32>,
    }
    %scan3A_33 = arith.constant 16 : i32
    "tpu.region"() ({
      %run_scoped3A = tpu.sem_alloc : memref<!tpu.dma_semaphore, #tpu.memory_space<semaphore_mem>>
      %dma_start3A_34 = arith.constant 0 : i32
      %dma_start3A_35 = arith.constant 0 : i32
      %dma_start3A_36 = tpu.memref_slice %arg4[%add3A, %dma_start3A_34, %dma_start3A_35] : memref<32x8x256xi32, #tpu.memory_space<hbm>> -> memref<1x8x256xi32, #tpu.memory_space<hbm>>
      %dma_start3A_37 = tpu.memref_squeeze %dma_start3A_36 : memref<1x8x256xi32, #tpu.memory_space<hbm>> -> memref<8x256xi32, #tpu.memory_space<hbm>>
      %dma_start3A_38 = arith.constant 0 : i32
      %dma_start3A_39 = arith.constant 0 : i32
      %dma_start3A_40 = tpu.memref_slice %arg4[%add3A, %dma_start3A_38, %dma_start3A_39] : memref<32x8x256xi32, #tpu.memory_space<hbm>> -> memref<1x8x256xi32, #tpu.memory_space<hbm>>
      %dma_start3A_41 = tpu.memref_squeeze %dma_start3A_40 : memref<1x8x256xi32, #tpu.memory_space<hbm>> -> memref<8x256xi32, #tpu.memory_space<hbm>>
      tpu.enqueue_dma source(%arg8 : memref<8x256xi32, #tpu.memory_space<vmem>>) target(%dma_start3A_41 : memref<8x256xi32, #tpu.memory_space<hbm>>) target_semaphore(%run_scoped3A : memref<!tpu.dma_semaphore, #tpu.memory_space<semaphore_mem>>)
      %dma_wait3A_42 = arith.constant 0 : i32
      %dma_wait3A_43 = arith.constant 0 : i32
      %dma_wait3A_44 = tpu.memref_slice %arg4[%add3A, %dma_wait3A_42, %dma_wait3A_43] : memref<32x8x256xi32, #tpu.memory_space<hbm>> -> memref<1x8x256xi32, #tpu.memory_space<hbm>>
      %dma_wait3A_45 = tpu.memref_squeeze %dma_wait3A_44 : memref<1x8x256xi32, #tpu.memory_space<hbm>> -> memref<8x256xi32, #tpu.memory_space<hbm>>
      %dma_wait3A_46 = arith.constant 0 : i32
      %dma_wait3A_47 = arith.constant 0 : i32
      %dma_wait3A_48 = tpu.memref_slice %arg4[%add3A, %dma_wait3A_46, %dma_wait3A_47] : memref<32x8x256xi32, #tpu.memory_space<hbm>> -> memref<1x8x256xi32, #tpu.memory_space<hbm>>
      %dma_wait3A_49 = tpu.memref_squeeze %dma_wait3A_48 : memref<1x8x256xi32, #tpu.memory_space<hbm>> -> memref<8x256xi32, #tpu.memory_space<hbm>>
      tpu.wait_dma2 semaphore(%run_scoped3A : memref<!tpu.dma_semaphore, #tpu.memory_space<semaphore_mem>>) src(%arg8 : memref<8x256xi32, #tpu.memory_space<vmem>>) dst(%dma_wait3A_49 : memref<8x256xi32, #tpu.memory_space<hbm>>)
      tpu.yield
    }) : () -> ()
    "tpu.region"() ({
      %run_scoped3A = tpu.sem_alloc : memref<!tpu.dma_semaphore, #tpu.memory_space<semaphore_mem>>
      %dma_start3A_34 = arith.constant 0 : i32
      %dma_start3A_35 = arith.constant 0 : i32
      %dma_start3A_36 = tpu.memref_slice %arg5[%add3A, %dma_start3A_34, %dma_start3A_35] : memref<32x8x256xf32, #tpu.memory_space<hbm>> -> memref<1x8x256xf32, #tpu.memory_space<hbm>>
      %dma_start3A_37 = tpu.memref_squeeze %dma_start3A_36 : memref<1x8x256xf32, #tpu.memory_space<hbm>> -> memref<8x256xf32, #tpu.memory_space<hbm>>
      %dma_start3A_38 = arith.constant 0 : i32
      %dma_start3A_39 = arith.constant 0 : i32
      %dma_start3A_40 = tpu.memref_slice %arg5[%add3A, %dma_start3A_38, %dma_start3A_39] : memref<32x8x256xf32, #tpu.memory_space<hbm>> -> memref<1x8x256xf32, #tpu.memory_space<hbm>>
      %dma_start3A_41 = tpu.memref_squeeze %dma_start3A_40 : memref<1x8x256xf32, #tpu.memory_space<hbm>> -> memref<8x256xf32, #tpu.memory_space<hbm>>
      tpu.enqueue_dma source(%arg9 : memref<8x256xf32, #tpu.memory_space<vmem>>) target(%dma_start3A_41 : memref<8x256xf32, #tpu.memory_space<hbm>>) target_semaphore(%run_scoped3A : memref<!tpu.dma_semaphore, #tpu.memory_space<semaphore_mem>>)
      %dma_wait3A_42 = arith.constant 0 : i32
      %dma_wait3A_43 = arith.constant 0 : i32
      %dma_wait3A_44 = tpu.memref_slice %arg5[%add3A, %dma_wait3A_42, %dma_wait3A_43] : memref<32x8x256xf32, #tpu.memory_space<hbm>> -> memref<1x8x256xf32, #tpu.memory_space<hbm>>
      %dma_wait3A_45 = tpu.memref_squeeze %dma_wait3A_44 : memref<1x8x256xf32, #tpu.memory_space<hbm>> -> memref<8x256xf32, #tpu.memory_space<hbm>>
      %dma_wait3A_46 = arith.constant 0 : i32
      %dma_wait3A_47 = arith.constant 0 : i32
      %dma_wait3A_48 = tpu.memref_slice %arg5[%add3A, %dma_wait3A_46, %dma_wait3A_47] : memref<32x8x256xf32, #tpu.memory_space<hbm>> -> memref<1x8x256xf32, #tpu.memory_space<hbm>>
      %dma_wait3A_49 = tpu.memref_squeeze %dma_wait3A_48 : memref<1x8x256xf32, #tpu.memory_space<hbm>> -> memref<8x256xf32, #tpu.memory_space<hbm>>
      tpu.wait_dma2 semaphore(%run_scoped3A : memref<!tpu.dma_semaphore, #tpu.memory_space<semaphore_mem>>) src(%arg9 : memref<8x256xf32, #tpu.memory_space<vmem>>) dst(%dma_wait3A_49 : memref<8x256xf32, #tpu.memory_space<hbm>>)
      tpu.yield
    }) : () -> ()
    return
  }
}

module attributes {stable_mosaic.version = 14 : i64} {
  func.func @_score_block(%arg0: i32, %arg1: memref<256x2048xf32, #tpu.memory_space<vmem>>, %arg2: memref<64x2048xf32, #tpu.memory_space<vmem>>, %arg3: memref<64x1xf32, #tpu.memory_space<vmem>>, %arg4: memref<1x64x256xf32, #tpu.memory_space<vmem>>) attributes {dimension_semantics = [#tpu.dimension_semantics<arbitrary>], iteration_bounds = array<i64: 32>, scalar_prefetch = 0 : i64, scratch_operands = 0 : i64, tpu.core_type = #tpu.core_type<tc>, window_params = [{transform_indices = @transform_0, window_bounds = array<i64: 256, 2048>}, {pipeline_mode = #tpu.pipeline_mode<synchronous>, transform_indices = @transform_1, window_bounds = array<i64: 64, 2048>}, {pipeline_mode = #tpu.pipeline_mode<synchronous>, transform_indices = @transform_2, window_bounds = array<i64: 64, 1>}, {transform_indices = @transform_3, window_bounds = array<i64: 1, 64, 256>}]} {
    %get3A = arith.constant 0 : index
    %get3A_0 = arith.constant 0 : index
    %get3A_1 = vector.load %arg2[%get3A, %get3A_0] : memref<64x2048xf32, #tpu.memory_space<vmem>>, vector<64x2048xf32>
    %get3A_2 = arith.constant 0 : index
    %get3A_3 = arith.constant 0 : index
    %get3A_4 = vector.load %arg1[%get3A_2, %get3A_3] : memref<256x2048xf32, #tpu.memory_space<vmem>>, vector<256x2048xf32>
    %dot_general3A = arith.constant dense<0.000000e+00> : vector<64x256xf32>
    %dot_general3A_5 = tpu.matmul %get3A_1, %get3A_4, %dot_general3A {dimension_numbers = #tpu.dot_dimension_numbers<[1], [1], [0], [0], [0, 0, 1, 0], [], []>, transpose_lhs_hint = false} : vector<64x2048xf32>, vector<256x2048xf32>, vector<64x256xf32> -> vector<64x256xf32>
    %get3A_6 = arith.constant 0 : index
    %get3A_7 = arith.constant 0 : index
    %get3A_8 = vector.load %arg3[%get3A_6, %get3A_7] : memref<64x1xf32, #tpu.memory_space<vmem>>, vector<64x1xf32>
    %add3A = vector.broadcast %get3A_8 : vector<64x1xf32> to vector<64x256xf32>
    %add3A_9 = arith.addf %dot_general3A_5, %add3A : vector<64x256xf32>
    %swap3A = arith.constant 0 : index
    %swap3A_10 = arith.constant 0 : index
    %swap3A_11 = arith.constant 0 : index
    %swap3A_12 = vector.load %arg4[%swap3A, %swap3A_10, %swap3A_11] : memref<1x64x256xf32, #tpu.memory_space<vmem>>, vector<1x64x256xf32>
    %swap3A_13 = vector.shape_cast %swap3A_12 : vector<1x64x256xf32> to vector<64x256xf32>
    %swap3A_14 = vector.shape_cast %add3A_9 : vector<64x256xf32> to vector<1x64x256xf32>
    tpu.vector_store %arg4[%swap3A, %swap3A_10, %swap3A_11], %swap3A_14 {strides = array<i32>} : memref<1x64x256xf32, #tpu.memory_space<vmem>>, vector<1x64x256xf32>,
    return
  }
  func.func @transform_0(%arg0: i32) -> (i32, i32) {
    %c0_i32 = arith.constant 0 : i32
    %c0_i32_0 = arith.constant 0 : i32
    return %arg0, %c0_i32 : i32, i32
  }
  func.func @transform_1(%arg0: i32) -> (i32, i32) {
    %c0_i32 = arith.constant 0 : i32
    %c0_i32_0 = arith.constant 0 : i32
    %c0_i32_1 = arith.constant 0 : i32
    return %c0_i32, %c0_i32_0 : i32, i32
  }
  func.func @transform_2(%arg0: i32) -> (i32, i32) {
    %c0_i32 = arith.constant 0 : i32
    %c0_i32_0 = arith.constant 0 : i32
    %c0_i32_1 = arith.constant 0 : i32
    return %c0_i32, %c0_i32_0 : i32, i32
  }
  func.func @transform_3(%arg0: i32) -> (i32, i32, i32) {
    %c0_i32 = arith.constant 0 : i32
    %c0_i32_0 = arith.constant 0 : i32
    %c0_i32_1 = arith.constant 0 : i32
    return %arg0, %c0_i32, %c0_i32_0 : i32, i32, i32
  }
}

</mosaic_0001>

<sc_bundles>
// kernel: _gate.4.cloned.1.call-start
scs
__scs_entry_jumppad:
0x0: {  	(pc) =	sbr.rel $0x88, $3  }
0x1: {  	(tag) =	ssettag $0x0;
	lr =	simm.s32 $0x1  }
0x2: {  	[smem:$0x3F9D] =	sst lr;
	_ =	strace $0xD0000000  }
0x3: {  	_ = 	snop  }
0x4: {  	_ = 	snop  }
0x5: {  	_ = 	snop  }
0x6: {  	_ = 	snop  }
0x7: {  	_ = 	snop  }
__scs_overlays_trampoline_lowered:
0x8: {  	[smem:$0x3FAC] =	sst s0  }
0x9: {  	[smem:$0x3FAD] =	sst s1  }
0xa: {  	[smem:$0x3FAE] =	sst s2  }
0xb: {  	[smem:$0x3FAF] =	sst s3  }
0xc: {  	[smem:$0x3FB0] =	sst s4  }
0xd: {  	[smem:$0x3FB1] =	sst s5  }
0xe: {  	[smem:$0x3FB2] =	sst s6  }
0xf: {  	[smem:$0x3FB3] =	sst s7  }
0x10: {  	[smem:$0x3FB4] =	sst s8  }
0x11: {  	[smem:$0x3FB5] =	sst s9;
	s0 =	simm.s32 @!p0 $0x0  }
0x12: {  	s1 =	sld [smem:$0x3F9B];
	s0 =	simm.s32 @p0 $0x1  }
0x13: {  	[smem:$0x3FB6] =	sst s0;
	s0 =	simm.s32 @!p1 $0x0  }
0x14: {  	s2 =	sld [smem:$0x3F9A];
	s0 =	simm.s32 @p1 $0x1  }
0x15: {  	[smem:$0x3FB7] =	sst s0;
	s0 =	simm.s32 @!p2 $0x0  }
0x16: {  	s3 =	sld [smem:$0x3FDB];
	s0 =	simm.s32 @p2 $0x1  }
0x17: {  	s4 =	simm.s32 $0x1BF5;
	[smem:$0x3FB9] =	sst s0  }
0x18: {  	s0 =	sld [smem:$0x3F9C];
	_ =	swait.ge [sflag:s4], $0x0  }
0x19: {  	s7 =	sld [smem:$0x3F9D]  }
0x1a: {  	s8 =	sadd.s32 $0xFFFFE003, lr  }
0x1b: {  	s9 =	sadd.s32 $0xFFFFFEF7, lr;
	s5 =	simm.s32 $0xFFFFFFFF;
	p2 =	slt.u32 s8, $0xFFFFF086  }
0x1c: {  	p1 =	slt.u32 s9, $0xF7A;
	s5 =	simm.s32 @!p2 $0x0  }
0x1d: {  	s5 =	simm.s32 @p1 $0x1;
	p0 =	seq.s32 s7, s2  }
0x1e: {  	s7 =	smul.u32 @!p0 $0xF7A, s2;
	p2 =	seq.s32 @!p0 s5, $0x0  }
0x1f: {  	s9 =	smul.u32 $0xF7A, s1;
	s8 =	simm.s32 @!p0 $0x1BF5;
	p2 =	por !p2, p0  }
0x20: {  	[sflag:s8] =	ssyncset.s32 @!p0 $0xFFFFF086;
	s6 =	sadd.s32 @!p0 s3, s7;
	s7 =	simm.s32 @!p0 $0x108  }
0x21: {  	s3 =	sadd.s32 s3, s9;
	s6 =	sadd.s32 @!p0 $0x88, s6;
	s7 =	simm.s32 @p2 $0x1082  }
0x22: {  	[simem:s7], [sflag:s8] =	dma.local @!p0 [hbm:s6], $0xF7A  }
0x23: {  	s9 =	sor.u32 $0xD0000000, s2;
	s6 =	simm.s32 $0x108;
	_ =	swait.ge @!p0 [sflag:s8], $0x0  }
0x24: {  	s3 =	sadd.s32 $0x88, s3;
	s6 =	simm.s32 @!p1 $0x1082;
	[sflag:s4] =	ssyncset.s32 $0xFFFFF086  }
0x25: {  	[simem:s6], [sflag:s4] =	dma.local [hbm:s3], $0xF7A  }
0x26: {  	[smem:$0x3F9D] =	sst s1;
	(tag) =	ssettag s2;
	_ =	strace s9  }
0x27: {  	s1 =	sld [smem:$0x3FAD]  }
0x28: {  	s2 =	sld [smem:$0x3FAE]  }
0x29: {  	s4 =	sld [smem:$0x3FB0]  }
0x2a: {  	p0 =	seq.s32 s5, $0x0;
	s5 =	sld [smem:$0x3FB1]  }
0x2b: {  	s6 =	sld [smem:$0x3FB2]  }
0x2c: {  	s7 =	sld [smem:$0x3FB3]  }
0x2d: {  	s3 =	simm.s32 $0x108;
	s8 =	sld [smem:$0x3FB4]  }
0x2e: {  	s3 =	simm.s32 @!p0 $0x1082;
	s9 =	sld [smem:$0x3FB5]  }
0x2f: {  	lr =	sadd.s32 s0, s3;
	s0 =	sld [smem:$0x3FAC]  }
0x30: {  	s3 =	sld [smem:$0x3FAF]  }
0x31: {  	[smem:$0x3FB8] =	sst s10  }
0x32: {  	s10 =	sld [smem:$0x3FB6];
	_ =	sdelay $0x3  }
0x33: {  	p0 =	seq.s32 s10, $0x1;
	s10 =	sld [smem:$0x3FB8];
	_ =	sdelay $0x3  }
0x34: {  	[smem:$0x3FB8] =	sst s10  }
0x35: {  	s10 =	sld [smem:$0x3FB7];
	_ =	sdelay $0x3  }
0x36: {  	p1 =	seq.s32 s10, $0x1;
	s10 =	sld [smem:$0x3FB8];
	_ =	sdelay $0x3  }
0x37: {  	[smem:$0x3FB8] =	sst s10  }
0x38: {  	s10 =	sld [smem:$0x3FB9]  }
0x39: {  	_ = 	snop;
	(pc) =	sbr.ind lr, $3  }
0x3a: {  	_ = 	snop  }
0x3b: {  	_ = 	snop  }
0x3c: {  	p2 =	seq.s32 s10, $0x1;
	s10 =	sld [smem:$0x3FB8]  }
0x3d: {  	_ =	shalt  }
0x3e: {  	_ =	shalt  }
0x3f: {  	_ =	shalt  }
0x40: {  	_ =	shalt  }
0x41: {  	_ =	shalt  }
0x42: {  	_ =	shalt  }
0x43: {  	_ =	shalt  }
0x44: {  	_ =	shalt  }
0x45: {  	_ =	shalt  }
0x46: {  	_ =	shalt  }
0x47: {  	_ =	shalt  }
0x48: {  	_ =	shalt  }
0x49: {  	_ =	shalt  }
0x4a: {  	_ =	shalt  }
0x4b: {  	_ =	shalt  }
0x4c: {  	_ =	shalt  }
0x4d: {  	_ =	shalt  }
0x4e: {  	_ =	shalt  }
0x4f: {  	_ =	shalt  }
0x50: {  	_ =	shalt  }
0x51: {  	_ =	shalt  }
0x52: {  	_ =	shalt  }
0x53: {  	_ =	shalt  }
0x54: {  	_ =	shalt  }
0x55: {  	_ =	shalt  }
0x56: {  	_ =	shalt  }
0x57: {  	_ =	shalt  }
0x58: {  	_ =	shalt  }
0x59: {  	_ =	shalt  }
0x5a: {  	_ =	shalt  }
0x5b: {  	_ =	shalt  }
0x5c: {  	_ =	shalt  }
0x5d: {  	_ =	shalt  }
0x5e: {  	_ =	shalt  }
0x5f: {  	_ =	shalt  }
0x60: {  	_ =	shalt  }
0x61: {  	_ =	shalt  }
0x62: {  	_ =	shalt  }
0x63: {  	_ =	shalt  }
0x64: {  	_ =	shalt  }
0x65: {  	_ =	shalt  }
0x66: {  	_ =	shalt  }
0x67: {  	_ =	shalt  }
0x68: {  	_ =	shalt  }
0x69: {  	_ =	shalt  }
0x6a: {  	_ =	shalt  }
0x6b: {  	_ =	shalt  }
0x6c: {  	_ =	shalt  }
0x6d: {  	_ =	shalt  }
0x6e: {  	_ =	shalt  }
0x6f: {  	_ =	shalt  }
0x70: {  	_ =	shalt  }
0x71: {  	_ =	shalt  }
0x72: {  	_ =	shalt  }
0x73: {  	_ =	shalt  }
0x74: {  	_ =	shalt  }
0x75: {  	_ =	shalt  }
0x76: {  	_ =	shalt  }
0x77: {  	_ =	shalt  }
0x78: {  	_ =	shalt  }
0x79: {  	_ =	shalt  }
0x7a: {  	_ =	shalt  }
0x7b: {  	_ =	shalt  }
0x7c: {  	_ =	shalt  }
0x7d: {  	_ =	shalt  }
0x7e: {  	_ =	shalt  }
0x7f: {  	_ =	shalt  }
0x80: {  	_ =	shalt  }
0x81: {  	_ =	shalt  }
0x82: {  	_ =	shalt  }
0x83: {  	_ =	shalt  }
0x84: {  	_ =	shalt  }
0x85: {  	_ =	shalt  }
0x86: {  	_ =	shalt  }
0x87: {  	_ =	shalt  }
.Lfunc_end0:
.L_simem_size_0:
called_computation_lowered:
.L_overlay_start_0:
0x88: {  	s2 =	sld [smem:$0x3FD9]  }
0x89: {  	s3 =	sld [smem:$0x3FFE];
	_ =	sdelay $0x1  }
0x8a: {  	s1 =	srdreg.scid  }
0x8b: {  	s0 =	sand.u32 $0x1, s1  }
0x8c: {  	s14 =	sshll.u32 s0, $0xA;
	s2 =	sadd.s32 s3, s2  }
0x8d: {  	s2 =	sadd.s32 s2, s14  }
0x8e: {  	[smem:$0x3FC4] =	sst s2  }
0x8f: {  	_ = 	snop  }
0x90: {  	s2 =	sld [smem:$0x3FD0];
	_ =	sdelay $0x2  }
0x91: {  	s4 =	simm.s32 $0xA;
	s5 =	simm.s32 $0x10;
	s15 =	sld [smem:$0x3FC6]  }
0x92: {  	[smem:s5], [sflag:s4] =	dma.local [hbm:s2], $0x1  }
0x93: {  	_ =	swait.eq [sflag:s4], $0x1  }
0x94: {  	[sflag:s4] =	ssyncset.done $0x0  }
0x95: {  	s16 =	sld [smem:$0x10];
	[sflag:s4] =	ssyncadd.s32 $0xFFFFFFFF  }
0x96: {  	s17 =	sld [smem:$0x11];
	(tm) =	ssettm $0x1  }
0x97: {  	s18 =	sld [smem:$0x3FFB];
	_ =	sdelay $0x3  }
0x98: {  	_ =	strace s18  }
0x99: {  	s5 =	sld [smem:$0x3FFC];
	_ =	sdelay $0x3  }
0x9a: {  	_ =	strace s5  }
0x9b: {  	s5 =	sld [smem:$0x3FFD];
	_ =	sdelay $0x3  }
0x9c: {  	_ =	strace s5  }
0x9d: {  	_ =	strace $0x8FFFFFFF  }
0x9e: {  	s19 =	sld [smem:$0x3FDB];
	_ =	sdelay $0x1  }
0x9f: {  	s6 =	simm.s32 $_scs_section_size  }
0xa0: {  	s7 =	simm.s32 $_size__tile_overlayer_lowered;
	s8 =	simm.s32 $_tile_overlayer_lowered  }
0xa1: {  	s22 =	simm.s32 $0x1BFF;
	s21 =	sshll.u32 s8, $0x1;
	s5 =	sadd.s32 s6, s19  }
0xa2: {  	s9 =	simm.s32 $0x0;
	s20 =	sshll.u32 s7, $0x1;
	s7 =	sadd.s32 s21, s5  }
0xa3: {  	[timem:s9], [sflag:s22] =	dma.local [hbm:s7], s20  }
0xa4: {  	_ =	swait.ge [sflag:s22], s20  }
0xa5: {  	s6 =	ssub.s32 $0x0, s20;
	[sflag:s22] =	ssyncset.done $0x0  }
0xa6: {  	[sflag:s22] =	ssyncadd.s32 s6;
	_ =	sdelay $0x1  }
0xa7: {  	s23 =	simm.s32 $0x1B8B  }
0xa8: {  	_ =	swait.ge [sflag:s23], $0x1  }
0xa9: {  	[sflag:s23] =	ssyncset.done $0x0  }
0xaa: {  	s25 =	simm.s32 $0x1B8E;
	s24 =	sld [smem:$0x3FFE];
	[sflag:s23] =	ssyncadd.s32 $0xFFFFFFFF  }
0xab: {  	s26 =	simm.s32 $execute0_lowered;
	[smem:$0x3FD2] =	sst s25  }
0xac: {  	s7 =	sshll.u32 s26, $0x1;
	_ =	strace $0x80000046;
	[dreg:$0x1] =	wrdreg $0xFFFFFFFF  }
0xad: {  	s28 =	simm.s32 $_size_execute0_lowered;
	s5 =	sadd.s32 s5, s7;
	[dreg:$0x0] =	wrdreg $0x0  }
0xae: {  	s7 =	sshll.u32 s28, $0x1;
	[dreg:$0x2] =	wrdreg s5  }
0xaf: {  	[dreg:$0x3] =	wrdreg s7  }
0xb0: {  	[dreg:$0x4] =	wrdreg $0xC0  }
0xb1: {  	_ =	task [dreg:s9], $0x5FFFF  }
0xb2: {  	[dreg:$0x1] =	wrdreg $0xFFFFFFFF  }
0xb3: {  	[dreg:$0x0] =	wrdreg $0x60  }
0xb4: {  	[dreg:$0x2] =	wrdreg s24  }
0xb5: {  	[dreg:$0x3] =	wrdreg s15  }
0xb6: {  	[dreg:$0x4] =	wrdreg s16  }
0xb7: {  	[dreg:$0x5] =	wrdreg s17  }
0xb8: {  	[dreg:$0x6] =	wrdreg $0x9  }
0xb9: {  	_ =	task.clear_ibuf [dreg:s9], $0x7FFFF;
	_ =	strace $0x90000046  }
0xba: {  	s29 =	simm.s32 $0x9;
	_ =	strace $0x80000048  }
0xbb: {  	_ =	swait.ge [sflag:s29], $0x1  }
0xbc: {  	[sflag:s29] =	ssyncadd.s32 $0xFFFFFFFF  }
0xbd: {  	_ =	strace $0x90000048  }
0xbe: {  	_ =	sfence  }
0xbf: {  	s30 =	sld [smem:$0x0];
	_ =	sdelay $0x2  }
0xc0: {  	s31 =	sshll.u32 s1, $0xD;
	s1 =	sshrl.u32 s1, $0x2  }
0xc1: {  	s3 =	sand.u32 $0x4000, s31;
	s1 =	sadd.s32 s1, s30  }
0xc2: {  	s0 =	sor.u32 s3, s0;
	s1 =	sshll.u32 s1, $0x11  }
0xc3: {  	s0 =	sor.u32 s1, s0  }
0xc4: {  	s0 =	sadd.s32 $0x8F2B, s0  }
0xc5: {  	[sflag:s0] =	ssyncadd.remote.s32 $0x1  }
0xc6: {  	_ =	sfence.sel $0xFFFF  }
0xc7: {  	[dreg:$0x0] =	wrdreg $0xFFFFFFFF;
	(pc) =	sbr.abs _section_cstart, $3  }
0xc8: {  	[dreg:$0x1] =	wrdreg $0xFFFFFFFF  }
0xc9: {  	_ =	task.clear_ibuf [dreg:s9], $0x2FFFF;
	_ =	strace $0x9FFFFFFF  }
0xca: {  	(tm) =	ssettm $0x7FFFFFFF  }
0xcb: {  	_ =	shalt  }
tec
execute0_lowered:
.L_overlay_start_1:
0x0: {  	(tag) =	ssettag $0x1  }
0x1: {  	s4 =	rddreg [dreg:$0x0]  }
0x2: {  	s1 =	rddreg [dreg:$0x1]  }
0x3: {  	s5 =	rddreg [dreg:$0x2]  }
0x4: {  	s6 =	rddreg [dreg:$0x3]  }
0x5: {  	s0 =	rddreg [dreg:$0x4];
	s7 =	srdreg.scid  }
0x6: {  	s2 =	stileid.u32;
	s3 =	simm.s32 $0x0;
	s10 =	simm.s32 $0x2  }
0x7: {  	s11 =	simm.s32 $0x4080;
	s12 =	simm.s32 $0x3;
	s13 =	simm.s32 $0x4880  }
0x8: {  	s14 =	simm.s32 $0x0;
	s7 =	sand.u32 $0x1, s7;
	s8 =	sshll.u32 s2, $0x1  }
0x9: {  	[smem:$0x7FF] =	sst s3;
	s8 =	sor.u32 s7, s8;
	s7 =	ssub.s32 $0x2, s7  }
0xa: {  	_ =	strace $0x80000047;
	s9 =	sshll.u32 s8, $0xB;
	s31 =	sshrl.u32 s7, $0x1  }
0xb: {  	s8 =	sshll.u32 s8, $0x8;
	s4 =	sadd.s32 s9, s4;
	s7 =	ssub.s32 s7, s31  }
0xc: {  	s5 =	sadd.s32 s5, s8;
	s6 =	sadd.s32 s6, s8;
	s8 =	simm.s32 $0x4000  }
0xd: {  	v0 =	vimm.s32 $0x0;
	s9 =	simm.s32 $0x1;
	s4 =	sadd.s32 $0xC00, s4;
	s7 =	smax.u32 s7, $0x1  }
.LBB2_1:
0xe: {  	[tilespmem:s3], [sflag:$0x1] =	stream.linear.gather [hbm4b:s4+s3], $0x4000, $0x38;
	[tilespmem:$0x5080] =	vst v63  }
0xf: {  	_ = 	snop  }
0x10: {  	[tilespmem:s8], [sflag:$0x2] =	stream.linear.gather [hbm4b:s1+s3], $0x80, $0x38;
	[tilespmem:$0x5080] =	vst v63  }
0x11: {  	_ =	swait.ge [sflag:s9], $0x4000  }
0x12: {  	[sflag:s9] =	ssyncset.done $0x0  }
0x13: {  	[sflag:s9] =	ssyncadd.s32 $0xFFFFC000  }
0x14: {  	_ =	swait.ge [sflag:s10], $0x80  }
0x15: {  	[sflag:s10] =	ssyncset.done $0x0  }
0x16: {  	[sflag:s10] =	ssyncadd.s32 $0xFFFFFF80  }
0x17: {  	v1 =	vld [tilespmem:$0x4000]  }
0x18: {  	v2 =	vld [tilespmem:$0x4010]  }
0x19: {  	v3 =	vld [tilespmem:$0x4020]  }
0x1a: {  	s15 =	simm.s32 $0x0;
	s16 =	simm.s32 $0x0;
	v4 =	vld [tilespmem:$0x4030]  }
.LBB2_2:
0x1b: {  	s17 =	sand.u32 $0x70, s16;
	s18 =	sand.u32 $0x400, s15  }
0x1c: {  	s19 =	sand.u32 $0xFFFFFC00, s15;
	s17 =	sor.u32 s17, s18  }
0x1d: {  	s20 =	sadd.s32 s19, s16;
	v5 =	vld [tilespmem:s17+$0x0]  }
0x1e: {  	s31 =	sor.u32 $0x80, s20;
	v7 =	vld [tilespmem:s17+$0x100]  }
0x1f: {  	s19 =	sor.u32 $0x180, s20;
	v6 =	vld [tilespmem:s31+$0x0]  }
0x20: {  	s20 =	sor.u32 $0x280, s20;
	v10 =	vld [tilespmem:s19+$0x0]  }
0x21: {  	v16 =	vld [tilespmem:s20+$0x0];
	_ =	sdelay $0x1  }
0x22: {  	v13 =	vld [tilespmem:s17+$0x200]  }
0x23: {  	vm0 =	vgt.f32 v5, $-Inf;
	vm12 =	vlt.f32 v7, $-Inf;
	vm13 =	vgt.f32 v7, $-Inf  }
0x24: {  	v5 =	vnsel vm0, $0xFF800000, v5;
	vm1 =	vlt.f32 v6, $-Inf;
	vm2 =	vgt.f32 v6, $-Inf  }
0x25: {  	vm8 =	vlt.f32 v10, $-Inf;
	vm9 =	vgt.f32 v10, $-Inf;
	vm6 =	vgt.f32 v16, $-Inf  }
0x26: {  	vm0 =	vgt.f32 v6, v5;
	vm1 =	vmor vm2, vm1;
	vm2 =	vmor vm13, vm12  }
0x27: {  	vm13 =	vlt.f32 v13, $-Inf;
	vm3 =	vmneg vm0;
	v8 =	vsel vm0, v6, v5  }
0x28: {  	v9 =	vsel vm0, $0x1, v0;
	v5 =	vsel vm0, v5, v6;
	vm10 =	vmand vm1, vm3  }
0x29: {  	v5 =	vnsel vm1, $0xFF800000, v5;
	vm11 =	vgt.f32 v7, v8;
	v6 =	vsel vm10, $0x1, v0  }
0x2a: {  	vm1 =	vgt.f32 v7, v5;
	v11 =	vsel vm11, v7, v8;
	v8 =	vsel vm11, v8, v7  }
0x2b: {  	v12 =	vsel vm11, $0x2, v9;
	v9 =	vnsel vm11, $0x2, v9;
	v8 =	vsel vm1, v8, v5  }
0x2c: {  	v9 =	vsel vm1, v9, v6;
	v5 =	vsel vm1, v5, v7;
	v6 =	vnsel vm1, $0x2, v6  }
0x2d: {  	vm14 =	vgt.f32 v10, v11;
	v5 =	vnsel vm2, $0xFF800000, v5;
	v6 =	vnsel vm2, $0x0, v6  }
0x2e: {  	vm15 =	vgt.f32 v10, v8;
	vm2 =	vmor vm9, vm8;
	v7 =	vsel vm14, v10, v11  }
0x2f: {  	v14 =	vsel vm14, $0x3, v12;
	v11 =	vsel vm14, v11, v10;
	v12 =	vnsel vm14, $0x3, v12  }
0x30: {  	vm14 =	vgt.f32 v13, $-Inf;
	vm4 =	vgt.f32 v10, v5;
	v11 =	vsel vm15, v11, v8  }
0x31: {  	v12 =	vsel vm15, v12, v9;
	v8 =	vsel vm15, v8, v10;
	v9 =	vnsel vm15, $0x3, v9  }
0x32: {  	vm10 =	vgt.f32 v13, v7;
	vm3 =	vmor vm14, vm13;
	vm13 =	vlt.f32 v16, $-Inf  }
0x33: {  	v8 =	vsel vm4, v8, v5;
	v5 =	vsel vm4, v5, v10;
	v9 =	vsel vm4, v9, v6  }
0x34: {  	v6 =	vnsel vm4, $0x3, v6;
	vm11 =	vgt.f32 v13, v11;
	v32 =	vsel vm10, v13, v7  }
0x35: {  	v15 =	vsel vm10, $0x4, v14;
	v7 =	vsel vm10, v7, v13;
	v14 =	vnsel vm10, $0x4, v14  }
0x36: {  	v5 =	vnsel vm2, $0xFF800000, v5;
	v6 =	vnsel vm2, $0x0, v6;
	vm12 =	vgt.f32 v13, v8  }
0x37: {  	v7 =	vsel vm11, v7, v11;
	v14 =	vsel vm11, v14, v12;
	v11 =	vsel vm11, v11, v13  }
0x38: {  	v12 =	vnsel vm11, $0x4, v12;
	vm15 =	vgt.f32 v16, v32;
	vm5 =	vgt.f32 v13, v5  }
0x39: {  	v11 =	vsel vm12, v11, v8;
	v8 =	vsel vm12, v8, v13;
	v12 =	vsel vm12, v12, v9  }
0x3a: {  	v18 =	vld [tilespmem:s17+$0x300];
	v9 =	vnsel vm12, $0x4, v9;
	vm9 =	vgt.f32 v16, v7;
	v33 =	vsel vm15, v16, v32  }
0x3b: {  	v10 =	vsel vm15, v32, v16;
	v17 =	vsel vm15, $0x5, v15;
	v15 =	vnsel vm15, $0x5, v15  }
0x3c: {  	v8 =	vsel vm5, v8, v5;
	v9 =	vsel vm5, v9, v6;
	v5 =	vsel vm5, v5, v13  }
0x3d: {  	v6 =	vnsel vm5, $0x4, v6;
	vm10 =	vgt.f32 v16, v11;
	vm5 =	vmor vm6, vm13  }
0x3e: {  	v10 =	vsel vm9, v10, v7;
	v15 =	vsel vm9, v15, v14;
	v7 =	vsel vm9, v7, v16  }
0x3f: {  	v14 =	vnsel vm9, $0x5, v14;
	vm14 =	vgt.f32 v18, v33;
	vm13 =	vgt.f32 v18, $-Inf  }
0x40: {  	s21 =	sor.u32 s15, s16;
	v5 =	vnsel vm3, $0xFF800000, v5;
	v6 =	vnsel vm3, $0x0, v6;
	vm11 =	vgt.f32 v16, v8  }
0x41: {  	s21 =	sor.u32 $0x380, s21;
	v7 =	vsel vm10, v7, v11;
	v14 =	vsel vm10, v14, v12;
	v11 =	vsel vm10, v11, v16  }
0x42: {  	v20 =	vld [tilespmem:s21+$0x0];
	v12 =	vnsel vm10, $0x5, v12;
	vm15 =	vgt.f32 v18, v10;
	v34 =	vsel vm14, v18, v33  }
0x43: {  	v19 =	vsel vm14, $0x6, v17;
	v13 =	vsel vm14, v33, v18;
	v17 =	vnsel vm14, $0x6, v17  }
0x44: {  	vm12 =	vgt.f32 v16, v5;
	v11 =	vsel vm11, v11, v8;
	v8 =	vsel vm11, v8, v16  }
0x45: {  	v12 =	vsel vm11, v12, v9;
	v9 =	vnsel vm11, $0x5, v9;
	vm9 =	vgt.f32 v18, v7  }
0x46: {  	v13 =	vsel vm15, v13, v10;
	v17 =	vsel vm15, v17, v15;
	v10 =	vsel vm15, v10, v18  }
0x47: {  	v15 =	vnsel vm15, $0x6, v15;
	vm0 =	vgt.f32 v20, v34;
	v8 =	vsel vm12, v8, v5  }
0x48: {  	v9 =	vsel vm12, v9, v6;
	v5 =	vsel vm12, v5, v16;
	v6 =	vnsel vm12, $0x5, v6  }
0x49: {  	vm10 =	vgt.f32 v18, v11;
	vm12 =	vlt.f32 v18, $-Inf;
	v10 =	vsel vm9, v10, v7  }
0x4a: {  	v7 =	vsel vm9, v7, v18;
	v15 =	vsel vm9, v15, v14;
	v14 =	vnsel vm9, $0x6, v14  }
0x4b: {  	vm1 =	vgt.f32 v20, v13;
	v35 =	vsel vm0, v20, v34;
	v21 =	vsel vm0, $0x7, v19  }
0x4c: {  	v22 =	vld [tilespmem:s17+$0x800];
	v16 =	vsel vm0, v34, v20;
	v19 =	vnsel vm0, $0x7, v19;
	v5 =	vnsel vm5, $0xFF800000, v5  }
0x4d: {  	v6 =	vnsel vm5, $0x0, v6;
	vm11 =	vgt.f32 v18, v8;
	vm5 =	vmor vm13, vm12  }
0x4e: {  	v7 =	vsel vm10, v7, v11;
	v14 =	vsel vm10, v14, v12;
	v11 =	vsel vm10, v11, v18  }
0x4f: {  	v12 =	vnsel vm10, $0x6, v12;
	vm2 =	vgt.f32 v20, v10;
	vm12 =	vlt.f32 v20, $-Inf  }
0x50: {  	vm13 =	vgt.f32 v20, $-Inf;
	v16 =	vsel vm1, v16, v13;
	v19 =	vsel vm1, v19, v17  }
0x51: {  	v13 =	vsel vm1, v13, v20;
	v17 =	vnsel vm1, $0x7, v17;
	vm0 =	vgt.f32 v22, v35  }
0x52: {  	vm7 =	vgt.f32 v18, v5;
	v11 =	vsel vm11, v11, v8;
	v12 =	vsel vm11, v12, v9  }
0x53: {  	v8 =	vsel vm11, v8, v18;
	v9 =	vnsel vm11, $0x6, v9;
	vm3 =	vgt.f32 v20, v7  }
0x54: {  	vm6 =	vmor vm13, vm12;
	v13 =	vsel vm2, v13, v10;
	v10 =	vsel vm2, v10, v20  }
0x55: {  	v24 =	vld [tilespmem:s17+$0x880];
	v17 =	vsel vm2, v17, v15;
	v15 =	vnsel vm2, $0x7, v15;
	v36 =	vsel vm0, v22, v35  }
0x56: {  	v23 =	vsel vm0, $0x8, v21;
	v21 =	vnsel vm0, $0x8, v21;
	v8 =	vsel vm7, v8, v5  }
0x57: {  	v5 =	vsel vm7, v5, v18;
	v9 =	vsel vm7, v9, v6;
	v6 =	vnsel vm7, $0x6, v6  }
0x58: {  	vm14 =	vgt.f32 v20, v11;
	v10 =	vsel vm3, v10, v7;
	v15 =	vsel vm3, v15, v14  }
0x59: {  	v7 =	vsel vm3, v7, v20;
	v14 =	vnsel vm3, $0x7, v14;
	v18 =	vsel vm0, v35, v22  }
0x5a: {  	vm0 =	vgt.f32 v24, v36;
	v5 =	vnsel vm5, $0xFF800000, v5;
	v6 =	vnsel vm5, $0x0, v6  }
0x5b: {  	vm15 =	vgt.f32 v20, v8;
	v7 =	vsel vm14, v7, v11;
	v14 =	vsel vm14, v14, v12  }
0x5c: {  	v11 =	vsel vm14, v11, v20;
	v12 =	vnsel vm14, $0x7, v12;
	vm14 =	vgt.f32 v22, v16  }
0x5d: {  	vm9 =	vgt.f32 v22, v10;
	v37 =	vsel vm0, v24, v36;
	v38 =	vsel vm0, $0x9, v23  }
0x5e: {  	v39 =	vnsel vm0, $0x9, v23;
	vm8 =	vgt.f32 v20, v5;
	v11 =	vsel vm15, v11, v8  }
0x5f: {  	v8 =	vsel vm15, v8, v20;
	v12 =	vsel vm15, v12, v9;
	v9 =	vnsel vm15, $0x7, v9  }
0x60: {  	v40 =	vld [tilespmem:s17+$0x900];
	vm15 =	vgt.f32 v22, v13;
	vm10 =	vgt.f32 v22, v7;
	v18 =	vsel vm14, v18, v16  }
0x61: {  	v21 =	vsel vm14, v21, v19;
	v16 =	vsel vm14, v16, v22;
	v19 =	vnsel vm14, $0x8, v19  }
0x62: {  	v8 =	vsel vm8, v8, v5;
	v9 =	vsel vm8, v9, v6;
	v5 =	vsel vm8, v5, v20  }
0x63: {  	v6 =	vnsel vm8, $0x7, v6;
	vm11 =	vgt.f32 v22, v11;
	v16 =	vsel vm15, v16, v13  }
0x64: {  	v19 =	vsel vm15, v19, v17;
	v13 =	vsel vm15, v13, v22;
	v17 =	vnsel vm15, $0x8, v17  }
0x65: {  	vm14 =	vgt.f32 v24, v18;
	v20 =	vsel vm0, v36, v24;
	vm0 =	vgt.f32 v40, v37  }
0x66: {  	v5 =	vnsel vm6, $0xFF800000, v5;
	v6 =	vnsel vm6, $0x0, v6;
	vm12 =	vgt.f32 v22, v8  }
0x67: {  	v13 =	vsel vm9, v13, v10;
	v10 =	vsel vm9, v10, v22;
	v17 =	vsel vm9, v17, v15  }
0x68: {  	v15 =	vnsel vm9, $0x8, v15;
	vm15 =	vgt.f32 v24, v16;
	v20 =	vsel vm14, v20, v18  }
0x69: {  	v18 =	vsel vm14, v18, v24;
	v42 =	vsel vm0, v40, v37;
	v43 =	vsel vm0, $0xA, v38  }
0x6a: {  	vm13 =	vgt.f32 v22, v5;
	v10 =	vsel vm10, v10, v7;
	v15 =	vsel vm10, v15, v14  }
0x6b: {  	v7 =	vsel vm10, v7, v22;
	v14 =	vnsel vm10, $0x8, v14;
	vm9 =	vgt.f32 v24, v13  }
0x6c: {  	v18 =	vsel vm15, v18, v16;
	v16 =	vsel vm15, v16, v24;
	v7 =	vsel vm11, v7, v11  }
0x6d: {  	v14 =	vsel vm11, v14, v12;
	v11 =	vsel vm11, v11, v22;
	v12 =	vnsel vm11, $0x8, v12  }
0x6e: {  	vm10 =	vgt.f32 v24, v10;
	v16 =	vsel vm9, v16, v13;
	v13 =	vsel vm9, v13, v24  }
0x6f: {  	v11 =	vsel vm12, v11, v8;
	v8 =	vsel vm12, v8, v22;
	v12 =	vsel vm12, v12, v9  }
0x70: {  	v44 =	vld [tilespmem:s17+$0x980];
	v9 =	vnsel vm12, $0x8, v9;
	vm11 =	vgt.f32 v24, v7;
	v22 =	vsel vm14, v39, v21  }
0x71: {  	v21 =	vnsel vm14, $0x9, v21;
	v13 =	vsel vm10, v13, v10;
	v10 =	vsel vm10, v10, v24  }
0x72: {  	vm14 =	vgt.f32 v40, v20;
	v5 =	vsel vm13, v8, v5;
	v6 =	vsel vm13, v9, v6  }
0x73: {  	vm12 =	vgt.f32 v24, v11;
	v21 =	vsel vm15, v21, v19;
	v19 =	vnsel vm15, $0x9, v19  }
0x74: {  	v10 =	vsel vm11, v10, v7;
	v7 =	vsel vm11, v7, v24;
	vm15 =	vgt.f32 v40, v18  }
0x75: {  	v8 =	vsel vm0, v37, v40;
	v9 =	vnsel vm0, $0xA, v38;
	vm0 =	vgt.f32 v44, v42  }
0x76: {  	vm13 =	vgt.f32 v24, v5;
	v19 =	vsel vm9, v19, v17;
	v17 =	vnsel vm9, $0x9, v17  }
0x77: {  	v7 =	vsel vm12, v7, v11;
	v11 =	vsel vm12, v11, v24;
	v41 =	vnsel vm12, $0x9, v12  }
0x78: {  	vm9 =	vgt.f32 v40, v16;
	v8 =	vsel vm14, v8, v20;
	v9 =	vsel vm14, v9, v22  }
0x79: {  	v20 =	vsel vm14, v20, v40;
	v22 =	vnsel vm14, $0xA, v22;
	v45 =	vsel vm0, $0xB, v43  }
0x7a: {  	v17 =	vsel vm10, v17, v15;
	v15 =	vnsel vm10, $0x9, v15;
	v5 =	vsel vm13, v11, v5  }
0x7b: {  	v6 =	vsel vm13, v41, v6;
	vm10 =	vgt.f32 v40, v13;
	v20 =	vsel vm15, v20, v18  }
0x7c: {  	v18 =	vsel vm15, v18, v40;
	v22 =	vsel vm15, v22, v21;
	v21 =	vnsel vm15, $0xA, v21  }
0x7d: {  	vm14 =	vgt.f32 v44, v8;
	v11 =	vsel vm0, v42, v44;
	v15 =	vsel vm11, v15, v14  }
0x7e: {  	v14 =	vnsel vm11, $0x9, v14;
	vm11 =	vgt.f32 v40, v10;
	vm13 =	vgt.f32 v40, v5  }
0x7f: {  	v18 =	vsel vm9, v18, v16;
	v21 =	vsel vm9, v21, v19;
	v16 =	vsel vm9, v16, v40  }
0x80: {  	v19 =	vnsel vm9, $0xA, v19;
	vm15 =	vgt.f32 v44, v20;
	v11 =	vsel vm14, v11, v8  }
0x81: {  	v8 =	vsel vm14, v8, v44;
	v12 =	vsel vm12, v14, v12;
	vm12 =	vgt.f32 v40, v7  }
0x82: {  	v46 =	vld [tilespmem:s17+$0xA00];
	v16 =	vsel vm10, v16, v13;
	v19 =	vsel vm10, v19, v17;
	v13 =	vsel vm10, v13, v40  }
0x83: {  	v17 =	vnsel vm10, $0xA, v17;
	vm9 =	vgt.f32 v44, v18;
	v14 =	vnsel vm0, $0xB, v43  }
0x84: {  	v8 =	vsel vm15, v8, v20;
	v20 =	vsel vm15, v20, v44;
	v13 =	vsel vm11, v13, v10  }
0x85: {  	v10 =	vsel vm11, v10, v40;
	v17 =	vsel vm11, v17, v15;
	v15 =	vnsel vm11, $0xA, v15  }
0x86: {  	vm10 =	vgt.f32 v44, v16;
	v14 =	vsel vm14, v14, v9;
	v9 =	vnsel vm14, $0xB, v9  }
0x87: {  	v20 =	vsel vm9, v20, v18;
	v18 =	vsel vm9, v18, v44;
	vm14 =	vgt.f32 v46, v11  }
0x88: {  	v10 =	vsel vm12, v10, v7;
	v15 =	vsel vm12, v15, v12;
	v7 =	vsel vm12, v7, v40  }
0x89: {  	v12 =	vnsel vm12, $0xA, v12;
	vm11 =	vgt.f32 v44, v13;
	v9 =	vsel vm15, v9, v22  }
0x8a: {  	v22 =	vnsel vm15, $0xB, v22;
	v18 =	vsel vm10, v18, v16;
	v16 =	vsel vm10, v16, v44  }
0x8b: {  	vm15 =	vgt.f32 v46, v8;
	v5 =	vsel vm13, v7, v5;
	v6 =	vsel vm13, v12, v6  }
0x8c: {  	vm12 =	vgt.f32 v44, v10;
	v7 =	vsel vm0, v44, v42;
	v22 =	vsel vm9, v22, v21  }
0x8d: {  	v21 =	vnsel vm9, $0xB, v21;
	v16 =	vsel vm11, v16, v13;
	v13 =	vsel vm11, v13, v44  }
0x8e: {  	vm9 =	vgt.f32 v46, v20;
	vm13 =	vgt.f32 v44, v5;
	v21 =	vsel vm10, v21, v19  }
0x8f: {  	v19 =	vnsel vm10, $0xB, v19;
	v13 =	vsel vm12, v13, v10;
	v10 =	vsel vm12, v10, v44  }
0x90: {  	v49 =	vld [tilespmem:s17+$0xA80];
	vm0 =	vgt.f32 v46, v7;
	vm10 =	vgt.f32 v46, v18;
	v19 =	vsel vm11, v19, v17  }
0x91: {  	v17 =	vnsel vm11, $0xB, v17;
	v5 =	vsel vm13, v10, v5;
	vm11 =	vgt.f32 v46, v16  }
0x92: {  	v47 =	vsel vm0, v46, v7;
	v48 =	vsel vm0, $0xC, v45;
	v7 =	vsel vm0, v7, v46  }
0x93: {  	v12 =	vnsel vm0, $0xC, v45;
	v17 =	vsel vm12, v17, v15;
	v15 =	vnsel vm12, $0xB, v15  }
0x94: {  	vm12 =	vgt.f32 v46, v13;
	v7 =	vsel vm14, v7, v11;
	v11 =	vsel vm14, v11, v46  }
0x95: {  	v12 =	vsel vm14, v12, v14;
	v14 =	vnsel vm14, $0xC, v14;
	vm0 =	vgt.f32 v49, v47  }
0x96: {  	v6 =	vsel vm13, v15, v6;
	vm13 =	vgt.f32 v46, v5;
	v11 =	vsel vm15, v11, v8  }
0x97: {  	v14 =	vsel vm15, v14, v9;
	v8 =	vsel vm15, v8, v46;
	v9 =	vnsel vm15, $0xC, v9  }
0x98: {  	v53 =	vld [tilespmem:s17+$0xB00];
	v50 =	vnsel vm12, $0xC, v17;
	vm14 =	vgt.f32 v49, v7;
	v51 =	vsel vm0, v49, v47  }
0x99: {  	v52 =	vsel vm0, $0xD, v48;
	v10 =	vsel vm0, v47, v49;
	v15 =	vnsel vm0, $0xD, v48  }
0x9a: {  	v8 =	vsel vm9, v8, v20;
	v9 =	vsel vm9, v9, v22;
	v20 =	vsel vm9, v20, v46  }
0x9b: {  	v22 =	vnsel vm9, $0xC, v22;
	v6 =	vsel vm13, v50, v6;
	vm15 =	vgt.f32 v49, v11  }
0x9c: {  	v10 =	vsel vm14, v10, v7;
	v15 =	vsel vm14, v15, v12;
	v7 =	vsel vm14, v7, v49  }
0x9d: {  	v12 =	vnsel vm14, $0xD, v12;
	vm0 =	vgt.f32 v53, v51;
	v20 =	vsel vm10, v20, v18  }
0x9e: {  	v18 =	vsel vm10, v18, v46;
	v22 =	vsel vm10, v22, v21;
	v21 =	vnsel vm10, $0xC, v21  }
0x9f: {  	vm9 =	vgt.f32 v49, v8;
	v7 =	vsel vm15, v7, v11;
	v11 =	vsel vm15, v11, v49  }
0xa0: {  	v12 =	vsel vm15, v12, v14;
	v14 =	vnsel vm15, $0xD, v14;
	vm14 =	vgt.f32 v53, v10  }
0xa1: {  	v54 =	vsel vm0, v53, v51;
	v55 =	vsel vm0, $0xE, v52;
	v18 =	vsel vm11, v18, v16  }
0xa2: {  	v21 =	vsel vm11, v21, v19;
	v16 =	vsel vm11, v16, v46;
	v19 =	vnsel vm11, $0xC, v19  }
0xa3: {  	vm10 =	vgt.f32 v49, v20;
	v11 =	vsel vm9, v11, v8;
	v14 =	vsel vm9, v14, v9  }
0xa4: {  	v8 =	vsel vm9, v8, v49;
	v9 =	vnsel vm9, $0xD, v9;
	vm15 =	vgt.f32 v53, v7  }
0xa5: {  	v16 =	vsel vm12, v16, v13;
	v13 =	vsel vm12, v13, v46;
	v17 =	vsel vm12, v19, v17  }
0xa6: {  	v56 =	vld [tilespmem:s17+$0xB80];
	vm11 =	vgt.f32 v49, v18;
	v8 =	vsel vm10, v8, v20;
	v9 =	vsel vm10, v9, v22  }
0xa7: {  	v20 =	vsel vm10, v20, v49;
	v22 =	vnsel vm10, $0xD, v22;
	vm9 =	vgt.f32 v53, v11  }
0xa8: {  	v19 =	vnsel vm0, $0xE, v52;
	v5 =	vsel vm13, v13, v5;
	vm12 =	vgt.f32 v49, v16  }
0xa9: {  	v20 =	vsel vm11, v20, v18;
	v18 =	vsel vm11, v18, v49;
	v22 =	vsel vm11, v22, v21  }
0xaa: {  	v21 =	vnsel vm11, $0xD, v21;
	vm10 =	vgt.f32 v53, v8;
	v13 =	vsel vm0, v51, v53  }
0xab: {  	v19 =	vsel vm14, v19, v15;
	v15 =	vnsel vm14, $0xE, v15;
	vm0 =	vgt.f32 v56, v54  }
0xac: {  	vm13 =	vgt.f32 v49, v5;
	v18 =	vsel vm12, v18, v16;
	v21 =	vsel vm12, v21, v17  }
0xad: {  	v16 =	vsel vm12, v16, v49;
	v17 =	vnsel vm12, $0xD, v17;
	vm11 =	vgt.f32 v53, v20  }
0xae: {  	v59 =	vld [tilespmem:s17+$0x1000];
	v13 =	vsel vm14, v13, v10;
	v10 =	vsel vm14, v10, v53;
	v15 =	vsel vm15, v15, v12  }
0xaf: {  	v12 =	vnsel vm15, $0xE, v12;
	v57 =	vsel vm0, v56, v54;
	v58 =	vsel vm0, $0xF, v55  }
0xb0: {  	v5 =	vsel vm13, v16, v5;
	v6 =	vsel vm13, v17, v6;
	vm12 =	vgt.f32 v53, v18  }
0xb1: {  	v10 =	vsel vm15, v10, v7;
	v7 =	vsel vm15, v7, v53;
	v12 =	vsel vm9, v12, v14  }
0xb2: {  	v14 =	vnsel vm9, $0xE, v14;
	vm14 =	vgt.f32 v56, v13;
	v16 =	vsel vm0, v54, v56  }
0xb3: {  	v17 =	vnsel vm0, $0xF, v55;
	vm0 =	vgt.f32 v59, v57;
	vm13 =	vgt.f32 v53, v5  }
0xb4: {  	v7 =	vsel vm9, v7, v11;
	v11 =	vsel vm9, v11, v53;
	v14 =	vsel vm10, v14, v9  }
0xb5: {  	v9 =	vnsel vm10, $0xE, v9;
	vm15 =	vgt.f32 v56, v10;
	v16 =	vsel vm14, v16, v13  }
0xb6: {  	v13 =	vsel vm14, v13, v56;
	v17 =	vsel vm14, v17, v19;
	v19 =	vnsel vm14, $0xF, v19  }
0xb7: {  	v61 =	vsel vm0, v59, v57;
	v62 =	vsel vm0, $0x10, v58;
	v11 =	vsel vm10, v11, v8  }
0xb8: {  	v8 =	vsel vm10, v8, v53;
	v9 =	vsel vm11, v9, v22;
	v22 =	vnsel vm11, $0xE, v22  }
0xb9: {  	vm9 =	vgt.f32 v56, v7;
	v13 =	vsel vm15, v13, v10;
	v19 =	vsel vm15, v19, v15  }
0xba: {  	v10 =	vsel vm15, v10, v56;
	v15 =	vnsel vm15, $0xF, v15;
	vm14 =	vgt.f32 v59, v16  }
0xbb: {  	v8 =	vsel vm11, v8, v20;
	v20 =	vsel vm11, v20, v53;
	v22 =	vsel vm12, v22, v21  }
0xbc: {  	v21 =	vnsel vm12, $0xE, v21;
	vm10 =	vgt.f32 v56, v11;
	v10 =	vsel vm9, v10, v7  }
0xbd: {  	v15 =	vsel vm9, v15, v12;
	v7 =	vsel vm9, v7, v56;
	v12 =	vnsel vm9, $0xF, v12  }
0xbe: {  	vm15 =	vgt.f32 v59, v13;
	v20 =	vsel vm12, v20, v18;
	v18 =	vsel vm12, v18, v53  }
0xbf: {  	v6 =	vsel vm13, v21, v6;
	vm11 =	vgt.f32 v56, v8;
	v7 =	vsel vm10, v7, v11  }
0xc0: {  	v63 =	vld [tilespmem:s17+$0x1080];
	v11 =	vsel vm10, v11, v56;
	v12 =	vsel vm10, v12, v14;
	v14 =	vnsel vm10, $0xF, v14  }
0xc1: {  	vm9 =	vgt.f32 v59, v10;
	v21 =	vnsel vm0, $0x10, v58;
	v5 =	vsel vm13, v18, v5  }
0xc2: {  	vm12 =	vgt.f32 v56, v20;
	v11 =	vsel vm11, v11, v8;
	v14 =	vsel vm11, v14, v9  }
0xc3: {  	v8 =	vsel vm11, v8, v56;
	v9 =	vnsel vm11, $0xF, v9;
	vm10 =	vgt.f32 v59, v7  }
0xc4: {  	v18 =	vsel vm0, v57, v59;
	v21 =	vsel vm14, v21, v17;
	v17 =	vnsel vm14, $0x10, v17  }
0xc5: {  	vm0 =	vgt.f32 v63, v61;
	vm13 =	vgt.f32 v56, v5;
	v8 =	vsel vm12, v8, v20  }
0xc6: {  	v20 =	vsel vm12, v20, v56;
	v60 =	vnsel vm12, $0xF, v22;
	v9 =	vsel vm12, v9, v22  }
0xc7: {  	v28 =	vld [tilespmem:s17+$0x1100];
	vm11 =	vgt.f32 v59, v11;
	v18 =	vsel vm14, v18, v16;
	v16 =	vsel vm14, v16, v59  }
0xc8: {  	v17 =	vsel vm15, v17, v19;
	v19 =	vnsel vm15, $0x10, v19;
	v25 =	vsel vm0, v63, v61  }
0xc9: {  	v26 =	vsel vm0, v61, v63;
	v27 =	vsel vm0, $0x11, v62;
	v22 =	vnsel vm0, $0x11, v62  }
0xca: {  	v5 =	vsel vm13, v20, v5;
	v6 =	vsel vm13, v60, v6;
	vm12 =	vgt.f32 v59, v8  }
0xcb: {  	v16 =	vsel vm15, v16, v13;
	v13 =	vsel vm15, v13, v59;
	v19 =	vsel vm9, v19, v15  }
0xcc: {  	v15 =	vnsel vm9, $0x10, v15;
	vm14 =	vgt.f32 v63, v18;
	vm0 =	vgt.f32 v28, v25  }
0xcd: {  	vm13 =	vgt.f32 v59, v5;
	v13 =	vsel vm9, v13, v10;
	v10 =	vsel vm9, v10, v59  }
0xce: {  	v15 =	vsel vm10, v15, v12;
	v12 =	vnsel vm10, $0x10, v12;
	vm15 =	vgt.f32 v63, v16  }
0xcf: {  	v22 =	vsel vm14, v22, v21;
	v21 =	vnsel vm14, $0x11, v21;
	v29 =	vsel vm0, v28, v25  }
0xd0: {  	v30 =	vsel vm0, $0x12, v27;
	v20 =	vnsel vm0, $0x12, v27;
	v10 =	vsel vm10, v10, v7  }
0xd1: {  	v7 =	vsel vm10, v7, v59;
	v12 =	vsel vm11, v12, v14;
	v14 =	vnsel vm11, $0x10, v14  }
0xd2: {  	vm9 =	vgt.f32 v63, v13;
	v21 =	vsel vm15, v21, v17;
	v17 =	vnsel vm15, $0x11, v17  }
0xd3: {  	v7 =	vsel vm11, v7, v11;
	v11 =	vsel vm11, v11, v59;
	v14 =	vsel vm12, v14, v9  }
0xd4: {  	v9 =	vnsel vm12, $0x10, v9;
	vm10 =	vgt.f32 v63, v10;
	v17 =	vsel vm9, v17, v19  }
0xd5: {  	v31 =	vld [tilespmem:s17+$0x1180];
	v19 =	vnsel vm9, $0x11, v19;
	v11 =	vsel vm12, v11, v8;
	v8 =	vsel vm12, v8, v59  }
0xd6: {  	v6 =	vsel vm13, v9, v6;
	vm11 =	vgt.f32 v63, v7;
	v9 =	vsel vm14, v26, v18  }
0xd7: {  	v18 =	vsel vm14, v18, v63;
	v19 =	vsel vm10, v19, v15;
	v15 =	vnsel vm10, $0x11, v15  }
0xd8: {  	v5 =	vsel vm13, v8, v5;
	vm12 =	vgt.f32 v63, v11;
	v18 =	vsel vm15, v18, v16  }
0xd9: {  	v16 =	vsel vm15, v16, v63;
	v15 =	vsel vm11, v15, v12;
	v12 =	vnsel vm11, $0x11, v12  }
0xda: {  	vm14 =	vgt.f32 v28, v9;
	v8 =	vsel vm0, v25, v28;
	vm0 =	vgt.f32 v31, v29  }
0xdb: {  	vm13 =	vgt.f32 v63, v5;
	v16 =	vsel vm9, v16, v13;
	v13 =	vsel vm9, v13, v63  }
0xdc: {  	v12 =	vsel vm12, v12, v14;
	v14 =	vnsel vm12, $0x11, v14;
	vm15 =	vgt.f32 v28, v18  }
0xdd: {  	v8 =	vsel vm14, v8, v9;
	v9 =	vsel vm14, v9, v28;
	v20 =	vsel vm14, v20, v22  }
0xde: {  	v22 =	vnsel vm14, $0x12, v22;
	v33 =	vsel vm0, $0x13, v30;
	v13 =	vsel vm10, v13, v10  }
0xdf: {  	v10 =	vsel vm10, v10, v63;
	v6 =	vsel vm13, v14, v6;
	vm9 =	vgt.f32 v28, v16  }
0xe0: {  	v9 =	vsel vm15, v9, v18;
	v22 =	vsel vm15, v22, v21;
	v18 =	vsel vm15, v18, v28  }
0xe1: {  	v21 =	vnsel vm15, $0x12, v21;
	vm14 =	vgt.f32 v31, v8;
	v14 =	vnsel vm0, $0x13, v30  }
0xe2: {  	v10 =	vsel vm11, v10, v7;
	v7 =	vsel vm11, v7, v63;
	vm10 =	vgt.f32 v28, v13  }
0xe3: {  	v18 =	vsel vm9, v18, v16;
	v21 =	vsel vm9, v21, v17;
	v16 =	vsel vm9, v16, v28  }
0xe4: {  	v17 =	vnsel vm9, $0x12, v17;
	vm15 =	vgt.f32 v31, v9;
	v14 =	vsel vm14, v14, v20  }
0xe5: {  	v20 =	vnsel vm14, $0x13, v20;
	v7 =	vsel vm12, v7, v11;
	v11 =	vsel vm12, v11, v63  }
0xe6: {  	vm11 =	vgt.f32 v28, v10;
	v16 =	vsel vm10, v16, v13;
	v13 =	vsel vm10, v13, v28  }
0xe7: {  	v17 =	vsel vm10, v17, v19;
	v19 =	vnsel vm10, $0x12, v19;
	vm9 =	vgt.f32 v31, v18  }
0xe8: {  	v20 =	vsel vm15, v20, v22;
	v22 =	vnsel vm15, $0x13, v22;
	v5 =	vsel vm13, v11, v5  }
0xe9: {  	vm12 =	vgt.f32 v28, v7;
	v13 =	vsel vm11, v13, v10;
	v19 =	vsel vm11, v19, v15  }
0xea: {  	v10 =	vsel vm11, v10, v28;
	v15 =	vnsel vm11, $0x12, v15;
	vm10 =	vgt.f32 v31, v16  }
0xeb: {  	v11 =	vsel vm0, v29, v31;
	v22 =	vsel vm9, v22, v21;
	v21 =	vnsel vm9, $0x13, v21  }
0xec: {  	vm13 =	vgt.f32 v28, v5;
	v10 =	vsel vm12, v10, v7;
	v7 =	vsel vm12, v7, v28  }
0xed: {  	v34 =	vld [tilespmem:s17+$0x1200];
	v32 =	vnsel vm12, $0x12, v12;
	v12 =	vsel vm12, v15, v12;
	vm11 =	vgt.f32 v31, v13  }
0xee: {  	v11 =	vsel vm14, v11, v8;
	v8 =	vsel vm14, v8, v31;
	v21 =	vsel vm10, v21, v17  }
0xef: {  	v17 =	vnsel vm10, $0x13, v17;
	v5 =	vsel vm13, v7, v5;
	v6 =	vsel vm13, v32, v6  }
0xf0: {  	vm12 =	vgt.f32 v31, v10;
	v7 =	vsel vm0, v31, v29;
	v8 =	vsel vm15, v8, v9  }
0xf1: {  	v9 =	vsel vm15, v9, v31;
	v17 =	vsel vm11, v17, v19;
	v19 =	vnsel vm11, $0x13, v19  }
0xf2: {  	vm14 =	vgt.f32 v34, v11;
	vm13 =	vgt.f32 v31, v5;
	v9 =	vsel vm9, v9, v18  }
0xf3: {  	v18 =	vsel vm9, v18, v31;
	v19 =	vsel vm12, v19, v12;
	v12 =	vnsel vm12, $0x13, v12  }
0xf4: {  	v37 =	vld [tilespmem:s17+$0x1280];
	vm0 =	vgt.f32 v34, v7;
	vm15 =	vgt.f32 v34, v8;
	v18 =	vsel vm10, v18, v16  }
0xf5: {  	v16 =	vsel vm10, v16, v31;
	v6 =	vsel vm13, v12, v6;
	vm9 =	vgt.f32 v34, v9  }
0xf6: {  	v35 =	vsel vm0, v34, v7;
	v7 =	vsel vm0, v7, v34;
	v36 =	vsel vm0, $0x14, v33  }
0xf7: {  	v15 =	vnsel vm0, $0x14, v33;
	v16 =	vsel vm11, v16, v13;
	v13 =	vsel vm11, v13, v31  }
0xf8: {  	vm10 =	vgt.f32 v34, v18;
	v7 =	vsel vm14, v7, v11;
	v15 =	vsel vm14, v15, v14  }
0xf9: {  	v11 =	vsel vm14, v11, v34;
	v14 =	vnsel vm14, $0x14, v14;
	vm0 =	vgt.f32 v37, v35  }
0xfa: {  	v13 =	vsel vm12, v13, v10;
	v10 =	vsel vm12, v10, v31;
	vm11 =	vgt.f32 v34, v16  }
0xfb: {  	v11 =	vsel vm15, v11, v8;
	v14 =	vsel vm15, v14, v20;
	v8 =	vsel vm15, v8, v34  }
0xfc: {  	v40 =	vld [tilespmem:s17+$0x1300];
	v20 =	vnsel vm15, $0x14, v20;
	vm14 =	vgt.f32 v37, v7;
	v38 =	vsel vm0, v37, v35  }
0xfd: {  	v39 =	vsel vm0, $0x15, v36;
	v12 =	vnsel vm0, $0x15, v36;
	v5 =	vsel vm13, v10, v5  }
0xfe: {  	vm12 =	vgt.f32 v34, v13;
	v8 =	vsel vm9, v8, v9;
	v9 =	vsel vm9, v9, v34  }
0xff: {  	v20 =	vsel vm9, v20, v22;
	v22 =	vnsel vm9, $0x14, v22;
	vm15 =	vgt.f32 v37, v11  }
0x100: {  	v10 =	vsel vm0, v35, v37;
	v12 =	vsel vm14, v12, v15;
	v15 =	vnsel vm14, $0x15, v15  }
0x101: {  	vm0 =	vgt.f32 v40, v38;
	vm13 =	vgt.f32 v34, v5;
	v9 =	vsel vm10, v9, v18  }
0x102: {  	v22 =	vsel vm10, v22, v21;
	v18 =	vsel vm10, v18, v34;
	v21 =	vnsel vm10, $0x14, v21  }
0x103: {  	vm9 =	vgt.f32 v37, v8;
	v10 =	vsel vm14, v10, v7;
	v7 =	vsel vm14, v7, v37  }
0x104: {  	v15 =	vsel vm15, v15, v14;
	v14 =	vnsel vm15, $0x15, v14;
	v42 =	vsel vm0, v40, v38  }
0x105: {  	v43 =	vsel vm0, $0x16, v39;
	v18 =	vsel vm11, v18, v16;
	v21 =	vsel vm11, v21, v17  }
0x106: {  	v16 =	vsel vm11, v16, v34;
	v17 =	vnsel vm11, $0x14, v17;
	vm10 =	vgt.f32 v37, v9  }
0x107: {  	v7 =	vsel vm15, v7, v11;
	v11 =	vsel vm15, v11, v37;
	v14 =	vsel vm9, v14, v20  }
0x108: {  	v20 =	vnsel vm9, $0x15, v20;
	vm14 =	vgt.f32 v40, v10;
	v16 =	vsel vm12, v16, v13  }
0x109: {  	v13 =	vsel vm12, v13, v34;
	v17 =	vsel vm12, v17, v19;
	v19 =	vnsel vm12, $0x14, v19  }
0x10a: {  	v44 =	vld [tilespmem:s17+$0x1380];
	vm11 =	vgt.f32 v37, v18;
	v11 =	vsel vm9, v11, v8;
	v8 =	vsel vm9, v8, v37  }
0x10b: {  	v20 =	vsel vm10, v20, v22;
	v22 =	vnsel vm10, $0x15, v22;
	vm15 =	vgt.f32 v40, v7  }
0x10c: {  	v5 =	vsel vm13, v13, v5;
	v6 =	vsel vm13, v19, v6;
	vm12 =	vgt.f32 v37, v16  }
0x10d: {  	v8 =	vsel vm10, v8, v9;
	v9 =	vsel vm10, v9, v37;
	v22 =	vsel vm11, v22, v21  }
0x10e: {  	v21 =	vnsel vm11, $0x15, v21;
	vm9 =	vgt.f32 v40, v11;
	v13 =	vsel vm0, v38, v40  }
0x10f: {  	v19 =	vnsel vm0, $0x16, v39;
	vm0 =	vgt.f32 v44, v42;
	vm13 =	vgt.f32 v37, v5  }
0x110: {  	v9 =	vsel vm11, v9, v18;
	v18 =	vsel vm11, v18, v37;
	v41 =	vnsel vm12, $0x15, v17  }
0x111: {  	v17 =	vsel vm12, v21, v17;
	vm10 =	vgt.f32 v40, v8;
	v13 =	vsel vm14, v13, v10  }
0x112: {  	v19 =	vsel vm14, v19, v12;
	v10 =	vsel vm14, v10, v40;
	v12 =	vnsel vm14, $0x16, v12  }
0x113: {  	v45 =	vsel vm0, v44, v42;
	v46 =	vsel vm0, $0x17, v43;
	v21 =	vnsel vm0, $0x17, v43  }
0x114: {  	v18 =	vsel vm12, v18, v16;
	v16 =	vsel vm12, v16, v37;
	v6 =	vsel vm13, v41, v6  }
0x115: {  	v47 =	vld [tilespmem:s17+$0x1800];
	vm11 =	vgt.f32 v40, v9;
	v10 =	vsel vm15, v10, v7;
	v7 =	vsel vm15, v7, v40  }
0x116: {  	v12 =	vsel vm15, v12, v15;
	v15 =	vnsel vm15, $0x16, v15;
	vm14 =	vgt.f32 v44, v13  }
0x117: {  	v5 =	vsel vm13, v16, v5;
	vm12 =	vgt.f32 v40, v18;
	v7 =	vsel vm9, v7, v11  }
0x118: {  	v15 =	vsel vm9, v15, v14;
	v11 =	vsel vm9, v11, v40;
	v14 =	vnsel vm9, $0x16, v14  }
0x119: {  	vm15 =	vgt.f32 v44, v10;
	v16 =	vsel vm0, v42, v44;
	v21 =	vsel vm14, v21, v19  }
0x11a: {  	v19 =	vnsel vm14, $0x17, v19;
	vm0 =	vgt.f32 v47, v45;
	vm13 =	vgt.f32 v40, v5  }
0x11b: {  	v11 =	vsel vm10, v11, v8;
	v14 =	vsel vm10, v14, v20;
	v8 =	vsel vm10, v8, v40  }
0x11c: {  	v20 =	vnsel vm10, $0x16, v20;
	vm9 =	vgt.f32 v44, v7;
	v16 =	vsel vm14, v16, v13  }
0x11d: {  	v13 =	vsel vm14, v13, v44;
	v19 =	vsel vm15, v19, v12;
	v12 =	vnsel vm15, $0x17, v12  }
0x11e: {  	v48 =	vsel vm0, v47, v45;
	v49 =	vsel vm0, $0x18, v46;
	v8 =	vsel vm11, v8, v9  }
0x11f: {  	v9 =	vsel vm11, v9, v40;
	v20 =	vsel vm11, v20, v22;
	v22 =	vnsel vm11, $0x16, v22  }
0x120: {  	vm10 =	vgt.f32 v44, v11;
	v13 =	vsel vm15, v13, v10;
	v10 =	vsel vm15, v10, v44  }
0x121: {  	v12 =	vsel vm9, v12, v15;
	v15 =	vnsel vm9, $0x17, v15;
	vm14 =	vgt.f32 v47, v16  }
0x122: {  	v9 =	vsel vm12, v9, v18;
	v22 =	vsel vm12, v22, v17;
	v18 =	vsel vm12, v18, v40  }
0x123: {  	v50 =	vld [tilespmem:s17+$0x1880];
	v17 =	vnsel vm12, $0x16, v17;
	vm11 =	vgt.f32 v44, v8;
	v10 =	vsel vm9, v10, v7  }
0x124: {  	v7 =	vsel vm9, v7, v44;
	v15 =	vsel vm10, v15, v14;
	v14 =	vnsel vm10, $0x17, v14  }
0x125: {  	vm15 =	vgt.f32 v47, v13;
	v5 =	vsel vm13, v18, v5;
	v6 =	vsel vm13, v17, v6  }
0x126: {  	vm12 =	vgt.f32 v44, v9;
	v7 =	vsel vm10, v7, v11;
	v11 =	vsel vm10, v11, v44  }
0x127: {  	v14 =	vsel vm11, v14, v20;
	v20 =	vnsel vm11, $0x17, v20;
	vm9 =	vgt.f32 v47, v10  }
0x128: {  	v17 =	vsel vm0, v45, v47;
	v18 =	vnsel vm0, $0x18, v46;
	vm0 =	vgt.f32 v50, v48  }
0x129: {  	vm13 =	vgt.f32 v44, v5;
	v11 =	vsel vm11, v11, v8;
	v8 =	vsel vm11, v8, v44  }
0x12a: {  	v20 =	vsel vm12, v20, v22;
	v22 =	vnsel vm12, $0x17, v22;
	vm10 =	vgt.f32 v47, v7  }
0x12b: {  	v17 =	vsel vm14, v17, v16;
	v16 =	vsel vm14, v16, v47;
	v18 =	vsel vm14, v18, v21  }
0x12c: {  	v21 =	vnsel vm14, $0x18, v21;
	v52 =	vsel vm0, v50, v48;
	v53 =	vsel vm0, $0x19, v49  }
0x12d: {  	v8 =	vsel vm12, v8, v9;
	v9 =	vsel vm12, v9, v44;
	v6 =	vsel vm13, v22, v6  }
0x12e: {  	v54 =	vld [tilespmem:s17+$0x1900];
	vm11 =	vgt.f32 v47, v11;
	v16 =	vsel vm15, v16, v13;
	v21 =	vsel vm15, v21, v19  }
0x12f: {  	v13 =	vsel vm15, v13, v47;
	v19 =	vnsel vm15, $0x18, v19;
	vm14 =	vgt.f32 v50, v17  }
0x130: {  	v22 =	vnsel vm0, $0x19, v49;
	v5 =	vsel vm13, v9, v5;
	vm12 =	vgt.f32 v47, v8  }
0x131: {  	v13 =	vsel vm9, v13, v10;
	v19 =	vsel vm9, v19, v12;
	v10 =	vsel vm9, v10, v47  }
0x132: {  	v12 =	vnsel vm9, $0x18, v12;
	vm15 =	vgt.f32 v50, v16;
	v9 =	vsel vm0, v48, v50  }
0x133: {  	v22 =	vsel vm14, v22, v18;
	v18 =	vnsel vm14, $0x19, v18;
	vm0 =	vgt.f32 v54, v52  }
0x134: {  	vm13 =	vgt.f32 v47, v5;
	v10 =	vsel vm10, v10, v7;
	v7 =	vsel vm10, v7, v47  }
0x135: {  	v12 =	vsel vm10, v12, v15;
	v15 =	vnsel vm10, $0x18, v15;
	v51 =	vnsel vm12, $0x18, v20  }
0x136: {  	vm9 =	vgt.f32 v50, v13;
	v9 =	vsel vm14, v9, v17;
	v17 =	vsel vm14, v17, v50  }
0x137: {  	v18 =	vsel vm15, v18, v21;
	v21 =	vnsel vm15, $0x19, v21;
	v55 =	vsel vm0, v54, v52  }
0x138: {  	v56 =	vsel vm0, $0x1A, v53;
	v7 =	vsel vm11, v7, v11;
	v15 =	vsel vm11, v15, v14  }
0x139: {  	v11 =	vsel vm11, v11, v47;
	v14 =	vnsel vm11, $0x18, v14;
	v6 =	vsel vm13, v51, v6  }
0x13a: {  	vm10 =	vgt.f32 v50, v10;
	v17 =	vsel vm15, v17, v16;
	v16 =	vsel vm15, v16, v50  }
0x13b: {  	v21 =	vsel vm9, v21, v19;
	v19 =	vnsel vm9, $0x19, v19;
	vm14 =	vgt.f32 v54, v9  }
0x13c: {  	v11 =	vsel vm12, v11, v8;
	v8 =	vsel vm12, v8, v47;
	v14 =	vsel vm12, v14, v20  }
0x13d: {  	v57 =	vld [tilespmem:s17+$0x1980];
	vm11 =	vgt.f32 v50, v7;
	v16 =	vsel vm9, v16, v13;
	v13 =	vsel vm9, v13, v50  }
0x13e: {  	v19 =	vsel vm10, v19, v12;
	v12 =	vnsel vm10, $0x19, v12;
	vm15 =	vgt.f32 v54, v17  }
0x13f: {  	v20 =	vnsel vm0, $0x1A, v53;
	v5 =	vsel vm13, v8, v5;
	vm12 =	vgt.f32 v50, v11  }
0x140: {  	v13 =	vsel vm10, v13, v10;
	v10 =	vsel vm10, v10, v50;
	v12 =	vsel vm11, v12, v15  }
0x141: {  	v15 =	vnsel vm11, $0x19, v15;
	vm9 =	vgt.f32 v54, v16;
	v8 =	vsel vm0, v52, v54  }
0x142: {  	v20 =	vsel vm14, v20, v22;
	v22 =	vnsel vm14, $0x1A, v22;
	vm0 =	vgt.f32 v57, v55  }
0x143: {  	vm13 =	vgt.f32 v50, v5;
	v10 =	vsel vm11, v10, v7;
	v7 =	vsel vm11, v7, v50  }
0x144: {  	v15 =	vsel vm12, v15, v14;
	v14 =	vnsel vm12, $0x19, v14;
	vm10 =	vgt.f32 v54, v13  }
0x145: {  	v8 =	vsel vm14, v8, v9;
	v9 =	vsel vm14, v9, v54;
	v22 =	vsel vm15, v22, v18  }
0x146: {  	v18 =	vnsel vm15, $0x1A, v18;
	v58 =	vsel vm0, $0x1B, v56;
	v7 =	vsel vm12, v7, v11  }
0x147: {  	v11 =	vsel vm12, v11, v50;
	v6 =	vsel vm13, v14, v6;
	vm11 =	vgt.f32 v54, v10  }
0x148: {  	v9 =	vsel vm15, v9, v17;
	v17 =	vsel vm15, v17, v54;
	v18 =	vsel vm9, v18, v21  }
0x149: {  	v21 =	vnsel vm9, $0x1A, v21;
	vm14 =	vgt.f32 v57, v8;
	v14 =	vnsel vm0, $0x1B, v56  }
0x14a: {  	v5 =	vsel vm13, v11, v5;
	vm12 =	vgt.f32 v54, v7;
	v17 =	vsel vm9, v17, v16  }
0x14b: {  	v16 =	vsel vm9, v16, v54;
	v21 =	vsel vm10, v21, v19;
	v19 =	vnsel vm10, $0x1A, v19  }
0x14c: {  	vm15 =	vgt.f32 v57, v9;
	v11 =	vsel vm0, v55, v57;
	v14 =	vsel vm14, v14, v20  }
0x14d: {  	v20 =	vnsel vm14, $0x1B, v20;
	vm13 =	vgt.f32 v54, v5;
	v16 =	vsel vm10, v16, v13  }
0x14e: {  	v59 =	vld [tilespmem:s17+$0x1A00];
	v13 =	vsel vm10, v13, v54;
	v19 =	vsel vm11, v19, v12;
	v12 =	vnsel vm11, $0x1A, v12  }
0x14f: {  	vm9 =	vgt.f32 v57, v17;
	v11 =	vsel vm14, v11, v8;
	v8 =	vsel vm14, v8, v57  }
0x150: {  	v20 =	vsel vm15, v20, v22;
	v22 =	vnsel vm15, $0x1B, v22;
	v13 =	vsel vm11, v13, v10  }
0x151: {  	v10 =	vsel vm11, v10, v54;
	v12 =	vsel vm12, v12, v15;
	v15 =	vnsel vm12, $0x1A, v15  }
0x152: {  	vm10 =	vgt.f32 v57, v16;
	v8 =	vsel vm15, v8, v9;
	v9 =	vsel vm15, v9, v57  }
0x153: {  	v22 =	vsel vm9, v22, v18;
	v18 =	vnsel vm9, $0x1B, v18;
	vm14 =	vgt.f32 v59, v11  }
0x154: {  	v10 =	vsel vm12, v10, v7;
	v7 =	vsel vm12, v7, v54;
	v6 =	vsel vm13, v15, v6  }
0x155: {  	vm11 =	vgt.f32 v57, v13;
	v9 =	vsel vm9, v9, v17;
	v17 =	vsel vm9, v17, v57  }
0x156: {  	v18 =	vsel vm10, v18, v21;
	v21 =	vnsel vm10, $0x1B, v21;
	vm15 =	vgt.f32 v59, v8  }
0x157: {  	v5 =	vsel vm13, v7, v5;
	vm12 =	vgt.f32 v57, v10;
	v7 =	vsel vm0, v57, v55  }
0x158: {  	v17 =	vsel vm10, v17, v16;
	v16 =	vsel vm10, v16, v57;
	v21 =	vsel vm11, v21, v19  }
0x159: {  	v19 =	vnsel vm11, $0x1B, v19;
	vm9 =	vgt.f32 v59, v9;
	vm13 =	vgt.f32 v57, v5  }
0x15a: {  	v16 =	vsel vm11, v16, v13;
	v13 =	vsel vm11, v13, v57;
	v60 =	vnsel vm12, $0x1B, v12  }
0x15b: {  	v63 =	vld [tilespmem:s17+$0x1A80];
	v12 =	vsel vm12, v19, v12;
	vm0 =	vgt.f32 v59, v7;
	vm10 =	vgt.f32 v59, v17  }
0x15c: {  	v13 =	vsel vm12, v13, v10;
	v10 =	vsel vm12, v10, v57;
	v6 =	vsel vm13, v60, v6  }
0x15d: {  	vm11 =	vgt.f32 v59, v16;
	v61 =	vsel vm0, v59, v7;
	v62 =	vsel vm0, $0x1C, v58  }
0x15e: {  	v7 =	vsel vm0, v7, v59;
	v15 =	vnsel vm0, $0x1C, v58;
	v5 =	vsel vm13, v10, v5  }
0x15f: {  	vm12 =	vgt.f32 v59, v13;
	v7 =	vsel vm14, v7, v11;
	v15 =	vsel vm14, v15, v14  }
0x160: {  	v11 =	vsel vm14, v11, v59;
	v14 =	vnsel vm14, $0x1C, v14;
	vm0 =	vgt.f32 v63, v61  }
0x161: {  	vm13 =	vgt.f32 v59, v5;
	v11 =	vsel vm15, v11, v8;
	v8 =	vsel vm15, v8, v59  }
0x162: {  	v29 =	vld [tilespmem:s17+$0x1B00];
	v14 =	vsel vm15, v14, v20;
	v20 =	vnsel vm15, $0x1C, v20;
	vm14 =	vgt.f32 v63, v7  }
0x163: {  	v27 =	vsel vm0, v63, v61;
	v10 =	vsel vm0, v61, v63;
	v28 =	vsel vm0, $0x1D, v62  }
0x164: {  	v19 =	vnsel vm0, $0x1D, v62;
	v8 =	vsel vm9, v8, v9;
	v20 =	vsel vm9, v20, v22  }
0x165: {  	v9 =	vsel vm9, v9, v59;
	v22 =	vnsel vm9, $0x1C, v22;
	vm15 =	vgt.f32 v63, v11  }
0x166: {  	v10 =	vsel vm14, v10, v7;
	v19 =	vsel vm14, v19, v15;
	v7 =	vsel vm14, v7, v63  }
0x167: {  	v15 =	vnsel vm14, $0x1D, v15;
	vm0 =	vgt.f32 v29, v27;
	v9 =	vsel vm10, v9, v17  }
0x168: {  	v22 =	vsel vm10, v22, v18;
	v17 =	vsel vm10, v17, v59;
	v18 =	vnsel vm10, $0x1C, v18  }
0x169: {  	vm9 =	vgt.f32 v63, v8;
	v7 =	vsel vm15, v7, v11;
	v15 =	vsel vm15, v15, v14  }
0x16a: {  	v11 =	vsel vm15, v11, v63;
	v14 =	vnsel vm15, $0x1D, v14;
	vm14 =	vgt.f32 v29, v10  }
0x16b: {  	v30 =	vsel vm0, v29, v27;
	v31 =	vsel vm0, $0x1E, v28;
	v17 =	vsel vm11, v17, v16  }
0x16c: {  	v16 =	vsel vm11, v16, v59;
	v18 =	vsel vm11, v18, v21;
	v21 =	vnsel vm11, $0x1C, v21  }
0x16d: {  	vm10 =	vgt.f32 v63, v9;
	v11 =	vsel vm9, v11, v8;
	v8 =	vsel vm9, v8, v63  }
0x16e: {  	v14 =	vsel vm9, v14, v20;
	v20 =	vnsel vm9, $0x1D, v20;
	vm15 =	vgt.f32 v29, v7  }
0x16f: {  	v16 =	vsel vm12, v16, v13;
	v21 =	vsel vm12, v21, v12;
	v13 =	vsel vm12, v13, v59  }
0x170: {  	v32 =	vld [tilespmem:s17+$0x1B80];
	v12 =	vnsel vm12, $0x1C, v12;
	vm11 =	vgt.f32 v63, v17;
	v8 =	vsel vm10, v8, v9  }
0x171: {  	v20 =	vsel vm10, v20, v22;
	v9 =	vsel vm10, v9, v63;
	v22 =	vnsel vm10, $0x1D, v22  }
0x172: {  	vm9 =	vgt.f32 v29, v11;
	v5 =	vsel vm13, v13, v5;
	v6 =	vsel vm13, v12, v6  }
0x173: {  	vm12 =	vgt.f32 v63, v16;
	v9 =	vsel vm11, v9, v17;
	v22 =	vsel vm11, v22, v18  }
0x174: {  	v17 =	vsel vm11, v17, v63;
	v18 =	vnsel vm11, $0x1D, v18;
	vm10 =	vgt.f32 v29, v8  }
0x175: {  	v12 =	vsel vm0, v27, v29;
	v13 =	vnsel vm0, $0x1E, v28;
	vm0 =	vgt.f32 v32, v30  }
0x176: {  	vm13 =	vgt.f32 v63, v5;
	v17 =	vsel vm12, v17, v16;
	v16 =	vsel vm12, v16, v63  }
0x177: {  	v18 =	vsel vm12, v18, v21;
	v21 =	vnsel vm12, $0x1D, v21;
	vm11 =	vgt.f32 v29, v9  }
0x178: {  	v36 =	vld [tilespmem:s17+$0x2000];
	v12 =	vsel vm14, v12, v10;
	v10 =	vsel vm14, v10, v29;
	v13 =	vsel vm14, v13, v19  }
0x179: {  	v19 =	vnsel vm14, $0x1E, v19;
	v34 =	vsel vm0, v32, v30;
	v35 =	vsel vm0, $0x1F, v31  }
0x17a: {  	v5 =	vsel vm13, v16, v5;
	v6 =	vsel vm13, v21, v6;
	vm12 =	vgt.f32 v29, v17  }
0x17b: {  	v10 =	vsel vm15, v10, v7;
	v19 =	vsel vm15, v19, v15;
	v7 =	vsel vm15, v7, v29  }
0x17c: {  	v15 =	vnsel vm15, $0x1E, v15;
	vm14 =	vgt.f32 v32, v12;
	v16 =	vsel vm0, v30, v32  }
0x17d: {  	v21 =	vnsel vm0, $0x1F, v31;
	vm0 =	vgt.f32 v36, v34;
	vm13 =	vgt.f32 v29, v5  }
0x17e: {  	v7 =	vsel vm9, v7, v11;
	v15 =	vsel vm9, v15, v14;
	v11 =	vsel vm9, v11, v29  }
0x17f: {  	v14 =	vnsel vm9, $0x1E, v14;
	v33 =	vnsel vm12, $0x1E, v18;
	vm15 =	vgt.f32 v32, v10  }
0x180: {  	v16 =	vsel vm14, v16, v12;
	v21 =	vsel vm14, v21, v13;
	v12 =	vsel vm14, v12, v32  }
0x181: {  	v13 =	vnsel vm14, $0x1F, v13;
	v37 =	vsel vm0, v36, v34;
	v38 =	vsel vm0, $0x20, v35  }
0x182: {  	v11 =	vsel vm10, v11, v8;
	v8 =	vsel vm10, v8, v29;
	v14 =	vsel vm10, v14, v20  }
0x183: {  	v20 =	vnsel vm10, $0x1E, v20;
	v6 =	vsel vm13, v33, v6;
	vm9 =	vgt.f32 v32, v7  }
0x184: {  	v12 =	vsel vm15, v12, v10;
	v10 =	vsel vm15, v10, v32;
	v13 =	vsel vm15, v13, v19  }
0x185: {  	v19 =	vnsel vm15, $0x1F, v19;
	vm14 =	vgt.f32 v36, v16;
	v8 =	vsel vm11, v8, v9  }
0x186: {  	v20 =	vsel vm11, v20, v22;
	v9 =	vsel vm11, v9, v29;
	v22 =	vnsel vm11, $0x1E, v22  }
0x187: {  	vm10 =	vgt.f32 v32, v11;
	v10 =	vsel vm9, v10, v7;
	v19 =	vsel vm9, v19, v15  }
0x188: {  	v7 =	vsel vm9, v7, v32;
	v15 =	vnsel vm9, $0x1F, v15;
	vm15 =	vgt.f32 v36, v12  }
0x189: {  	v9 =	vsel vm12, v9, v17;
	v17 =	vsel vm12, v17, v29;
	v18 =	vsel vm12, v22, v18  }
0x18a: {  	v39 =	vld [tilespmem:s17+$0x2080];
	vm11 =	vgt.f32 v32, v8;
	v7 =	vsel vm10, v7, v11;
	v15 =	vsel vm10, v15, v14  }
0x18b: {  	v11 =	vsel vm10, v11, v32;
	v14 =	vnsel vm10, $0x1F, v14;
	vm9 =	vgt.f32 v36, v10  }
0x18c: {  	v22 =	vnsel vm0, $0x20, v35;
	v5 =	vsel vm13, v17, v5;
	vm12 =	vgt.f32 v32, v9  }
0x18d: {  	v11 =	vsel vm11, v11, v8;
	v8 =	vsel vm11, v8, v32;
	v14 =	vsel vm11, v14, v20  }
0x18e: {  	v20 =	vnsel vm11, $0x1F, v20;
	vm10 =	vgt.f32 v36, v7;
	v17 =	vsel vm0, v34, v36  }
0x18f: {  	v22 =	vsel vm14, v22, v21;
	v21 =	vnsel vm14, $0x20, v21;
	vm0 =	vgt.f32 v39, v37  }
0x190: {  	vm13 =	vgt.f32 v32, v5;
	v8 =	vsel vm12, v8, v9;
	v20 =	vsel vm12, v20, v18  }
0x191: {  	v9 =	vsel vm12, v9, v32;
	v18 =	vnsel vm12, $0x1F, v18;
	vm11 =	vgt.f32 v36, v11  }
0x192: {  	v42 =	vld [tilespmem:s17+$0x2100];
	v17 =	vsel vm14, v17, v16;
	v16 =	vsel vm14, v16, v36;
	v21 =	vsel vm15, v21, v13  }
0x193: {  	v13 =	vnsel vm15, $0x20, v13;
	v40 =	vsel vm0, v39, v37;
	v41 =	vsel vm0, $0x21, v38  }
0x194: {  	v5 =	vsel vm13, v9, v5;
	v6 =	vsel vm13, v18, v6;
	vm12 =	vgt.f32 v36, v8  }
0x195: {  	v16 =	vsel vm15, v16, v12;
	v12 =	vsel vm15, v12, v36;
	v13 =	vsel vm9, v13, v19  }
0x196: {  	v19 =	vnsel vm9, $0x20, v19;
	vm14 =	vgt.f32 v39, v17;
	v9 =	vsel vm0, v37, v39  }
0x197: {  	v18 =	vnsel vm0, $0x21, v38;
	vm0 =	vgt.f32 v42, v40;
	vm13 =	vgt.f32 v36, v5  }
0x198: {  	v12 =	vsel vm9, v12, v10;
	v10 =	vsel vm9, v10, v36;
	v19 =	vsel vm10, v19, v15  }
0x199: {  	v15 =	vnsel vm10, $0x20, v15;
	vm15 =	vgt.f32 v39, v16;
	v9 =	vsel vm14, v9, v17  }
0x19a: {  	v17 =	vsel vm14, v17, v39;
	v18 =	vsel vm14, v18, v22;
	v22 =	vnsel vm14, $0x21, v22  }
0x19b: {  	v44 =	vsel vm0, v42, v40;
	v45 =	vsel vm0, $0x22, v41;
	v10 =	vsel vm10, v10, v7  }
0x19c: {  	v7 =	vsel vm10, v7, v36;
	v15 =	vsel vm11, v15, v14;
	v14 =	vnsel vm11, $0x20, v14  }
0x19d: {  	vm9 =	vgt.f32 v39, v12;
	v17 =	vsel vm15, v17, v16;
	v22 =	vsel vm15, v22, v21  }
0x19e: {  	v16 =	vsel vm15, v16, v39;
	v21 =	vnsel vm15, $0x21, v21;
	vm14 =	vgt.f32 v42, v9  }
0x19f: {  	v7 =	vsel vm11, v7, v11;
	v11 =	vsel vm11, v11, v36;
	v14 =	vsel vm12, v14, v20  }
0x1a0: {  	v20 =	vnsel vm12, $0x20, v20;
	vm10 =	vgt.f32 v39, v10;
	v16 =	vsel vm9, v16, v12  }
0x1a1: {  	v21 =	vsel vm9, v21, v13;
	v12 =	vsel vm9, v12, v39;
	v13 =	vnsel vm9, $0x21, v13  }
0x1a2: {  	vm15 =	vgt.f32 v42, v17;
	v11 =	vsel vm12, v11, v8;
	v8 =	vsel vm12, v8, v36  }
0x1a3: {  	v6 =	vsel vm13, v20, v6;
	vm11 =	vgt.f32 v39, v7;
	v12 =	vsel vm10, v12, v10  }
0x1a4: {  	v46 =	vld [tilespmem:s17+$0x2180];
	v10 =	vsel vm10, v10, v39;
	v13 =	vsel vm10, v13, v19;
	v19 =	vnsel vm10, $0x21, v19  }
0x1a5: {  	vm9 =	vgt.f32 v42, v16;
	v20 =	vnsel vm0, $0x22, v41;
	v5 =	vsel vm13, v8, v5  }
0x1a6: {  	vm12 =	vgt.f32 v39, v11;
	v10 =	vsel vm11, v10, v7;
	v19 =	vsel vm11, v19, v15  }
0x1a7: {  	v7 =	vsel vm11, v7, v39;
	v15 =	vnsel vm11, $0x21, v15;
	vm10 =	vgt.f32 v42, v12  }
0x1a8: {  	v8 =	vsel vm0, v40, v42;
	v20 =	vsel vm14, v20, v18;
	v18 =	vnsel vm14, $0x22, v18  }
0x1a9: {  	vm0 =	vgt.f32 v46, v44;
	vm13 =	vgt.f32 v39, v5;
	v7 =	vsel vm12, v7, v11  }
0x1aa: {  	v11 =	vsel vm12, v11, v39;
	v43 =	vnsel vm12, $0x21, v14;
	v14 =	vsel vm12, v15, v14  }
0x1ab: {  	vm11 =	vgt.f32 v42, v10;
	v8 =	vsel vm14, v8, v9;
	v9 =	vsel vm14, v9, v42  }
0x1ac: {  	v18 =	vsel vm15, v18, v22;
	v22 =	vnsel vm15, $0x22, v22;
	v47 =	vsel vm0, $0x23, v45  }
0x1ad: {  	v15 =	vnsel vm0, $0x23, v45;
	v5 =	vsel vm13, v11, v5;
	v6 =	vsel vm13, v43, v6  }
0x1ae: {  	vm12 =	vgt.f32 v42, v7;
	v9 =	vsel vm15, v9, v17;
	v17 =	vsel vm15, v17, v42  }
0x1af: {  	v22 =	vsel vm9, v22, v21;
	v21 =	vnsel vm9, $0x22, v21;
	vm14 =	vgt.f32 v46, v8  }
0x1b0: {  	v11 =	vsel vm0, v44, v46;
	vm13 =	vgt.f32 v42, v5;
	v17 =	vsel vm9, v17, v16  }
0x1b1: {  	v48 =	vld [tilespmem:s17+$0x2200];
	v16 =	vsel vm9, v16, v42;
	v21 =	vsel vm10, v21, v13;
	v13 =	vnsel vm10, $0x22, v13  }
0x1b2: {  	vm15 =	vgt.f32 v46, v9;
	v11 =	vsel vm14, v11, v8;
	v15 =	vsel vm14, v15, v20  }
0x1b3: {  	v8 =	vsel vm14, v8, v46;
	v20 =	vnsel vm14, $0x23, v20;
	v16 =	vsel vm10, v16, v12  }
0x1b4: {  	v12 =	vsel vm10, v12, v42;
	v13 =	vsel vm11, v13, v19;
	v19 =	vnsel vm11, $0x22, v19  }
0x1b5: {  	vm9 =	vgt.f32 v46, v17;
	v8 =	vsel vm15, v8, v9;
	v20 =	vsel vm15, v20, v18  }
0x1b6: {  	v9 =	vsel vm15, v9, v46;
	v18 =	vnsel vm15, $0x23, v18;
	vm14 =	vgt.f32 v48, v11  }
0x1b7: {  	v12 =	vsel vm11, v12, v10;
	v10 =	vsel vm11, v10, v42;
	v19 =	vsel vm12, v19, v14  }
0x1b8: {  	v14 =	vnsel vm12, $0x22, v14;
	vm10 =	vgt.f32 v46, v16;
	v9 =	vsel vm9, v9, v17  }
0x1b9: {  	v17 =	vsel vm9, v17, v46;
	v18 =	vsel vm9, v18, v22;
	v22 =	vnsel vm9, $0x23, v22  }
0x1ba: {  	vm15 =	vgt.f32 v48, v8;
	v10 =	vsel vm12, v10, v7;
	v7 =	vsel vm12, v7, v42  }
0x1bb: {  	v6 =	vsel vm13, v14, v6;
	vm11 =	vgt.f32 v46, v12;
	v17 =	vsel vm10, v17, v16  }
0x1bc: {  	v22 =	vsel vm10, v22, v21;
	v16 =	vsel vm10, v16, v46;
	v21 =	vnsel vm10, $0x23, v21  }
0x1bd: {  	vm9 =	vgt.f32 v48, v9;
	v5 =	vsel vm13, v7, v5;
	vm12 =	vgt.f32 v46, v10  }
0x1be: {  	v7 =	vsel vm0, v46, v44;
	v16 =	vsel vm11, v16, v12;
	v21 =	vsel vm11, v21, v13  }
0x1bf: {  	v12 =	vsel vm11, v12, v46;
	v13 =	vnsel vm11, $0x23, v13;
	vm10 =	vgt.f32 v48, v17  }
0x1c0: {  	vm13 =	vgt.f32 v46, v5;
	v12 =	vsel vm12, v12, v10;
	v10 =	vsel vm12, v10, v46  }
0x1c1: {  	v51 =	vld [tilespmem:s17+$0x2280];
	v13 =	vsel vm12, v13, v19;
	v19 =	vnsel vm12, $0x23, v19;
	vm0 =	vgt.f32 v48, v7  }
0x1c2: {  	vm11 =	vgt.f32 v48, v16;
	v5 =	vsel vm13, v10, v5;
	v6 =	vsel vm13, v19, v6  }
0x1c3: {  	vm12 =	vgt.f32 v48, v12;
	v49 =	vsel vm0, v48, v7;
	v50 =	vsel vm0, $0x24, v47  }
0x1c4: {  	v7 =	vsel vm0, v7, v48;
	v14 =	vnsel vm0, $0x24, v47;
	vm13 =	vgt.f32 v48, v5  }
0x1c5: {  	v7 =	vsel vm14, v7, v11;
	v11 =	vsel vm14, v11, v48;
	v14 =	vsel vm14, v14, v15  }
0x1c6: {  	v15 =	vnsel vm14, $0x24, v15;
	v52 =	vnsel vm12, $0x24, v13;
	vm0 =	vgt.f32 v51, v49  }
0x1c7: {  	v11 =	vsel vm15, v11, v8;
	v15 =	vsel vm15, v15, v20;
	v8 =	vsel vm15, v8, v48  }
0x1c8: {  	v55 =	vld [tilespmem:s17+$0x2300];
	v20 =	vnsel vm15, $0x24, v20;
	v6 =	vsel vm13, v52, v6;
	vm14 =	vgt.f32 v51, v7  }
0x1c9: {  	v53 =	vsel vm0, v51, v49;
	v54 =	vsel vm0, $0x25, v50;
	v10 =	vsel vm0, v49, v51  }
0x1ca: {  	v19 =	vnsel vm0, $0x25, v50;
	v8 =	vsel vm9, v8, v9;
	v20 =	vsel vm9, v20, v18  }
0x1cb: {  	v9 =	vsel vm9, v9, v48;
	v18 =	vnsel vm9, $0x24, v18;
	vm15 =	vgt.f32 v51, v11  }
0x1cc: {  	v10 =	vsel vm14, v10, v7;
	v19 =	vsel vm14, v19, v14;
	v7 =	vsel vm14, v7, v51  }
0x1cd: {  	v14 =	vnsel vm14, $0x25, v14;
	vm0 =	vgt.f32 v55, v53;
	v9 =	vsel vm10, v9, v17  }
0x1ce: {  	v17 =	vsel vm10, v17, v48;
	v18 =	vsel vm10, v18, v22;
	v22 =	vnsel vm10, $0x24, v22  }
0x1cf: {  	vm9 =	vgt.f32 v51, v8;
	v7 =	vsel vm15, v7, v11;
	v11 =	vsel vm15, v11, v51  }
0x1d0: {  	v14 =	vsel vm15, v14, v15;
	v15 =	vnsel vm15, $0x25, v15;
	vm14 =	vgt.f32 v55, v10  }
0x1d1: {  	v56 =	vsel vm0, v55, v53;
	v57 =	vsel vm0, $0x26, v54;
	v17 =	vsel vm11, v17, v16  }
0x1d2: {  	v22 =	vsel vm11, v22, v21;
	v16 =	vsel vm11, v16, v48;
	v21 =	vnsel vm11, $0x24, v21  }
0x1d3: {  	vm10 =	vgt.f32 v51, v9;
	v11 =	vsel vm9, v11, v8;
	v15 =	vsel vm9, v15, v20  }
0x1d4: {  	v8 =	vsel vm9, v8, v51;
	v20 =	vnsel vm9, $0x25, v20;
	vm15 =	vgt.f32 v55, v7  }
0x1d5: {  	v16 =	vsel vm12, v16, v12;
	v12 =	vsel vm12, v12, v48;
	v13 =	vsel vm12, v21, v13  }
0x1d6: {  	v58 =	vld [tilespmem:s17+$0x2380];
	vm11 =	vgt.f32 v51, v17;
	v8 =	vsel vm10, v8, v9;
	v20 =	vsel vm10, v20, v18  }
0x1d7: {  	v9 =	vsel vm10, v9, v51;
	v18 =	vnsel vm10, $0x25, v18;
	vm9 =	vgt.f32 v55, v11  }
0x1d8: {  	v21 =	vnsel vm0, $0x26, v54;
	v5 =	vsel vm13, v12, v5;
	vm12 =	vgt.f32 v51, v16  }
0x1d9: {  	v9 =	vsel vm11, v9, v17;
	v17 =	vsel vm11, v17, v51;
	v18 =	vsel vm11, v18, v22  }
0x1da: {  	v22 =	vnsel vm11, $0x25, v22;
	vm10 =	vgt.f32 v55, v8;
	v12 =	vsel vm0, v53, v55  }
0x1db: {  	v21 =	vsel vm14, v21, v19;
	v19 =	vnsel vm14, $0x26, v19;
	vm0 =	vgt.f32 v58, v56  }
0x1dc: {  	vm13 =	vgt.f32 v51, v5;
	v17 =	vsel vm12, v17, v16;
	v22 =	vsel vm12, v22, v13  }
0x1dd: {  	v16 =	vsel vm12, v16, v51;
	v13 =	vnsel vm12, $0x25, v13;
	vm11 =	vgt.f32 v55, v9  }
0x1de: {  	v61 =	vld [tilespmem:s17+$0x2800];
	v12 =	vsel vm14, v12, v10;
	v10 =	vsel vm14, v10, v55;
	v19 =	vsel vm15, v19, v14  }
0x1df: {  	v14 =	vnsel vm15, $0x26, v14;
	v59 =	vsel vm0, v58, v56;
	v60 =	vsel vm0, $0x27, v57  }
0x1e0: {  	v5 =	vsel vm13, v16, v5;
	v6 =	vsel vm13, v13, v6;
	vm12 =	vgt.f32 v55, v17  }
0x1e1: {  	v10 =	vsel vm15, v10, v7;
	v7 =	vsel vm15, v7, v55;
	v14 =	vsel vm9, v14, v15  }
0x1e2: {  	v15 =	vnsel vm9, $0x26, v15;
	vm14 =	vgt.f32 v58, v12;
	v13 =	vsel vm0, v56, v58  }
0x1e3: {  	v16 =	vnsel vm0, $0x27, v57;
	vm0 =	vgt.f32 v61, v59;
	vm13 =	vgt.f32 v55, v5  }
0x1e4: {  	v7 =	vsel vm9, v7, v11;
	v11 =	vsel vm9, v11, v55;
	v15 =	vsel vm10, v15, v20  }
0x1e5: {  	v20 =	vnsel vm10, $0x26, v20;
	vm15 =	vgt.f32 v58, v10;
	v13 =	vsel vm14, v13, v12  }
0x1e6: {  	v12 =	vsel vm14, v12, v58;
	v16 =	vsel vm14, v16, v21;
	v21 =	vnsel vm14, $0x27, v21  }
0x1e7: {  	v63 =	vsel vm0, v61, v59;
	v28 =	vsel vm0, $0x28, v60;
	v11 =	vsel vm10, v11, v8  }
0x1e8: {  	v8 =	vsel vm10, v8, v55;
	v20 =	vsel vm11, v20, v18;
	v18 =	vnsel vm11, $0x26, v18  }
0x1e9: {  	vm9 =	vgt.f32 v58, v7;
	v12 =	vsel vm15, v12, v10;
	v21 =	vsel vm15, v21, v19  }
0x1ea: {  	v10 =	vsel vm15, v10, v58;
	v19 =	vnsel vm15, $0x27, v19;
	vm14 =	vgt.f32 v61, v13  }
0x1eb: {  	v8 =	vsel vm11, v8, v9;
	v9 =	vsel vm11, v9, v55;
	v18 =	vsel vm12, v18, v22  }
0x1ec: {  	v22 =	vnsel vm12, $0x26, v22;
	vm10 =	vgt.f32 v58, v11;
	v10 =	vsel vm9, v10, v7  }
0x1ed: {  	v19 =	vsel vm9, v19, v14;
	v7 =	vsel vm9, v7, v58;
	v14 =	vnsel vm9, $0x27, v14  }
0x1ee: {  	vm15 =	vgt.f32 v61, v12;
	v9 =	vsel vm12, v9, v17;
	v17 =	vsel vm12, v17, v55  }
0x1ef: {  	v6 =	vsel vm13, v22, v6;
	vm11 =	vgt.f32 v58, v8;
	v7 =	vsel vm10, v7, v11  }
0x1f0: {  	v29 =	vld [tilespmem:s17+$0x2880];
	v11 =	vsel vm10, v11, v58;
	v14 =	vsel vm10, v14, v15;
	v15 =	vnsel vm10, $0x27, v15  }
0x1f1: {  	vm9 =	vgt.f32 v61, v10;
	v22 =	vnsel vm0, $0x28, v60;
	v5 =	vsel vm13, v17, v5  }
0x1f2: {  	vm12 =	vgt.f32 v58, v9;
	v11 =	vsel vm11, v11, v8;
	v15 =	vsel vm11, v15, v20  }
0x1f3: {  	v8 =	vsel vm11, v8, v58;
	v20 =	vnsel vm11, $0x27, v20;
	vm10 =	vgt.f32 v61, v7  }
0x1f4: {  	v17 =	vsel vm0, v59, v61;
	v22 =	vsel vm14, v22, v16;
	v16 =	vnsel vm14, $0x28, v16  }
0x1f5: {  	vm0 =	vgt.f32 v29, v63;
	vm13 =	vgt.f32 v58, v5;
	v8 =	vsel vm12, v8, v9  }
0x1f6: {  	v9 =	vsel vm12, v9, v58;
	v62 =	vnsel vm12, $0x27, v18;
	v18 =	vsel vm12, v20, v18  }
0x1f7: {  	v32 =	vld [tilespmem:s17+$0x2900];
	vm11 =	vgt.f32 v61, v11;
	v17 =	vsel vm14, v17, v13;
	v13 =	vsel vm14, v13, v61  }
0x1f8: {  	v16 =	vsel vm15, v16, v21;
	v21 =	vnsel vm15, $0x28, v21;
	v30 =	vsel vm0, v29, v63  }
0x1f9: {  	v31 =	vsel vm0, $0x29, v28;
	v20 =	vnsel vm0, $0x29, v28;
	v5 =	vsel vm13, v9, v5  }
0x1fa: {  	v6 =	vsel vm13, v62, v6;
	vm12 =	vgt.f32 v61, v8;
	v13 =	vsel vm15, v13, v12  }
0x1fb: {  	v12 =	vsel vm15, v12, v61;
	v21 =	vsel vm9, v21, v19;
	v19 =	vnsel vm9, $0x28, v19  }
0x1fc: {  	vm14 =	vgt.f32 v29, v17;
	v9 =	vsel vm0, v63, v29;
	vm0 =	vgt.f32 v32, v30  }
0x1fd: {  	vm13 =	vgt.f32 v61, v5;
	v12 =	vsel vm9, v12, v10;
	v10 =	vsel vm9, v10, v61  }
0x1fe: {  	v19 =	vsel vm10, v19, v14;
	v14 =	vnsel vm10, $0x28, v14;
	vm15 =	vgt.f32 v29, v13  }
0x1ff: {  	v9 =	vsel vm14, v9, v17;
	v20 =	vsel vm14, v20, v22;
	v17 =	vsel vm14, v17, v29  }
0x200: {  	v22 =	vnsel vm14, $0x29, v22;
	v33 =	vsel vm0, v32, v30;
	v34 =	vsel vm0, $0x2A, v31  }
0x201: {  	v10 =	vsel vm10, v10, v7;
	v7 =	vsel vm10, v7, v61;
	v14 =	vsel vm11, v14, v15  }
0x202: {  	v15 =	vnsel vm11, $0x28, v15;
	vm9 =	vgt.f32 v29, v12;
	v17 =	vsel vm15, v17, v13  }
0x203: {  	v22 =	vsel vm15, v22, v16;
	v13 =	vsel vm15, v13, v29;
	v16 =	vnsel vm15, $0x29, v16  }
0x204: {  	vm14 =	vgt.f32 v32, v9;
	v7 =	vsel vm11, v7, v11;
	v11 =	vsel vm11, v11, v61  }
0x205: {  	v15 =	vsel vm12, v15, v18;
	v18 =	vnsel vm12, $0x28, v18;
	vm10 =	vgt.f32 v29, v10  }
0x206: {  	v13 =	vsel vm9, v13, v12;
	v12 =	vsel vm9, v12, v29;
	v16 =	vsel vm9, v16, v21  }
0x207: {  	v21 =	vnsel vm9, $0x29, v21;
	vm15 =	vgt.f32 v32, v17;
	v11 =	vsel vm12, v11, v8  }
0x208: {  	v8 =	vsel vm12, v8, v61;
	v6 =	vsel vm13, v18, v6;
	vm11 =	vgt.f32 v29, v7  }
0x209: {  	v35 =	vld [tilespmem:s17+$0x2980];
	v12 =	vsel vm10, v12, v10;
	v21 =	vsel vm10, v21, v19;
	v10 =	vsel vm10, v10, v29  }
0x20a: {  	v19 =	vnsel vm10, $0x29, v19;
	vm9 =	vgt.f32 v32, v13;
	v18 =	vnsel vm0, $0x2A, v31  }
0x20b: {  	v5 =	vsel vm13, v8, v5;
	vm12 =	vgt.f32 v29, v11;
	v10 =	vsel vm11, v10, v7  }
0x20c: {  	v19 =	vsel vm11, v19, v14;
	v7 =	vsel vm11, v7, v29;
	v14 =	vnsel vm11, $0x29, v14  }
0x20d: {  	vm10 =	vgt.f32 v32, v12;
	v8 =	vsel vm0, v30, v32;
	v18 =	vsel vm14, v18, v20  }
0x20e: {  	v20 =	vnsel vm14, $0x2A, v20;
	vm0 =	vgt.f32 v35, v33;
	vm13 =	vgt.f32 v29, v5  }
0x20f: {  	v7 =	vsel vm12, v7, v11;
	v11 =	vsel vm12, v11, v29;
	v14 =	vsel vm12, v14, v15  }
0x210: {  	v15 =	vnsel vm12, $0x29, v15;
	vm11 =	vgt.f32 v32, v10;
	v8 =	vsel vm14, v8, v9  }
0x211: {  	v9 =	vsel vm14, v9, v32;
	v20 =	vsel vm15, v20, v22;
	v22 =	vnsel vm15, $0x2A, v22  }
0x212: {  	v37 =	vsel vm0, $0x2B, v34;
	v5 =	vsel vm13, v11, v5;
	v6 =	vsel vm13, v15, v6  }
0x213: {  	vm12 =	vgt.f32 v32, v7;
	v9 =	vsel vm15, v9, v17;
	v17 =	vsel vm15, v17, v32  }
0x214: {  	v22 =	vsel vm9, v22, v16;
	v16 =	vnsel vm9, $0x2A, v16;
	vm14 =	vgt.f32 v35, v8  }
0x215: {  	v11 =	vsel vm0, v33, v35;
	v15 =	vnsel vm0, $0x2B, v34;
	vm13 =	vgt.f32 v32, v5  }
0x216: {  	v17 =	vsel vm9, v17, v13;
	v13 =	vsel vm9, v13, v32;
	v16 =	vsel vm10, v16, v21  }
0x217: {  	v38 =	vld [tilespmem:s17+$0x2A00];
	v21 =	vnsel vm10, $0x2A, v21;
	v36 =	vnsel vm12, $0x2A, v14;
	vm15 =	vgt.f32 v35, v9  }
0x218: {  	v11 =	vsel vm14, v11, v8;
	v15 =	vsel vm14, v15, v18;
	v8 =	vsel vm14, v8, v35  }
0x219: {  	v18 =	vnsel vm14, $0x2B, v18;
	v13 =	vsel vm10, v13, v12;
	v12 =	vsel vm10, v12, v32  }
0x21a: {  	v21 =	vsel vm11, v21, v19;
	v19 =	vnsel vm11, $0x2A, v19;
	v6 =	vsel vm13, v36, v6  }
0x21b: {  	vm9 =	vgt.f32 v35, v17;
	v8 =	vsel vm15, v8, v9;
	v9 =	vsel vm15, v9, v35  }
0x21c: {  	v18 =	vsel vm15, v18, v20;
	v20 =	vnsel vm15, $0x2B, v20;
	vm14 =	vgt.f32 v38, v11  }
0x21d: {  	v12 =	vsel vm11, v12, v10;
	v10 =	vsel vm11, v10, v32;
	v14 =	vsel vm12, v19, v14  }
0x21e: {  	vm10 =	vgt.f32 v35, v13;
	v9 =	vsel vm9, v9, v17;
	v20 =	vsel vm9, v20, v22  }
0x21f: {  	v17 =	vsel vm9, v17, v35;
	v22 =	vnsel vm9, $0x2B, v22;
	vm15 =	vgt.f32 v38, v8  }
0x220: {  	v10 =	vsel vm12, v10, v7;
	v7 =	vsel vm12, v7, v32;
	vm11 =	vgt.f32 v35, v12  }
0x221: {  	v17 =	vsel vm10, v17, v13;
	v22 =	vsel vm10, v22, v16;
	v13 =	vsel vm10, v13, v35  }
0x222: {  	v16 =	vnsel vm10, $0x2B, v16;
	vm9 =	vgt.f32 v38, v9;
	v5 =	vsel vm13, v7, v5  }
0x223: {  	vm12 =	vgt.f32 v35, v10;
	v7 =	vsel vm0, v35, v33;
	v13 =	vsel vm11, v13, v12  }
0x224: {  	v12 =	vsel vm11, v12, v35;
	v16 =	vsel vm11, v16, v21;
	v21 =	vnsel vm11, $0x2B, v21  }
0x225: {  	vm10 =	vgt.f32 v38, v17;
	vm13 =	vgt.f32 v35, v5;
	v12 =	vsel vm12, v12, v10  }
0x226: {  	v41 =	vld [tilespmem:s17+$0x2A80];
	v21 =	vsel vm12, v21, v14;
	v10 =	vsel vm12, v10, v35;
	v14 =	vnsel vm12, $0x2B, v14  }
0x227: {  	vm0 =	vgt.f32 v38, v7;
	vm11 =	vgt.f32 v38, v13;
	v5 =	vsel vm13, v10, v5  }
0x228: {  	v6 =	vsel vm13, v14, v6;
	vm12 =	vgt.f32 v38, v12;
	v39 =	vsel vm0, v38, v7  }
0x229: {  	v7 =	vsel vm0, v7, v38;
	v40 =	vsel vm0, $0x2C, v37;
	v19 =	vnsel vm0, $0x2C, v37  }
0x22a: {  	vm13 =	vgt.f32 v38, v5;
	v7 =	vsel vm14, v7, v11;
	v19 =	vsel vm14, v19, v15  }
0x22b: {  	v11 =	vsel vm14, v11, v38;
	v15 =	vnsel vm14, $0x2C, v15;
	vm0 =	vgt.f32 v41, v39  }
0x22c: {  	v11 =	vsel vm15, v11, v8;
	v15 =	vsel vm15, v15, v18;
	v8 =	vsel vm15, v8, v38  }
0x22d: {  	v44 =	vld [tilespmem:s17+$0x2B00];
	v18 =	vnsel vm15, $0x2C, v18;
	vm14 =	vgt.f32 v41, v7;
	v42 =	vsel vm0, v41, v39  }
0x22e: {  	v43 =	vsel vm0, $0x2D, v40;
	v10 =	vsel vm0, v39, v41;
	v14 =	vnsel vm0, $0x2D, v40  }
0x22f: {  	v8 =	vsel vm9, v8, v9;
	v9 =	vsel vm9, v9, v38;
	v18 =	vsel vm9, v18, v20  }
0x230: {  	v20 =	vnsel vm9, $0x2C, v20;
	vm15 =	vgt.f32 v41, v11;
	v10 =	vsel vm14, v10, v7  }
0x231: {  	v7 =	vsel vm14, v7, v41;
	v14 =	vsel vm14, v14, v19;
	v19 =	vnsel vm14, $0x2D, v19  }
0x232: {  	vm0 =	vgt.f32 v44, v42;
	v9 =	vsel vm10, v9, v17;
	v20 =	vsel vm10, v20, v22  }
0x233: {  	v17 =	vsel vm10, v17, v38;
	v22 =	vnsel vm10, $0x2C, v22;
	vm9 =	vgt.f32 v41, v8  }
0x234: {  	v7 =	vsel vm15, v7, v11;
	v19 =	vsel vm15, v19, v15;
	v11 =	vsel vm15, v11, v41  }
0x235: {  	v15 =	vnsel vm15, $0x2D, v15;
	vm14 =	vgt.f32 v44, v10;
	v46 =	vsel vm0, v44, v42  }
0x236: {  	v47 =	vsel vm0, $0x2E, v43;
	v17 =	vsel vm11, v17, v13;
	v22 =	vsel vm11, v22, v16  }
0x237: {  	v13 =	vsel vm11, v13, v38;
	v16 =	vnsel vm11, $0x2C, v16;
	vm10 =	vgt.f32 v41, v9  }
0x238: {  	v11 =	vsel vm9, v11, v8;
	v15 =	vsel vm9, v15, v18;
	v8 =	vsel vm9, v8, v41  }
0x239: {  	v18 =	vnsel vm9, $0x2D, v18;
	vm15 =	vgt.f32 v44, v7;
	v13 =	vsel vm12, v13, v12  }
0x23a: {  	v12 =	vsel vm12, v12, v38;
	v16 =	vsel vm12, v16, v21;
	v21 =	vnsel vm12, $0x2C, v21  }
0x23b: {  	v48 =	vld [tilespmem:s17+$0x2B80];
	vm11 =	vgt.f32 v41, v17;
	v8 =	vsel vm10, v8, v9;
	v9 =	vsel vm10, v9, v41  }
0x23c: {  	v18 =	vsel vm10, v18, v20;
	v20 =	vnsel vm10, $0x2D, v20;
	vm9 =	vgt.f32 v44, v11  }
0x23d: {  	v5 =	vsel vm13, v12, v5;
	v6 =	vsel vm13, v21, v6;
	vm12 =	vgt.f32 v41, v13  }
0x23e: {  	v9 =	vsel vm11, v9, v17;
	v20 =	vsel vm11, v20, v22;
	v17 =	vsel vm11, v17, v41  }
0x23f: {  	v22 =	vnsel vm11, $0x2D, v22;
	vm10 =	vgt.f32 v44, v8;
	v12 =	vsel vm0, v42, v44  }
0x240: {  	v21 =	vnsel vm0, $0x2E, v43;
	vm0 =	vgt.f32 v48, v46;
	vm13 =	vgt.f32 v41, v5  }
0x241: {  	v17 =	vsel vm12, v17, v13;
	v13 =	vsel vm12, v13, v41;
	v45 =	vnsel vm12, $0x2D, v16  }
0x242: {  	v16 =	vsel vm12, v22, v16;
	vm11 =	vgt.f32 v44, v9;
	v12 =	vsel vm14, v12, v10  }
0x243: {  	v51 =	vld [tilespmem:s17+$0x3000];
	v21 =	vsel vm14, v21, v14;
	v10 =	vsel vm14, v10, v44;
	v14 =	vnsel vm14, $0x2E, v14  }
0x244: {  	v49 =	vsel vm0, v48, v46;
	v50 =	vsel vm0, $0x2F, v47;
	v22 =	vnsel vm0, $0x2F, v47  }
0x245: {  	v5 =	vsel vm13, v13, v5;
	v6 =	vsel vm13, v45, v6;
	vm12 =	vgt.f32 v44, v17  }
0x246: {  	v10 =	vsel vm15, v10, v7;
	v7 =	vsel vm15, v7, v44;
	v14 =	vsel vm15, v14, v19  }
0x247: {  	v19 =	vnsel vm15, $0x2E, v19;
	vm14 =	vgt.f32 v48, v12;
	v13 =	vsel vm0, v46, v48  }
0x248: {  	vm0 =	vgt.f32 v51, v49;
	vm13 =	vgt.f32 v44, v5;
	v7 =	vsel vm9, v7, v11  }
0x249: {  	v19 =	vsel vm9, v19, v15;
	v11 =	vsel vm9, v11, v44;
	v15 =	vnsel vm9, $0x2E, v15  }
0x24a: {  	vm15 =	vgt.f32 v48, v10;
	v13 =	vsel vm14, v13, v12;
	v22 =	vsel vm14, v22, v21  }
0x24b: {  	v12 =	vsel vm14, v12, v48;
	v21 =	vnsel vm14, $0x2F, v21;
	v52 =	vsel vm0, v51, v49  }
0x24c: {  	v53 =	vsel vm0, $0x30, v50;
	v11 =	vsel vm10, v11, v8;
	v15 =	vsel vm10, v15, v18  }
0x24d: {  	v8 =	vsel vm10, v8, v44;
	v18 =	vnsel vm10, $0x2E, v18;
	vm9 =	vgt.f32 v48, v7  }
0x24e: {  	v12 =	vsel vm15, v12, v10;
	v21 =	vsel vm15, v21, v14;
	v10 =	vsel vm15, v10, v48  }
0x24f: {  	v14 =	vnsel vm15, $0x2F, v14;
	vm14 =	vgt.f32 v51, v13;
	v8 =	vsel vm11, v8, v9  }
0x250: {  	v9 =	vsel vm11, v9, v44;
	v18 =	vsel vm11, v18, v20;
	v20 =	vnsel vm11, $0x2E, v20  }
0x251: {  	vm10 =	vgt.f32 v48, v11;
	v10 =	vsel vm9, v10, v7;
	v7 =	vsel vm9, v7, v48  }
0x252: {  	v14 =	vsel vm9, v14, v19;
	v19 =	vnsel vm9, $0x2F, v19;
	vm15 =	vgt.f32 v51, v12  }
0x253: {  	v9 =	vsel vm12, v9, v17;
	v20 =	vsel vm12, v20, v16;
	v17 =	vsel vm12, v17, v44  }
0x254: {  	v54 =	vld [tilespmem:s17+$0x3080];
	v16 =	vnsel vm12, $0x2E, v16;
	vm11 =	vgt.f32 v48, v8;
	v7 =	vsel vm10, v7, v11  }
0x255: {  	v19 =	vsel vm10, v19, v15;
	v11 =	vsel vm10, v11, v48;
	v15 =	vnsel vm10, $0x2F, v15  }
0x256: {  	vm9 =	vgt.f32 v51, v10;
	v5 =	vsel vm13, v17, v5;
	v6 =	vsel vm13, v16, v6  }
0x257: {  	vm12 =	vgt.f32 v48, v9;
	v11 =	vsel vm11, v11, v8;
	v15 =	vsel vm11, v15, v18  }
0x258: {  	v8 =	vsel vm11, v8, v48;
	v18 =	vnsel vm11, $0x2F, v18;
	vm10 =	vgt.f32 v51, v7  }
0x259: {  	v16 =	vsel vm0, v49, v51;
	v17 =	vnsel vm0, $0x30, v50;
	vm0 =	vgt.f32 v54, v52  }
0x25a: {  	vm13 =	vgt.f32 v48, v5;
	v8 =	vsel vm12, v8, v9;
	v9 =	vsel vm12, v9, v48  }
0x25b: {  	v18 =	vsel vm12, v18, v20;
	v20 =	vnsel vm12, $0x2F, v20;
	vm11 =	vgt.f32 v51, v11  }
0x25c: {  	v58 =	vld [tilespmem:s17+$0x3100];
	v16 =	vsel vm14, v16, v13;
	v13 =	vsel vm14, v13, v51;
	v17 =	vsel vm14, v17, v22  }
0x25d: {  	v22 =	vnsel vm14, $0x30, v22;
	v56 =	vsel vm0, v54, v52;
	v57 =	vsel vm0, $0x31, v53  }
0x25e: {  	v5 =	vsel vm13, v9, v5;
	v6 =	vsel vm13, v20, v6;
	vm12 =	vgt.f32 v51, v8  }
0x25f: {  	v13 =	vsel vm15, v13, v12;
	v22 =	vsel vm15, v22, v21;
	v12 =	vsel vm15, v12, v51  }
0x260: {  	v21 =	vnsel vm15, $0x30, v21;
	vm14 =	vgt.f32 v54, v16;
	v9 =	vsel vm0, v52, v54  }
0x261: {  	v20 =	vnsel vm0, $0x31, v53;
	vm0 =	vgt.f32 v58, v56;
	vm13 =	vgt.f32 v51, v5  }
0x262: {  	v12 =	vsel vm9, v12, v10;
	v21 =	vsel vm9, v21, v14;
	v10 =	vsel vm9, v10, v51  }
0x263: {  	v14 =	vnsel vm9, $0x30, v14;
	v55 =	vnsel vm12, $0x30, v18;
	vm15 =	vgt.f32 v54, v13  }
0x264: {  	v9 =	vsel vm14, v9, v16;
	v20 =	vsel vm14, v20, v17;
	v16 =	vsel vm14, v16, v54  }
0x265: {  	v17 =	vnsel vm14, $0x31, v17;
	v59 =	vsel vm0, v58, v56;
	v60 =	vsel vm0, $0x32, v57  }
0x266: {  	v10 =	vsel vm10, v10, v7;
	v7 =	vsel vm10, v7, v51;
	v14 =	vsel vm10, v14, v19  }
0x267: {  	v19 =	vnsel vm10, $0x30, v19;
	v6 =	vsel vm13, v55, v6;
	vm9 =	vgt.f32 v54, v12  }
0x268: {  	v16 =	vsel vm15, v16, v13;
	v13 =	vsel vm15, v13, v54;
	v17 =	vsel vm15, v17, v22  }
0x269: {  	v22 =	vnsel vm15, $0x31, v22;
	vm14 =	vgt.f32 v58, v9;
	v7 =	vsel vm11, v7, v11  }
0x26a: {  	v19 =	vsel vm11, v19, v15;
	v11 =	vsel vm11, v11, v51;
	v15 =	vnsel vm11, $0x30, v15  }
0x26b: {  	vm10 =	vgt.f32 v54, v10;
	v13 =	vsel vm9, v13, v12;
	v22 =	vsel vm9, v22, v21  }
0x26c: {  	v12 =	vsel vm9, v12, v54;
	v21 =	vnsel vm9, $0x31, v21;
	vm15 =	vgt.f32 v58, v16  }
0x26d: {  	v11 =	vsel vm12, v11, v8;
	v8 =	vsel vm12, v8, v51;
	v15 =	vsel vm12, v15, v18  }
0x26e: {  	v61 =	vld [tilespmem:s17+$0x3180];
	vm11 =	vgt.f32 v54, v7;
	v12 =	vsel vm10, v12, v10;
	v21 =	vsel vm10, v21, v14  }
0x26f: {  	v10 =	vsel vm10, v10, v54;
	v14 =	vnsel vm10, $0x31, v14;
	vm9 =	vgt.f32 v58, v13  }
0x270: {  	v18 =	vnsel vm0, $0x32, v57;
	v5 =	vsel vm13, v8, v5;
	vm12 =	vgt.f32 v54, v11  }
0x271: {  	v10 =	vsel vm11, v10, v7;
	v7 =	vsel vm11, v7, v54;
	v14 =	vsel vm11, v14, v19  }
0x272: {  	v19 =	vnsel vm11, $0x31, v19;
	vm10 =	vgt.f32 v58, v12;
	v8 =	vsel vm0, v56, v58  }
0x273: {  	v18 =	vsel vm14, v18, v20;
	v20 =	vnsel vm14, $0x32, v20;
	vm0 =	vgt.f32 v61, v59  }
0x274: {  	vm13 =	vgt.f32 v54, v5;
	v7 =	vsel vm12, v7, v11;
	v19 =	vsel vm12, v19, v15  }
0x275: {  	v11 =	vsel vm12, v11, v54;
	v15 =	vnsel vm12, $0x31, v15;
	vm11 =	vgt.f32 v58, v10  }
0x276: {  	v8 =	vsel vm14, v8, v9;
	v9 =	vsel vm14, v9, v58;
	v20 =	vsel vm15, v20, v17  }
0x277: {  	v17 =	vnsel vm15, $0x32, v17;
	v62 =	vsel vm0, $0x33, v60;
	v5 =	vsel vm13, v11, v5  }
0x278: {  	v6 =	vsel vm13, v15, v6;
	vm12 =	vgt.f32 v58, v7;
	v9 =	vsel vm15, v9, v16  }
0x279: {  	v16 =	vsel vm15, v16, v58;
	v17 =	vsel vm9, v17, v22;
	v22 =	vnsel vm9, $0x32, v22  }
0x27a: {  	vm14 =	vgt.f32 v61, v8;
	v11 =	vsel vm0, v59, v61;
	v15 =	vnsel vm0, $0x33, v60  }
0x27b: {  	vm13 =	vgt.f32 v58, v5;
	v16 =	vsel vm9, v16, v13;
	v13 =	vsel vm9, v13, v58  }
0x27c: {  	v63 =	vld [tilespmem:s17+$0x3200];
	v22 =	vsel vm10, v22, v21;
	v21 =	vnsel vm10, $0x32, v21;
	vm15 =	vgt.f32 v61, v9  }
0x27d: {  	v11 =	vsel vm14, v11, v8;
	v8 =	vsel vm14, v8, v61;
	v15 =	vsel vm14, v15, v18  }
0x27e: {  	v18 =	vnsel vm14, $0x33, v18;
	v13 =	vsel vm10, v13, v12;
	v12 =	vsel vm10, v12, v58  }
0x27f: {  	v21 =	vsel vm11, v21, v14;
	v14 =	vnsel vm11, $0x32, v14;
	vm9 =	vgt.f32 v61, v16  }
0x280: {  	v8 =	vsel vm15, v8, v9;
	v18 =	vsel vm15, v18, v20;
	v9 =	vsel vm15, v9, v61  }
0x281: {  	v20 =	vnsel vm15, $0x33, v20;
	vm14 =	vgt.f32 v63, v11;
	v12 =	vsel vm11, v12, v10  }
0x282: {  	v10 =	vsel vm11, v10, v58;
	v14 =	vsel vm12, v14, v19;
	v19 =	vnsel vm12, $0x32, v19  }
0x283: {  	vm10 =	vgt.f32 v61, v13;
	v9 =	vsel vm9, v9, v16;
	v20 =	vsel vm9, v20, v17  }
0x284: {  	v16 =	vsel vm9, v16, v61;
	v17 =	vnsel vm9, $0x33, v17;
	vm15 =	vgt.f32 v63, v8  }
0x285: {  	v10 =	vsel vm12, v10, v7;
	v7 =	vsel vm12, v7, v58;
	v6 =	vsel vm13, v19, v6  }
0x286: {  	vm11 =	vgt.f32 v61, v12;
	v16 =	vsel vm10, v16, v13;
	v13 =	vsel vm10, v13, v61  }
0x287: {  	v17 =	vsel vm10, v17, v22;
	v22 =	vnsel vm10, $0x33, v22;
	vm9 =	vgt.f32 v63, v9  }
0x288: {  	v5 =	vsel vm13, v7, v5;
	vm12 =	vgt.f32 v61, v10;
	v7 =	vsel vm0, v61, v59  }
0x289: {  	v13 =	vsel vm11, v13, v12;
	v22 =	vsel vm11, v22, v21;
	v12 =	vsel vm11, v12, v61  }
0x28a: {  	v21 =	vnsel vm11, $0x33, v21;
	vm10 =	vgt.f32 v63, v16;
	vm13 =	vgt.f32 v61, v5  }
0x28b: {  	v12 =	vsel vm12, v12, v10;
	v10 =	vsel vm12, v10, v61;
	v28 =	vnsel vm12, $0x33, v14  }
0x28c: {  	v31 =	vld [tilespmem:s17+$0x3280];
	v14 =	vsel vm12, v21, v14;
	vm0 =	vgt.f32 v63, v7;
	vm11 =	vgt.f32 v63, v13  }
0x28d: {  	v5 =	vsel vm13, v10, v5;
	v6 =	vsel vm13, v28, v6;
	vm12 =	vgt.f32 v63, v12  }
0x28e: {  	v29 =	vsel vm0, v63, v7;
	v30 =	vsel vm0, $0x34, v62;
	v7 =	vsel vm0, v7, v63  }
0x28f: {  	v19 =	vnsel vm0, $0x34, v62;
	vm13 =	vgt.f32 v63, v5;
	v7 =	vsel vm14, v7, v11  }
0x290: {  	v19 =	vsel vm14, v19, v15;
	v11 =	vsel vm14, v11, v63;
	v15 =	vnsel vm14, $0x34, v15  }
0x291: {  	vm0 =	vgt.f32 v31, v29;
	v11 =	vsel vm15, v11, v8;
	v8 =	vsel vm15, v8, v63  }
0x292: {  	v34 =	vld [tilespmem:s17+$0x3300];
	v15 =	vsel vm15, v15, v18;
	v18 =	vnsel vm15, $0x34, v18;
	vm14 =	vgt.f32 v31, v7  }
0x293: {  	v32 =	vsel vm0, v31, v29;
	v10 =	vsel vm0, v29, v31;
	v33 =	vsel vm0, $0x35, v30  }
0x294: {  	v21 =	vnsel vm0, $0x35, v30;
	v8 =	vsel vm9, v8, v9;
	v18 =	vsel vm9, v18, v20  }
0x295: {  	v9 =	vsel vm9, v9, v63;
	v20 =	vnsel vm9, $0x34, v20;
	vm15 =	vgt.f32 v31, v11  }
0x296: {  	v10 =	vsel vm14, v10, v7;
	v21 =	vsel vm14, v21, v19;
	v7 =	vsel vm14, v7, v31  }
0x297: {  	v19 =	vnsel vm14, $0x35, v19;
	vm0 =	vgt.f32 v34, v32;
	v9 =	vsel vm10, v9, v16  }
0x298: {  	v20 =	vsel vm10, v20, v17;
	v16 =	vsel vm10, v16, v63;
	v17 =	vnsel vm10, $0x34, v17  }
0x299: {  	vm9 =	vgt.f32 v31, v8;
	v7 =	vsel vm15, v7, v11;
	v19 =	vsel vm15, v19, v15  }
0x29a: {  	v11 =	vsel vm15, v11, v31;
	v15 =	vnsel vm15, $0x35, v15;
	vm14 =	vgt.f32 v34, v10  }
0x29b: {  	v35 =	vsel vm0, v34, v32;
	v36 =	vsel vm0, $0x36, v33;
	v16 =	vsel vm11, v16, v13  }
0x29c: {  	v13 =	vsel vm11, v13, v63;
	v17 =	vsel vm11, v17, v22;
	v22 =	vnsel vm11, $0x34, v22  }
0x29d: {  	vm10 =	vgt.f32 v31, v9;
	v11 =	vsel vm9, v11, v8;
	v8 =	vsel vm9, v8, v31  }
0x29e: {  	v15 =	vsel vm9, v15, v18;
	v18 =	vnsel vm9, $0x35, v18;
	vm15 =	vgt.f32 v34, v7  }
0x29f: {  	v13 =	vsel vm12, v13, v12;
	v22 =	vsel vm12, v22, v14;
	v12 =	vsel vm12, v12, v63  }
0x2a0: {  	v37 =	vld [tilespmem:s17+$0x3380];
	v14 =	vnsel vm12, $0x34, v14;
	vm11 =	vgt.f32 v31, v16;
	v8 =	vsel vm10, v8, v9  }
0x2a1: {  	v18 =	vsel vm10, v18, v20;
	v9 =	vsel vm10, v9, v31;
	v20 =	vnsel vm10, $0x35, v20  }
0x2a2: {  	vm9 =	vgt.f32 v34, v11;
	v5 =	vsel vm13, v12, v5;
	v6 =	vsel vm13, v14, v6  }
0x2a3: {  	vm12 =	vgt.f32 v31, v13;
	v9 =	vsel vm11, v9, v16;
	v20 =	vsel vm11, v20, v17  }
0x2a4: {  	v16 =	vsel vm11, v16, v31;
	v17 =	vnsel vm11, $0x35, v17;
	vm10 =	vgt.f32 v34, v8  }
0x2a5: {  	v12 =	vsel vm0, v32, v34;
	v14 =	vnsel vm0, $0x36, v33;
	vm0 =	vgt.f32 v37, v35  }
0x2a6: {  	vm13 =	vgt.f32 v31, v5;
	v16 =	vsel vm12, v16, v13;
	v13 =	vsel vm12, v13, v31  }
0x2a7: {  	v17 =	vsel vm12, v17, v22;
	v22 =	vnsel vm12, $0x35, v22;
	vm11 =	vgt.f32 v34, v9  }
0x2a8: {  	v41 =	vld [tilespmem:s17+$0x3800];
	v12 =	vsel vm14, v12, v10;
	v10 =	vsel vm14, v10, v34;
	v14 =	vsel vm14, v14, v21  }
0x2a9: {  	v21 =	vnsel vm14, $0x36, v21;
	v39 =	vsel vm0, v37, v35;
	v40 =	vsel vm0, $0x37, v36  }
0x2aa: {  	v5 =	vsel vm13, v13, v5;
	v6 =	vsel vm13, v22, v6;
	vm12 =	vgt.f32 v34, v16  }
0x2ab: {  	v10 =	vsel vm15, v10, v7;
	v21 =	vsel vm15, v21, v19;
	v7 =	vsel vm15, v7, v34  }
0x2ac: {  	v19 =	vnsel vm15, $0x36, v19;
	vm14 =	vgt.f32 v37, v12;
	v13 =	vsel vm0, v35, v37  }
0x2ad: {  	v22 =	vnsel vm0, $0x37, v36;
	vm0 =	vgt.f32 v41, v39;
	vm13 =	vgt.f32 v34, v5  }
0x2ae: {  	v7 =	vsel vm9, v7, v11;
	v19 =	vsel vm9, v19, v15;
	v11 =	vsel vm9, v11, v34  }
0x2af: {  	v15 =	vnsel vm9, $0x36, v15;
	v38 =	vnsel vm12, $0x36, v17;
	vm15 =	vgt.f32 v37, v10  }
0x2b0: {  	v13 =	vsel vm14, v13, v12;
	v22 =	vsel vm14, v22, v14;
	v12 =	vsel vm14, v12, v37  }
0x2b1: {  	v14 =	vnsel vm14, $0x37, v14;
	v42 =	vsel vm0, v41, v39;
	v43 =	vsel vm0, $0x38, v40  }
0x2b2: {  	v11 =	vsel vm10, v11, v8;
	v8 =	vsel vm10, v8, v34;
	v15 =	vsel vm10, v15, v18  }
0x2b3: {  	v18 =	vnsel vm10, $0x36, v18;
	v6 =	vsel vm13, v38, v6;
	vm9 =	vgt.f32 v37, v7  }
0x2b4: {  	v12 =	vsel vm15, v12, v10;
	v10 =	vsel vm15, v10, v37;
	v14 =	vsel vm15, v14, v21  }
0x2b5: {  	v21 =	vnsel vm15, $0x37, v21;
	vm14 =	vgt.f32 v41, v13;
	v8 =	vsel vm11, v8, v9  }
0x2b6: {  	v18 =	vsel vm11, v18, v20;
	v9 =	vsel vm11, v9, v34;
	v20 =	vnsel vm11, $0x36, v20  }
0x2b7: {  	vm10 =	vgt.f32 v37, v11;
	v10 =	vsel vm9, v10, v7;
	v21 =	vsel vm9, v21, v19  }
0x2b8: {  	v7 =	vsel vm9, v7, v37;
	v19 =	vnsel vm9, $0x37, v19;
	vm15 =	vgt.f32 v41, v12  }
0x2b9: {  	v9 =	vsel vm12, v9, v16;
	v16 =	vsel vm12, v16, v34;
	v17 =	vsel vm12, v20, v17  }
0x2ba: {  	v44 =	vld [tilespmem:s17+$0x3880];
	vm11 =	vgt.f32 v37, v8;
	v7 =	vsel vm10, v7, v11;
	v19 =	vsel vm10, v19, v15  }
0x2bb: {  	v11 =	vsel vm10, v11, v37;
	v15 =	vnsel vm10, $0x37, v15;
	vm9 =	vgt.f32 v41, v10  }
0x2bc: {  	v20 =	vnsel vm0, $0x38, v40;
	v5 =	vsel vm13, v16, v5;
	vm12 =	vgt.f32 v37, v9  }
0x2bd: {  	v11 =	vsel vm11, v11, v8;
	v8 =	vsel vm11, v8, v37;
	v15 =	vsel vm11, v15, v18  }
0x2be: {  	v18 =	vnsel vm11, $0x37, v18;
	vm10 =	vgt.f32 v41, v7;
	v16 =	vsel vm0, v39, v41  }
0x2bf: {  	v20 =	vsel vm14, v20, v22;
	v22 =	vnsel vm14, $0x38, v22;
	vm0 =	vgt.f32 v44, v42  }
0x2c0: {  	vm13 =	vgt.f32 v37, v5;
	v8 =	vsel vm12, v8, v9;
	v18 =	vsel vm12, v18, v17  }
0x2c1: {  	v9 =	vsel vm12, v9, v37;
	v17 =	vnsel vm12, $0x37, v17;
	vm11 =	vgt.f32 v41, v11  }
0x2c2: {  	v16 =	vsel vm14, v16, v13;
	v13 =	vsel vm14, v13, v41;
	v22 =	vsel vm15, v22, v14  }
0x2c3: {  	v14 =	vnsel vm15, $0x38, v14;
	v45 =	vsel vm0, v44, v42;
	v46 =	vsel vm0, $0x39, v43  }
0x2c4: {  	v5 =	vsel vm13, v9, v5;
	v6 =	vsel vm13, v17, v6;
	vm12 =	vgt.f32 v41, v8  }
0x2c5: {  	v25 =	vld [tilespmem:s17+$0x3900];
	v13 =	vsel vm15, v13, v12;
	v12 =	vsel vm15, v12, v41;
	v14 =	vsel vm9, v14, v21  }
0x2c6: {  	v21 =	vnsel vm9, $0x38, v21;
	vm14 =	vgt.f32 v44, v16;
	v9 =	vsel vm0, v42, v44  }
0x2c7: {  	v17 =	vnsel vm0, $0x39, v43;
	vm13 =	vgt.f32 v41, v5;
	v12 =	vsel vm9, v12, v10  }
0x2c8: {  	v10 =	vsel vm9, v10, v41;
	v21 =	vsel vm10, v21, v19;
	v19 =	vnsel vm10, $0x38, v19  }
0x2c9: {  	vm15 =	vgt.f32 v44, v13;
	v9 =	vsel vm14, v9, v16;
	v16 =	vsel vm14, v16, v44  }
0x2ca: {  	v17 =	vsel vm14, v17, v20;
	v20 =	vnsel vm14, $0x39, v20;
	vm14 =	vgt.f32 v25, v45  }
0x2cb: {  	v10 =	vsel vm10, v10, v7;
	v7 =	vsel vm10, v7, v41;
	v19 =	vsel vm11, v19, v15  }
0x2cc: {  	v15 =	vnsel vm11, $0x38, v15;
	vm9 =	vgt.f32 v44, v12;
	v16 =	vsel vm15, v16, v13  }
0x2cd: {  	v20 =	vsel vm15, v20, v22;
	v13 =	vsel vm15, v13, v44;
	v22 =	vnsel vm15, $0x39, v22  }
0x2ce: {  	vm15 =	vgt.f32 v25, v9;
	v51 =	vnsel vm14, $0x3A, v46;
	v7 =	vsel vm11, v7, v11  }
0x2cf: {  	v11 =	vsel vm11, v11, v41;
	v15 =	vsel vm12, v15, v18;
	v18 =	vnsel vm12, $0x38, v18  }
0x2d0: {  	vm10 =	vgt.f32 v44, v10;
	v23 =	vsel vm9, v13, v12;
	v22 =	vsel vm9, v22, v14  }
0x2d1: {  	v12 =	vsel vm9, v12, v44;
	v47 =	vnsel vm9, $0x39, v14;
	vm9 =	vgt.f32 v25, v16  }
0x2d2: {  	v53 =	vnsel vm15, $0x3A, v17;
	v28 =	vsel vm15, v51, v17;
	v11 =	vsel vm12, v11, v8  }
0x2d3: {  	v8 =	vsel vm12, v8, v41;
	v6 =	vsel vm13, v18, v6;
	vm11 =	vgt.f32 v44, v7  }
0x2d4: {  	v12 =	vsel vm10, v12, v10;
	v10 =	vsel vm10, v10, v44;
	v26 =	vsel vm10, v47, v21  }
0x2d5: {  	v48 =	vnsel vm10, $0x39, v21;
	vm6 =	vgt.f32 v25, v23;
	v30 =	vsel vm9, v53, v20  }
0x2d6: {  	v54 =	vnsel vm9, $0x3A, v20;
	v5 =	vsel vm13, v8, v5;
	vm12 =	vgt.f32 v44, v11  }
0x2d7: {  	v21 =	vsel vm11, v10, v7;
	v27 =	vsel vm11, v48, v19;
	v7 =	vsel vm11, v7, v44  }
0x2d8: {  	v49 =	vnsel vm11, $0x39, v19;
	vm0 =	vgt.f32 v25, v12;
	v43 =	vnsel vm6, $0x3A, v22  }
0x2d9: {  	vm13 =	vgt.f32 v44, v5;
	v19 =	vsel vm12, v7, v11;
	v7 =	vsel vm12, v11, v44;
	v11 =	vld [tilespmem:s17+$0x3980]  }
0x2da: {  	v50 =	vnsel vm12, $0x39, v15;
	v15 =	vsel vm12, v49, v15;
	v13 =	vsel vm13, v7, v5  }
0x2db: {  	v14 =	vsel vm13, v50, v6;
	v5 =	vsel vm14, v25, v45;
	v7 =	vsel vm14, v45, v25  }
0x2dc: {  	v6 =	vsel vm14, $0x3A, v46;
	v52 =	vsel vm15, v7, v9;
	v7 =	vsel vm15, v9, v25  }
0x2dd: {  	v29 =	vsel vm9, v7, v16;
	v7 =	vsel vm9, v16, v25;
	v16 =	vsel vm6, v54, v22  }
0x2de: {  	v10 =	vld [tilespmem:s17+$0x3A00];
	v20 =	vsel vm6, v7, v23;
	v23 =	vsel vm6, v23, v25;
	vm10 =	vgt.f32 v11, v5  }
0x2df: {  	vm1 =	vgt.f32 v11, v52;
	v22 =	vsel vm0, v23, v12;
	v23 =	vsel vm0, v43, v26  }
0x2e0: {  	v12 =	vsel vm0, v12, v25;
	v26 =	vnsel vm0, $0x3A, v26;
	vm0 =	vgt.f32 v25, v13  }
0x2e1: {  	v9 =	vld [tilespmem:s17+$0x3A80];
	v7 =	vsel vm10, v11, v5;
	v55 =	vsel vm10, $0x3B, v6;
	v5 =	vsel vm10, v5, v11  }
0x2e2: {  	v6 =	vnsel vm10, $0x3B, v6;
	v24 =	vsel vm1, v52, v11;
	v51 =	vnsel vm1, $0x3B, v28  }
0x2e3: {  	v31 =	vsel vm1, v5, v52;
	v32 =	vsel vm1, v6, v28;
	vm11 =	vgt.f32 v10, v7  }
0x2e4: {  	v8 =	vld [tilespmem:s17+$0x3B00];
	vm1 =	vgt.f32 v11, v22;
	vm2 =	vgt.f32 v10, v31;
	v5 =	vsel vm11, v10, v7  }
0x2e5: {  	v6 =	vsel vm11, v7, v10;
	v56 =	vsel vm11, $0x3C, v55;
	v17 =	vnsel vm11, $0x3C, v55  }
0x2e6: {  	v7 =	vld [tilespmem:s17+$0x3B80];
	v33 =	vsel vm2, v6, v31;
	v34 =	vsel vm2, v17, v32;
	vm12 =	vgt.f32 v9, v5  }
0x2e7: {  	vm4 =	vgt.f32 v9, v33;
	v6 =	vsel vm12, v9, v5;
	v5 =	vsel vm12, v5, v9  }
0x2e8: {  	v57 =	vsel vm12, $0x3D, v56;
	v18 =	vnsel vm12, $0x3D, v56;
	v35 =	vsel vm4, v5, v33  }
0x2e9: {  	vm13 =	vgt.f32 v8, v6;
	v36 =	vsel vm4, v18, v34;
	vm5 =	vgt.f32 v8, v35  }
0x2ea: {  	v37 =	vsel vm13, v8, v6;
	v58 =	vsel vm13, $0x3E, v57;
	v5 =	vsel vm13, v6, v8  }
0x2eb: {  	v6 =	vnsel vm13, $0x3E, v57;
	vm7 =	vgt.f32 v7, v37;
	v38 =	vsel vm5, v5, v35  }
0x2ec: {  	v39 =	vsel vm5, v6, v36;
	v44 =	vsel vm5, v35, v8;
	v5 =	vsel vm7, $0x3F, v58  }
0x2ed: {  	vm3 =	vgt.f32 v7, v38;
	v18 =	vnsel vm7, $0x3F, v58;
	v6 =	vand.u32 $0xF, v5  }
0x2ee: {  	v49 =	vsel vm7, v7, v37;
	v59 =	vshrl.u32 v5, $0x4;
	v40 =	vperm.xlane v1, v6  }
0x2ef: {  	v41 =	vperm.xlane v2, v6;
	vm14 =	veq.s32 v59, $0x1;
	v42 =	vperm.xlane v3, v6  }
0x2f0: {  	vm15 =	veq.s32 v59, $0x2;
	v60 =	vperm.xlane v4, v6;
	v6 =	vsel vm3, v18, v39  }
0x2f1: {  	vm12 =	veq.s32 v59, $0x3;
	v59 =	vsel vm2, v31, v10;
	v62 =	vand.u32 $0xF, v6  }
0x2f2: {  	v63 =	vshrl.u32 v6, $0x4;
	v40 =	vsel vm14, v41, v40;
	v45 =	vperm.xlane v1, v62  }
0x2f3: {  	v46 =	vperm.xlane v2, v62;
	vm13 =	veq.s32 v63, $0x1;
	vm14 =	vgt.f32 v25, v21  }
0x2f4: {  	v47 =	vperm.xlane v3, v62;
	vm11 =	veq.s32 v63, $0x2;
	v62 =	vperm.xlane v4, v62  }
0x2f5: {  	v61 =	vsel vm15, v42, v40;
	vm15 =	vgt.f32 v25, v19;
	v48 =	vsel vm14, v21, v25  }
0x2f6: {  	v21 =	vsel vm14, v12, v21;
	v50 =	vnsel vm14, $0x3A, v27;
	v40 =	vnsel vm4, $0x3D, v34  }
0x2f7: {  	v17 =	vsel vm12, v60, v61;
	v18 =	vsel vm13, v46, v45;
	v43 =	vsel vm15, v19, v25  }
0x2f8: {  	vm12 =	vgt.f32 v11, v29;
	vm13 =	vgt.f32 v11, v20;
	v12 =	vsub.f32 v17, v49  }
0x2f9: {  	v60 =	vnsel vm2, $0x3C, v32;
	v61 =	vsel vm7, v37, v7;
	v37 =	vsel vm4, v33, v9  }
0x2fa: {  	v45 =	vnsel vm5, $0x3E, v36;
	v42 =	vsel vm11, v47, v18;
	v12 =	vadd.f32 $0.0e+00, v12  }
0x2fb: {  	v18 =	vsel vm15, v48, v19;
	v17 =	vsel vm14, v26, v27;
	v52 =	vsel vm12, v24, v29  }
0x2fc: {  	v53 =	vsel vm12, v51, v30;
	v54 =	vsel vm12, v29, v11;
	v12 =	vmul.f32 $1.442695020e+00, v12  }
0x2fd: {  	v55 =	vnsel vm12, $0x3B, v30;
	v58 =	vsel vm13, v20, v11;
	v30 =	vnsel vm15, $0x3A, v15  }
0x2fe: {  	vm12 =	veq.s32 v63, $0x3;
	v47 =	vnsel vm3, $0x3F, v39;
	(erf) = vpow2.f32 v12  }
0x2ff: {  	v56 =	vsel vm13, v54, v20;
	v57 =	vsel vm13, v55, v16;
	v16 =	vnsel vm13, $0x3B, v16  }
0x300: {  	v20 =	vsel vm15, v50, v15;
	v24 =	vsel vm1, v58, v22;
	vm14 =	vgt.f32 v10, v52  }
0x301: {  	v19 =	vsel vm12, v62, v42;
	v30 =	vsel vm0, v30, v14;
	v22 =	vsel vm1, v22, v11  }
0x302: {  	v25 =	vsel vm1, v16, v23;
	vm15 =	vgt.f32 v10, v56;
	vm2 =	vgt.f32 v10, v24  }
0x303: {  	v31 =	vsel vm14, v59, v52;
	v15 =	vsel vm14, v60, v53;
	v63 =	vsel vm14, v52, v10  }
0x304: {  	v16 =	vsel vm3, v61, v38;
	v41 =	vnsel vm14, $0x3C, v53;
	v38 =	vsel vm3, v38, v7  }
0x305: {  	v23 =	vnsel vm1, $0x3B, v23;
	vm7 =	vgt.f32 v9, v31;
	v16 =	vsub.f32 v19, v16  }
0x306: {  	v48 =	vsel vm15, v63, v56;
	v19 =	vsel vm15, v41, v57;
	v28 =	vsel vm15, v56, v10  }
0x307: {  	v29 =	vnsel vm15, $0x3C, v57;
	v26 =	vsel vm7, v37, v31;
	v16 =	vadd.f32 $0.0e+00, v16;
	v46 =	vpop (erf)  }
0x308: {  	v42 =	vsel vm7, v40, v15;
	vm6 =	vgt.f32 v8, v26;
	v34 =	vadd.f32 $1.000000000e+00, v46  }
0x309: {  	v28 =	vsel vm2, v28, v24;
	v32 =	vsel vm6, v44, v26;
	v16 =	vmul.f32 $1.442695020e+00, v16  }
0x30a: {  	v33 =	vsel vm6, v45, v42;
	vm4 =	vgt.f32 v7, v32;
	(erf) = vrcp.f32 v34  }
0x30b: {  	v29 =	vsel vm2, v29, v25;
	v12 =	vsel vm4, v47, v33;
	(erf) = vpow2.f32 v16  }
0x30c: {  	vm12 =	vgt.f32 v9, v48;
	v31 =	vsel vm7, v31, v9;
	v49 =	vand.u32 $0xF, v12  }
0x30d: {  	v50 =	vshrl.u32 v12, $0x4;
	v51 =	vperm.xlane v1, v49;
	v52 =	vperm.xlane v2, v49  }
0x30e: {  	v15 =	vnsel vm7, $0x3D, v15;
	vm13 =	veq.s32 v50, $0x1;
	v53 =	vperm.xlane v3, v49  }
0x30f: {  	vm14 =	veq.s32 v50, $0x2;
	v35 =	vsel vm13, v52, v51;
	v16 =	vperm.xlane v4, v49  }
0x310: {  	v24 =	vsel vm2, v24, v10;
	vm15 =	veq.s32 v50, $0x3;
	v35 =	vsel vm14, v53, v35  }
0x311: {  	v25 =	vnsel vm2, $0x3C, v25;
	v54 =	vsel vm4, v38, v32;
	v16 =	vsel vm15, v16, v35  }
0x312: {  	vm3 =	vgt.f32 v9, v28;
	v31 =	vsel vm12, v31, v48;
	v16 =	vsub.f32 v16, v54  }
0x313: {  	v55 =	vsel vm12, v15, v19;
	v56 =	vsel vm12, v48, v9;
	v19 =	vnsel vm12, $0x3D, v19;
	v15 =	vpop (erf)  }
0x314: {  	vm12 =	vgt.f32 v11, v18;
	v26 =	vsel vm6, v26, v8;
	v16 =	vadd.f32 $0.0e+00, v16;
	v57 =	vpop (erf)  }
0x315: {  	v27 =	vnsel vm6, $0x3E, v42;
	vm13 =	vgt.f32 v8, v31;
	v36 =	vadd.f32 $1.000000000e+00, v57  }
0x316: {  	v59 =	vnsel vm4, $0x3F, v33;
	v26 =	vsel vm13, v26, v31;
	v58 =	vmul.f32 $1.442695020e+00, v16  }
0x317: {  	v27 =	vsel vm13, v27, v55;
	vm5 =	vgt.f32 v7, v26;
	(erf) = vrcp.f32 v36  }
0x318: {  	v60 =	vsel vm3, v56, v28;
	v16 =	vsel vm5, v59, v27;
	(erf) = vpow2.f32 v58  }
0x319: {  	v61 =	vsel vm3, v19, v29;
	v44 =	vsel vm0, v43, v13;
	v62 =	vand.u32 $0xF, v16  }
0x31a: {  	v63 =	vshrl.u32 v16, $0x4;
	v40 =	vperm.xlane v1, v62;
	v41 =	vperm.xlane v2, v62  }
0x31b: {  	vm6 =	vgt.f32 v8, v60;
	vm14 =	veq.s32 v63, $0x1;
	v42 =	vperm.xlane v3, v62  }
0x31c: {  	vm15 =	veq.s32 v63, $0x2;
	v19 =	vperm.xlane v4, v62;
	v37 =	vsel vm14, v41, v40  }
0x31d: {  	v32 =	vsel vm4, v32, v7;
	vm9 =	veq.s32 v63, $0x3;
	v37 =	vsel vm15, v42, v37  }
0x31e: {  	v31 =	vsel vm13, v31, v8;
	v32 =	vsel vm5, v32, v26;
	v36 =	vsel vm9, v19, v37  }
0x31f: {  	v28 =	vsel vm3, v28, v9;
	v31 =	vsel vm6, v31, v60;
	v32 =	vsub.f32 v36, v32  }
0x320: {  	vm0 =	vgt.f32 v11, v44;
	v56 =	vnsel vm6, $0x3E, v61;
	vm4 =	vgt.f32 v7, v31;
	v19 =	vpop (erf)  }
0x321: {  	v26 =	vsel vm5, v26, v7;
	v34 =	vnsel vm13, $0x3E, v55;
	v46 =	vadd.f32 $0.0e+00, v32;
	v45 =	vpop (erf)  }
0x322: {  	v34 =	vsel vm6, v34, v61;
	v27 =	vnsel vm5, $0x3F, v27;
	v14 =	vadd.f32 $1.000000000e+00, v45  }
0x323: {  	v26 =	vsel vm4, v26, v31;
	v13 =	vsel vm4, v27, v34;
	v27 =	vmul.f32 $1.442695020e+00, v46  }
0x324: {  	v55 =	vsel vm6, v60, v8;
	v54 =	vnsel vm3, $0x3D, v29;
	(erf) = vrcp.f32 v14  }
0x325: {  	v34 =	vnsel vm4, $0x3F, v34;
	v47 =	vand.u32 $0xF, v13;
	(erf) = vpow2.f32 v27  }
0x326: {  	v48 =	vshrl.u32 v13, $0x4;
	v49 =	vperm.xlane v1, v47;
	v50 =	vperm.xlane v2, v47  }
0x327: {  	vm10 =	veq.s32 v48, $0x1;
	v51 =	vperm.xlane v3, v47;
	vm11 =	veq.s32 v48, $0x2  }
0x328: {  	v53 =	vperm.xlane v4, v47;
	vm14 =	veq.s32 v48, $0x3;
	v52 =	vsel vm10, v50, v49  }
0x329: {  	vm9 =	vgt.f32 v11, v21;
	v37 =	vsel vm4, v31, v7;
	v14 =	vsel vm11, v51, v52  }
0x32a: {  	v22 =	vsel vm9, v22, v21;
	v23 =	vsel vm9, v23, v17;
	v14 =	vsel vm14, v53, v14  }
0x32b: {  	v21 =	vsel vm9, v21, v11;
	v11 =	vsel vm12, v18, v11;
	vm13 =	vgt.f32 v10, v22  }
0x32c: {  	v17 =	vnsel vm9, $0x3B, v17;
	v24 =	vsel vm13, v24, v22;
	v26 =	vsub.f32 v14, v26  }
0x32d: {  	v58 =	vsel vm12, v21, v18;
	v17 =	vsel vm12, v17, v20;
	vm2 =	vgt.f32 v9, v24;
	v14 =	vpop (erf)  }
0x32e: {  	v20 =	vnsel vm12, $0x3B, v20;
	v28 =	vsel vm2, v28, v24;
	v26 =	vadd.f32 $0.0e+00, v26;
	v57 =	vpop (erf)  }
0x32f: {  	v25 =	vsel vm13, v25, v23;
	vm3 =	vgt.f32 v8, v28;
	v33 =	vadd.f32 $1.000000000e+00, v57  }
0x330: {  	v29 =	vsel vm3, v55, v28;
	v27 =	vsel vm2, v54, v25;
	v26 =	vmul.f32 $1.442695020e+00, v26  }
0x331: {  	vm1 =	vgt.f32 v7, v29;
	v32 =	vsel vm3, v56, v27;
	(erf) = vrcp.f32 v33  }
0x332: {  	v22 =	vsel vm13, v22, v10;
	v21 =	vsel vm1, v34, v32;
	(erf) = vpow2.f32 v26  }
0x333: {  	v23 =	vnsel vm13, $0x3C, v23;
	vm12 =	vgt.f32 v10, v58;
	v59 =	vand.u32 $0xF, v21  }
0x334: {  	v60 =	vshrl.u32 v21, $0x4;
	v61 =	vperm.xlane v1, v59;
	v62 =	vperm.xlane v2, v59  }
0x335: {  	v22 =	vsel vm12, v22, v58;
	vm15 =	veq.s32 v60, $0x1;
	v63 =	vperm.xlane v3, v59  }
0x336: {  	vm10 =	veq.s32 v60, $0x2;
	v18 =	vperm.xlane v4, v59;
	v33 =	vsel vm15, v62, v61  }
0x337: {  	vm13 =	vgt.f32 v9, v22;
	vm11 =	veq.s32 v60, $0x3;
	v33 =	vsel vm10, v63, v33  }
0x338: {  	v24 =	vsel vm2, v24, v9;
	v26 =	vsel vm1, v37, v29;
	v18 =	vsel vm11, v18, v33  }
0x339: {  	v23 =	vsel vm12, v23, v17;
	v24 =	vsel vm13, v24, v22;
	v18 =	vsub.f32 v18, v26  }
0x33a: {  	v28 =	vsel vm3, v28, v8;
	v25 =	vnsel vm2, $0x3D, v25;
	vm14 =	vgt.f32 v8, v24;
	v38 =	vpop (erf)  }
0x33b: {  	v25 =	vsel vm13, v25, v23;
	v27 =	vnsel vm3, $0x3E, v27;
	v18 =	vadd.f32 $0.0e+00, v18;
	v39 =	vpop (erf)  }
0x33c: {  	v28 =	vsel vm14, v28, v24;
	v27 =	vsel vm14, v27, v25;
	v31 =	vadd.f32 $1.000000000e+00, v39  }
0x33d: {  	vm2 =	vgt.f32 v7, v28;
	v32 =	vnsel vm1, $0x3F, v32;
	v18 =	vmul.f32 $1.442695020e+00, v18  }
0x33e: {  	v40 =	vsel vm2, v32, v27;
	(erf) = vrcp.f32 v31  }
0x33f: {  	v11 =	vsel vm0, v11, v44;
	v41 =	vand.u32 $0xF, v40;
	(erf) = vpow2.f32 v18  }
0x340: {  	v42 =	vshrl.u32 v40, $0x4;
	v43 =	vperm.xlane v1, v41;
	v44 =	vperm.xlane v2, v41  }
0x341: {  	v20 =	vsel vm0, v20, v30;
	vm7 =	veq.s32 v42, $0x1;
	v45 =	vperm.xlane v3, v41  }
0x342: {  	vm8 =	veq.s32 v42, $0x2;
	vm9 =	veq.s32 v42, $0x3;
	v32 =	vsel vm7, v44, v43  }
0x343: {  	vm15 =	vgt.f32 v10, v11;
	v10 =	vsel vm12, v58, v10;
	v18 =	vperm.xlane v4, v41  }
0x344: {  	v10 =	vsel vm15, v10, v11;
	v11 =	vsel vm8, v45, v32;
	v29 =	vsel vm1, v29, v7  }
0x345: {  	v17 =	vnsel vm12, $0x3C, v17;
	v46 =	vsel vm2, v29, v28;
	v11 =	vsel vm9, v18, v11  }
0x346: {  	v47 =	vnsel vm13, $0x3D, v23;
	v50 =	vnsel vm14, $0x3E, v25;
	v11 =	vsub.f32 v11, v46  }
0x347: {  	v52 =	vnsel vm2, $0x3F, v27;
	vm10 =	vgt.f32 v9, v10;
	v9 =	vsel vm13, v22, v9;
	v48 =	vpop (erf)  }
0x348: {  	v17 =	vsel vm15, v17, v20;
	v9 =	vsel vm10, v9, v10;
	v11 =	vadd.f32 $0.0e+00, v11;
	v49 =	vpop (erf)  }
0x349: {  	vm11 =	vgt.f32 v8, v9;
	v8 =	vsel vm14, v24, v8;
	v18 =	vadd.f32 $1.000000000e+00, v49  }
0x34a: {  	v17 =	vsel vm10, v47, v17;
	v8 =	vsel vm11, v8, v9;
	v11 =	vmul.f32 $1.442695020e+00, v11  }
0x34b: {  	v51 =	vsel vm11, v50, v17;
	vm12 =	vgt.f32 v7, v8;
	(erf) = vrcp.f32 v18  }
0x34c: {  	v9 =	vsel vm12, v52, v51;
	(erf) = vpow2.f32 v11  }
0x34d: {  	v53 =	vand.u32 $0xF, v9  }
0x34e: {  	v17 =	vshrl.u32 v9, $0x4;
	v54 =	vperm.xlane v1, v53;
	v55 =	vperm.xlane v2, v53  }
0x34f: {  	vm13 =	veq.s32 v17, $0x1;
	v56 =	vperm.xlane v3, v53  }
0x350: {  	vm14 =	veq.s32 v17, $0x2;
	v18 =	vsel vm13, v55, v54;
	v11 =	vperm.xlane v4, v53  }
0x351: {  	v7 =	vsel vm2, v28, v7;
	vm15 =	veq.s32 v17, $0x3;
	v18 =	vsel vm14, v56, v18  }
0x352: {  	v7 =	vsel vm12, v7, v8;
	v57 =	vsel vm15, v11, v18  }
0x353: {  	v7 =	vsub.f32 v57, v7  }
0x354: {  	v58 =	vpop (erf)  }
0x355: {  	v7 =	vadd.f32 $0.0e+00, v7;
	v59 =	vpop (erf)  }
0x356: {  	v11 =	vadd.f32 $1.000000000e+00, v59  }
0x357: {  	v7 =	vmul.f32 $1.442695020e+00, v7  }
0x358: {  	(erf) = vrcp.f32 v11  }
0x359: {  	(erf) = vpow2.f32 v7;
	_ =	sdelay $0x7  }
0x35a: {  	v7 =	vpop (erf)  }
0x35b: {  	v60 =	vpop (erf)  }
0x35c: {  	v61 =	vadd.f32 v19, v15;
	v11 =	vadd.f32 $1.000000000e+00, v60;
	_ =	sdelay $0x1  }
0x35d: {  	v62 =	vadd.f32 v14, v61;
	(erf) = vrcp.f32 v11;
	_ =	sdelay $0x1  }
0x35e: {  	v11 =	vadd.f32 v38, v62;
	_ =	sdelay $0x1  }
0x35f: {  	v11 =	vadd.f32 v48, v11;
	_ =	sdelay $0x1  }
0x360: {  	v11 =	vadd.f32 v58, v11;
	_ =	sdelay $0x1  }
0x361: {  	v11 =	vadd.f32 v7, v11  }
0x362: {  	v63 =	vpop (erf)  }
0x363: {  	v11 =	vadd.f32 v63, v11;
	_ =	sdelay $0x1  }
0x364: {  	v11 =	vmax.f32 v11, $9.999999960e-13  }
0x365: {  	(erf) = vrcp.f32 v11;
	_ =	sdelay $0x8  }
0x366: {  	v11 =	vpop (erf)  }
0x367: {  	v15 =	vmul.f32 v11, v15  }
0x368: {  	[tilespmem:s17+$0x4080] =	vst v5  }
0x369: {  	v5 =	vmul.f32 v11, v19;
	[tilespmem:s17+$0x4880] =	vst v15  }
0x36a: {  	[tilespmem:s31+$0x4080] =	vst v6  }
0x36b: {  	[tilespmem:s31+$0x4880] =	vst v5;
	v5 =	vmul.f32 v11, v14  }
0x36c: {  	[tilespmem:s17+$0x4180] =	vst v12  }
0x36d: {  	[tilespmem:s17+$0x4980] =	vst v5;
	v5 =	vmul.f32 v11, v38  }
0x36e: {  	[tilespmem:s19+$0x4080] =	vst v16  }
0x36f: {  	[tilespmem:s19+$0x4880] =	vst v5;
	v5 =	vmul.f32 v11, v48  }
0x370: {  	[tilespmem:s17+$0x4280] =	vst v13  }
0x371: {  	[tilespmem:s17+$0x4A80] =	vst v5;
	v5 =	vmul.f32 v11, v58  }
0x372: {  	p0 =	sne.s32 s16, $0xF0;
	[tilespmem:s20+$0x4080] =	vst v21  }
.Ltmp0:
0x373: {  	[tilespmem:s20+$0x4880] =	vst v5;
	v5 =	vmul.f32 v11, v7;
	(pc) =	sbr.rel @p0 .LBB2_2-.Ltmp0, $4  }
0x374: {  	[tilespmem:s17+$0x4380] =	vst v40  }
0x375: {  	[tilespmem:s17+$0x4B80] =	vst v5;
	v5 =	vmul.f32 v11, v63  }
0x376: {  	[tilespmem:s21+$0x4080] =	vst v9  }
0x377: {  	s15 =	sadd.s32 $0x80, s15;
	s16 =	sadd.s32 $0x10, s16;
	[tilespmem:s21+$0x4880] =	vst v5  }
0x378: {  	[hbm4b:s5+s3] =	stream.linear.scatter [tilespmem:s11], [sflag:$0x3], $0x800, $0x38;
	[tilespmem:$0x5080] =	vst v63  }
0x379: {  	s14 =	sadd.s32 $0x1, s14;
	_ =	swait.ge [sflag:s12], $0x800  }
0x37a: {  	p0 =	sne.s32 s14, s7;
	[sflag:s12] =	ssyncset.done $0x0  }
.Ltmp1:
0x37b: {  	[sflag:s12] =	ssyncadd.s32 $0xFFFFF800;
	(pc) =	sbr.rel @p0 .LBB2_1-.Ltmp1, $4  }
0x37c: {  	[hbm4b:s6+s3] =	stream.linear.scatter [tilespmem:s13], [sflag:$0x3], $0x800, $0x38;
	[tilespmem:$0x5080] =	vst v63  }
0x37d: {  	_ =	swait.ge [sflag:s12], $0x800  }
0x37e: {  	[sflag:s12] =	ssyncset.done $0x0  }
0x37f: {  	[sflag:s12] =	ssyncadd.s32 $0xFFFFF800  }
0x380: {  	_ =	sfence.sel $0x180000  }
0x381: {  	[bflag:$0x0] =	sbarrier.arrive $0xFFFF  }
0x382: {  	p0 =	sne.s32 s2, $0x0;
	_ =	strace $0x90000047  }
0x383: {  	s0 =	sadd.s32 @!p0 $0x100000, s0;
	[bflag:$0x2] =	sbarrier.arrive $0xFFFF  }
0x384: {  	[sflag:s0] =	ssyncadd.tile.s32 @!p0 $0x1;
	_ =	shalt  }
.Lfunc_end2:
_tile_overlayer_lowered:
.L_overlay_start_2:
0x385: {  	(tag) =	ssettag $0x2  }
0x386: {  	s0 =	rddreg [dreg:$0x0];
	s2 =	stileid.u32  }
0x387: {  	s1 =	rddreg [dreg:$0x1];
	p0 =	sne.s32 s2, $0x0  }
0x388: {  	s3 =	rddreg [dreg:$0x2];
	[bflag:$0x3] =	sbarrier.arrive $0xFFFF;
	s2 =	simm.s32 @!p0 $0x1C03  }
0x389: {  	[timem:s3], [sflag:s2] =	dma.local @!p0 [hbm:s0], s1  }
0x38a: {  	s0 =	simm.s32 @!p0 $0x3  }
0x38b: {  	_ =	swait.ge @!p0 [sflag:s0], s1  }
0x38c: {  	s1 =	ssub.s32 @!p0 $0x0, s1;
	[sflag:s0] =	ssyncset.done @!p0 $0x0  }
0x38d: {  	[sflag:s0] =	ssyncadd.s32 @!p0 s1  }
0x38e: {  	[bflag:$0x3] =	sbarrier.arrive $0xFFFF  }
0x38f: {  	_ =	shalt  }

</sc_bundles>
